<compile_context>
chip_gen: v7x
topology: tpu7x:2x2x1
jax: 0.10.2.dev20260603
libtpu: 0.0.44.dev20260713+nightly
codegen_flags: <defaults>
</compile_context>

<pallas_src>
import dataclasses
import functools

import jax
import jax.numpy as jnp
from jax import lax
from jax.experimental import pallas as pl
from jax.experimental.pallas import tpu as pltpu
from jax.experimental.pallas import tpu_sc as plsc

_NC = 2
_NS = 16


def _argmax_body(s_ref, a_ref, out_ref):
    v = s_ref[...]
    e = v.shape[1]
    m = jnp.max(v, axis=1, keepdims=True)
    io = lax.broadcasted_iota(jnp.int32, v.shape, 1)
    idx = jnp.min(jnp.where(v == m, io, e), axis=1)
    x = idx[0]
    y = idx[1]
    av = a_ref[0, 0, :]
    out_ref[0, 0, :] = (x << 12) + (av << 10) + y


def _tc_argmax_phys(st, a3, bb):
    two, e, batch = st.shape
    nblk = batch // bb
    return pl.pallas_call(
        _argmax_body,
        grid=(nblk,),
        in_specs=[
            pl.BlockSpec((2, e, bb), lambda i: (0, 0, i)),
            pl.BlockSpec((1, 1, bb), lambda i: (i, 0, 0)),
        ],
        out_specs=pl.BlockSpec((1, 1, bb), lambda i: (i, 0, 0)),
        out_shape=jax.ShapeDtypeStruct((nblk, 1, bb), jnp.int32),
        compiler_params=pltpu.CompilerParams(
            skip_device_barrier=True,
            dimension_semantics=("parallel",),
        ),
    )(st, a3)


def _sc_cp():
    cp = pltpu.CompilerParams(skip_device_barrier=True)
    if "needs_layout_passes" in pltpu.CompilerParams.__dataclass_fields__:
        cp = dataclasses.replace(cp, needs_layout_passes=False)
    return cp


def _sc_table_repack(t2):
    nw = _NC * _NS
    ex, na, ey = t2.shape
    mesh = plsc.VectorSubcoreMesh(core_axis_name="c", subcore_axis_name="s")
    starts = list(range(0, ey - 16, 16)) + [ey - 16]

    ng = (ex + nw - 1) // nw

    @functools.partial(
        pl.kernel,
        out_type=jax.ShapeDtypeStruct((ex * 4096,), jnp.float32),
        mesh=mesh,
        compiler_params=_sc_cp(),
        scratch_types=[
            pltpu.VMEM((na, ey), jnp.float32),
            pltpu.VMEM((na, ey), jnp.float32),
            pltpu.VMEM((4096,), jnp.float32),
            pltpu.VMEM((4096,), jnp.float32),
            pltpu.SemaphoreType.DMA,
            pltpu.SemaphoreType.DMA,
        ],
    )
    def k(t_hbm, o_hbm, buf_a, buf_b, out_a, out_b, semi, semo):
        wid = lax.axis_index("s") * _NC + lax.axis_index("c")

        def fire_in(g, buf):
            x = wid + nw * g

            @pl.when(x < ex)
            def _():
                pltpu.async_copy(t_hbm.at[x], buf, semi)

        def step(g, buf, ob):
            x = wid + nw * g

            @pl.when(x < ex)
            def _():
                @pl.when(g >= 2)
                def _():
                    pltpu.make_async_copy(
                        ob, o_hbm.at[pl.ds(0, 4096)], semo).wait()
                pltpu.make_async_copy(t_hbm.at[x], buf, semi).wait()
                for j in range(na):
                    for c in starts:
                        ob[pl.ds(j * 1024 + c, 16)] = buf[j, pl.ds(c, 16)]
                pltpu.async_copy(
                    ob, o_hbm.at[pl.ds(x * 4096, 4096)], semo)
                fire_in(g + 2, buf)

        fire_in(0, buf_a)
        fire_in(1, buf_b)

        @pl.loop(0, ng // 2)
        def _(i):
            step(2 * i, buf_a, out_a)
            step(2 * i + 1, buf_b, out_b)

        pltpu.make_async_copy(out_a, o_hbm.at[pl.ds(0, 4096)], semo).wait()
        pltpu.make_async_copy(out_b, o_hbm.at[pl.ds(0, 4096)], semo).wait()

    return k(t2)


def _sc_table_gather(tlin, p2):
    nrows = p2.shape[0]
    nw = _NC * _NS
    rpw = nrows // nw
    mesh = plsc.VectorSubcoreMesh(core_axis_name="c", subcore_axis_name="s")

    @functools.partial(
        pl.kernel,
        out_type=jax.ShapeDtypeStruct((nrows, 128), jnp.float32),
        mesh=mesh,
        compiler_params=_sc_cp(),
        scratch_types=[
            pltpu.VMEM((rpw, 128), jnp.int32),
            pltpu.VMEM((rpw, 128), jnp.float32),
            pltpu.SemaphoreType.DMA,
        ],
    )
    def k(t_hbm, p_hbm, o_hbm, iv, vv, sem):
        wid = lax.axis_index("s") * _NC + lax.axis_index("c")
        pltpu.sync_copy(p_hbm.at[pl.ds(rpw * wid, rpw)], iv)
        copies = [
            pltpu.async_copy(t_hbm.at[iv.at[j]], vv.at[j], sem)
            for j in range(rpw)
        ]
        for c in copies:
            c.wait()
        pltpu.sync_copy(vv, o_hbm.at[pl.ds(rpw * wid, rpw)])

    return k(tlin, p2)


def kernel(s, a, env_size, table):
    batch = s.shape[0]
    st = jnp.transpose(s, (1, 2, 0))
    a3 = a.astype(jnp.int32).reshape(-1, 1, 1024)
    p = _tc_argmax_phys(st, a3, bb=1024)
    p2 = p.reshape(batch // 128, 128)
    t2 = jnp.transpose(table, (0, 2, 1))
    tlin = _sc_table_repack(t2)
    out2 = _sc_table_gather(tlin, p2)
    return out2.reshape(batch)

# --- scband reference (transcript-rebuilt; emitter-appended) ---
"""Pipeline reference for scband-tabular-q-31284541784672 (READ-ONLY COPY).

The authoritative reference and input builder live on the scoring server;
editing this copy changes nothing except your own understanding.
"""

import jax, jax.numpy as jnp
import numpy as np

ENV_SIZE = 1000
BATCH = 16384

def setup_inputs(seed: int = 0) -> dict:
    key = jax.random.key(seed)
    k1, k2, k3 = jax.random.split(key, 3)
    s = jax.random.normal(k1, (BATCH, 2, ENV_SIZE), dtype=jnp.float32)
    a = jax.random.randint(k2, (BATCH,), 0, 4, dtype=jnp.int64)
    # Learned parameter: Q-table of shape (env_size, env_size, 4).
    # (Original init is zeros; small random values used so outputs are non-trivial.)
    table = jax.random.normal(k3, (ENV_SIZE, ENV_SIZE, 4), dtype=jnp.float32) * 0.01
    return {"s": s, "a": a, "env_size": ENV_SIZE, "table": table}

def reference(s, a, env_size, table):
    # Faithful translation of TabularQ.apply:
    # per-example: x, y = s_i.argmax(axis=1) with s_i of shape [2, env_size];
    # vmapped over batch -> argmax over last axis of s[B,2,env_size].
    idx = jnp.argmax(s, axis=2)  # [B, 2]
    x = idx[:, 0]
    y = idx[:, 1]
    a_i = a.astype(jnp.int32)
    out = table[x, y, a_i]  # gather, [B]
    return out

if __name__ == "__main__":
    import jax
    _d = setup_inputs()
    print(jax.jit(kernel)(*tuple(_d.values())))

</pallas_src>

<mosaic_0001>
#map = affine_map<(d0, d1) -> (0)>
#map1 = affine_map<(d0, d1) -> (0, 0)>
module attributes {stable_mosaic.version = 14 : i64} {
  func.func @k(%arg0: i32, %arg1: i32, %arg2: memref<4096000xf32, #tpu.memory_space<hbm>>, %arg3: memref<128x128xi32, #tpu.memory_space<hbm>>, %arg4: memref<128x128xf32, #tpu.memory_space<hbm>>, %arg5: memref<4x128xi32, #tpu.memory_space<vmem>>, %arg6: memref<4x128xf32, #tpu.memory_space<vmem>>, %arg7: memref<!tpu.dma_semaphore, #tpu.memory_space<semaphore_mem>>) attributes {dimension_semantics = [#tpu.dimension_semantics<core_parallel>, #tpu.dimension_semantics<subcore_parallel>], iteration_bounds = array<i64: 2, 16>, scalar_prefetch = 0 : i64, scratch_operands = 3 : i64, tpu.core_type = #tpu.core_type<sc_vector_subcore>, window_params = [{transform_indices = #map}, {transform_indices = #map1}, {transform_indices = #map1}]} {
    %mul3A = arith.constant 2 : i32
    %mul3A_0 = arith.muli %arg1, %mul3A : i32
    %add3A = arith.addi %mul3A_0, %arg0 : i32
    %mul3A_1 = arith.constant 4 : i32
    %mul3A_2 = arith.muli %mul3A_1, %add3A : i32
    "tpu.region"() ({
      %run_scoped3A = tpu.sem_alloc : memref<!tpu.dma_semaphore, #tpu.memory_space<semaphore_mem>>
      %dma_start3A_83 = arith.constant 0 : i32
      %dma_start3A_84 = tpu.memref_slice %arg3[%mul3A_2, %dma_start3A_83] : memref<128x128xi32, #tpu.memory_space<hbm>> -> memref<4x128xi32, #tpu.memory_space<hbm>>
      %dma_start3A_85 = arith.constant 0 : i32
      %dma_start3A_86 = tpu.memref_slice %arg3[%mul3A_2, %dma_start3A_85] : memref<128x128xi32, #tpu.memory_space<hbm>> -> memref<4x128xi32, #tpu.memory_space<hbm>>
      tpu.enqueue_dma source(%dma_start3A_86 : memref<4x128xi32, #tpu.memory_space<hbm>>) target(%arg5 : memref<4x128xi32, #tpu.memory_space<vmem>>) target_semaphore(%run_scoped3A : memref<!tpu.dma_semaphore, #tpu.memory_space<semaphore_mem>>)
      %dma_wait3A_87 = arith.constant 0 : i32
      %dma_wait3A_88 = tpu.memref_slice %arg3[%mul3A_2, %dma_wait3A_87] : memref<128x128xi32, #tpu.memory_space<hbm>> -> memref<4x128xi32, #tpu.memory_space<hbm>>
      %dma_wait3A_89 = arith.constant 0 : i32
      %dma_wait3A_90 = tpu.memref_slice %arg3[%mul3A_2, %dma_wait3A_89] : memref<128x128xi32, #tpu.memory_space<hbm>> -> memref<4x128xi32, #tpu.memory_space<hbm>>
      tpu.wait_dma2 semaphore(%run_scoped3A : memref<!tpu.dma_semaphore, #tpu.memory_space<semaphore_mem>>) src(%dma_wait3A_90 : memref<4x128xi32, #tpu.memory_space<hbm>>) dst(%arg5 : memref<4x128xi32, #tpu.memory_space<vmem>>)
      tpu.yield
    }) : () -> ()
    %dma_start3A = arith.constant 0 : i32
    %dma_start3A_3 = arith.constant 0 : i32
    %dma_start3A_4 = arith.constant 0 : i32
    %dma_start3A_5 = tpu.memref_slice %arg6[%dma_start3A_3, %dma_start3A_4] : memref<4x128xf32, #tpu.memory_space<vmem>> -> memref<1x128xf32, #tpu.memory_space<vmem>>
    %dma_start3A_6 = tpu.memref_squeeze %dma_start3A_5 : memref<1x128xf32, #tpu.memory_space<vmem>> -> memref<128xf32, #tpu.memory_space<vmem>>
    %dma_start3A_7 = arith.constant 0 : i32
    %dma_start3A_8 = tpu.memref_slice %arg5[%dma_start3A, %dma_start3A_7] : memref<4x128xi32, #tpu.memory_space<vmem>> -> memref<1x128xi32, #tpu.memory_space<vmem>>
    %dma_start3A_9 = tpu.memref_squeeze %dma_start3A_8 : memref<1x128xi32, #tpu.memory_space<vmem>> -> memref<128xi32, #tpu.memory_space<vmem>>
    %dma_start3A_10 = arith.constant 0 : i32
    %dma_start3A_11 = tpu.memref_slice %arg2[%dma_start3A_10] : memref<4096000xf32, #tpu.memory_space<hbm>> -> memref<4096000xf32, #tpu.memory_space<hbm>>
    tpu.enqueue_indirect_dma source(%dma_start3A_11 : memref<4096000xf32, #tpu.memory_space<hbm>>) target(%dma_start3A_6 : memref<128xf32, #tpu.memory_space<vmem>>) offsets(%dma_start3A_9 : memref<128xi32, #tpu.memory_space<vmem>>) semaphore(%arg7 : memref<!tpu.dma_semaphore, #tpu.memory_space<semaphore_mem>>)
    %dma_start3A_12 = arith.constant 1 : i32
    %dma_start3A_13 = arith.constant 1 : i32
    %dma_start3A_14 = arith.constant 0 : i32
    %dma_start3A_15 = tpu.memref_slice %arg6[%dma_start3A_13, %dma_start3A_14] : memref<4x128xf32, #tpu.memory_space<vmem>> -> memref<1x128xf32, #tpu.memory_space<vmem>>
    %dma_start3A_16 = tpu.memref_squeeze %dma_start3A_15 : memref<1x128xf32, #tpu.memory_space<vmem>> -> memref<128xf32, #tpu.memory_space<vmem>>
    %dma_start3A_17 = arith.constant 0 : i32
    %dma_start3A_18 = tpu.memref_slice %arg5[%dma_start3A_12, %dma_start3A_17] : memref<4x128xi32, #tpu.memory_space<vmem>> -> memref<1x128xi32, #tpu.memory_space<vmem>>
    %dma_start3A_19 = tpu.memref_squeeze %dma_start3A_18 : memref<1x128xi32, #tpu.memory_space<vmem>> -> memref<128xi32, #tpu.memory_space<vmem>>
    %dma_start3A_20 = arith.constant 0 : i32
    %dma_start3A_21 = tpu.memref_slice %arg2[%dma_start3A_20] : memref<4096000xf32, #tpu.memory_space<hbm>> -> memref<4096000xf32, #tpu.memory_space<hbm>>
    tpu.enqueue_indirect_dma source(%dma_start3A_21 : memref<4096000xf32, #tpu.memory_space<hbm>>) target(%dma_start3A_16 : memref<128xf32, #tpu.memory_space<vmem>>) offsets(%dma_start3A_19 : memref<128xi32, #tpu.memory_space<vmem>>) semaphore(%arg7 : memref<!tpu.dma_semaphore, #tpu.memory_space<semaphore_mem>>)
    %dma_start3A_22 = arith.constant 2 : i32
    %dma_start3A_23 = arith.constant 2 : i32
    %dma_start3A_24 = arith.constant 0 : i32
    %dma_start3A_25 = tpu.memref_slice %arg6[%dma_start3A_23, %dma_start3A_24] : memref<4x128xf32, #tpu.memory_space<vmem>> -> memref<1x128xf32, #tpu.memory_space<vmem>>
    %dma_start3A_26 = tpu.memref_squeeze %dma_start3A_25 : memref<1x128xf32, #tpu.memory_space<vmem>> -> memref<128xf32, #tpu.memory_space<vmem>>
    %dma_start3A_27 = arith.constant 0 : i32
    %dma_start3A_28 = tpu.memref_slice %arg5[%dma_start3A_22, %dma_start3A_27] : memref<4x128xi32, #tpu.memory_space<vmem>> -> memref<1x128xi32, #tpu.memory_space<vmem>>
    %dma_start3A_29 = tpu.memref_squeeze %dma_start3A_28 : memref<1x128xi32, #tpu.memory_space<vmem>> -> memref<128xi32, #tpu.memory_space<vmem>>
    %dma_start3A_30 = arith.constant 0 : i32
    %dma_start3A_31 = tpu.memref_slice %arg2[%dma_start3A_30] : memref<4096000xf32, #tpu.memory_space<hbm>> -> memref<4096000xf32, #tpu.memory_space<hbm>>
    tpu.enqueue_indirect_dma source(%dma_start3A_31 : memref<4096000xf32, #tpu.memory_space<hbm>>) target(%dma_start3A_26 : memref<128xf32, #tpu.memory_space<vmem>>) offsets(%dma_start3A_29 : memref<128xi32, #tpu.memory_space<vmem>>) semaphore(%arg7 : memref<!tpu.dma_semaphore, #tpu.memory_space<semaphore_mem>>)
    %dma_start3A_32 = arith.constant 3 : i32
    %dma_start3A_33 = arith.constant 3 : i32
    %dma_start3A_34 = arith.constant 0 : i32
    %dma_start3A_35 = tpu.memref_slice %arg6[%dma_start3A_33, %dma_start3A_34] : memref<4x128xf32, #tpu.memory_space<vmem>> -> memref<1x128xf32, #tpu.memory_space<vmem>>
    %dma_start3A_36 = tpu.memref_squeeze %dma_start3A_35 : memref<1x128xf32, #tpu.memory_space<vmem>> -> memref<128xf32, #tpu.memory_space<vmem>>
    %dma_start3A_37 = arith.constant 0 : i32
    %dma_start3A_38 = tpu.memref_slice %arg5[%dma_start3A_32, %dma_start3A_37] : memref<4x128xi32, #tpu.memory_space<vmem>> -> memref<1x128xi32, #tpu.memory_space<vmem>>
    %dma_start3A_39 = tpu.memref_squeeze %dma_start3A_38 : memref<1x128xi32, #tpu.memory_space<vmem>> -> memref<128xi32, #tpu.memory_space<vmem>>
    %dma_start3A_40 = arith.constant 0 : i32
    %dma_start3A_41 = tpu.memref_slice %arg2[%dma_start3A_40] : memref<4096000xf32, #tpu.memory_space<hbm>> -> memref<4096000xf32, #tpu.memory_space<hbm>>
    tpu.enqueue_indirect_dma source(%dma_start3A_41 : memref<4096000xf32, #tpu.memory_space<hbm>>) target(%dma_start3A_36 : memref<128xf32, #tpu.memory_space<vmem>>) offsets(%dma_start3A_39 : memref<128xi32, #tpu.memory_space<vmem>>) semaphore(%arg7 : memref<!tpu.dma_semaphore, #tpu.memory_space<semaphore_mem>>)
    %dma_wait3A = arith.constant 0 : i32
    %dma_wait3A_42 = arith.constant 0 : i32
    %dma_wait3A_43 = arith.constant 0 : i32
    %dma_wait3A_44 = tpu.memref_slice %arg6[%dma_wait3A_42, %dma_wait3A_43] : memref<4x128xf32, #tpu.memory_space<vmem>> -> memref<1x128xf32, #tpu.memory_space<vmem>>
    %dma_wait3A_45 = tpu.memref_squeeze %dma_wait3A_44 : memref<1x128xf32, #tpu.memory_space<vmem>> -> memref<128xf32, #tpu.memory_space<vmem>>
    %dma_wait3A_46 = arith.constant 0 : i32
    %dma_wait3A_47 = tpu.memref_slice %arg5[%dma_wait3A, %dma_wait3A_46] : memref<4x128xi32, #tpu.memory_space<vmem>> -> memref<1x128xi32, #tpu.memory_space<vmem>>
    %dma_wait3A_48 = tpu.memref_squeeze %dma_wait3A_47 : memref<1x128xi32, #tpu.memory_space<vmem>> -> memref<128xi32, #tpu.memory_space<vmem>>
    %dma_wait3A_49 = arith.constant 0 : i32
    %dma_wait3A_50 = tpu.memref_slice %arg2[%dma_wait3A_49] : memref<4096000xf32, #tpu.memory_space<hbm>> -> memref<4096000xf32, #tpu.memory_space<hbm>>
    tpu.wait_indirect_dma semaphore(%arg7 : memref<!tpu.dma_semaphore, #tpu.memory_space<semaphore_mem>>) src(%dma_wait3A_50 : memref<4096000xf32, #tpu.memory_space<hbm>>) dst(%dma_wait3A_45 : memref<128xf32, #tpu.memory_space<vmem>>)
    %dma_wait3A_51 = arith.constant 1 : i32
    %dma_wait3A_52 = arith.constant 1 : i32
    %dma_wait3A_53 = arith.constant 0 : i32
    %dma_wait3A_54 = tpu.memref_slice %arg6[%dma_wait3A_52, %dma_wait3A_53] : memref<4x128xf32, #tpu.memory_space<vmem>> -> memref<1x128xf32, #tpu.memory_space<vmem>>
    %dma_wait3A_55 = tpu.memref_squeeze %dma_wait3A_54 : memref<1x128xf32, #tpu.memory_space<vmem>> -> memref<128xf32, #tpu.memory_space<vmem>>
    %dma_wait3A_56 = arith.constant 0 : i32
    %dma_wait3A_57 = tpu.memref_slice %arg5[%dma_wait3A_51, %dma_wait3A_56] : memref<4x128xi32, #tpu.memory_space<vmem>> -> memref<1x128xi32, #tpu.memory_space<vmem>>
    %dma_wait3A_58 = tpu.memref_squeeze %dma_wait3A_57 : memref<1x128xi32, #tpu.memory_space<vmem>> -> memref<128xi32, #tpu.memory_space<vmem>>
    %dma_wait3A_59 = arith.constant 0 : i32
    %dma_wait3A_60 = tpu.memref_slice %arg2[%dma_wait3A_59] : memref<4096000xf32, #tpu.memory_space<hbm>> -> memref<4096000xf32, #tpu.memory_space<hbm>>
    tpu.wait_indirect_dma semaphore(%arg7 : memref<!tpu.dma_semaphore, #tpu.memory_space<semaphore_mem>>) src(%dma_wait3A_60 : memref<4096000xf32, #tpu.memory_space<hbm>>) dst(%dma_wait3A_55 : memref<128xf32, #tpu.memory_space<vmem>>)
    %dma_wait3A_61 = arith.constant 2 : i32
    %dma_wait3A_62 = arith.constant 2 : i32
    %dma_wait3A_63 = arith.constant 0 : i32
    %dma_wait3A_64 = tpu.memref_slice %arg6[%dma_wait3A_62, %dma_wait3A_63] : memref<4x128xf32, #tpu.memory_space<vmem>> -> memref<1x128xf32, #tpu.memory_space<vmem>>
    %dma_wait3A_65 = tpu.memref_squeeze %dma_wait3A_64 : memref<1x128xf32, #tpu.memory_space<vmem>> -> memref<128xf32, #tpu.memory_space<vmem>>
    %dma_wait3A_66 = arith.constant 0 : i32
    %dma_wait3A_67 = tpu.memref_slice %arg5[%dma_wait3A_61, %dma_wait3A_66] : memref<4x128xi32, #tpu.memory_space<vmem>> -> memref<1x128xi32, #tpu.memory_space<vmem>>
    %dma_wait3A_68 = tpu.memref_squeeze %dma_wait3A_67 : memref<1x128xi32, #tpu.memory_space<vmem>> -> memref<128xi32, #tpu.memory_space<vmem>>
    %dma_wait3A_69 = arith.constant 0 : i32
    %dma_wait3A_70 = tpu.memref_slice %arg2[%dma_wait3A_69] : memref<4096000xf32, #tpu.memory_space<hbm>> -> memref<4096000xf32, #tpu.memory_space<hbm>>
    tpu.wait_indirect_dma semaphore(%arg7 : memref<!tpu.dma_semaphore, #tpu.memory_space<semaphore_mem>>) src(%dma_wait3A_70 : memref<4096000xf32, #tpu.memory_space<hbm>>) dst(%dma_wait3A_65 : memref<128xf32, #tpu.memory_space<vmem>>)
    %dma_wait3A_71 = arith.constant 3 : i32
    %dma_wait3A_72 = arith.constant 3 : i32
    %dma_wait3A_73 = arith.constant 0 : i32
    %dma_wait3A_74 = tpu.memref_slice %arg6[%dma_wait3A_72, %dma_wait3A_73] : memref<4x128xf32, #tpu.memory_space<vmem>> -> memref<1x128xf32, #tpu.memory_space<vmem>>
    %dma_wait3A_75 = tpu.memref_squeeze %dma_wait3A_74 : memref<1x128xf32, #tpu.memory_space<vmem>> -> memref<128xf32, #tpu.memory_space<vmem>>
    %dma_wait3A_76 = arith.constant 0 : i32
    %dma_wait3A_77 = tpu.memref_slice %arg5[%dma_wait3A_71, %dma_wait3A_76] : memref<4x128xi32, #tpu.memory_space<vmem>> -> memref<1x128xi32, #tpu.memory_space<vmem>>
    %dma_wait3A_78 = tpu.memref_squeeze %dma_wait3A_77 : memref<1x128xi32, #tpu.memory_space<vmem>> -> memref<128xi32, #tpu.memory_space<vmem>>
    %dma_wait3A_79 = arith.constant 0 : i32
    %dma_wait3A_80 = tpu.memref_slice %arg2[%dma_wait3A_79] : memref<4096000xf32, #tpu.memory_space<hbm>> -> memref<4096000xf32, #tpu.memory_space<hbm>>
    tpu.wait_indirect_dma semaphore(%arg7 : memref<!tpu.dma_semaphore, #tpu.memory_space<semaphore_mem>>) src(%dma_wait3A_80 : memref<4096000xf32, #tpu.memory_space<hbm>>) dst(%dma_wait3A_75 : memref<128xf32, #tpu.memory_space<vmem>>)
    %mul3A_81 = arith.constant 4 : i32
    %mul3A_82 = arith.muli %mul3A_81, %add3A : i32
    "tpu.region"() ({
      %run_scoped3A = tpu.sem_alloc : memref<!tpu.dma_semaphore, #tpu.memory_space<semaphore_mem>>
      %dma_start3A_83 = arith.constant 0 : i32
      %dma_start3A_84 = tpu.memref_slice %arg4[%mul3A_82, %dma_start3A_83] : memref<128x128xf32, #tpu.memory_space<hbm>> -> memref<4x128xf32, #tpu.memory_space<hbm>>
      %dma_start3A_85 = arith.constant 0 : i32
      %dma_start3A_86 = tpu.memref_slice %arg4[%mul3A_82, %dma_start3A_85] : memref<128x128xf32, #tpu.memory_space<hbm>> -> memref<4x128xf32, #tpu.memory_space<hbm>>
      tpu.enqueue_dma source(%arg6 : memref<4x128xf32, #tpu.memory_space<vmem>>) target(%dma_start3A_86 : memref<4x128xf32, #tpu.memory_space<hbm>>) target_semaphore(%run_scoped3A : memref<!tpu.dma_semaphore, #tpu.memory_space<semaphore_mem>>)
      %dma_wait3A_87 = arith.constant 0 : i32
      %dma_wait3A_88 = tpu.memref_slice %arg4[%mul3A_82, %dma_wait3A_87] : memref<128x128xf32, #tpu.memory_space<hbm>> -> memref<4x128xf32, #tpu.memory_space<hbm>>
      %dma_wait3A_89 = arith.constant 0 : i32
      %dma_wait3A_90 = tpu.memref_slice %arg4[%mul3A_82, %dma_wait3A_89] : memref<128x128xf32, #tpu.memory_space<hbm>> -> memref<4x128xf32, #tpu.memory_space<hbm>>
      tpu.wait_dma2 semaphore(%run_scoped3A : memref<!tpu.dma_semaphore, #tpu.memory_space<semaphore_mem>>) src(%arg6 : memref<4x128xf32, #tpu.memory_space<vmem>>) dst(%dma_wait3A_90 : memref<4x128xf32, #tpu.memory_space<hbm>>)
      tpu.yield
    }) : () -> ()
    return
  }
}

#map = affine_map<(d0, d1) -> (0, 0, 0)>
#map1 = affine_map<(d0, d1) -> (0)>
module attributes {stable_mosaic.version = 14 : i64} {
  func.func @k(%arg0: i32, %arg1: i32, %arg2: memref<1000x4x1000xf32, #tpu.memory_space<hbm>>, %arg3: memref<4096000xf32, #tpu.memory_space<hbm>>, %arg4: memref<4x1000xf32, #tpu.memory_space<vmem>>, %arg5: memref<4x1000xf32, #tpu.memory_space<vmem>>, %arg6: memref<4096xf32, #tpu.memory_space<vmem>>, %arg7: memref<4096xf32, #tpu.memory_space<vmem>>, %arg8: memref<!tpu.dma_semaphore, #tpu.memory_space<semaphore_mem>>, %arg9: memref<!tpu.dma_semaphore, #tpu.memory_space<semaphore_mem>>) attributes {dimension_semantics = [#tpu.dimension_semantics<core_parallel>, #tpu.dimension_semantics<subcore_parallel>], iteration_bounds = array<i64: 2, 16>, scalar_prefetch = 0 : i64, scratch_operands = 6 : i64, tpu.core_type = #tpu.core_type<sc_vector_subcore>, window_params = [{transform_indices = #map}, {transform_indices = #map1}]} {
    %mul3A = arith.constant 2 : i32
    %mul3A_0 = arith.muli %arg1, %mul3A : i32
    %add3A = arith.addi %mul3A_0, %arg0 : i32
    %add3A_1 = arith.constant 0 : i32
    %add3A_2 = arith.addi %add3A, %add3A_1 : i32
    %lt3A = arith.constant 1000 : i32
    %lt3A_3 = arith.cmpi slt, %add3A_2, %lt3A : i32
    %convert_element_type3A = arith.extui %lt3A_3 : i1 to i32
    %cond3A = arith.constant 0 : i32
    %cond3A_4 = arith.cmpi ne, %convert_element_type3A, %cond3A : i32
    scf.if %cond3A_4 {
      %dma_start3A = arith.constant 0 : i32
      %dma_start3A_23 = arith.constant 0 : i32
      %dma_start3A_24 = tpu.memref_slice %arg2[%add3A_2, %dma_start3A, %dma_start3A_23] : memref<1000x4x1000xf32, #tpu.memory_space<hbm>> -> memref<1x4x1000xf32, #tpu.memory_space<hbm>>
      %dma_start3A_25 = tpu.memref_squeeze %dma_start3A_24 : memref<1x4x1000xf32, #tpu.memory_space<hbm>> -> memref<4x1000xf32, #tpu.memory_space<hbm>>
      %dma_start3A_26 = arith.constant 0 : i32
      %dma_start3A_27 = arith.constant 0 : i32
      %dma_start3A_28 = tpu.memref_slice %arg2[%add3A_2, %dma_start3A_26, %dma_start3A_27] : memref<1000x4x1000xf32, #tpu.memory_space<hbm>> -> memref<1x4x1000xf32, #tpu.memory_space<hbm>>
      %dma_start3A_29 = tpu.memref_squeeze %dma_start3A_28 : memref<1x4x1000xf32, #tpu.memory_space<hbm>> -> memref<4x1000xf32, #tpu.memory_space<hbm>>
      tpu.enqueue_dma source(%dma_start3A_29 : memref<4x1000xf32, #tpu.memory_space<hbm>>) target(%arg4 : memref<4x1000xf32, #tpu.memory_space<vmem>>) target_semaphore(%arg8 : memref<!tpu.dma_semaphore, #tpu.memory_space<semaphore_mem>>)
    } else {
    }
    %add3A_5 = arith.constant 32 : i32
    %add3A_6 = arith.addi %add3A, %add3A_5 : i32
    %lt3A_7 = arith.constant 1000 : i32
    %lt3A_8 = arith.cmpi slt, %add3A_6, %lt3A_7 : i32
    %convert_element_type3A_9 = arith.extui %lt3A_8 : i1 to i32
    %cond3A_10 = arith.constant 0 : i32
    %cond3A_11 = arith.cmpi ne, %convert_element_type3A_9, %cond3A_10 : i32
    scf.if %cond3A_11 {
      %dma_start3A = arith.constant 0 : i32
      %dma_start3A_23 = arith.constant 0 : i32
      %dma_start3A_24 = tpu.memref_slice %arg2[%add3A_6, %dma_start3A, %dma_start3A_23] : memref<1000x4x1000xf32, #tpu.memory_space<hbm>> -> memref<1x4x1000xf32, #tpu.memory_space<hbm>>
      %dma_start3A_25 = tpu.memref_squeeze %dma_start3A_24 : memref<1x4x1000xf32, #tpu.memory_space<hbm>> -> memref<4x1000xf32, #tpu.memory_space<hbm>>
      %dma_start3A_26 = arith.constant 0 : i32
      %dma_start3A_27 = arith.constant 0 : i32
      %dma_start3A_28 = tpu.memref_slice %arg2[%add3A_6, %dma_start3A_26, %dma_start3A_27] : memref<1000x4x1000xf32, #tpu.memory_space<hbm>> -> memref<1x4x1000xf32, #tpu.memory_space<hbm>>
      %dma_start3A_29 = tpu.memref_squeeze %dma_start3A_28 : memref<1x4x1000xf32, #tpu.memory_space<hbm>> -> memref<4x1000xf32, #tpu.memory_space<hbm>>
      tpu.enqueue_dma source(%dma_start3A_29 : memref<4x1000xf32, #tpu.memory_space<hbm>>) target(%arg5 : memref<4x1000xf32, #tpu.memory_space<vmem>>) target_semaphore(%arg8 : memref<!tpu.dma_semaphore, #tpu.memory_space<semaphore_mem>>)
    } else {
    }
    %scan3A = arith.constant 0 : i32
    %scan3A_12 = arith.constant 16 : i32
    %scan3A_13 = arith.addi %scan3A, %scan3A_12 : i32
    %scan3A_14 = arith.constant 1 : i32
    scf.for %scan3A_23 = %scan3A to %scan3A_13 step %scan3A_14  : i32 {
      %mul3A_24 = arith.constant 1 : i32
      %mul3A_25 = arith.muli %scan3A_23, %mul3A_24 : i32
      %add3A_26 = arith.constant 0 : i32
      %add3A_27 = arith.addi %add3A_26, %mul3A_25 : i32
      %mul3A_28 = arith.constant 2 : i32
      %mul3A_29 = arith.muli %mul3A_28, %add3A_27 : i32
      %mul3A_30 = arith.constant 32 : i32
      %mul3A_31 = arith.muli %mul3A_30, %mul3A_29 : i32
      %add3A_32 = arith.addi %add3A, %mul3A_31 : i32
      %lt3A_33 = arith.constant 1000 : i32
      %lt3A_34 = arith.cmpi slt, %add3A_32, %lt3A_33 : i32
      %convert_element_type3A_35 = arith.extui %lt3A_34 : i1 to i32
      %cond3A_36 = arith.constant 0 : i32
      %cond3A_37 = arith.cmpi ne, %convert_element_type3A_35, %cond3A_36 : i32
      scf.if %cond3A_37 {
        %ge3A = arith.constant 2 : i32
        %ge3A_50 = arith.cmpi sge, %mul3A_29, %ge3A : i32
        %convert_element_type3A_51 = arith.extui %ge3A_50 : i1 to i32
        %cond3A_52 = arith.constant 0 : i32
        %cond3A_53 = arith.cmpi ne, %convert_element_type3A_51, %cond3A_52 : i32
        scf.if %cond3A_53 {
          %dma_wait3A_1585 = arith.constant 0 : i32
          %dma_wait3A_1586 = tpu.memref_slice %arg3[%dma_wait3A_1585] : memref<4096000xf32, #tpu.memory_space<hbm>> -> memref<4096xf32, #tpu.memory_space<hbm>>
          %dma_wait3A_1587 = arith.constant 0 : i32
          %dma_wait3A_1588 = tpu.memref_slice %arg3[%dma_wait3A_1587] : memref<4096000xf32, #tpu.memory_space<hbm>> -> memref<4096xf32, #tpu.memory_space<hbm>>
          tpu.wait_dma2 semaphore(%arg9 : memref<!tpu.dma_semaphore, #tpu.memory_space<semaphore_mem>>) src(%arg6 : memref<4096xf32, #tpu.memory_space<vmem>>) dst(%dma_wait3A_1588 : memref<4096xf32, #tpu.memory_space<hbm>>)
        } else {
        }
        %dma_wait3A_54 = arith.constant 0 : i32
        %dma_wait3A_55 = arith.constant 0 : i32
        %dma_wait3A_56 = tpu.memref_slice %arg2[%add3A_32, %dma_wait3A_54, %dma_wait3A_55] : memref<1000x4x1000xf32, #tpu.memory_space<hbm>> -> memref<1x4x1000xf32, #tpu.memory_space<hbm>>
        %dma_wait3A_57 = tpu.memref_squeeze %dma_wait3A_56 : memref<1x4x1000xf32, #tpu.memory_space<hbm>> -> memref<4x1000xf32, #tpu.memory_space<hbm>>
        %dma_wait3A_58 = arith.constant 0 : i32
        %dma_wait3A_59 = arith.constant 0 : i32
        %dma_wait3A_60 = tpu.memref_slice %arg2[%add3A_32, %dma_wait3A_58, %dma_wait3A_59] : memref<1000x4x1000xf32, #tpu.memory_space<hbm>> -> memref<1x4x1000xf32, #tpu.memory_space<hbm>>
        %dma_wait3A_61 = tpu.memref_squeeze %dma_wait3A_60 : memref<1x4x1000xf32, #tpu.memory_space<hbm>> -> memref<4x1000xf32, #tpu.memory_space<hbm>>
        tpu.wait_dma2 semaphore(%arg8 : memref<!tpu.dma_semaphore, #tpu.memory_space<semaphore_mem>>) src(%dma_wait3A_61 : memref<4x1000xf32, #tpu.memory_space<hbm>>) dst(%arg4 : memref<4x1000xf32, #tpu.memory_space<vmem>>)
        %get3A = arith.constant 0 : i32
        %get3A_62 = arith.index_cast %get3A : i32 to index
        %get3A_63 = arith.constant 0 : index
        %get3A_64 = tpu.vector_load %arg4[%get3A_62, %get3A_63] {strides = array<i32>} : memref<4x1000xf32, #tpu.memory_space<vmem>>, vector<16xf32>,
        %swap3A = arith.constant 0 : index
        %swap3A_65 = tpu.vector_load %arg6[%swap3A] {strides = array<i32>} : memref<4096xf32, #tpu.memory_space<vmem>>, vector<16xf32>,
        tpu.vector_store %arg6[%swap3A], %get3A_64 {strides = array<i32>} : memref<4096xf32, #tpu.memory_space<vmem>>, vector<16xf32>,
        %get3A_66 = arith.constant 0 : i32
        %get3A_67 = arith.index_cast %get3A_66 : i32 to index
        %get3A_68 = arith.constant 16 : index
        %get3A_69 = tpu.vector_load %arg4[%get3A_67, %get3A_68] {strides = array<i32>} : memref<4x1000xf32, #tpu.memory_space<vmem>>, vector<16xf32>,
        %swap3A_70 = arith.constant 16 : index
        %swap3A_71 = tpu.vector_load %arg6[%swap3A_70] {strides = array<i32>} : memref<4096xf32, #tpu.memory_space<vmem>>, vector<16xf32>,
        tpu.vector_store %arg6[%swap3A_70], %get3A_69 {strides = array<i32>} : memref<4096xf32, #tpu.memory_space<vmem>>, vector<16xf32>,
        %get3A_72 = arith.constant 0 : i32
        %get3A_73 = arith.index_cast %get3A_72 : i32 to index
        %get3A_74 = arith.constant 32 : index
        %get3A_75 = tpu.vector_load %arg4[%get3A_73, %get3A_74] {strides = array<i32>} : memref<4x1000xf32, #tpu.memory_space<vmem>>, vector<16xf32>,
        %swap3A_76 = arith.constant 32 : index
        %swap3A_77 = tpu.vector_load %arg6[%swap3A_76] {strides = array<i32>} : memref<4096xf32, #tpu.memory_space<vmem>>, vector<16xf32>,
        tpu.vector_store %arg6[%swap3A_76], %get3A_75 {strides = array<i32>} : memref<4096xf32, #tpu.memory_space<vmem>>, vector<16xf32>,
        %get3A_78 = arith.constant 0 : i32
        %get3A_79 = arith.index_cast %get3A_78 : i32 to index
        %get3A_80 = arith.constant 48 : index
        %get3A_81 = tpu.vector_load %arg4[%get3A_79, %get3A_80] {strides = array<i32>} : memref<4x1000xf32, #tpu.memory_space<vmem>>, vector<16xf32>,
        %swap3A_82 = arith.constant 48 : index
        %swap3A_83 = tpu.vector_load %arg6[%swap3A_82] {strides = array<i32>} : memref<4096xf32, #tpu.memory_space<vmem>>, vector<16xf32>,
        tpu.vector_store %arg6[%swap3A_82], %get3A_81 {strides = array<i32>} : memref<4096xf32, #tpu.memory_space<vmem>>, vector<16xf32>,
        %get3A_84 = arith.constant 0 : i32
        %get3A_85 = arith.index_cast %get3A_84 : i32 to index
        %get3A_86 = arith.constant 64 : index
        %get3A_87 = tpu.vector_load %arg4[%get3A_85, %get3A_86] {strides = array<i32>} : memref<4x1000xf32, #tpu.memory_space<vmem>>, vector<16xf32>,
        %swap3A_88 = arith.constant 64 : index
        %swap3A_89 = tpu.vector_load %arg6[%swap3A_88] {strides = array<i32>} : memref<4096xf32, #tpu.memory_space<vmem>>, vector<16xf32>,
        tpu.vector_store %arg6[%swap3A_88], %get3A_87 {strides = array<i32>} : memref<4096xf32, #tpu.memory_space<vmem>>, vector<16xf32>,
        %get3A_90 = arith.constant 0 : i32
        %get3A_91 = arith.index_cast %get3A_90 : i32 to index
        %get3A_92 = arith.constant 80 : index
        %get3A_93 = tpu.vector_load %arg4[%get3A_91, %get3A_92] {strides = array<i32>} : memref<4x1000xf32, #tpu.memory_space<vmem>>, vector<16xf32>,
        %swap3A_94 = arith.constant 80 : index
        %swap3A_95 = tpu.vector_load %arg6[%swap3A_94] {strides = array<i32>} : memref<4096xf32, #tpu.memory_space<vmem>>, vector<16xf32>,
        tpu.vector_store %arg6[%swap3A_94], %get3A_93 {strides = array<i32>} : memref<4096xf32, #tpu.memory_space<vmem>>, vector<16xf32>,
        %get3A_96 = arith.constant 0 : i32
        %get3A_97 = arith.index_cast %get3A_96 : i32 to index
        %get3A_98 = arith.constant 96 : index
        %get3A_99 = tpu.vector_load %arg4[%get3A_97, %get3A_98] {strides = array<i32>} : memref<4x1000xf32, #tpu.memory_space<vmem>>, vector<16xf32>,
        %swap3A_100 = arith.constant 96 : index
        %swap3A_101 = tpu.vector_load %arg6[%swap3A_100] {strides = array<i32>} : memref<4096xf32, #tpu.memory_space<vmem>>, vector<16xf32>,
        tpu.vector_store %arg6[%swap3A_100], %get3A_99 {strides = array<i32>} : memref<4096xf32, #tpu.memory_space<vmem>>, vector<16xf32>,
        %get3A_102 = arith.constant 0 : i32
        %get3A_103 = arith.index_cast %get3A_102 : i32 to index
        %get3A_104 = arith.constant 112 : index
        %get3A_105 = tpu.vector_load %arg4[%get3A_103, %get3A_104] {strides = array<i32>} : memref<4x1000xf32, #tpu.memory_space<vmem>>, vector<16xf32>,
        %swap3A_106 = arith.constant 112 : index
        %swap3A_107 = tpu.vector_load %arg6[%swap3A_106] {strides = array<i32>} : memref<4096xf32, #tpu.memory_space<vmem>>, vector<16xf32>,
        tpu.vector_store %arg6[%swap3A_106], %get3A_105 {strides = array<i32>} : memref<4096xf32, #tpu.memory_space<vmem>>, vector<16xf32>,
        %get3A_108 = arith.constant 0 : i32
        %get3A_109 = arith.index_cast %get3A_108 : i32 to index
        %get3A_110 = arith.constant 128 : index
        %get3A_111 = tpu.vector_load %arg4[%get3A_109, %get3A_110] {strides = array<i32>} : memref<4x1000xf32, #tpu.memory_space<vmem>>, vector<16xf32>,
        %swap3A_112 = arith.constant 128 : index
        %swap3A_113 = tpu.vector_load %arg6[%swap3A_112] {strides = array<i32>} : memref<4096xf32, #tpu.memory_space<vmem>>, vector<16xf32>,
        tpu.vector_store %arg6[%swap3A_112], %get3A_111 {strides = array<i32>} : memref<4096xf32, #tpu.memory_space<vmem>>, vector<16xf32>,
        %get3A_114 = arith.constant 0 : i32
        %get3A_115 = arith.index_cast %get3A_114 : i32 to index
        %get3A_116 = arith.constant 144 : index
        %get3A_117 = tpu.vector_load %arg4[%get3A_115, %get3A_116] {strides = array<i32>} : memref<4x1000xf32, #tpu.memory_space<vmem>>, vector<16xf32>,
        %swap3A_118 = arith.constant 144 : index
        %swap3A_119 = tpu.vector_load %arg6[%swap3A_118] {strides = array<i32>} : memref<4096xf32, #tpu.memory_space<vmem>>, vector<16xf32>,
        tpu.vector_store %arg6[%swap3A_118], %get3A_117 {strides = array<i32>} : memref<4096xf32, #tpu.memory_space<vmem>>, vector<16xf32>,
        %get3A_120 = arith.constant 0 : i32
        %get3A_121 = arith.index_cast %get3A_120 : i32 to index
        %get3A_122 = arith.constant 160 : index
        %get3A_123 = tpu.vector_load %arg4[%get3A_121, %get3A_122] {strides = array<i32>} : memref<4x1000xf32, #tpu.memory_space<vmem>>, vector<16xf32>,
        %swap3A_124 = arith.constant 160 : index
        %swap3A_125 = tpu.vector_load %arg6[%swap3A_124] {strides = array<i32>} : memref<4096xf32, #tpu.memory_space<vmem>>, vector<16xf32>,
        tpu.vector_store %arg6[%swap3A_124], %get3A_123 {strides = array<i32>} : memref<4096xf32, #tpu.memory_space<vmem>>, vector<16xf32>,
        %get3A_126 = arith.constant 0 : i32
        %get3A_127 = arith.index_cast %get3A_126 : i32 to index
        %get3A_128 = arith.constant 176 : index
        %get3A_129 = tpu.vector_load %arg4[%get3A_127, %get3A_128] {strides = array<i32>} : memref<4x1000xf32, #tpu.memory_space<vmem>>, vector<16xf32>,
        %swap3A_130 = arith.constant 176 : index
        %swap3A_131 = tpu.vector_load %arg6[%swap3A_130] {strides = array<i32>} : memref<4096xf32, #tpu.memory_space<vmem>>, vector<16xf32>,
        tpu.vector_store %arg6[%swap3A_130], %get3A_129 {strides = array<i32>} : memref<4096xf32, #tpu.memory_space<vmem>>, vector<16xf32>,
        %get3A_132 = arith.constant 0 : i32
        %get3A_133 = arith.index_cast %get3A_132 : i32 to index
        %get3A_134 = arith.constant 192 : index
        %get3A_135 = tpu.vector_load %arg4[%get3A_133, %get3A_134] {strides = array<i32>} : memref<4x1000xf32, #tpu.memory_space<vmem>>, vector<16xf32>,
        %swap3A_136 = arith.constant 192 : index
        %swap3A_137 = tpu.vector_load %arg6[%swap3A_136] {strides = array<i32>} : memref<4096xf32, #tpu.memory_space<vmem>>, vector<16xf32>,
        tpu.vector_store %arg6[%swap3A_136], %get3A_135 {strides = array<i32>} : memref<4096xf32, #tpu.memory_space<vmem>>, vector<16xf32>,
        %get3A_138 = arith.constant 0 : i32
        %get3A_139 = arith.index_cast %get3A_138 : i32 to index
        %get3A_140 = arith.constant 208 : index
        %get3A_141 = tpu.vector_load %arg4[%get3A_139, %get3A_140] {strides = array<i32>} : memref<4x1000xf32, #tpu.memory_space<vmem>>, vector<16xf32>,
        %swap3A_142 = arith.constant 208 : index
        %swap3A_143 = tpu.vector_load %arg6[%swap3A_142] {strides = array<i32>} : memref<4096xf32, #tpu.memory_space<vmem>>, vector<16xf32>,
        tpu.vector_store %arg6[%swap3A_142], %get3A_141 {strides = array<i32>} : memref<4096xf32, #tpu.memory_space<vmem>>, vector<16xf32>,
        %get3A_144 = arith.constant 0 : i32
        %get3A_145 = arith.index_cast %get3A_144 : i32 to index
        %get3A_146 = arith.constant 224 : index
        %get3A_147 = tpu.vector_load %arg4[%get3A_145, %get3A_146] {strides = array<i32>} : memref<4x1000xf32, #tpu.memory_space<vmem>>, vector<16xf32>,
        %swap3A_148 = arith.constant 224 : index
        %swap3A_149 = tpu.vector_load %arg6[%swap3A_148] {strides = array<i32>} : memref<4096xf32, #tpu.memory_space<vmem>>, vector<16xf32>,
        tpu.vector_store %arg6[%swap3A_148], %get3A_147 {strides = array<i32>} : memref<4096xf32, #tpu.memory_space<vmem>>, vector<16xf32>,
        %get3A_150 = arith.constant 0 : i32
        %get3A_151 = arith.index_cast %get3A_150 : i32 to index
        %get3A_152 = arith.constant 240 : index
        %get3A_153 = tpu.vector_load %arg4[%get3A_151, %get3A_152] {strides = array<i32>} : memref<4x1000xf32, #tpu.memory_space<vmem>>, vector<16xf32>,
        %swap3A_154 = arith.constant 240 : index
        %swap3A_155 = tpu.vector_load %arg6[%swap3A_154] {strides = array<i32>} : memref<4096xf32, #tpu.memory_space<vmem>>, vector<16xf32>,
        tpu.vector_store %arg6[%swap3A_154], %get3A_153 {strides = array<i32>} : memref<4096xf32, #tpu.memory_space<vmem>>, vector<16xf32>,
        %get3A_156 = arith.constant 0 : i32
        %get3A_157 = arith.index_cast %get3A_156 : i32 to index
        %get3A_158 = arith.constant 256 : index
        %get3A_159 = tpu.vector_load %arg4[%get3A_157, %get3A_158] {strides = array<i32>} : memref<4x1000xf32, #tpu.memory_space<vmem>>, vector<16xf32>,
        %swap3A_160 = arith.constant 256 : index
        %swap3A_161 = tpu.vector_load %arg6[%swap3A_160] {strides = array<i32>} : memref<4096xf32, #tpu.memory_space<vmem>>, vector<16xf32>,
        tpu.vector_store %arg6[%swap3A_160], %get3A_159 {strides = array<i32>} : memref<4096xf32, #tpu.memory_space<vmem>>, vector<16xf32>,
        %get3A_162 = arith.constant 0 : i32
        %get3A_163 = arith.index_cast %get3A_162 : i32 to index
        %get3A_164 = arith.constant 272 : index
        %get3A_165 = tpu.vector_load %arg4[%get3A_163, %get3A_164] {strides = array<i32>} : memref<4x1000xf32, #tpu.memory_space<vmem>>, vector<16xf32>,
        %swap3A_166 = arith.constant 272 : index
        %swap3A_167 = tpu.vector_load %arg6[%swap3A_166] {strides = array<i32>} : memref<4096xf32, #tpu.memory_space<vmem>>, vector<16xf32>,
        tpu.vector_store %arg6[%swap3A_166], %get3A_165 {strides = array<i32>} : memref<4096xf32, #tpu.memory_space<vmem>>, vector<16xf32>,
        %get3A_168 = arith.constant 0 : i32
        %get3A_169 = arith.index_cast %get3A_168 : i32 to index
        %get3A_170 = arith.constant 288 : index
        %get3A_171 = tpu.vector_load %arg4[%get3A_169, %get3A_170] {strides = array<i32>} : memref<4x1000xf32, #tpu.memory_space<vmem>>, vector<16xf32>,
        %swap3A_172 = arith.constant 288 : index
        %swap3A_173 = tpu.vector_load %arg6[%swap3A_172] {strides = array<i32>} : memref<4096xf32, #tpu.memory_space<vmem>>, vector<16xf32>,
        tpu.vector_store %arg6[%swap3A_172], %get3A_171 {strides = array<i32>} : memref<4096xf32, #tpu.memory_space<vmem>>, vector<16xf32>,
        %get3A_174 = arith.constant 0 : i32
        %get3A_175 = arith.index_cast %get3A_174 : i32 to index
        %get3A_176 = arith.constant 304 : index
        %get3A_177 = tpu.vector_load %arg4[%get3A_175, %get3A_176] {strides = array<i32>} : memref<4x1000xf32, #tpu.memory_space<vmem>>, vector<16xf32>,
        %swap3A_178 = arith.constant 304 : index
        %swap3A_179 = tpu.vector_load %arg6[%swap3A_178] {strides = array<i32>} : memref<4096xf32, #tpu.memory_space<vmem>>, vector<16xf32>,
        tpu.vector_store %arg6[%swap3A_178], %get3A_177 {strides = array<i32>} : memref<4096xf32, #tpu.memory_space<vmem>>, vector<16xf32>,
        %get3A_180 = arith.constant 0 : i32
        %get3A_181 = arith.index_cast %get3A_180 : i32 to index
        %get3A_182 = arith.constant 320 : index
        %get3A_183 = tpu.vector_load %arg4[%get3A_181, %get3A_182] {strides = array<i32>} : memref<4x1000xf32, #tpu.memory_space<vmem>>, vector<16xf32>,
        %swap3A_184 = arith.constant 320 : index
        %swap3A_185 = tpu.vector_load %arg6[%swap3A_184] {strides = array<i32>} : memref<4096xf32, #tpu.memory_space<vmem>>, vector<16xf32>,
        tpu.vector_store %arg6[%swap3A_184], %get3A_183 {strides = array<i32>} : memref<4096xf32, #tpu.memory_space<vmem>>, vector<16xf32>,
        %get3A_186 = arith.constant 0 : i32
        %get3A_187 = arith.index_cast %get3A_186 : i32 to index
        %get3A_188 = arith.constant 336 : index
        %get3A_189 = tpu.vector_load %arg4[%get3A_187, %get3A_188] {strides = array<i32>} : memref<4x1000xf32, #tpu.memory_space<vmem>>, vector<16xf32>,
        %swap3A_190 = arith.constant 336 : index
        %swap3A_191 = tpu.vector_load %arg6[%swap3A_190] {strides = array<i32>} : memref<4096xf32, #tpu.memory_space<vmem>>, vector<16xf32>,
        tpu.vector_store %arg6[%swap3A_190], %get3A_189 {strides = array<i32>} : memref<4096xf32, #tpu.memory_space<vmem>>, vector<16xf32>,
        %get3A_192 = arith.constant 0 : i32
        %get3A_193 = arith.index_cast %get3A_192 : i32 to index
        %get3A_194 = arith.constant 352 : index
        %get3A_195 = tpu.vector_load %arg4[%get3A_193, %get3A_194] {strides = array<i32>} : memref<4x1000xf32, #tpu.memory_space<vmem>>, vector<16xf32>,
        %swap3A_196 = arith.constant 352 : index
        %swap3A_197 = tpu.vector_load %arg6[%swap3A_196] {strides = array<i32>} : memref<4096xf32, #tpu.memory_space<vmem>>, vector<16xf32>,
        tpu.vector_store %arg6[%swap3A_196], %get3A_195 {strides = array<i32>} : memref<4096xf32, #tpu.memory_space<vmem>>, vector<16xf32>,
        %get3A_198 = arith.constant 0 : i32
        %get3A_199 = arith.index_cast %get3A_198 : i32 to index
        %get3A_200 = arith.constant 368 : index
        %get3A_201 = tpu.vector_load %arg4[%get3A_199, %get3A_200] {strides = array<i32>} : memref<4x1000xf32, #tpu.memory_space<vmem>>, vector<16xf32>,
        %swap3A_202 = arith.constant 368 : index
        %swap3A_203 = tpu.vector_load %arg6[%swap3A_202] {strides = array<i32>} : memref<4096xf32, #tpu.memory_space<vmem>>, vector<16xf32>,
        tpu.vector_store %arg6[%swap3A_202], %get3A_201 {strides = array<i32>} : memref<4096xf32, #tpu.memory_space<vmem>>, vector<16xf32>,
        %get3A_204 = arith.constant 0 : i32
        %get3A_205 = arith.index_cast %get3A_204 : i32 to index
        %get3A_206 = arith.constant 384 : index
        %get3A_207 = tpu.vector_load %arg4[%get3A_205, %get3A_206] {strides = array<i32>} : memref<4x1000xf32, #tpu.memory_space<vmem>>, vector<16xf32>,
        %swap3A_208 = arith.constant 384 : index
        %swap3A_209 = tpu.vector_load %arg6[%swap3A_208] {strides = array<i32>} : memref<4096xf32, #tpu.memory_space<vmem>>, vector<16xf32>,
        tpu.vector_store %arg6[%swap3A_208], %get3A_207 {strides = array<i32>} : memref<4096xf32, #tpu.memory_space<vmem>>, vector<16xf32>,
        %get3A_210 = arith.constant 0 : i32
        %get3A_211 = arith.index_cast %get3A_210 : i32 to index
        %get3A_212 = arith.constant 400 : index
        %get3A_213 = tpu.vector_load %arg4[%get3A_211, %get3A_212] {strides = array<i32>} : memref<4x1000xf32, #tpu.memory_space<vmem>>, vector<16xf32>,
        %swap3A_214 = arith.constant 400 : index
        %swap3A_215 = tpu.vector_load %arg6[%swap3A_214] {strides = array<i32>} : memref<4096xf32, #tpu.memory_space<vmem>>, vector<16xf32>,
        tpu.vector_store %arg6[%swap3A_214], %get3A_213 {strides = array<i32>} : memref<4096xf32, #tpu.memory_space<vmem>>, vector<16xf32>,
        %get3A_216 = arith.constant 0 : i32
        %get3A_217 = arith.index_cast %get3A_216 : i32 to index
        %get3A_218 = arith.constant 416 : index
        %get3A_219 = tpu.vector_load %arg4[%get3A_217, %get3A_218] {strides = array<i32>} : memref<4x1000xf32, #tpu.memory_space<vmem>>, vector<16xf32>,
        %swap3A_220 = arith.constant 416 : index
        %swap3A_221 = tpu.vector_load %arg6[%swap3A_220] {strides = array<i32>} : memref<4096xf32, #tpu.memory_space<vmem>>, vector<16xf32>,
        tpu.vector_store %arg6[%swap3A_220], %get3A_219 {strides = array<i32>} : memref<4096xf32, #tpu.memory_space<vmem>>, vector<16xf32>,
        %get3A_222 = arith.constant 0 : i32
        %get3A_223 = arith.index_cast %get3A_222 : i32 to index
        %get3A_224 = arith.constant 432 : index
        %get3A_225 = tpu.vector_load %arg4[%get3A_223, %get3A_224] {strides = array<i32>} : memref<4x1000xf32, #tpu.memory_space<vmem>>, vector<16xf32>,
        %swap3A_226 = arith.constant 432 : index
        %swap3A_227 = tpu.vector_load %arg6[%swap3A_226] {strides = array<i32>} : memref<4096xf32, #tpu.memory_space<vmem>>, vector<16xf32>,
        tpu.vector_store %arg6[%swap3A_226], %get3A_225 {strides = array<i32>} : memref<4096xf32, #tpu.memory_space<vmem>>, vector<16xf32>,
        %get3A_228 = arith.constant 0 : i32
        %get3A_229 = arith.index_cast %get3A_228 : i32 to index
        %get3A_230 = arith.constant 448 : index
        %get3A_231 = tpu.vector_load %arg4[%get3A_229, %get3A_230] {strides = array<i32>} : memref<4x1000xf32, #tpu.memory_space<vmem>>, vector<16xf32>,
        %swap3A_232 = arith.constant 448 : index
        %swap3A_233 = tpu.vector_load %arg6[%swap3A_232] {strides = array<i32>} : memref<4096xf32, #tpu.memory_space<vmem>>, vector<16xf32>,
        tpu.vector_store %arg6[%swap3A_232], %get3A_231 {strides = array<i32>} : memref<4096xf32, #tpu.memory_space<vmem>>, vector<16xf32>,
        %get3A_234 = arith.constant 0 : i32
        %get3A_235 = arith.index_cast %get3A_234 : i32 to index
        %get3A_236 = arith.constant 464 : index
        %get3A_237 = tpu.vector_load %arg4[%get3A_235, %get3A_236] {strides = array<i32>} : memref<4x1000xf32, #tpu.memory_space<vmem>>, vector<16xf32>,
        %swap3A_238 = arith.constant 464 : index
        %swap3A_239 = tpu.vector_load %arg6[%swap3A_238] {strides = array<i32>} : memref<4096xf32, #tpu.memory_space<vmem>>, vector<16xf32>,
        tpu.vector_store %arg6[%swap3A_238], %get3A_237 {strides = array<i32>} : memref<4096xf32, #tpu.memory_space<vmem>>, vector<16xf32>,
        %get3A_240 = arith.constant 0 : i32
        %get3A_241 = arith.index_cast %get3A_240 : i32 to index
        %get3A_242 = arith.constant 480 : index
        %get3A_243 = tpu.vector_load %arg4[%get3A_241, %get3A_242] {strides = array<i32>} : memref<4x1000xf32, #tpu.memory_space<vmem>>, vector<16xf32>,
        %swap3A_244 = arith.constant 480 : index
        %swap3A_245 = tpu.vector_load %arg6[%swap3A_244] {strides = array<i32>} : memref<4096xf32, #tpu.memory_space<vmem>>, vector<16xf32>,
        tpu.vector_store %arg6[%swap3A_244], %get3A_243 {strides = array<i32>} : memref<4096xf32, #tpu.memory_space<vmem>>, vector<16xf32>,
        %get3A_246 = arith.constant 0 : i32
        %get3A_247 = arith.index_cast %get3A_246 : i32 to index
        %get3A_248 = arith.constant 496 : index
        %get3A_249 = tpu.vector_load %arg4[%get3A_247, %get3A_248] {strides = array<i32>} : memref<4x1000xf32, #tpu.memory_space<vmem>>, vector<16xf32>,
        %swap3A_250 = arith.constant 496 : index
        %swap3A_251 = tpu.vector_load %arg6[%swap3A_250] {strides = array<i32>} : memref<4096xf32, #tpu.memory_space<vmem>>, vector<16xf32>,
        tpu.vector_store %arg6[%swap3A_250], %get3A_249 {strides = array<i32>} : memref<4096xf32, #tpu.memory_space<vmem>>, vector<16xf32>,
        %get3A_252 = arith.constant 0 : i32
        %get3A_253 = arith.index_cast %get3A_252 : i32 to index
        %get3A_254 = arith.constant 512 : index
        %get3A_255 = tpu.vector_load %arg4[%get3A_253, %get3A_254] {strides = array<i32>} : memref<4x1000xf32, #tpu.memory_space<vmem>>, vector<16xf32>,
        %swap3A_256 = arith.constant 512 : index
        %swap3A_257 = tpu.vector_load %arg6[%swap3A_256] {strides = array<i32>} : memref<4096xf32, #tpu.memory_space<vmem>>, vector<16xf32>,
        tpu.vector_store %arg6[%swap3A_256], %get3A_255 {strides = array<i32>} : memref<4096xf32, #tpu.memory_space<vmem>>, vector<16xf32>,
        %get3A_258 = arith.constant 0 : i32
        %get3A_259 = arith.index_cast %get3A_258 : i32 to index
        %get3A_260 = arith.constant 528 : index
        %get3A_261 = tpu.vector_load %arg4[%get3A_259, %get3A_260] {strides = array<i32>} : memref<4x1000xf32, #tpu.memory_space<vmem>>, vector<16xf32>,
        %swap3A_262 = arith.constant 528 : index
        %swap3A_263 = tpu.vector_load %arg6[%swap3A_262] {strides = array<i32>} : memref<4096xf32, #tpu.memory_space<vmem>>, vector<16xf32>,
        tpu.vector_store %arg6[%swap3A_262], %get3A_261 {strides = array<i32>} : memref<4096xf32, #tpu.memory_space<vmem>>, vector<16xf32>,
        %get3A_264 = arith.constant 0 : i32
        %get3A_265 = arith.index_cast %get3A_264 : i32 to index
        %get3A_266 = arith.constant 544 : index
        %get3A_267 = tpu.vector_load %arg4[%get3A_265, %get3A_266] {strides = array<i32>} : memref<4x1000xf32, #tpu.memory_space<vmem>>, vector<16xf32>,
        %swap3A_268 = arith.constant 544 : index
        %swap3A_269 = tpu.vector_load %arg6[%swap3A_268] {strides = array<i32>} : memref<4096xf32, #tpu.memory_space<vmem>>, vector<16xf32>,
        tpu.vector_store %arg6[%swap3A_268], %get3A_267 {strides = array<i32>} : memref<4096xf32, #tpu.memory_space<vmem>>, vector<16xf32>,
        %get3A_270 = arith.constant 0 : i32
        %get3A_271 = arith.index_cast %get3A_270 : i32 to index
        %get3A_272 = arith.constant 560 : index
        %get3A_273 = tpu.vector_load %arg4[%get3A_271, %get3A_272] {strides = array<i32>} : memref<4x1000xf32, #tpu.memory_space<vmem>>, vector<16xf32>,
        %swap3A_274 = arith.constant 560 : index
        %swap3A_275 = tpu.vector_load %arg6[%swap3A_274] {strides = array<i32>} : memref<4096xf32, #tpu.memory_space<vmem>>, vector<16xf32>,
        tpu.vector_store %arg6[%swap3A_274], %get3A_273 {strides = array<i32>} : memref<4096xf32, #tpu.memory_space<vmem>>, vector<16xf32>,
        %get3A_276 = arith.constant 0 : i32
        %get3A_277 = arith.index_cast %get3A_276 : i32 to index
        %get3A_278 = arith.constant 576 : index
        %get3A_279 = tpu.vector_load %arg4[%get3A_277, %get3A_278] {strides = array<i32>} : memref<4x1000xf32, #tpu.memory_space<vmem>>, vector<16xf32>,
        %swap3A_280 = arith.constant 576 : index
        %swap3A_281 = tpu.vector_load %arg6[%swap3A_280] {strides = array<i32>} : memref<4096xf32, #tpu.memory_space<vmem>>, vector<16xf32>,
        tpu.vector_store %arg6[%swap3A_280], %get3A_279 {strides = array<i32>} : memref<4096xf32, #tpu.memory_space<vmem>>, vector<16xf32>,
        %get3A_282 = arith.constant 0 : i32
        %get3A_283 = arith.index_cast %get3A_282 : i32 to index
        %get3A_284 = arith.constant 592 : index
        %get3A_285 = tpu.vector_load %arg4[%get3A_283, %get3A_284] {strides = array<i32>} : memref<4x1000xf32, #tpu.memory_space<vmem>>, vector<16xf32>,
        %swap3A_286 = arith.constant 592 : index
        %swap3A_287 = tpu.vector_load %arg6[%swap3A_286] {strides = array<i32>} : memref<4096xf32, #tpu.memory_space<vmem>>, vector<16xf32>,
        tpu.vector_store %arg6[%swap3A_286], %get3A_285 {strides = array<i32>} : memref<4096xf32, #tpu.memory_space<vmem>>, vector<16xf32>,
        %get3A_288 = arith.constant 0 : i32
        %get3A_289 = arith.index_cast %get3A_288 : i32 to index
        %get3A_290 = arith.constant 608 : index
        %get3A_291 = tpu.vector_load %arg4[%get3A_289, %get3A_290] {strides = array<i32>} : memref<4x1000xf32, #tpu.memory_space<vmem>>, vector<16xf32>,
        %swap3A_292 = arith.constant 608 : index
        %swap3A_293 = tpu.vector_load %arg6[%swap3A_292] {strides = array<i32>} : memref<4096xf32, #tpu.memory_space<vmem>>, vector<16xf32>,
        tpu.vector_store %arg6[%swap3A_292], %get3A_291 {strides = array<i32>} : memref<4096xf32, #tpu.memory_space<vmem>>, vector<16xf32>,
        %get3A_294 = arith.constant 0 : i32
        %get3A_295 = arith.index_cast %get3A_294 : i32 to index
        %get3A_296 = arith.constant 624 : index
        %get3A_297 = tpu.vector_load %arg4[%get3A_295, %get3A_296] {strides = array<i32>} : memref<4x1000xf32, #tpu.memory_space<vmem>>, vector<16xf32>,
        %swap3A_298 = arith.constant 624 : index
        %swap3A_299 = tpu.vector_load %arg6[%swap3A_298] {strides = array<i32>} : memref<4096xf32, #tpu.memory_space<vmem>>, vector<16xf32>,
        tpu.vector_store %arg6[%swap3A_298], %get3A_297 {strides = array<i32>} : memref<4096xf32, #tpu.memory_space<vmem>>, vector<16xf32>,
        %get3A_300 = arith.constant 0 : i32
        %get3A_301 = arith.index_cast %get3A_300 : i32 to index
        %get3A_302 = arith.constant 640 : index
        %get3A_303 = tpu.vector_load %arg4[%get3A_301, %get3A_302] {strides = array<i32>} : memref<4x1000xf32, #tpu.memory_space<vmem>>, vector<16xf32>,
        %swap3A_304 = arith.constant 640 : index
        %swap3A_305 = tpu.vector_load %arg6[%swap3A_304] {strides = array<i32>} : memref<4096xf32, #tpu.memory_space<vmem>>, vector<16xf32>,
        tpu.vector_store %arg6[%swap3A_304], %get3A_303 {strides = array<i32>} : memref<4096xf32, #tpu.memory_space<vmem>>, vector<16xf32>,
        %get3A_306 = arith.constant 0 : i32
        %get3A_307 = arith.index_cast %get3A_306 : i32 to index
        %get3A_308 = arith.constant 656 : index
        %get3A_309 = tpu.vector_load %arg4[%get3A_307, %get3A_308] {strides = array<i32>} : memref<4x1000xf32, #tpu.memory_space<vmem>>, vector<16xf32>,
        %swap3A_310 = arith.constant 656 : index
        %swap3A_311 = tpu.vector_load %arg6[%swap3A_310] {strides = array<i32>} : memref<4096xf32, #tpu.memory_space<vmem>>, vector<16xf32>,
        tpu.vector_store %arg6[%swap3A_310], %get3A_309 {strides = array<i32>} : memref<4096xf32, #tpu.memory_space<vmem>>, vector<16xf32>,
        %get3A_312 = arith.constant 0 : i32
        %get3A_313 = arith.index_cast %get3A_312 : i32 to index
        %get3A_314 = arith.constant 672 : index
        %get3A_315 = tpu.vector_load %arg4[%get3A_313, %get3A_314] {strides = array<i32>} : memref<4x1000xf32, #tpu.memory_space<vmem>>, vector<16xf32>,
        %swap3A_316 = arith.constant 672 : index
        %swap3A_317 = tpu.vector_load %arg6[%swap3A_316] {strides = array<i32>} : memref<4096xf32, #tpu.memory_space<vmem>>, vector<16xf32>,
        tpu.vector_store %arg6[%swap3A_316], %get3A_315 {strides = array<i32>} : memref<4096xf32, #tpu.memory_space<vmem>>, vector<16xf32>,
        %get3A_318 = arith.constant 0 : i32
        %get3A_319 = arith.index_cast %get3A_318 : i32 to index
        %get3A_320 = arith.constant 688 : index
        %get3A_321 = tpu.vector_load %arg4[%get3A_319, %get3A_320] {strides = array<i32>} : memref<4x1000xf32, #tpu.memory_space<vmem>>, vector<16xf32>,
        %swap3A_322 = arith.constant 688 : index
        %swap3A_323 = tpu.vector_load %arg6[%swap3A_322] {strides = array<i32>} : memref<4096xf32, #tpu.memory_space<vmem>>, vector<16xf32>,
        tpu.vector_store %arg6[%swap3A_322], %get3A_321 {strides = array<i32>} : memref<4096xf32, #tpu.memory_space<vmem>>, vector<16xf32>,
        %get3A_324 = arith.constant 0 : i32
        %get3A_325 = arith.index_cast %get3A_324 : i32 to index
        %get3A_326 = arith.constant 704 : index
        %get3A_327 = tpu.vector_load %arg4[%get3A_325, %get3A_326] {strides = array<i32>} : memref<4x1000xf32, #tpu.memory_space<vmem>>, vector<16xf32>,
        %swap3A_328 = arith.constant 704 : index
        %swap3A_329 = tpu.vector_load %arg6[%swap3A_328] {strides = array<i32>} : memref<4096xf32, #tpu.memory_space<vmem>>, vector<16xf32>,
        tpu.vector_store %arg6[%swap3A_328], %get3A_327 {strides = array<i32>} : memref<4096xf32, #tpu.memory_space<vmem>>, vector<16xf32>,
        %get3A_330 = arith.constant 0 : i32
        %get3A_331 = arith.index_cast %get3A_330 : i32 to index
        %get3A_332 = arith.constant 720 : index
        %get3A_333 = tpu.vector_load %arg4[%get3A_331, %get3A_332] {strides = array<i32>} : memref<4x1000xf32, #tpu.memory_space<vmem>>, vector<16xf32>,
        %swap3A_334 = arith.constant 720 : index
        %swap3A_335 = tpu.vector_load %arg6[%swap3A_334] {strides = array<i32>} : memref<4096xf32, #tpu.memory_space<vmem>>, vector<16xf32>,
        tpu.vector_store %arg6[%swap3A_334], %get3A_333 {strides = array<i32>} : memref<4096xf32, #tpu.memory_space<vmem>>, vector<16xf32>,
        %get3A_336 = arith.constant 0 : i32
        %get3A_337 = arith.index_cast %get3A_336 : i32 to index
        %get3A_338 = arith.constant 736 : index
        %get3A_339 = tpu.vector_load %arg4[%get3A_337, %get3A_338] {strides = array<i32>} : memref<4x1000xf32, #tpu.memory_space<vmem>>, vector<16xf32>,
        %swap3A_340 = arith.constant 736 : index
        %swap3A_341 = tpu.vector_load %arg6[%swap3A_340] {strides = array<i32>} : memref<4096xf32, #tpu.memory_space<vmem>>, vector<16xf32>,
        tpu.vector_store %arg6[%swap3A_340], %get3A_339 {strides = array<i32>} : memref<4096xf32, #tpu.memory_space<vmem>>, vector<16xf32>,
        %get3A_342 = arith.constant 0 : i32
        %get3A_343 = arith.index_cast %get3A_342 : i32 to index
        %get3A_344 = arith.constant 752 : index
        %get3A_345 = tpu.vector_load %arg4[%get3A_343, %get3A_344] {strides = array<i32>} : memref<4x1000xf32, #tpu.memory_space<vmem>>, vector<16xf32>,
        %swap3A_346 = arith.constant 752 : index
        %swap3A_347 = tpu.vector_load %arg6[%swap3A_346] {strides = array<i32>} : memref<4096xf32, #tpu.memory_space<vmem>>, vector<16xf32>,
        tpu.vector_store %arg6[%swap3A_346], %get3A_345 {strides = array<i32>} : memref<4096xf32, #tpu.memory_space<vmem>>, vector<16xf32>,
        %get3A_348 = arith.constant 0 : i32
        %get3A_349 = arith.index_cast %get3A_348 : i32 to index
        %get3A_350 = arith.constant 768 : index
        %get3A_351 = tpu.vector_load %arg4[%get3A_349, %get3A_350] {strides = array<i32>} : memref<4x1000xf32, #tpu.memory_space<vmem>>, vector<16xf32>,
        %swap3A_352 = arith.constant 768 : index
        %swap3A_353 = tpu.vector_load %arg6[%swap3A_352] {strides = array<i32>} : memref<4096xf32, #tpu.memory_space<vmem>>, vector<16xf32>,
        tpu.vector_store %arg6[%swap3A_352], %get3A_351 {strides = array<i32>} : memref<4096xf32, #tpu.memory_space<vmem>>, vector<16xf32>,
        %get3A_354 = arith.constant 0 : i32
        %get3A_355 = arith.index_cast %get3A_354 : i32 to index
        %get3A_356 = arith.constant 784 : index
        %get3A_357 = tpu.vector_load %arg4[%get3A_355, %get3A_356] {strides = array<i32>} : memref<4x1000xf32, #tpu.memory_space<vmem>>, vector<16xf32>,
        %swap3A_358 = arith.constant 784 : index
        %swap3A_359 = tpu.vector_load %arg6[%swap3A_358] {strides = array<i32>} : memref<4096xf32, #tpu.memory_space<vmem>>, vector<16xf32>,
        tpu.vector_store %arg6[%swap3A_358], %get3A_357 {strides = array<i32>} : memref<4096xf32, #tpu.memory_space<vmem>>, vector<16xf32>,
        %get3A_360 = arith.constant 0 : i32
        %get3A_361 = arith.index_cast %get3A_360 : i32 to index
        %get3A_362 = arith.constant 800 : index
        %get3A_363 = tpu.vector_load %arg4[%get3A_361, %get3A_362] {strides = array<i32>} : memref<4x1000xf32, #tpu.memory_space<vmem>>, vector<16xf32>,
        %swap3A_364 = arith.constant 800 : index
        %swap3A_365 = tpu.vector_load %arg6[%swap3A_364] {strides = array<i32>} : memref<4096xf32, #tpu.memory_space<vmem>>, vector<16xf32>,
        tpu.vector_store %arg6[%swap3A_364], %get3A_363 {strides = array<i32>} : memref<4096xf32, #tpu.memory_space<vmem>>, vector<16xf32>,
        %get3A_366 = arith.constant 0 : i32
        %get3A_367 = arith.index_cast %get3A_366 : i32 to index
        %get3A_368 = arith.constant 816 : index
        %get3A_369 = tpu.vector_load %arg4[%get3A_367, %get3A_368] {strides = array<i32>} : memref<4x1000xf32, #tpu.memory_space<vmem>>, vector<16xf32>,
        %swap3A_370 = arith.constant 816 : index
        %swap3A_371 = tpu.vector_load %arg6[%swap3A_370] {strides = array<i32>} : memref<4096xf32, #tpu.memory_space<vmem>>, vector<16xf32>,
        tpu.vector_store %arg6[%swap3A_370], %get3A_369 {strides = array<i32>} : memref<4096xf32, #tpu.memory_space<vmem>>, vector<16xf32>,
        %get3A_372 = arith.constant 0 : i32
        %get3A_373 = arith.index_cast %get3A_372 : i32 to index
        %get3A_374 = arith.constant 832 : index
        %get3A_375 = tpu.vector_load %arg4[%get3A_373, %get3A_374] {strides = array<i32>} : memref<4x1000xf32, #tpu.memory_space<vmem>>, vector<16xf32>,
        %swap3A_376 = arith.constant 832 : index
        %swap3A_377 = tpu.vector_load %arg6[%swap3A_376] {strides = array<i32>} : memref<4096xf32, #tpu.memory_space<vmem>>, vector<16xf32>,
        tpu.vector_store %arg6[%swap3A_376], %get3A_375 {strides = array<i32>} : memref<4096xf32, #tpu.memory_space<vmem>>, vector<16xf32>,
        %get3A_378 = arith.constant 0 : i32
        %get3A_379 = arith.index_cast %get3A_378 : i32 to index
        %get3A_380 = arith.constant 848 : index
        %get3A_381 = tpu.vector_load %arg4[%get3A_379, %get3A_380] {strides = array<i32>} : memref<4x1000xf32, #tpu.memory_space<vmem>>, vector<16xf32>,
        %swap3A_382 = arith.constant 848 : index
        %swap3A_383 = tpu.vector_load %arg6[%swap3A_382] {strides = array<i32>} : memref<4096xf32, #tpu.memory_space<vmem>>, vector<16xf32>,
        tpu.vector_store %arg6[%swap3A_382], %get3A_381 {strides = array<i32>} : memref<4096xf32, #tpu.memory_space<vmem>>, vector<16xf32>,
        %get3A_384 = arith.constant 0 : i32
        %get3A_385 = arith.index_cast %get3A_384 : i32 to index
        %get3A_386 = arith.constant 864 : index
        %get3A_387 = tpu.vector_load %arg4[%get3A_385, %get3A_386] {strides = array<i32>} : memref<4x1000xf32, #tpu.memory_space<vmem>>, vector<16xf32>,
        %swap3A_388 = arith.constant 864 : index
        %swap3A_389 = tpu.vector_load %arg6[%swap3A_388] {strides = array<i32>} : memref<4096xf32, #tpu.memory_space<vmem>>, vector<16xf32>,
        tpu.vector_store %arg6[%swap3A_388], %get3A_387 {strides = array<i32>} : memref<4096xf32, #tpu.memory_space<vmem>>, vector<16xf32>,
        %get3A_390 = arith.constant 0 : i32
        %get3A_391 = arith.index_cast %get3A_390 : i32 to index
        %get3A_392 = arith.constant 880 : index
        %get3A_393 = tpu.vector_load %arg4[%get3A_391, %get3A_392] {strides = array<i32>} : memref<4x1000xf32, #tpu.memory_space<vmem>>, vector<16xf32>,
        %swap3A_394 = arith.constant 880 : index
        %swap3A_395 = tpu.vector_load %arg6[%swap3A_394] {strides = array<i32>} : memref<4096xf32, #tpu.memory_space<vmem>>, vector<16xf32>,
        tpu.vector_store %arg6[%swap3A_394], %get3A_393 {strides = array<i32>} : memref<4096xf32, #tpu.memory_space<vmem>>, vector<16xf32>,
        %get3A_396 = arith.constant 0 : i32
        %get3A_397 = arith.index_cast %get3A_396 : i32 to index
        %get3A_398 = arith.constant 896 : index
        %get3A_399 = tpu.vector_load %arg4[%get3A_397, %get3A_398] {strides = array<i32>} : memref<4x1000xf32, #tpu.memory_space<vmem>>, vector<16xf32>,
        %swap3A_400 = arith.constant 896 : index
        %swap3A_401 = tpu.vector_load %arg6[%swap3A_400] {strides = array<i32>} : memref<4096xf32, #tpu.memory_space<vmem>>, vector<16xf32>,
        tpu.vector_store %arg6[%swap3A_400], %get3A_399 {strides = array<i32>} : memref<4096xf32, #tpu.memory_space<vmem>>, vector<16xf32>,
        %get3A_402 = arith.constant 0 : i32
        %get3A_403 = arith.index_cast %get3A_402 : i32 to index
        %get3A_404 = arith.constant 912 : index
        %get3A_405 = tpu.vector_load %arg4[%get3A_403, %get3A_404] {strides = array<i32>} : memref<4x1000xf32, #tpu.memory_space<vmem>>, vector<16xf32>,
        %swap3A_406 = arith.constant 912 : index
        %swap3A_407 = tpu.vector_load %arg6[%swap3A_406] {strides = array<i32>} : memref<4096xf32, #tpu.memory_space<vmem>>, vector<16xf32>,
        tpu.vector_store %arg6[%swap3A_406], %get3A_405 {strides = array<i32>} : memref<4096xf32, #tpu.memory_space<vmem>>, vector<16xf32>,
        %get3A_408 = arith.constant 0 : i32
        %get3A_409 = arith.index_cast %get3A_408 : i32 to index
        %get3A_410 = arith.constant 928 : index
        %get3A_411 = tpu.vector_load %arg4[%get3A_409, %get3A_410] {strides = array<i32>} : memref<4x1000xf32, #tpu.memory_space<vmem>>, vector<16xf32>,
        %swap3A_412 = arith.constant 928 : index
        %swap3A_413 = tpu.vector_load %arg6[%swap3A_412] {strides = array<i32>} : memref<4096xf32, #tpu.memory_space<vmem>>, vector<16xf32>,
        tpu.vector_store %arg6[%swap3A_412], %get3A_411 {strides = array<i32>} : memref<4096xf32, #tpu.memory_space<vmem>>, vector<16xf32>,
        %get3A_414 = arith.constant 0 : i32
        %get3A_415 = arith.index_cast %get3A_414 : i32 to index
        %get3A_416 = arith.constant 944 : index
        %get3A_417 = tpu.vector_load %arg4[%get3A_415, %get3A_416] {strides = array<i32>} : memref<4x1000xf32, #tpu.memory_space<vmem>>, vector<16xf32>,
        %swap3A_418 = arith.constant 944 : index
        %swap3A_419 = tpu.vector_load %arg6[%swap3A_418] {strides = array<i32>} : memref<4096xf32, #tpu.memory_space<vmem>>, vector<16xf32>,
        tpu.vector_store %arg6[%swap3A_418], %get3A_417 {strides = array<i32>} : memref<4096xf32, #tpu.memory_space<vmem>>, vector<16xf32>,
        %get3A_420 = arith.constant 0 : i32
        %get3A_421 = arith.index_cast %get3A_420 : i32 to index
        %get3A_422 = arith.constant 960 : index
        %get3A_423 = tpu.vector_load %arg4[%get3A_421, %get3A_422] {strides = array<i32>} : memref<4x1000xf32, #tpu.memory_space<vmem>>, vector<16xf32>,
        %swap3A_424 = arith.constant 960 : index
        %swap3A_425 = tpu.vector_load %arg6[%swap3A_424] {strides = array<i32>} : memref<4096xf32, #tpu.memory_space<vmem>>, vector<16xf32>,
        tpu.vector_store %arg6[%swap3A_424], %get3A_423 {strides = array<i32>} : memref<4096xf32, #tpu.memory_space<vmem>>, vector<16xf32>,
        %get3A_426 = arith.constant 0 : i32
        %get3A_427 = arith.index_cast %get3A_426 : i32 to index
        %get3A_428 = arith.constant 976 : index
        %get3A_429 = tpu.vector_load %arg4[%get3A_427, %get3A_428] {strides = array<i32>} : memref<4x1000xf32, #tpu.memory_space<vmem>>, vector<16xf32>,
        %swap3A_430 = arith.constant 976 : index
        %swap3A_431 = tpu.vector_load %arg6[%swap3A_430] {strides = array<i32>} : memref<4096xf32, #tpu.memory_space<vmem>>, vector<16xf32>,
        tpu.vector_store %arg6[%swap3A_430], %get3A_429 {strides = array<i32>} : memref<4096xf32, #tpu.memory_space<vmem>>, vector<16xf32>,
        %get3A_432 = arith.constant 0 : i32
        %get3A_433 = arith.index_cast %get3A_432 : i32 to index
        %get3A_434 = arith.constant 984 : index
        %get3A_435 = tpu.vector_load %arg4[%get3A_433, %get3A_434] {strides = array<i32>} : memref<4x1000xf32, #tpu.memory_space<vmem>>, vector<16xf32>,
        %swap3A_436 = arith.constant 984 : index
        %swap3A_437 = tpu.vector_load %arg6[%swap3A_436] {strides = array<i32>} : memref<4096xf32, #tpu.memory_space<vmem>>, vector<16xf32>,
        tpu.vector_store %arg6[%swap3A_436], %get3A_435 {strides = array<i32>} : memref<4096xf32, #tpu.memory_space<vmem>>, vector<16xf32>,
        %get3A_438 = arith.constant 1 : i32
        %get3A_439 = arith.index_cast %get3A_438 : i32 to index
        %get3A_440 = arith.constant 0 : index
        %get3A_441 = tpu.vector_load %arg4[%get3A_439, %get3A_440] {strides = array<i32>} : memref<4x1000xf32, #tpu.memory_space<vmem>>, vector<16xf32>,
        %swap3A_442 = arith.constant 1024 : index
        %swap3A_443 = tpu.vector_load %arg6[%swap3A_442] {strides = array<i32>} : memref<4096xf32, #tpu.memory_space<vmem>>, vector<16xf32>,
        tpu.vector_store %arg6[%swap3A_442], %get3A_441 {strides = array<i32>} : memref<4096xf32, #tpu.memory_space<vmem>>, vector<16xf32>,
        %get3A_444 = arith.constant 1 : i32
        %get3A_445 = arith.index_cast %get3A_444 : i32 to index
        %get3A_446 = arith.constant 16 : index
        %get3A_447 = tpu.vector_load %arg4[%get3A_445, %get3A_446] {strides = array<i32>} : memref<4x1000xf32, #tpu.memory_space<vmem>>, vector<16xf32>,
        %swap3A_448 = arith.constant 1040 : index
        %swap3A_449 = tpu.vector_load %arg6[%swap3A_448] {strides = array<i32>} : memref<4096xf32, #tpu.memory_space<vmem>>, vector<16xf32>,
        tpu.vector_store %arg6[%swap3A_448], %get3A_447 {strides = array<i32>} : memref<4096xf32, #tpu.memory_space<vmem>>, vector<16xf32>,
        %get3A_450 = arith.constant 1 : i32
        %get3A_451 = arith.index_cast %get3A_450 : i32 to index
        %get3A_452 = arith.constant 32 : index
        %get3A_453 = tpu.vector_load %arg4[%get3A_451, %get3A_452] {strides = array<i32>} : memref<4x1000xf32, #tpu.memory_space<vmem>>, vector<16xf32>,
        %swap3A_454 = arith.constant 1056 : index
        %swap3A_455 = tpu.vector_load %arg6[%swap3A_454] {strides = array<i32>} : memref<4096xf32, #tpu.memory_space<vmem>>, vector<16xf32>,
        tpu.vector_store %arg6[%swap3A_454], %get3A_453 {strides = array<i32>} : memref<4096xf32, #tpu.memory_space<vmem>>, vector<16xf32>,
        %get3A_456 = arith.constant 1 : i32
        %get3A_457 = arith.index_cast %get3A_456 : i32 to index
        %get3A_458 = arith.constant 48 : index
        %get3A_459 = tpu.vector_load %arg4[%get3A_457, %get3A_458] {strides = array<i32>} : memref<4x1000xf32, #tpu.memory_space<vmem>>, vector<16xf32>,
        %swap3A_460 = arith.constant 1072 : index
        %swap3A_461 = tpu.vector_load %arg6[%swap3A_460] {strides = array<i32>} : memref<4096xf32, #tpu.memory_space<vmem>>, vector<16xf32>,
        tpu.vector_store %arg6[%swap3A_460], %get3A_459 {strides = array<i32>} : memref<4096xf32, #tpu.memory_space<vmem>>, vector<16xf32>,
        %get3A_462 = arith.constant 1 : i32
        %get3A_463 = arith.index_cast %get3A_462 : i32 to index
        %get3A_464 = arith.constant 64 : index
        %get3A_465 = tpu.vector_load %arg4[%get3A_463, %get3A_464] {strides = array<i32>} : memref<4x1000xf32, #tpu.memory_space<vmem>>, vector<16xf32>,
        %swap3A_466 = arith.constant 1088 : index
        %swap3A_467 = tpu.vector_load %arg6[%swap3A_466] {strides = array<i32>} : memref<4096xf32, #tpu.memory_space<vmem>>, vector<16xf32>,
        tpu.vector_store %arg6[%swap3A_466], %get3A_465 {strides = array<i32>} : memref<4096xf32, #tpu.memory_space<vmem>>, vector<16xf32>,
        %get3A_468 = arith.constant 1 : i32
        %get3A_469 = arith.index_cast %get3A_468 : i32 to index
        %get3A_470 = arith.constant 80 : index
        %get3A_471 = tpu.vector_load %arg4[%get3A_469, %get3A_470] {strides = array<i32>} : memref<4x1000xf32, #tpu.memory_space<vmem>>, vector<16xf32>,
        %swap3A_472 = arith.constant 1104 : index
        %swap3A_473 = tpu.vector_load %arg6[%swap3A_472] {strides = array<i32>} : memref<4096xf32, #tpu.memory_space<vmem>>, vector<16xf32>,
        tpu.vector_store %arg6[%swap3A_472], %get3A_471 {strides = array<i32>} : memref<4096xf32, #tpu.memory_space<vmem>>, vector<16xf32>,
        %get3A_474 = arith.constant 1 : i32
        %get3A_475 = arith.index_cast %get3A_474 : i32 to index
        %get3A_476 = arith.constant 96 : index
        %get3A_477 = tpu.vector_load %arg4[%get3A_475, %get3A_476] {strides = array<i32>} : memref<4x1000xf32, #tpu.memory_space<vmem>>, vector<16xf32>,
        %swap3A_478 = arith.constant 1120 : index
        %swap3A_479 = tpu.vector_load %arg6[%swap3A_478] {strides = array<i32>} : memref<4096xf32, #tpu.memory_space<vmem>>, vector<16xf32>,
        tpu.vector_store %arg6[%swap3A_478], %get3A_477 {strides = array<i32>} : memref<4096xf32, #tpu.memory_space<vmem>>, vector<16xf32>,
        %get3A_480 = arith.constant 1 : i32
        %get3A_481 = arith.index_cast %get3A_480 : i32 to index
        %get3A_482 = arith.constant 112 : index
        %get3A_483 = tpu.vector_load %arg4[%get3A_481, %get3A_482] {strides = array<i32>} : memref<4x1000xf32, #tpu.memory_space<vmem>>, vector<16xf32>,
        %swap3A_484 = arith.constant 1136 : index
        %swap3A_485 = tpu.vector_load %arg6[%swap3A_484] {strides = array<i32>} : memref<4096xf32, #tpu.memory_space<vmem>>, vector<16xf32>,
        tpu.vector_store %arg6[%swap3A_484], %get3A_483 {strides = array<i32>} : memref<4096xf32, #tpu.memory_space<vmem>>, vector<16xf32>,
        %get3A_486 = arith.constant 1 : i32
        %get3A_487 = arith.index_cast %get3A_486 : i32 to index
        %get3A_488 = arith.constant 128 : index
        %get3A_489 = tpu.vector_load %arg4[%get3A_487, %get3A_488] {strides = array<i32>} : memref<4x1000xf32, #tpu.memory_space<vmem>>, vector<16xf32>,
        %swap3A_490 = arith.constant 1152 : index
        %swap3A_491 = tpu.vector_load %arg6[%swap3A_490] {strides = array<i32>} : memref<4096xf32, #tpu.memory_space<vmem>>, vector<16xf32>,
        tpu.vector_store %arg6[%swap3A_490], %get3A_489 {strides = array<i32>} : memref<4096xf32, #tpu.memory_space<vmem>>, vector<16xf32>,
        %get3A_492 = arith.constant 1 : i32
        %get3A_493 = arith.index_cast %get3A_492 : i32 to index
        %get3A_494 = arith.constant 144 : index
        %get3A_495 = tpu.vector_load %arg4[%get3A_493, %get3A_494] {strides = array<i32>} : memref<4x1000xf32, #tpu.memory_space<vmem>>, vector<16xf32>,
        %swap3A_496 = arith.constant 1168 : index
        %swap3A_497 = tpu.vector_load %arg6[%swap3A_496] {strides = array<i32>} : memref<4096xf32, #tpu.memory_space<vmem>>, vector<16xf32>,
        tpu.vector_store %arg6[%swap3A_496], %get3A_495 {strides = array<i32>} : memref<4096xf32, #tpu.memory_space<vmem>>, vector<16xf32>,
        %get3A_498 = arith.constant 1 : i32
        %get3A_499 = arith.index_cast %get3A_498 : i32 to index
        %get3A_500 = arith.constant 160 : index
        %get3A_501 = tpu.vector_load %arg4[%get3A_499, %get3A_500] {strides = array<i32>} : memref<4x1000xf32, #tpu.memory_space<vmem>>, vector<16xf32>,
        %swap3A_502 = arith.constant 1184 : index
        %swap3A_503 = tpu.vector_load %arg6[%swap3A_502] {strides = array<i32>} : memref<4096xf32, #tpu.memory_space<vmem>>, vector<16xf32>,
        tpu.vector_store %arg6[%swap3A_502], %get3A_501 {strides = array<i32>} : memref<4096xf32, #tpu.memory_space<vmem>>, vector<16xf32>,
        %get3A_504 = arith.constant 1 : i32
        %get3A_505 = arith.index_cast %get3A_504 : i32 to index
        %get3A_506 = arith.constant 176 : index
        %get3A_507 = tpu.vector_load %arg4[%get3A_505, %get3A_506] {strides = array<i32>} : memref<4x1000xf32, #tpu.memory_space<vmem>>, vector<16xf32>,
        %swap3A_508 = arith.constant 1200 : index
        %swap3A_509 = tpu.vector_load %arg6[%swap3A_508] {strides = array<i32>} : memref<4096xf32, #tpu.memory_space<vmem>>, vector<16xf32>,
        tpu.vector_store %arg6[%swap3A_508], %get3A_507 {strides = array<i32>} : memref<4096xf32, #tpu.memory_space<vmem>>, vector<16xf32>,
        %get3A_510 = arith.constant 1 : i32
        %get3A_511 = arith.index_cast %get3A_510 : i32 to index
        %get3A_512 = arith.constant 192 : index
        %get3A_513 = tpu.vector_load %arg4[%get3A_511, %get3A_512] {strides = array<i32>} : memref<4x1000xf32, #tpu.memory_space<vmem>>, vector<16xf32>,
        %swap3A_514 = arith.constant 1216 : index
        %swap3A_515 = tpu.vector_load %arg6[%swap3A_514] {strides = array<i32>} : memref<4096xf32, #tpu.memory_space<vmem>>, vector<16xf32>,
        tpu.vector_store %arg6[%swap3A_514], %get3A_513 {strides = array<i32>} : memref<4096xf32, #tpu.memory_space<vmem>>, vector<16xf32>,
        %get3A_516 = arith.constant 1 : i32
        %get3A_517 = arith.index_cast %get3A_516 : i32 to index
        %get3A_518 = arith.constant 208 : index
        %get3A_519 = tpu.vector_load %arg4[%get3A_517, %get3A_518] {strides = array<i32>} : memref<4x1000xf32, #tpu.memory_space<vmem>>, vector<16xf32>,
        %swap3A_520 = arith.constant 1232 : index
        %swap3A_521 = tpu.vector_load %arg6[%swap3A_520] {strides = array<i32>} : memref<4096xf32, #tpu.memory_space<vmem>>, vector<16xf32>,
        tpu.vector_store %arg6[%swap3A_520], %get3A_519 {strides = array<i32>} : memref<4096xf32, #tpu.memory_space<vmem>>, vector<16xf32>,
        %get3A_522 = arith.constant 1 : i32
        %get3A_523 = arith.index_cast %get3A_522 : i32 to index
        %get3A_524 = arith.constant 224 : index
        %get3A_525 = tpu.vector_load %arg4[%get3A_523, %get3A_524] {strides = array<i32>} : memref<4x1000xf32, #tpu.memory_space<vmem>>, vector<16xf32>,
        %swap3A_526 = arith.constant 1248 : index
        %swap3A_527 = tpu.vector_load %arg6[%swap3A_526] {strides = array<i32>} : memref<4096xf32, #tpu.memory_space<vmem>>, vector<16xf32>,
        tpu.vector_store %arg6[%swap3A_526], %get3A_525 {strides = array<i32>} : memref<4096xf32, #tpu.memory_space<vmem>>, vector<16xf32>,
        %get3A_528 = arith.constant 1 : i32
        %get3A_529 = arith.index_cast %get3A_528 : i32 to index
        %get3A_530 = arith.constant 240 : index
        %get3A_531 = tpu.vector_load %arg4[%get3A_529, %get3A_530] {strides = array<i32>} : memref<4x1000xf32, #tpu.memory_space<vmem>>, vector<16xf32>,
        %swap3A_532 = arith.constant 1264 : index
        %swap3A_533 = tpu.vector_load %arg6[%swap3A_532] {strides = array<i32>} : memref<4096xf32, #tpu.memory_space<vmem>>, vector<16xf32>,
        tpu.vector_store %arg6[%swap3A_532], %get3A_531 {strides = array<i32>} : memref<4096xf32, #tpu.memory_space<vmem>>, vector<16xf32>,
        %get3A_534 = arith.constant 1 : i32
        %get3A_535 = arith.index_cast %get3A_534 : i32 to index
        %get3A_536 = arith.constant 256 : index
        %get3A_537 = tpu.vector_load %arg4[%get3A_535, %get3A_536] {strides = array<i32>} : memref<4x1000xf32, #tpu.memory_space<vmem>>, vector<16xf32>,
        %swap3A_538 = arith.constant 1280 : index
        %swap3A_539 = tpu.vector_load %arg6[%swap3A_538] {strides = array<i32>} : memref<4096xf32, #tpu.memory_space<vmem>>, vector<16xf32>,
        tpu.vector_store %arg6[%swap3A_538], %get3A_537 {strides = array<i32>} : memref<4096xf32, #tpu.memory_space<vmem>>, vector<16xf32>,
        %get3A_540 = arith.constant 1 : i32
        %get3A_541 = arith.index_cast %get3A_540 : i32 to index
        %get3A_542 = arith.constant 272 : index
        %get3A_543 = tpu.vector_load %arg4[%get3A_541, %get3A_542] {strides = array<i32>} : memref<4x1000xf32, #tpu.memory_space<vmem>>, vector<16xf32>,
        %swap3A_544 = arith.constant 1296 : index
        %swap3A_545 = tpu.vector_load %arg6[%swap3A_544] {strides = array<i32>} : memref<4096xf32, #tpu.memory_space<vmem>>, vector<16xf32>,
        tpu.vector_store %arg6[%swap3A_544], %get3A_543 {strides = array<i32>} : memref<4096xf32, #tpu.memory_space<vmem>>, vector<16xf32>,
        %get3A_546 = arith.constant 1 : i32
        %get3A_547 = arith.index_cast %get3A_546 : i32 to index
        %get3A_548 = arith.constant 288 : index
        %get3A_549 = tpu.vector_load %arg4[%get3A_547, %get3A_548] {strides = array<i32>} : memref<4x1000xf32, #tpu.memory_space<vmem>>, vector<16xf32>,
        %swap3A_550 = arith.constant 1312 : index
        %swap3A_551 = tpu.vector_load %arg6[%swap3A_550] {strides = array<i32>} : memref<4096xf32, #tpu.memory_space<vmem>>, vector<16xf32>,
        tpu.vector_store %arg6[%swap3A_550], %get3A_549 {strides = array<i32>} : memref<4096xf32, #tpu.memory_space<vmem>>, vector<16xf32>,
        %get3A_552 = arith.constant 1 : i32
        %get3A_553 = arith.index_cast %get3A_552 : i32 to index
        %get3A_554 = arith.constant 304 : index
        %get3A_555 = tpu.vector_load %arg4[%get3A_553, %get3A_554] {strides = array<i32>} : memref<4x1000xf32, #tpu.memory_space<vmem>>, vector<16xf32>,
        %swap3A_556 = arith.constant 1328 : index
        %swap3A_557 = tpu.vector_load %arg6[%swap3A_556] {strides = array<i32>} : memref<4096xf32, #tpu.memory_space<vmem>>, vector<16xf32>,
        tpu.vector_store %arg6[%swap3A_556], %get3A_555 {strides = array<i32>} : memref<4096xf32, #tpu.memory_space<vmem>>, vector<16xf32>,
        %get3A_558 = arith.constant 1 : i32
        %get3A_559 = arith.index_cast %get3A_558 : i32 to index
        %get3A_560 = arith.constant 320 : index
        %get3A_561 = tpu.vector_load %arg4[%get3A_559, %get3A_560] {strides = array<i32>} : memref<4x1000xf32, #tpu.memory_space<vmem>>, vector<16xf32>,
        %swap3A_562 = arith.constant 1344 : index
        %swap3A_563 = tpu.vector_load %arg6[%swap3A_562] {strides = array<i32>} : memref<4096xf32, #tpu.memory_space<vmem>>, vector<16xf32>,
        tpu.vector_store %arg6[%swap3A_562], %get3A_561 {strides = array<i32>} : memref<4096xf32, #tpu.memory_space<vmem>>, vector<16xf32>,
        %get3A_564 = arith.constant 1 : i32
        %get3A_565 = arith.index_cast %get3A_564 : i32 to index
        %get3A_566 = arith.constant 336 : index
        %get3A_567 = tpu.vector_load %arg4[%get3A_565, %get3A_566] {strides = array<i32>} : memref<4x1000xf32, #tpu.memory_space<vmem>>, vector<16xf32>,
        %swap3A_568 = arith.constant 1360 : index
        %swap3A_569 = tpu.vector_load %arg6[%swap3A_568] {strides = array<i32>} : memref<4096xf32, #tpu.memory_space<vmem>>, vector<16xf32>,
        tpu.vector_store %arg6[%swap3A_568], %get3A_567 {strides = array<i32>} : memref<4096xf32, #tpu.memory_space<vmem>>, vector<16xf32>,
        %get3A_570 = arith.constant 1 : i32
        %get3A_571 = arith.index_cast %get3A_570 : i32 to index
        %get3A_572 = arith.constant 352 : index
        %get3A_573 = tpu.vector_load %arg4[%get3A_571, %get3A_572] {strides = array<i32>} : memref<4x1000xf32, #tpu.memory_space<vmem>>, vector<16xf32>,
        %swap3A_574 = arith.constant 1376 : index
        %swap3A_575 = tpu.vector_load %arg6[%swap3A_574] {strides = array<i32>} : memref<4096xf32, #tpu.memory_space<vmem>>, vector<16xf32>,
        tpu.vector_store %arg6[%swap3A_574], %get3A_573 {strides = array<i32>} : memref<4096xf32, #tpu.memory_space<vmem>>, vector<16xf32>,
        %get3A_576 = arith.constant 1 : i32
        %get3A_577 = arith.index_cast %get3A_576 : i32 to index
        %get3A_578 = arith.constant 368 : index
        %get3A_579 = tpu.vector_load %arg4[%get3A_577, %get3A_578] {strides = array<i32>} : memref<4x1000xf32, #tpu.memory_space<vmem>>, vector<16xf32>,
        %swap3A_580 = arith.constant 1392 : index
        %swap3A_581 = tpu.vector_load %arg6[%swap3A_580] {strides = array<i32>} : memref<4096xf32, #tpu.memory_space<vmem>>, vector<16xf32>,
        tpu.vector_store %arg6[%swap3A_580], %get3A_579 {strides = array<i32>} : memref<4096xf32, #tpu.memory_space<vmem>>, vector<16xf32>,
        %get3A_582 = arith.constant 1 : i32
        %get3A_583 = arith.index_cast %get3A_582 : i32 to index
        %get3A_584 = arith.constant 384 : index
        %get3A_585 = tpu.vector_load %arg4[%get3A_583, %get3A_584] {strides = array<i32>} : memref<4x1000xf32, #tpu.memory_space<vmem>>, vector<16xf32>,
        %swap3A_586 = arith.constant 1408 : index
        %swap3A_587 = tpu.vector_load %arg6[%swap3A_586] {strides = array<i32>} : memref<4096xf32, #tpu.memory_space<vmem>>, vector<16xf32>,
        tpu.vector_store %arg6[%swap3A_586], %get3A_585 {strides = array<i32>} : memref<4096xf32, #tpu.memory_space<vmem>>, vector<16xf32>,
        %get3A_588 = arith.constant 1 : i32
        %get3A_589 = arith.index_cast %get3A_588 : i32 to index
        %get3A_590 = arith.constant 400 : index
        %get3A_591 = tpu.vector_load %arg4[%get3A_589, %get3A_590] {strides = array<i32>} : memref<4x1000xf32, #tpu.memory_space<vmem>>, vector<16xf32>,
        %swap3A_592 = arith.constant 1424 : index
        %swap3A_593 = tpu.vector_load %arg6[%swap3A_592] {strides = array<i32>} : memref<4096xf32, #tpu.memory_space<vmem>>, vector<16xf32>,
        tpu.vector_store %arg6[%swap3A_592], %get3A_591 {strides = array<i32>} : memref<4096xf32, #tpu.memory_space<vmem>>, vector<16xf32>,
        %get3A_594 = arith.constant 1 : i32
        %get3A_595 = arith.index_cast %get3A_594 : i32 to index
        %get3A_596 = arith.constant 416 : index
        %get3A_597 = tpu.vector_load %arg4[%get3A_595, %get3A_596] {strides = array<i32>} : memref<4x1000xf32, #tpu.memory_space<vmem>>, vector<16xf32>,
        %swap3A_598 = arith.constant 1440 : index
        %swap3A_599 = tpu.vector_load %arg6[%swap3A_598] {strides = array<i32>} : memref<4096xf32, #tpu.memory_space<vmem>>, vector<16xf32>,
        tpu.vector_store %arg6[%swap3A_598], %get3A_597 {strides = array<i32>} : memref<4096xf32, #tpu.memory_space<vmem>>, vector<16xf32>,
        %get3A_600 = arith.constant 1 : i32
        %get3A_601 = arith.index_cast %get3A_600 : i32 to index
        %get3A_602 = arith.constant 432 : index
        %get3A_603 = tpu.vector_load %arg4[%get3A_601, %get3A_602] {strides = array<i32>} : memref<4x1000xf32, #tpu.memory_space<vmem>>, vector<16xf32>,
        %swap3A_604 = arith.constant 1456 : index
        %swap3A_605 = tpu.vector_load %arg6[%swap3A_604] {strides = array<i32>} : memref<4096xf32, #tpu.memory_space<vmem>>, vector<16xf32>,
        tpu.vector_store %arg6[%swap3A_604], %get3A_603 {strides = array<i32>} : memref<4096xf32, #tpu.memory_space<vmem>>, vector<16xf32>,
        %get3A_606 = arith.constant 1 : i32
        %get3A_607 = arith.index_cast %get3A_606 : i32 to index
        %get3A_608 = arith.constant 448 : index
        %get3A_609 = tpu.vector_load %arg4[%get3A_607, %get3A_608] {strides = array<i32>} : memref<4x1000xf32, #tpu.memory_space<vmem>>, vector<16xf32>,
        %swap3A_610 = arith.constant 1472 : index
        %swap3A_611 = tpu.vector_load %arg6[%swap3A_610] {strides = array<i32>} : memref<4096xf32, #tpu.memory_space<vmem>>, vector<16xf32>,
        tpu.vector_store %arg6[%swap3A_610], %get3A_609 {strides = array<i32>} : memref<4096xf32, #tpu.memory_space<vmem>>, vector<16xf32>,
        %get3A_612 = arith.constant 1 : i32
        %get3A_613 = arith.index_cast %get3A_612 : i32 to index
        %get3A_614 = arith.constant 464 : index
        %get3A_615 = tpu.vector_load %arg4[%get3A_613, %get3A_614] {strides = array<i32>} : memref<4x1000xf32, #tpu.memory_space<vmem>>, vector<16xf32>,
        %swap3A_616 = arith.constant 1488 : index
        %swap3A_617 = tpu.vector_load %arg6[%swap3A_616] {strides = array<i32>} : memref<4096xf32, #tpu.memory_space<vmem>>, vector<16xf32>,
        tpu.vector_store %arg6[%swap3A_616], %get3A_615 {strides = array<i32>} : memref<4096xf32, #tpu.memory_space<vmem>>, vector<16xf32>,
        %get3A_618 = arith.constant 1 : i32
        %get3A_619 = arith.index_cast %get3A_618 : i32 to index
        %get3A_620 = arith.constant 480 : index
        %get3A_621 = tpu.vector_load %arg4[%get3A_619, %get3A_620] {strides = array<i32>} : memref<4x1000xf32, #tpu.memory_space<vmem>>, vector<16xf32>,
        %swap3A_622 = arith.constant 1504 : index
        %swap3A_623 = tpu.vector_load %arg6[%swap3A_622] {strides = array<i32>} : memref<4096xf32, #tpu.memory_space<vmem>>, vector<16xf32>,
        tpu.vector_store %arg6[%swap3A_622], %get3A_621 {strides = array<i32>} : memref<4096xf32, #tpu.memory_space<vmem>>, vector<16xf32>,
        %get3A_624 = arith.constant 1 : i32
        %get3A_625 = arith.index_cast %get3A_624 : i32 to index
        %get3A_626 = arith.constant 496 : index
        %get3A_627 = tpu.vector_load %arg4[%get3A_625, %get3A_626] {strides = array<i32>} : memref<4x1000xf32, #tpu.memory_space<vmem>>, vector<16xf32>,
        %swap3A_628 = arith.constant 1520 : index
        %swap3A_629 = tpu.vector_load %arg6[%swap3A_628] {strides = array<i32>} : memref<4096xf32, #tpu.memory_space<vmem>>, vector<16xf32>,
        tpu.vector_store %arg6[%swap3A_628], %get3A_627 {strides = array<i32>} : memref<4096xf32, #tpu.memory_space<vmem>>, vector<16xf32>,
        %get3A_630 = arith.constant 1 : i32
        %get3A_631 = arith.index_cast %get3A_630 : i32 to index
        %get3A_632 = arith.constant 512 : index
        %get3A_633 = tpu.vector_load %arg4[%get3A_631, %get3A_632] {strides = array<i32>} : memref<4x1000xf32, #tpu.memory_space<vmem>>, vector<16xf32>,
        %swap3A_634 = arith.constant 1536 : index
        %swap3A_635 = tpu.vector_load %arg6[%swap3A_634] {strides = array<i32>} : memref<4096xf32, #tpu.memory_space<vmem>>, vector<16xf32>,
        tpu.vector_store %arg6[%swap3A_634], %get3A_633 {strides = array<i32>} : memref<4096xf32, #tpu.memory_space<vmem>>, vector<16xf32>,
        %get3A_636 = arith.constant 1 : i32
        %get3A_637 = arith.index_cast %get3A_636 : i32 to index
        %get3A_638 = arith.constant 528 : index
        %get3A_639 = tpu.vector_load %arg4[%get3A_637, %get3A_638] {strides = array<i32>} : memref<4x1000xf32, #tpu.memory_space<vmem>>, vector<16xf32>,
        %swap3A_640 = arith.constant 1552 : index
        %swap3A_641 = tpu.vector_load %arg6[%swap3A_640] {strides = array<i32>} : memref<4096xf32, #tpu.memory_space<vmem>>, vector<16xf32>,
        tpu.vector_store %arg6[%swap3A_640], %get3A_639 {strides = array<i32>} : memref<4096xf32, #tpu.memory_space<vmem>>, vector<16xf32>,
        %get3A_642 = arith.constant 1 : i32
        %get3A_643 = arith.index_cast %get3A_642 : i32 to index
        %get3A_644 = arith.constant 544 : index
        %get3A_645 = tpu.vector_load %arg4[%get3A_643, %get3A_644] {strides = array<i32>} : memref<4x1000xf32, #tpu.memory_space<vmem>>, vector<16xf32>,
        %swap3A_646 = arith.constant 1568 : index
        %swap3A_647 = tpu.vector_load %arg6[%swap3A_646] {strides = array<i32>} : memref<4096xf32, #tpu.memory_space<vmem>>, vector<16xf32>,
        tpu.vector_store %arg6[%swap3A_646], %get3A_645 {strides = array<i32>} : memref<4096xf32, #tpu.memory_space<vmem>>, vector<16xf32>,
        %get3A_648 = arith.constant 1 : i32
        %get3A_649 = arith.index_cast %get3A_648 : i32 to index
        %get3A_650 = arith.constant 560 : index
        %get3A_651 = tpu.vector_load %arg4[%get3A_649, %get3A_650] {strides = array<i32>} : memref<4x1000xf32, #tpu.memory_space<vmem>>, vector<16xf32>,
        %swap3A_652 = arith.constant 1584 : index
        %swap3A_653 = tpu.vector_load %arg6[%swap3A_652] {strides = array<i32>} : memref<4096xf32, #tpu.memory_space<vmem>>, vector<16xf32>,
        tpu.vector_store %arg6[%swap3A_652], %get3A_651 {strides = array<i32>} : memref<4096xf32, #tpu.memory_space<vmem>>, vector<16xf32>,
        %get3A_654 = arith.constant 1 : i32
        %get3A_655 = arith.index_cast %get3A_654 : i32 to index
        %get3A_656 = arith.constant 576 : index
        %get3A_657 = tpu.vector_load %arg4[%get3A_655, %get3A_656] {strides = array<i32>} : memref<4x1000xf32, #tpu.memory_space<vmem>>, vector<16xf32>,
        %swap3A_658 = arith.constant 1600 : index
        %swap3A_659 = tpu.vector_load %arg6[%swap3A_658] {strides = array<i32>} : memref<4096xf32, #tpu.memory_space<vmem>>, vector<16xf32>,
        tpu.vector_store %arg6[%swap3A_658], %get3A_657 {strides = array<i32>} : memref<4096xf32, #tpu.memory_space<vmem>>, vector<16xf32>,
        %get3A_660 = arith.constant 1 : i32
        %get3A_661 = arith.index_cast %get3A_660 : i32 to index
        %get3A_662 = arith.constant 592 : index
        %get3A_663 = tpu.vector_load %arg4[%get3A_661, %get3A_662] {strides = array<i32>} : memref<4x1000xf32, #tpu.memory_space<vmem>>, vector<16xf32>,
        %swap3A_664 = arith.constant 1616 : index
        %swap3A_665 = tpu.vector_load %arg6[%swap3A_664] {strides = array<i32>} : memref<4096xf32, #tpu.memory_space<vmem>>, vector<16xf32>,
        tpu.vector_store %arg6[%swap3A_664], %get3A_663 {strides = array<i32>} : memref<4096xf32, #tpu.memory_space<vmem>>, vector<16xf32>,
        %get3A_666 = arith.constant 1 : i32
        %get3A_667 = arith.index_cast %get3A_666 : i32 to index
        %get3A_668 = arith.constant 608 : index
        %get3A_669 = tpu.vector_load %arg4[%get3A_667, %get3A_668] {strides = array<i32>} : memref<4x1000xf32, #tpu.memory_space<vmem>>, vector<16xf32>,
        %swap3A_670 = arith.constant 1632 : index
        %swap3A_671 = tpu.vector_load %arg6[%swap3A_670] {strides = array<i32>} : memref<4096xf32, #tpu.memory_space<vmem>>, vector<16xf32>,
        tpu.vector_store %arg6[%swap3A_670], %get3A_669 {strides = array<i32>} : memref<4096xf32, #tpu.memory_space<vmem>>, vector<16xf32>,
        %get3A_672 = arith.constant 1 : i32
        %get3A_673 = arith.index_cast %get3A_672 : i32 to index
        %get3A_674 = arith.constant 624 : index
        %get3A_675 = tpu.vector_load %arg4[%get3A_673, %get3A_674] {strides = array<i32>} : memref<4x1000xf32, #tpu.memory_space<vmem>>, vector<16xf32>,
        %swap3A_676 = arith.constant 1648 : index
        %swap3A_677 = tpu.vector_load %arg6[%swap3A_676] {strides = array<i32>} : memref<4096xf32, #tpu.memory_space<vmem>>, vector<16xf32>,
        tpu.vector_store %arg6[%swap3A_676], %get3A_675 {strides = array<i32>} : memref<4096xf32, #tpu.memory_space<vmem>>, vector<16xf32>,
        %get3A_678 = arith.constant 1 : i32
        %get3A_679 = arith.index_cast %get3A_678 : i32 to index
        %get3A_680 = arith.constant 640 : index
        %get3A_681 = tpu.vector_load %arg4[%get3A_679, %get3A_680] {strides = array<i32>} : memref<4x1000xf32, #tpu.memory_space<vmem>>, vector<16xf32>,
        %swap3A_682 = arith.constant 1664 : index
        %swap3A_683 = tpu.vector_load %arg6[%swap3A_682] {strides = array<i32>} : memref<4096xf32, #tpu.memory_space<vmem>>, vector<16xf32>,
        tpu.vector_store %arg6[%swap3A_682], %get3A_681 {strides = array<i32>} : memref<4096xf32, #tpu.memory_space<vmem>>, vector<16xf32>,
        %get3A_684 = arith.constant 1 : i32
        %get3A_685 = arith.index_cast %get3A_684 : i32 to index
        %get3A_686 = arith.constant 656 : index
        %get3A_687 = tpu.vector_load %arg4[%get3A_685, %get3A_686] {strides = array<i32>} : memref<4x1000xf32, #tpu.memory_space<vmem>>, vector<16xf32>,
        %swap3A_688 = arith.constant 1680 : index
        %swap3A_689 = tpu.vector_load %arg6[%swap3A_688] {strides = array<i32>} : memref<4096xf32, #tpu.memory_space<vmem>>, vector<16xf32>,
        tpu.vector_store %arg6[%swap3A_688], %get3A_687 {strides = array<i32>} : memref<4096xf32, #tpu.memory_space<vmem>>, vector<16xf32>,
        %get3A_690 = arith.constant 1 : i32
        %get3A_691 = arith.index_cast %get3A_690 : i32 to index
        %get3A_692 = arith.constant 672 : index
        %get3A_693 = tpu.vector_load %arg4[%get3A_691, %get3A_692] {strides = array<i32>} : memref<4x1000xf32, #tpu.memory_space<vmem>>, vector<16xf32>,
        %swap3A_694 = arith.constant 1696 : index
        %swap3A_695 = tpu.vector_load %arg6[%swap3A_694] {strides = array<i32>} : memref<4096xf32, #tpu.memory_space<vmem>>, vector<16xf32>,
        tpu.vector_store %arg6[%swap3A_694], %get3A_693 {strides = array<i32>} : memref<4096xf32, #tpu.memory_space<vmem>>, vector<16xf32>,
        %get3A_696 = arith.constant 1 : i32
        %get3A_697 = arith.index_cast %get3A_696 : i32 to index
        %get3A_698 = arith.constant 688 : index
        %get3A_699 = tpu.vector_load %arg4[%get3A_697, %get3A_698] {strides = array<i32>} : memref<4x1000xf32, #tpu.memory_space<vmem>>, vector<16xf32>,
        %swap3A_700 = arith.constant 1712 : index
        %swap3A_701 = tpu.vector_load %arg6[%swap3A_700] {strides = array<i32>} : memref<4096xf32, #tpu.memory_space<vmem>>, vector<16xf32>,
        tpu.vector_store %arg6[%swap3A_700], %get3A_699 {strides = array<i32>} : memref<4096xf32, #tpu.memory_space<vmem>>, vector<16xf32>,
        %get3A_702 = arith.constant 1 : i32
        %get3A_703 = arith.index_cast %get3A_702 : i32 to index
        %get3A_704 = arith.constant 704 : index
        %get3A_705 = tpu.vector_load %arg4[%get3A_703, %get3A_704] {strides = array<i32>} : memref<4x1000xf32, #tpu.memory_space<vmem>>, vector<16xf32>,
        %swap3A_706 = arith.constant 1728 : index
        %swap3A_707 = tpu.vector_load %arg6[%swap3A_706] {strides = array<i32>} : memref<4096xf32, #tpu.memory_space<vmem>>, vector<16xf32>,
        tpu.vector_store %arg6[%swap3A_706], %get3A_705 {strides = array<i32>} : memref<4096xf32, #tpu.memory_space<vmem>>, vector<16xf32>,
        %get3A_708 = arith.constant 1 : i32
        %get3A_709 = arith.index_cast %get3A_708 : i32 to index
        %get3A_710 = arith.constant 720 : index
        %get3A_711 = tpu.vector_load %arg4[%get3A_709, %get3A_710] {strides = array<i32>} : memref<4x1000xf32, #tpu.memory_space<vmem>>, vector<16xf32>,
        %swap3A_712 = arith.constant 1744 : index
        %swap3A_713 = tpu.vector_load %arg6[%swap3A_712] {strides = array<i32>} : memref<4096xf32, #tpu.memory_space<vmem>>, vector<16xf32>,
        tpu.vector_store %arg6[%swap3A_712], %get3A_711 {strides = array<i32>} : memref<4096xf32, #tpu.memory_space<vmem>>, vector<16xf32>,
        %get3A_714 = arith.constant 1 : i32
        %get3A_715 = arith.index_cast %get3A_714 : i32 to index
        %get3A_716 = arith.constant 736 : index
        %get3A_717 = tpu.vector_load %arg4[%get3A_715, %get3A_716] {strides = array<i32>} : memref<4x1000xf32, #tpu.memory_space<vmem>>, vector<16xf32>,
        %swap3A_718 = arith.constant 1760 : index
        %swap3A_719 = tpu.vector_load %arg6[%swap3A_718] {strides = array<i32>} : memref<4096xf32, #tpu.memory_space<vmem>>, vector<16xf32>,
        tpu.vector_store %arg6[%swap3A_718], %get3A_717 {strides = array<i32>} : memref<4096xf32, #tpu.memory_space<vmem>>, vector<16xf32>,
        %get3A_720 = arith.constant 1 : i32
        %get3A_721 = arith.index_cast %get3A_720 : i32 to index
        %get3A_722 = arith.constant 752 : index
        %get3A_723 = tpu.vector_load %arg4[%get3A_721, %get3A_722] {strides = array<i32>} : memref<4x1000xf32, #tpu.memory_space<vmem>>, vector<16xf32>,
        %swap3A_724 = arith.constant 1776 : index
        %swap3A_725 = tpu.vector_load %arg6[%swap3A_724] {strides = array<i32>} : memref<4096xf32, #tpu.memory_space<vmem>>, vector<16xf32>,
        tpu.vector_store %arg6[%swap3A_724], %get3A_723 {strides = array<i32>} : memref<4096xf32, #tpu.memory_space<vmem>>, vector<16xf32>,
        %get3A_726 = arith.constant 1 : i32
        %get3A_727 = arith.index_cast %get3A_726 : i32 to index
        %get3A_728 = arith.constant 768 : index
        %get3A_729 = tpu.vector_load %arg4[%get3A_727, %get3A_728] {strides = array<i32>} : memref<4x1000xf32, #tpu.memory_space<vmem>>, vector<16xf32>,
        %swap3A_730 = arith.constant 1792 : index
        %swap3A_731 = tpu.vector_load %arg6[%swap3A_730] {strides = array<i32>} : memref<4096xf32, #tpu.memory_space<vmem>>, vector<16xf32>,
        tpu.vector_store %arg6[%swap3A_730], %get3A_729 {strides = array<i32>} : memref<4096xf32, #tpu.memory_space<vmem>>, vector<16xf32>,
        %get3A_732 = arith.constant 1 : i32
        %get3A_733 = arith.index_cast %get3A_732 : i32 to index
        %get3A_734 = arith.constant 784 : index
        %get3A_735 = tpu.vector_load %arg4[%get3A_733, %get3A_734] {strides = array<i32>} : memref<4x1000xf32, #tpu.memory_space<vmem>>, vector<16xf32>,
        %swap3A_736 = arith.constant 1808 : index
        %swap3A_737 = tpu.vector_load %arg6[%swap3A_736] {strides = array<i32>} : memref<4096xf32, #tpu.memory_space<vmem>>, vector<16xf32>,
        tpu.vector_store %arg6[%swap3A_736], %get3A_735 {strides = array<i32>} : memref<4096xf32, #tpu.memory_space<vmem>>, vector<16xf32>,
        %get3A_738 = arith.constant 1 : i32
        %get3A_739 = arith.index_cast %get3A_738 : i32 to index
        %get3A_740 = arith.constant 800 : index
        %get3A_741 = tpu.vector_load %arg4[%get3A_739, %get3A_740] {strides = array<i32>} : memref<4x1000xf32, #tpu.memory_space<vmem>>, vector<16xf32>,
        %swap3A_742 = arith.constant 1824 : index
        %swap3A_743 = tpu.vector_load %arg6[%swap3A_742] {strides = array<i32>} : memref<4096xf32, #tpu.memory_space<vmem>>, vector<16xf32>,
        tpu.vector_store %arg6[%swap3A_742], %get3A_741 {strides = array<i32>} : memref<4096xf32, #tpu.memory_space<vmem>>, vector<16xf32>,
        %get3A_744 = arith.constant 1 : i32
        %get3A_745 = arith.index_cast %get3A_744 : i32 to index
        %get3A_746 = arith.constant 816 : index
        %get3A_747 = tpu.vector_load %arg4[%get3A_745, %get3A_746] {strides = array<i32>} : memref<4x1000xf32, #tpu.memory_space<vmem>>, vector<16xf32>,
        %swap3A_748 = arith.constant 1840 : index
        %swap3A_749 = tpu.vector_load %arg6[%swap3A_748] {strides = array<i32>} : memref<4096xf32, #tpu.memory_space<vmem>>, vector<16xf32>,
        tpu.vector_store %arg6[%swap3A_748], %get3A_747 {strides = array<i32>} : memref<4096xf32, #tpu.memory_space<vmem>>, vector<16xf32>,
        %get3A_750 = arith.constant 1 : i32
        %get3A_751 = arith.index_cast %get3A_750 : i32 to index
        %get3A_752 = arith.constant 832 : index
        %get3A_753 = tpu.vector_load %arg4[%get3A_751, %get3A_752] {strides = array<i32>} : memref<4x1000xf32, #tpu.memory_space<vmem>>, vector<16xf32>,
        %swap3A_754 = arith.constant 1856 : index
        %swap3A_755 = tpu.vector_load %arg6[%swap3A_754] {strides = array<i32>} : memref<4096xf32, #tpu.memory_space<vmem>>, vector<16xf32>,
        tpu.vector_store %arg6[%swap3A_754], %get3A_753 {strides = array<i32>} : memref<4096xf32, #tpu.memory_space<vmem>>, vector<16xf32>,
        %get3A_756 = arith.constant 1 : i32
        %get3A_757 = arith.index_cast %get3A_756 : i32 to index
        %get3A_758 = arith.constant 848 : index
        %get3A_759 = tpu.vector_load %arg4[%get3A_757, %get3A_758] {strides = array<i32>} : memref<4x1000xf32, #tpu.memory_space<vmem>>, vector<16xf32>,
        %swap3A_760 = arith.constant 1872 : index
        %swap3A_761 = tpu.vector_load %arg6[%swap3A_760] {strides = array<i32>} : memref<4096xf32, #tpu.memory_space<vmem>>, vector<16xf32>,
        tpu.vector_store %arg6[%swap3A_760], %get3A_759 {strides = array<i32>} : memref<4096xf32, #tpu.memory_space<vmem>>, vector<16xf32>,
        %get3A_762 = arith.constant 1 : i32
        %get3A_763 = arith.index_cast %get3A_762 : i32 to index
        %get3A_764 = arith.constant 864 : index
        %get3A_765 = tpu.vector_load %arg4[%get3A_763, %get3A_764] {strides = array<i32>} : memref<4x1000xf32, #tpu.memory_space<vmem>>, vector<16xf32>,
        %swap3A_766 = arith.constant 1888 : index
        %swap3A_767 = tpu.vector_load %arg6[%swap3A_766] {strides = array<i32>} : memref<4096xf32, #tpu.memory_space<vmem>>, vector<16xf32>,
        tpu.vector_store %arg6[%swap3A_766], %get3A_765 {strides = array<i32>} : memref<4096xf32, #tpu.memory_space<vmem>>, vector<16xf32>,
        %get3A_768 = arith.constant 1 : i32
        %get3A_769 = arith.index_cast %get3A_768 : i32 to index
        %get3A_770 = arith.constant 880 : index
        %get3A_771 = tpu.vector_load %arg4[%get3A_769, %get3A_770] {strides = array<i32>} : memref<4x1000xf32, #tpu.memory_space<vmem>>, vector<16xf32>,
        %swap3A_772 = arith.constant 1904 : index
        %swap3A_773 = tpu.vector_load %arg6[%swap3A_772] {strides = array<i32>} : memref<4096xf32, #tpu.memory_space<vmem>>, vector<16xf32>,
        tpu.vector_store %arg6[%swap3A_772], %get3A_771 {strides = array<i32>} : memref<4096xf32, #tpu.memory_space<vmem>>, vector<16xf32>,
        %get3A_774 = arith.constant 1 : i32
        %get3A_775 = arith.index_cast %get3A_774 : i32 to index
        %get3A_776 = arith.constant 896 : index
        %get3A_777 = tpu.vector_load %arg4[%get3A_775, %get3A_776] {strides = array<i32>} : memref<4x1000xf32, #tpu.memory_space<vmem>>, vector<16xf32>,
        %swap3A_778 = arith.constant 1920 : index
        %swap3A_779 = tpu.vector_load %arg6[%swap3A_778] {strides = array<i32>} : memref<4096xf32, #tpu.memory_space<vmem>>, vector<16xf32>,
        tpu.vector_store %arg6[%swap3A_778], %get3A_777 {strides = array<i32>} : memref<4096xf32, #tpu.memory_space<vmem>>, vector<16xf32>,
        %get3A_780 = arith.constant 1 : i32
        %get3A_781 = arith.index_cast %get3A_780 : i32 to index
        %get3A_782 = arith.constant 912 : index
        %get3A_783 = tpu.vector_load %arg4[%get3A_781, %get3A_782] {strides = array<i32>} : memref<4x1000xf32, #tpu.memory_space<vmem>>, vector<16xf32>,
        %swap3A_784 = arith.constant 1936 : index
        %swap3A_785 = tpu.vector_load %arg6[%swap3A_784] {strides = array<i32>} : memref<4096xf32, #tpu.memory_space<vmem>>, vector<16xf32>,
        tpu.vector_store %arg6[%swap3A_784], %get3A_783 {strides = array<i32>} : memref<4096xf32, #tpu.memory_space<vmem>>, vector<16xf32>,
        %get3A_786 = arith.constant 1 : i32
        %get3A_787 = arith.index_cast %get3A_786 : i32 to index
        %get3A_788 = arith.constant 928 : index
        %get3A_789 = tpu.vector_load %arg4[%get3A_787, %get3A_788] {strides = array<i32>} : memref<4x1000xf32, #tpu.memory_space<vmem>>, vector<16xf32>,
        %swap3A_790 = arith.constant 1952 : index
        %swap3A_791 = tpu.vector_load %arg6[%swap3A_790] {strides = array<i32>} : memref<4096xf32, #tpu.memory_space<vmem>>, vector<16xf32>,
        tpu.vector_store %arg6[%swap3A_790], %get3A_789 {strides = array<i32>} : memref<4096xf32, #tpu.memory_space<vmem>>, vector<16xf32>,
        %get3A_792 = arith.constant 1 : i32
        %get3A_793 = arith.index_cast %get3A_792 : i32 to index
        %get3A_794 = arith.constant 944 : index
        %get3A_795 = tpu.vector_load %arg4[%get3A_793, %get3A_794] {strides = array<i32>} : memref<4x1000xf32, #tpu.memory_space<vmem>>, vector<16xf32>,
        %swap3A_796 = arith.constant 1968 : index
        %swap3A_797 = tpu.vector_load %arg6[%swap3A_796] {strides = array<i32>} : memref<4096xf32, #tpu.memory_space<vmem>>, vector<16xf32>,
        tpu.vector_store %arg6[%swap3A_796], %get3A_795 {strides = array<i32>} : memref<4096xf32, #tpu.memory_space<vmem>>, vector<16xf32>,
        %get3A_798 = arith.constant 1 : i32
        %get3A_799 = arith.index_cast %get3A_798 : i32 to index
        %get3A_800 = arith.constant 960 : index
        %get3A_801 = tpu.vector_load %arg4[%get3A_799, %get3A_800] {strides = array<i32>} : memref<4x1000xf32, #tpu.memory_space<vmem>>, vector<16xf32>,
        %swap3A_802 = arith.constant 1984 : index
        %swap3A_803 = tpu.vector_load %arg6[%swap3A_802] {strides = array<i32>} : memref<4096xf32, #tpu.memory_space<vmem>>, vector<16xf32>,
        tpu.vector_store %arg6[%swap3A_802], %get3A_801 {strides = array<i32>} : memref<4096xf32, #tpu.memory_space<vmem>>, vector<16xf32>,
        %get3A_804 = arith.constant 1 : i32
        %get3A_805 = arith.index_cast %get3A_804 : i32 to index
        %get3A_806 = arith.constant 976 : index
        %get3A_807 = tpu.vector_load %arg4[%get3A_805, %get3A_806] {strides = array<i32>} : memref<4x1000xf32, #tpu.memory_space<vmem>>, vector<16xf32>,
        %swap3A_808 = arith.constant 2000 : index
        %swap3A_809 = tpu.vector_load %arg6[%swap3A_808] {strides = array<i32>} : memref<4096xf32, #tpu.memory_space<vmem>>, vector<16xf32>,
        tpu.vector_store %arg6[%swap3A_808], %get3A_807 {strides = array<i32>} : memref<4096xf32, #tpu.memory_space<vmem>>, vector<16xf32>,
        %get3A_810 = arith.constant 1 : i32
        %get3A_811 = arith.index_cast %get3A_810 : i32 to index
        %get3A_812 = arith.constant 984 : index
        %get3A_813 = tpu.vector_load %arg4[%get3A_811, %get3A_812] {strides = array<i32>} : memref<4x1000xf32, #tpu.memory_space<vmem>>, vector<16xf32>,
        %swap3A_814 = arith.constant 2008 : index
        %swap3A_815 = tpu.vector_load %arg6[%swap3A_814] {strides = array<i32>} : memref<4096xf32, #tpu.memory_space<vmem>>, vector<16xf32>,
        tpu.vector_store %arg6[%swap3A_814], %get3A_813 {strides = array<i32>} : memref<4096xf32, #tpu.memory_space<vmem>>, vector<16xf32>,
        %get3A_816 = arith.constant 2 : i32
        %get3A_817 = arith.index_cast %get3A_816 : i32 to index
        %get3A_818 = arith.constant 0 : index
        %get3A_819 = tpu.vector_load %arg4[%get3A_817, %get3A_818] {strides = array<i32>} : memref<4x1000xf32, #tpu.memory_space<vmem>>, vector<16xf32>,
        %swap3A_820 = arith.constant 2048 : index
        %swap3A_821 = tpu.vector_load %arg6[%swap3A_820] {strides = array<i32>} : memref<4096xf32, #tpu.memory_space<vmem>>, vector<16xf32>,
        tpu.vector_store %arg6[%swap3A_820], %get3A_819 {strides = array<i32>} : memref<4096xf32, #tpu.memory_space<vmem>>, vector<16xf32>,
        %get3A_822 = arith.constant 2 : i32
        %get3A_823 = arith.index_cast %get3A_822 : i32 to index
        %get3A_824 = arith.constant 16 : index
        %get3A_825 = tpu.vector_load %arg4[%get3A_823, %get3A_824] {strides = array<i32>} : memref<4x1000xf32, #tpu.memory_space<vmem>>, vector<16xf32>,
        %swap3A_826 = arith.constant 2064 : index
        %swap3A_827 = tpu.vector_load %arg6[%swap3A_826] {strides = array<i32>} : memref<4096xf32, #tpu.memory_space<vmem>>, vector<16xf32>,
        tpu.vector_store %arg6[%swap3A_826], %get3A_825 {strides = array<i32>} : memref<4096xf32, #tpu.memory_space<vmem>>, vector<16xf32>,
        %get3A_828 = arith.constant 2 : i32
        %get3A_829 = arith.index_cast %get3A_828 : i32 to index
        %get3A_830 = arith.constant 32 : index
        %get3A_831 = tpu.vector_load %arg4[%get3A_829, %get3A_830] {strides = array<i32>} : memref<4x1000xf32, #tpu.memory_space<vmem>>, vector<16xf32>,
        %swap3A_832 = arith.constant 2080 : index
        %swap3A_833 = tpu.vector_load %arg6[%swap3A_832] {strides = array<i32>} : memref<4096xf32, #tpu.memory_space<vmem>>, vector<16xf32>,
        tpu.vector_store %arg6[%swap3A_832], %get3A_831 {strides = array<i32>} : memref<4096xf32, #tpu.memory_space<vmem>>, vector<16xf32>,
        %get3A_834 = arith.constant 2 : i32
        %get3A_835 = arith.index_cast %get3A_834 : i32 to index
        %get3A_836 = arith.constant 48 : index
        %get3A_837 = tpu.vector_load %arg4[%get3A_835, %get3A_836] {strides = array<i32>} : memref<4x1000xf32, #tpu.memory_space<vmem>>, vector<16xf32>,
        %swap3A_838 = arith.constant 2096 : index
        %swap3A_839 = tpu.vector_load %arg6[%swap3A_838] {strides = array<i32>} : memref<4096xf32, #tpu.memory_space<vmem>>, vector<16xf32>,
        tpu.vector_store %arg6[%swap3A_838], %get3A_837 {strides = array<i32>} : memref<4096xf32, #tpu.memory_space<vmem>>, vector<16xf32>,
        %get3A_840 = arith.constant 2 : i32
        %get3A_841 = arith.index_cast %get3A_840 : i32 to index
        %get3A_842 = arith.constant 64 : index
        %get3A_843 = tpu.vector_load %arg4[%get3A_841, %get3A_842] {strides = array<i32>} : memref<4x1000xf32, #tpu.memory_space<vmem>>, vector<16xf32>,
        %swap3A_844 = arith.constant 2112 : index
        %swap3A_845 = tpu.vector_load %arg6[%swap3A_844] {strides = array<i32>} : memref<4096xf32, #tpu.memory_space<vmem>>, vector<16xf32>,
        tpu.vector_store %arg6[%swap3A_844], %get3A_843 {strides = array<i32>} : memref<4096xf32, #tpu.memory_space<vmem>>, vector<16xf32>,
        %get3A_846 = arith.constant 2 : i32
        %get3A_847 = arith.index_cast %get3A_846 : i32 to index
        %get3A_848 = arith.constant 80 : index
        %get3A_849 = tpu.vector_load %arg4[%get3A_847, %get3A_848] {strides = array<i32>} : memref<4x1000xf32, #tpu.memory_space<vmem>>, vector<16xf32>,
        %swap3A_850 = arith.constant 2128 : index
        %swap3A_851 = tpu.vector_load %arg6[%swap3A_850] {strides = array<i32>} : memref<4096xf32, #tpu.memory_space<vmem>>, vector<16xf32>,
        tpu.vector_store %arg6[%swap3A_850], %get3A_849 {strides = array<i32>} : memref<4096xf32, #tpu.memory_space<vmem>>, vector<16xf32>,
        %get3A_852 = arith.constant 2 : i32
        %get3A_853 = arith.index_cast %get3A_852 : i32 to index
        %get3A_854 = arith.constant 96 : index
        %get3A_855 = tpu.vector_load %arg4[%get3A_853, %get3A_854] {strides = array<i32>} : memref<4x1000xf32, #tpu.memory_space<vmem>>, vector<16xf32>,
        %swap3A_856 = arith.constant 2144 : index
        %swap3A_857 = tpu.vector_load %arg6[%swap3A_856] {strides = array<i32>} : memref<4096xf32, #tpu.memory_space<vmem>>, vector<16xf32>,
        tpu.vector_store %arg6[%swap3A_856], %get3A_855 {strides = array<i32>} : memref<4096xf32, #tpu.memory_space<vmem>>, vector<16xf32>,
        %get3A_858 = arith.constant 2 : i32
        %get3A_859 = arith.index_cast %get3A_858 : i32 to index
        %get3A_860 = arith.constant 112 : index
        %get3A_861 = tpu.vector_load %arg4[%get3A_859, %get3A_860] {strides = array<i32>} : memref<4x1000xf32, #tpu.memory_space<vmem>>, vector<16xf32>,
        %swap3A_862 = arith.constant 2160 : index
        %swap3A_863 = tpu.vector_load %arg6[%swap3A_862] {strides = array<i32>} : memref<4096xf32, #tpu.memory_space<vmem>>, vector<16xf32>,
        tpu.vector_store %arg6[%swap3A_862], %get3A_861 {strides = array<i32>} : memref<4096xf32, #tpu.memory_space<vmem>>, vector<16xf32>,
        %get3A_864 = arith.constant 2 : i32
        %get3A_865 = arith.index_cast %get3A_864 : i32 to index
        %get3A_866 = arith.constant 128 : index
        %get3A_867 = tpu.vector_load %arg4[%get3A_865, %get3A_866] {strides = array<i32>} : memref<4x1000xf32, #tpu.memory_space<vmem>>, vector<16xf32>,
        %swap3A_868 = arith.constant 2176 : index
        %swap3A_869 = tpu.vector_load %arg6[%swap3A_868] {strides = array<i32>} : memref<4096xf32, #tpu.memory_space<vmem>>, vector<16xf32>,
        tpu.vector_store %arg6[%swap3A_868], %get3A_867 {strides = array<i32>} : memref<4096xf32, #tpu.memory_space<vmem>>, vector<16xf32>,
        %get3A_870 = arith.constant 2 : i32
        %get3A_871 = arith.index_cast %get3A_870 : i32 to index
        %get3A_872 = arith.constant 144 : index
        %get3A_873 = tpu.vector_load %arg4[%get3A_871, %get3A_872] {strides = array<i32>} : memref<4x1000xf32, #tpu.memory_space<vmem>>, vector<16xf32>,
        %swap3A_874 = arith.constant 2192 : index
        %swap3A_875 = tpu.vector_load %arg6[%swap3A_874] {strides = array<i32>} : memref<4096xf32, #tpu.memory_space<vmem>>, vector<16xf32>,
        tpu.vector_store %arg6[%swap3A_874], %get3A_873 {strides = array<i32>} : memref<4096xf32, #tpu.memory_space<vmem>>, vector<16xf32>,
        %get3A_876 = arith.constant 2 : i32
        %get3A_877 = arith.index_cast %get3A_876 : i32 to index
        %get3A_878 = arith.constant 160 : index
        %get3A_879 = tpu.vector_load %arg4[%get3A_877, %get3A_878] {strides = array<i32>} : memref<4x1000xf32, #tpu.memory_space<vmem>>, vector<16xf32>,
        %swap3A_880 = arith.constant 2208 : index
        %swap3A_881 = tpu.vector_load %arg6[%swap3A_880] {strides = array<i32>} : memref<4096xf32, #tpu.memory_space<vmem>>, vector<16xf32>,
        tpu.vector_store %arg6[%swap3A_880], %get3A_879 {strides = array<i32>} : memref<4096xf32, #tpu.memory_space<vmem>>, vector<16xf32>,
        %get3A_882 = arith.constant 2 : i32
        %get3A_883 = arith.index_cast %get3A_882 : i32 to index
        %get3A_884 = arith.constant 176 : index
        %get3A_885 = tpu.vector_load %arg4[%get3A_883, %get3A_884] {strides = array<i32>} : memref<4x1000xf32, #tpu.memory_space<vmem>>, vector<16xf32>,
        %swap3A_886 = arith.constant 2224 : index
        %swap3A_887 = tpu.vector_load %arg6[%swap3A_886] {strides = array<i32>} : memref<4096xf32, #tpu.memory_space<vmem>>, vector<16xf32>,
        tpu.vector_store %arg6[%swap3A_886], %get3A_885 {strides = array<i32>} : memref<4096xf32, #tpu.memory_space<vmem>>, vector<16xf32>,
        %get3A_888 = arith.constant 2 : i32
        %get3A_889 = arith.index_cast %get3A_888 : i32 to index
        %get3A_890 = arith.constant 192 : index
        %get3A_891 = tpu.vector_load %arg4[%get3A_889, %get3A_890] {strides = array<i32>} : memref<4x1000xf32, #tpu.memory_space<vmem>>, vector<16xf32>,
        %swap3A_892 = arith.constant 2240 : index
        %swap3A_893 = tpu.vector_load %arg6[%swap3A_892] {strides = array<i32>} : memref<4096xf32, #tpu.memory_space<vmem>>, vector<16xf32>,
        tpu.vector_store %arg6[%swap3A_892], %get3A_891 {strides = array<i32>} : memref<4096xf32, #tpu.memory_space<vmem>>, vector<16xf32>,
        %get3A_894 = arith.constant 2 : i32
        %get3A_895 = arith.index_cast %get3A_894 : i32 to index
        %get3A_896 = arith.constant 208 : index
        %get3A_897 = tpu.vector_load %arg4[%get3A_895, %get3A_896] {strides = array<i32>} : memref<4x1000xf32, #tpu.memory_space<vmem>>, vector<16xf32>,
        %swap3A_898 = arith.constant 2256 : index
        %swap3A_899 = tpu.vector_load %arg6[%swap3A_898] {strides = array<i32>} : memref<4096xf32, #tpu.memory_space<vmem>>, vector<16xf32>,
        tpu.vector_store %arg6[%swap3A_898], %get3A_897 {strides = array<i32>} : memref<4096xf32, #tpu.memory_space<vmem>>, vector<16xf32>,
        %get3A_900 = arith.constant 2 : i32
        %get3A_901 = arith.index_cast %get3A_900 : i32 to index
        %get3A_902 = arith.constant 224 : index
        %get3A_903 = tpu.vector_load %arg4[%get3A_901, %get3A_902] {strides = array<i32>} : memref<4x1000xf32, #tpu.memory_space<vmem>>, vector<16xf32>,
        %swap3A_904 = arith.constant 2272 : index
        %swap3A_905 = tpu.vector_load %arg6[%swap3A_904] {strides = array<i32>} : memref<4096xf32, #tpu.memory_space<vmem>>, vector<16xf32>,
        tpu.vector_store %arg6[%swap3A_904], %get3A_903 {strides = array<i32>} : memref<4096xf32, #tpu.memory_space<vmem>>, vector<16xf32>,
        %get3A_906 = arith.constant 2 : i32
        %get3A_907 = arith.index_cast %get3A_906 : i32 to index
        %get3A_908 = arith.constant 240 : index
        %get3A_909 = tpu.vector_load %arg4[%get3A_907, %get3A_908] {strides = array<i32>} : memref<4x1000xf32, #tpu.memory_space<vmem>>, vector<16xf32>,
        %swap3A_910 = arith.constant 2288 : index
        %swap3A_911 = tpu.vector_load %arg6[%swap3A_910] {strides = array<i32>} : memref<4096xf32, #tpu.memory_space<vmem>>, vector<16xf32>,
        tpu.vector_store %arg6[%swap3A_910], %get3A_909 {strides = array<i32>} : memref<4096xf32, #tpu.memory_space<vmem>>, vector<16xf32>,
        %get3A_912 = arith.constant 2 : i32
        %get3A_913 = arith.index_cast %get3A_912 : i32 to index
        %get3A_914 = arith.constant 256 : index
        %get3A_915 = tpu.vector_load %arg4[%get3A_913, %get3A_914] {strides = array<i32>} : memref<4x1000xf32, #tpu.memory_space<vmem>>, vector<16xf32>,
        %swap3A_916 = arith.constant 2304 : index
        %swap3A_917 = tpu.vector_load %arg6[%swap3A_916] {strides = array<i32>} : memref<4096xf32, #tpu.memory_space<vmem>>, vector<16xf32>,
        tpu.vector_store %arg6[%swap3A_916], %get3A_915 {strides = array<i32>} : memref<4096xf32, #tpu.memory_space<vmem>>, vector<16xf32>,
        %get3A_918 = arith.constant 2 : i32
        %get3A_919 = arith.index_cast %get3A_918 : i32 to index
        %get3A_920 = arith.constant 272 : index
        %get3A_921 = tpu.vector_load %arg4[%get3A_919, %get3A_920] {strides = array<i32>} : memref<4x1000xf32, #tpu.memory_space<vmem>>, vector<16xf32>,
        %swap3A_922 = arith.constant 2320 : index
        %swap3A_923 = tpu.vector_load %arg6[%swap3A_922] {strides = array<i32>} : memref<4096xf32, #tpu.memory_space<vmem>>, vector<16xf32>,
        tpu.vector_store %arg6[%swap3A_922], %get3A_921 {strides = array<i32>} : memref<4096xf32, #tpu.memory_space<vmem>>, vector<16xf32>,
        %get3A_924 = arith.constant 2 : i32
        %get3A_925 = arith.index_cast %get3A_924 : i32 to index
        %get3A_926 = arith.constant 288 : index
        %get3A_927 = tpu.vector_load %arg4[%get3A_925, %get3A_926] {strides = array<i32>} : memref<4x1000xf32, #tpu.memory_space<vmem>>, vector<16xf32>,
        %swap3A_928 = arith.constant 2336 : index
        %swap3A_929 = tpu.vector_load %arg6[%swap3A_928] {strides = array<i32>} : memref<4096xf32, #tpu.memory_space<vmem>>, vector<16xf32>,
        tpu.vector_store %arg6[%swap3A_928], %get3A_927 {strides = array<i32>} : memref<4096xf32, #tpu.memory_space<vmem>>, vector<16xf32>,
        %get3A_930 = arith.constant 2 : i32
        %get3A_931 = arith.index_cast %get3A_930 : i32 to index
        %get3A_932 = arith.constant 304 : index
        %get3A_933 = tpu.vector_load %arg4[%get3A_931, %get3A_932] {strides = array<i32>} : memref<4x1000xf32, #tpu.memory_space<vmem>>, vector<16xf32>,
        %swap3A_934 = arith.constant 2352 : index
        %swap3A_935 = tpu.vector_load %arg6[%swap3A_934] {strides = array<i32>} : memref<4096xf32, #tpu.memory_space<vmem>>, vector<16xf32>,
        tpu.vector_store %arg6[%swap3A_934], %get3A_933 {strides = array<i32>} : memref<4096xf32, #tpu.memory_space<vmem>>, vector<16xf32>,
        %get3A_936 = arith.constant 2 : i32
        %get3A_937 = arith.index_cast %get3A_936 : i32 to index
        %get3A_938 = arith.constant 320 : index
        %get3A_939 = tpu.vector_load %arg4[%get3A_937, %get3A_938] {strides = array<i32>} : memref<4x1000xf32, #tpu.memory_space<vmem>>, vector<16xf32>,
        %swap3A_940 = arith.constant 2368 : index
        %swap3A_941 = tpu.vector_load %arg6[%swap3A_940] {strides = array<i32>} : memref<4096xf32, #tpu.memory_space<vmem>>, vector<16xf32>,
        tpu.vector_store %arg6[%swap3A_940], %get3A_939 {strides = array<i32>} : memref<4096xf32, #tpu.memory_space<vmem>>, vector<16xf32>,
        %get3A_942 = arith.constant 2 : i32
        %get3A_943 = arith.index_cast %get3A_942 : i32 to index
        %get3A_944 = arith.constant 336 : index
        %get3A_945 = tpu.vector_load %arg4[%get3A_943, %get3A_944] {strides = array<i32>} : memref<4x1000xf32, #tpu.memory_space<vmem>>, vector<16xf32>,
        %swap3A_946 = arith.constant 2384 : index
        %swap3A_947 = tpu.vector_load %arg6[%swap3A_946] {strides = array<i32>} : memref<4096xf32, #tpu.memory_space<vmem>>, vector<16xf32>,
        tpu.vector_store %arg6[%swap3A_946], %get3A_945 {strides = array<i32>} : memref<4096xf32, #tpu.memory_space<vmem>>, vector<16xf32>,
        %get3A_948 = arith.constant 2 : i32
        %get3A_949 = arith.index_cast %get3A_948 : i32 to index
        %get3A_950 = arith.constant 352 : index
        %get3A_951 = tpu.vector_load %arg4[%get3A_949, %get3A_950] {strides = array<i32>} : memref<4x1000xf32, #tpu.memory_space<vmem>>, vector<16xf32>,
        %swap3A_952 = arith.constant 2400 : index
        %swap3A_953 = tpu.vector_load %arg6[%swap3A_952] {strides = array<i32>} : memref<4096xf32, #tpu.memory_space<vmem>>, vector<16xf32>,
        tpu.vector_store %arg6[%swap3A_952], %get3A_951 {strides = array<i32>} : memref<4096xf32, #tpu.memory_space<vmem>>, vector<16xf32>,
        %get3A_954 = arith.constant 2 : i32
        %get3A_955 = arith.index_cast %get3A_954 : i32 to index
        %get3A_956 = arith.constant 368 : index
        %get3A_957 = tpu.vector_load %arg4[%get3A_955, %get3A_956] {strides = array<i32>} : memref<4x1000xf32, #tpu.memory_space<vmem>>, vector<16xf32>,
        %swap3A_958 = arith.constant 2416 : index
        %swap3A_959 = tpu.vector_load %arg6[%swap3A_958] {strides = array<i32>} : memref<4096xf32, #tpu.memory_space<vmem>>, vector<16xf32>,
        tpu.vector_store %arg6[%swap3A_958], %get3A_957 {strides = array<i32>} : memref<4096xf32, #tpu.memory_space<vmem>>, vector<16xf32>,
        %get3A_960 = arith.constant 2 : i32
        %get3A_961 = arith.index_cast %get3A_960 : i32 to index
        %get3A_962 = arith.constant 384 : index
        %get3A_963 = tpu.vector_load %arg4[%get3A_961, %get3A_962] {strides = array<i32>} : memref<4x1000xf32, #tpu.memory_space<vmem>>, vector<16xf32>,
        %swap3A_964 = arith.constant 2432 : index
        %swap3A_965 = tpu.vector_load %arg6[%swap3A_964] {strides = array<i32>} : memref<4096xf32, #tpu.memory_space<vmem>>, vector<16xf32>,
        tpu.vector_store %arg6[%swap3A_964], %get3A_963 {strides = array<i32>} : memref<4096xf32, #tpu.memory_space<vmem>>, vector<16xf32>,
        %get3A_966 = arith.constant 2 : i32
        %get3A_967 = arith.index_cast %get3A_966 : i32 to index
        %get3A_968 = arith.constant 400 : index
        %get3A_969 = tpu.vector_load %arg4[%get3A_967, %get3A_968] {strides = array<i32>} : memref<4x1000xf32, #tpu.memory_space<vmem>>, vector<16xf32>,
        %swap3A_970 = arith.constant 2448 : index
        %swap3A_971 = tpu.vector_load %arg6[%swap3A_970] {strides = array<i32>} : memref<4096xf32, #tpu.memory_space<vmem>>, vector<16xf32>,
        tpu.vector_store %arg6[%swap3A_970], %get3A_969 {strides = array<i32>} : memref<4096xf32, #tpu.memory_space<vmem>>, vector<16xf32>,
        %get3A_972 = arith.constant 2 : i32
        %get3A_973 = arith.index_cast %get3A_972 : i32 to index
        %get3A_974 = arith.constant 416 : index
        %get3A_975 = tpu.vector_load %arg4[%get3A_973, %get3A_974] {strides = array<i32>} : memref<4x1000xf32, #tpu.memory_space<vmem>>, vector<16xf32>,
        %swap3A_976 = arith.constant 2464 : index
        %swap3A_977 = tpu.vector_load %arg6[%swap3A_976] {strides = array<i32>} : memref<4096xf32, #tpu.memory_space<vmem>>, vector<16xf32>,
        tpu.vector_store %arg6[%swap3A_976], %get3A_975 {strides = array<i32>} : memref<4096xf32, #tpu.memory_space<vmem>>, vector<16xf32>,
        %get3A_978 = arith.constant 2 : i32
        %get3A_979 = arith.index_cast %get3A_978 : i32 to index
        %get3A_980 = arith.constant 432 : index
        %get3A_981 = tpu.vector_load %arg4[%get3A_979, %get3A_980] {strides = array<i32>} : memref<4x1000xf32, #tpu.memory_space<vmem>>, vector<16xf32>,
        %swap3A_982 = arith.constant 2480 : index
        %swap3A_983 = tpu.vector_load %arg6[%swap3A_982] {strides = array<i32>} : memref<4096xf32, #tpu.memory_space<vmem>>, vector<16xf32>,
        tpu.vector_store %arg6[%swap3A_982], %get3A_981 {strides = array<i32>} : memref<4096xf32, #tpu.memory_space<vmem>>, vector<16xf32>,
        %get3A_984 = arith.constant 2 : i32
        %get3A_985 = arith.index_cast %get3A_984 : i32 to index
        %get3A_986 = arith.constant 448 : index
        %get3A_987 = tpu.vector_load %arg4[%get3A_985, %get3A_986] {strides = array<i32>} : memref<4x1000xf32, #tpu.memory_space<vmem>>, vector<16xf32>,
        %swap3A_988 = arith.constant 2496 : index
        %swap3A_989 = tpu.vector_load %arg6[%swap3A_988] {strides = array<i32>} : memref<4096xf32, #tpu.memory_space<vmem>>, vector<16xf32>,
        tpu.vector_store %arg6[%swap3A_988], %get3A_987 {strides = array<i32>} : memref<4096xf32, #tpu.memory_space<vmem>>, vector<16xf32>,
        %get3A_990 = arith.constant 2 : i32
        %get3A_991 = arith.index_cast %get3A_990 : i32 to index
        %get3A_992 = arith.constant 464 : index
        %get3A_993 = tpu.vector_load %arg4[%get3A_991, %get3A_992] {strides = array<i32>} : memref<4x1000xf32, #tpu.memory_space<vmem>>, vector<16xf32>,
        %swap3A_994 = arith.constant 2512 : index
        %swap3A_995 = tpu.vector_load %arg6[%swap3A_994] {strides = array<i32>} : memref<4096xf32, #tpu.memory_space<vmem>>, vector<16xf32>,
        tpu.vector_store %arg6[%swap3A_994], %get3A_993 {strides = array<i32>} : memref<4096xf32, #tpu.memory_space<vmem>>, vector<16xf32>,
        %get3A_996 = arith.constant 2 : i32
        %get3A_997 = arith.index_cast %get3A_996 : i32 to index
        %get3A_998 = arith.constant 480 : index
        %get3A_999 = tpu.vector_load %arg4[%get3A_997, %get3A_998] {strides = array<i32>} : memref<4x1000xf32, #tpu.memory_space<vmem>>, vector<16xf32>,
        %swap3A_1000 = arith.constant 2528 : index
        %swap3A_1001 = tpu.vector_load %arg6[%swap3A_1000] {strides = array<i32>} : memref<4096xf32, #tpu.memory_space<vmem>>, vector<16xf32>,
        tpu.vector_store %arg6[%swap3A_1000], %get3A_999 {strides = array<i32>} : memref<4096xf32, #tpu.memory_space<vmem>>, vector<16xf32>,
        %get3A_1002 = arith.constant 2 : i32
        %get3A_1003 = arith.index_cast %get3A_1002 : i32 to index
        %get3A_1004 = arith.constant 496 : index
        %get3A_1005 = tpu.vector_load %arg4[%get3A_1003, %get3A_1004] {strides = array<i32>} : memref<4x1000xf32, #tpu.memory_space<vmem>>, vector<16xf32>,
        %swap3A_1006 = arith.constant 2544 : index
        %swap3A_1007 = tpu.vector_load %arg6[%swap3A_1006] {strides = array<i32>} : memref<4096xf32, #tpu.memory_space<vmem>>, vector<16xf32>,
        tpu.vector_store %arg6[%swap3A_1006], %get3A_1005 {strides = array<i32>} : memref<4096xf32, #tpu.memory_space<vmem>>, vector<16xf32>,
        %get3A_1008 = arith.constant 2 : i32
        %get3A_1009 = arith.index_cast %get3A_1008 : i32 to index
        %get3A_1010 = arith.constant 512 : index
        %get3A_1011 = tpu.vector_load %arg4[%get3A_1009, %get3A_1010] {strides = array<i32>} : memref<4x1000xf32, #tpu.memory_space<vmem>>, vector<16xf32>,
        %swap3A_1012 = arith.constant 2560 : index
        %swap3A_1013 = tpu.vector_load %arg6[%swap3A_1012] {strides = array<i32>} : memref<4096xf32, #tpu.memory_space<vmem>>, vector<16xf32>,
        tpu.vector_store %arg6[%swap3A_1012], %get3A_1011 {strides = array<i32>} : memref<4096xf32, #tpu.memory_space<vmem>>, vector<16xf32>,
        %get3A_1014 = arith.constant 2 : i32
        %get3A_1015 = arith.index_cast %get3A_1014 : i32 to index
        %get3A_1016 = arith.constant 528 : index
        %get3A_1017 = tpu.vector_load %arg4[%get3A_1015, %get3A_1016] {strides = array<i32>} : memref<4x1000xf32, #tpu.memory_space<vmem>>, vector<16xf32>,
        %swap3A_1018 = arith.constant 2576 : index
        %swap3A_1019 = tpu.vector_load %arg6[%swap3A_1018] {strides = array<i32>} : memref<4096xf32, #tpu.memory_space<vmem>>, vector<16xf32>,
        tpu.vector_store %arg6[%swap3A_1018], %get3A_1017 {strides = array<i32>} : memref<4096xf32, #tpu.memory_space<vmem>>, vector<16xf32>,
        %get3A_1020 = arith.constant 2 : i32
        %get3A_1021 = arith.index_cast %get3A_1020 : i32 to index
        %get3A_1022 = arith.constant 544 : index
        %get3A_1023 = tpu.vector_load %arg4[%get3A_1021, %get3A_1022] {strides = array<i32>} : memref<4x1000xf32, #tpu.memory_space<vmem>>, vector<16xf32>,
        %swap3A_1024 = arith.constant 2592 : index
        %swap3A_1025 = tpu.vector_load %arg6[%swap3A_1024] {strides = array<i32>} : memref<4096xf32, #tpu.memory_space<vmem>>, vector<16xf32>,
        tpu.vector_store %arg6[%swap3A_1024], %get3A_1023 {strides = array<i32>} : memref<4096xf32, #tpu.memory_space<vmem>>, vector<16xf32>,
        %get3A_1026 = arith.constant 2 : i32
        %get3A_1027 = arith.index_cast %get3A_1026 : i32 to index
        %get3A_1028 = arith.constant 560 : index
        %get3A_1029 = tpu.vector_load %arg4[%get3A_1027, %get3A_1028] {strides = array<i32>} : memref<4x1000xf32, #tpu.memory_space<vmem>>, vector<16xf32>,
        %swap3A_1030 = arith.constant 2608 : index
        %swap3A_1031 = tpu.vector_load %arg6[%swap3A_1030] {strides = array<i32>} : memref<4096xf32, #tpu.memory_space<vmem>>, vector<16xf32>,
        tpu.vector_store %arg6[%swap3A_1030], %get3A_1029 {strides = array<i32>} : memref<4096xf32, #tpu.memory_space<vmem>>, vector<16xf32>,
        %get3A_1032 = arith.constant 2 : i32
        %get3A_1033 = arith.index_cast %get3A_1032 : i32 to index
        %get3A_1034 = arith.constant 576 : index
        %get3A_1035 = tpu.vector_load %arg4[%get3A_1033, %get3A_1034] {strides = array<i32>} : memref<4x1000xf32, #tpu.memory_space<vmem>>, vector<16xf32>,
        %swap3A_1036 = arith.constant 2624 : index
        %swap3A_1037 = tpu.vector_load %arg6[%swap3A_1036] {strides = array<i32>} : memref<4096xf32, #tpu.memory_space<vmem>>, vector<16xf32>,
        tpu.vector_store %arg6[%swap3A_1036], %get3A_1035 {strides = array<i32>} : memref<4096xf32, #tpu.memory_space<vmem>>, vector<16xf32>,
        %get3A_1038 = arith.constant 2 : i32
        %get3A_1039 = arith.index_cast %get3A_1038 : i32 to index
        %get3A_1040 = arith.constant 592 : index
        %get3A_1041 = tpu.vector_load %arg4[%get3A_1039, %get3A_1040] {strides = array<i32>} : memref<4x1000xf32, #tpu.memory_space<vmem>>, vector<16xf32>,
        %swap3A_1042 = arith.constant 2640 : index
        %swap3A_1043 = tpu.vector_load %arg6[%swap3A_1042] {strides = array<i32>} : memref<4096xf32, #tpu.memory_space<vmem>>, vector<16xf32>,
        tpu.vector_store %arg6[%swap3A_1042], %get3A_1041 {strides = array<i32>} : memref<4096xf32, #tpu.memory_space<vmem>>, vector<16xf32>,
        %get3A_1044 = arith.constant 2 : i32
        %get3A_1045 = arith.index_cast %get3A_1044 : i32 to index
        %get3A_1046 = arith.constant 608 : index
        %get3A_1047 = tpu.vector_load %arg4[%get3A_1045, %get3A_1046] {strides = array<i32>} : memref<4x1000xf32, #tpu.memory_space<vmem>>, vector<16xf32>,
        %swap3A_1048 = arith.constant 2656 : index
        %swap3A_1049 = tpu.vector_load %arg6[%swap3A_1048] {strides = array<i32>} : memref<4096xf32, #tpu.memory_space<vmem>>, vector<16xf32>,
        tpu.vector_store %arg6[%swap3A_1048], %get3A_1047 {strides = array<i32>} : memref<4096xf32, #tpu.memory_space<vmem>>, vector<16xf32>,
        %get3A_1050 = arith.constant 2 : i32
        %get3A_1051 = arith.index_cast %get3A_1050 : i32 to index
        %get3A_1052 = arith.constant 624 : index
        %get3A_1053 = tpu.vector_load %arg4[%get3A_1051, %get3A_1052] {strides = array<i32>} : memref<4x1000xf32, #tpu.memory_space<vmem>>, vector<16xf32>,
        %swap3A_1054 = arith.constant 2672 : index
        %swap3A_1055 = tpu.vector_load %arg6[%swap3A_1054] {strides = array<i32>} : memref<4096xf32, #tpu.memory_space<vmem>>, vector<16xf32>,
        tpu.vector_store %arg6[%swap3A_1054], %get3A_1053 {strides = array<i32>} : memref<4096xf32, #tpu.memory_space<vmem>>, vector<16xf32>,
        %get3A_1056 = arith.constant 2 : i32
        %get3A_1057 = arith.index_cast %get3A_1056 : i32 to index
        %get3A_1058 = arith.constant 640 : index
        %get3A_1059 = tpu.vector_load %arg4[%get3A_1057, %get3A_1058] {strides = array<i32>} : memref<4x1000xf32, #tpu.memory_space<vmem>>, vector<16xf32>,
        %swap3A_1060 = arith.constant 2688 : index
        %swap3A_1061 = tpu.vector_load %arg6[%swap3A_1060] {strides = array<i32>} : memref<4096xf32, #tpu.memory_space<vmem>>, vector<16xf32>,
        tpu.vector_store %arg6[%swap3A_1060], %get3A_1059 {strides = array<i32>} : memref<4096xf32, #tpu.memory_space<vmem>>, vector<16xf32>,
        %get3A_1062 = arith.constant 2 : i32
        %get3A_1063 = arith.index_cast %get3A_1062 : i32 to index
        %get3A_1064 = arith.constant 656 : index
        %get3A_1065 = tpu.vector_load %arg4[%get3A_1063, %get3A_1064] {strides = array<i32>} : memref<4x1000xf32, #tpu.memory_space<vmem>>, vector<16xf32>,
        %swap3A_1066 = arith.constant 2704 : index
        %swap3A_1067 = tpu.vector_load %arg6[%swap3A_1066] {strides = array<i32>} : memref<4096xf32, #tpu.memory_space<vmem>>, vector<16xf32>,
        tpu.vector_store %arg6[%swap3A_1066], %get3A_1065 {strides = array<i32>} : memref<4096xf32, #tpu.memory_space<vmem>>, vector<16xf32>,
        %get3A_1068 = arith.constant 2 : i32
        %get3A_1069 = arith.index_cast %get3A_1068 : i32 to index
        %get3A_1070 = arith.constant 672 : index
        %get3A_1071 = tpu.vector_load %arg4[%get3A_1069, %get3A_1070] {strides = array<i32>} : memref<4x1000xf32, #tpu.memory_space<vmem>>, vector<16xf32>,
        %swap3A_1072 = arith.constant 2720 : index
        %swap3A_1073 = tpu.vector_load %arg6[%swap3A_1072] {strides = array<i32>} : memref<4096xf32, #tpu.memory_space<vmem>>, vector<16xf32>,
        tpu.vector_store %arg6[%swap3A_1072], %get3A_1071 {strides = array<i32>} : memref<4096xf32, #tpu.memory_space<vmem>>, vector<16xf32>,
        %get3A_1074 = arith.constant 2 : i32
        %get3A_1075 = arith.index_cast %get3A_1074 : i32 to index
        %get3A_1076 = arith.constant 688 : index
        %get3A_1077 = tpu.vector_load %arg4[%get3A_1075, %get3A_1076] {strides = array<i32>} : memref<4x1000xf32, #tpu.memory_space<vmem>>, vector<16xf32>,
        %swap3A_1078 = arith.constant 2736 : index
        %swap3A_1079 = tpu.vector_load %arg6[%swap3A_1078] {strides = array<i32>} : memref<4096xf32, #tpu.memory_space<vmem>>, vector<16xf32>,
        tpu.vector_store %arg6[%swap3A_1078], %get3A_1077 {strides = array<i32>} : memref<4096xf32, #tpu.memory_space<vmem>>, vector<16xf32>,
        %get3A_1080 = arith.constant 2 : i32
        %get3A_1081 = arith.index_cast %get3A_1080 : i32 to index
        %get3A_1082 = arith.constant 704 : index
        %get3A_1083 = tpu.vector_load %arg4[%get3A_1081, %get3A_1082] {strides = array<i32>} : memref<4x1000xf32, #tpu.memory_space<vmem>>, vector<16xf32>,
        %swap3A_1084 = arith.constant 2752 : index
        %swap3A_1085 = tpu.vector_load %arg6[%swap3A_1084] {strides = array<i32>} : memref<4096xf32, #tpu.memory_space<vmem>>, vector<16xf32>,
        tpu.vector_store %arg6[%swap3A_1084], %get3A_1083 {strides = array<i32>} : memref<4096xf32, #tpu.memory_space<vmem>>, vector<16xf32>,
        %get3A_1086 = arith.constant 2 : i32
        %get3A_1087 = arith.index_cast %get3A_1086 : i32 to index
        %get3A_1088 = arith.constant 720 : index
        %get3A_1089 = tpu.vector_load %arg4[%get3A_1087, %get3A_1088] {strides = array<i32>} : memref<4x1000xf32, #tpu.memory_space<vmem>>, vector<16xf32>,
        %swap3A_1090 = arith.constant 2768 : index
        %swap3A_1091 = tpu.vector_load %arg6[%swap3A_1090] {strides = array<i32>} : memref<4096xf32, #tpu.memory_space<vmem>>, vector<16xf32>,
        tpu.vector_store %arg6[%swap3A_1090], %get3A_1089 {strides = array<i32>} : memref<4096xf32, #tpu.memory_space<vmem>>, vector<16xf32>,
        %get3A_1092 = arith.constant 2 : i32
        %get3A_1093 = arith.index_cast %get3A_1092 : i32 to index
        %get3A_1094 = arith.constant 736 : index
        %get3A_1095 = tpu.vector_load %arg4[%get3A_1093, %get3A_1094] {strides = array<i32>} : memref<4x1000xf32, #tpu.memory_space<vmem>>, vector<16xf32>,
        %swap3A_1096 = arith.constant 2784 : index
        %swap3A_1097 = tpu.vector_load %arg6[%swap3A_1096] {strides = array<i32>} : memref<4096xf32, #tpu.memory_space<vmem>>, vector<16xf32>,
        tpu.vector_store %arg6[%swap3A_1096], %get3A_1095 {strides = array<i32>} : memref<4096xf32, #tpu.memory_space<vmem>>, vector<16xf32>,
        %get3A_1098 = arith.constant 2 : i32
        %get3A_1099 = arith.index_cast %get3A_1098 : i32 to index
        %get3A_1100 = arith.constant 752 : index
        %get3A_1101 = tpu.vector_load %arg4[%get3A_1099, %get3A_1100] {strides = array<i32>} : memref<4x1000xf32, #tpu.memory_space<vmem>>, vector<16xf32>,
        %swap3A_1102 = arith.constant 2800 : index
        %swap3A_1103 = tpu.vector_load %arg6[%swap3A_1102] {strides = array<i32>} : memref<4096xf32, #tpu.memory_space<vmem>>, vector<16xf32>,
        tpu.vector_store %arg6[%swap3A_1102], %get3A_1101 {strides = array<i32>} : memref<4096xf32, #tpu.memory_space<vmem>>, vector<16xf32>,
        %get3A_1104 = arith.constant 2 : i32
        %get3A_1105 = arith.index_cast %get3A_1104 : i32 to index
        %get3A_1106 = arith.constant 768 : index
        %get3A_1107 = tpu.vector_load %arg4[%get3A_1105, %get3A_1106] {strides = array<i32>} : memref<4x1000xf32, #tpu.memory_space<vmem>>, vector<16xf32>,
        %swap3A_1108 = arith.constant 2816 : index
        %swap3A_1109 = tpu.vector_load %arg6[%swap3A_1108] {strides = array<i32>} : memref<4096xf32, #tpu.memory_space<vmem>>, vector<16xf32>,
        tpu.vector_store %arg6[%swap3A_1108], %get3A_1107 {strides = array<i32>} : memref<4096xf32, #tpu.memory_space<vmem>>, vector<16xf32>,
        %get3A_1110 = arith.constant 2 : i32
        %get3A_1111 = arith.index_cast %get3A_1110 : i32 to index
        %get3A_1112 = arith.constant 784 : index
        %get3A_1113 = tpu.vector_load %arg4[%get3A_1111, %get3A_1112] {strides = array<i32>} : memref<4x1000xf32, #tpu.memory_space<vmem>>, vector<16xf32>,
        %swap3A_1114 = arith.constant 2832 : index
        %swap3A_1115 = tpu.vector_load %arg6[%swap3A_1114] {strides = array<i32>} : memref<4096xf32, #tpu.memory_space<vmem>>, vector<16xf32>,
        tpu.vector_store %arg6[%swap3A_1114], %get3A_1113 {strides = array<i32>} : memref<4096xf32, #tpu.memory_space<vmem>>, vector<16xf32>,
        %get3A_1116 = arith.constant 2 : i32
        %get3A_1117 = arith.index_cast %get3A_1116 : i32 to index
        %get3A_1118 = arith.constant 800 : index
        %get3A_1119 = tpu.vector_load %arg4[%get3A_1117, %get3A_1118] {strides = array<i32>} : memref<4x1000xf32, #tpu.memory_space<vmem>>, vector<16xf32>,
        %swap3A_1120 = arith.constant 2848 : index
        %swap3A_1121 = tpu.vector_load %arg6[%swap3A_1120] {strides = array<i32>} : memref<4096xf32, #tpu.memory_space<vmem>>, vector<16xf32>,
        tpu.vector_store %arg6[%swap3A_1120], %get3A_1119 {strides = array<i32>} : memref<4096xf32, #tpu.memory_space<vmem>>, vector<16xf32>,
        %get3A_1122 = arith.constant 2 : i32
        %get3A_1123 = arith.index_cast %get3A_1122 : i32 to index
        %get3A_1124 = arith.constant 816 : index
        %get3A_1125 = tpu.vector_load %arg4[%get3A_1123, %get3A_1124] {strides = array<i32>} : memref<4x1000xf32, #tpu.memory_space<vmem>>, vector<16xf32>,
        %swap3A_1126 = arith.constant 2864 : index
        %swap3A_1127 = tpu.vector_load %arg6[%swap3A_1126] {strides = array<i32>} : memref<4096xf32, #tpu.memory_space<vmem>>, vector<16xf32>,
        tpu.vector_store %arg6[%swap3A_1126], %get3A_1125 {strides = array<i32>} : memref<4096xf32, #tpu.memory_space<vmem>>, vector<16xf32>,
        %get3A_1128 = arith.constant 2 : i32
        %get3A_1129 = arith.index_cast %get3A_1128 : i32 to index
        %get3A_1130 = arith.constant 832 : index
        %get3A_1131 = tpu.vector_load %arg4[%get3A_1129, %get3A_1130] {strides = array<i32>} : memref<4x1000xf32, #tpu.memory_space<vmem>>, vector<16xf32>,
        %swap3A_1132 = arith.constant 2880 : index
        %swap3A_1133 = tpu.vector_load %arg6[%swap3A_1132] {strides = array<i32>} : memref<4096xf32, #tpu.memory_space<vmem>>, vector<16xf32>,
        tpu.vector_store %arg6[%swap3A_1132], %get3A_1131 {strides = array<i32>} : memref<4096xf32, #tpu.memory_space<vmem>>, vector<16xf32>,
        %get3A_1134 = arith.constant 2 : i32
        %get3A_1135 = arith.index_cast %get3A_1134 : i32 to index
        %get3A_1136 = arith.constant 848 : index
        %get3A_1137 = tpu.vector_load %arg4[%get3A_1135, %get3A_1136] {strides = array<i32>} : memref<4x1000xf32, #tpu.memory_space<vmem>>, vector<16xf32>,
        %swap3A_1138 = arith.constant 2896 : index
        %swap3A_1139 = tpu.vector_load %arg6[%swap3A_1138] {strides = array<i32>} : memref<4096xf32, #tpu.memory_space<vmem>>, vector<16xf32>,
        tpu.vector_store %arg6[%swap3A_1138], %get3A_1137 {strides = array<i32>} : memref<4096xf32, #tpu.memory_space<vmem>>, vector<16xf32>,
        %get3A_1140 = arith.constant 2 : i32
        %get3A_1141 = arith.index_cast %get3A_1140 : i32 to index
        %get3A_1142 = arith.constant 864 : index
        %get3A_1143 = tpu.vector_load %arg4[%get3A_1141, %get3A_1142] {strides = array<i32>} : memref<4x1000xf32, #tpu.memory_space<vmem>>, vector<16xf32>,
        %swap3A_1144 = arith.constant 2912 : index
        %swap3A_1145 = tpu.vector_load %arg6[%swap3A_1144] {strides = array<i32>} : memref<4096xf32, #tpu.memory_space<vmem>>, vector<16xf32>,
        tpu.vector_store %arg6[%swap3A_1144], %get3A_1143 {strides = array<i32>} : memref<4096xf32, #tpu.memory_space<vmem>>, vector<16xf32>,
        %get3A_1146 = arith.constant 2 : i32
        %get3A_1147 = arith.index_cast %get3A_1146 : i32 to index
        %get3A_1148 = arith.constant 880 : index
        %get3A_1149 = tpu.vector_load %arg4[%get3A_1147, %get3A_1148] {strides = array<i32>} : memref<4x1000xf32, #tpu.memory_space<vmem>>, vector<16xf32>,
        %swap3A_1150 = arith.constant 2928 : index
        %swap3A_1151 = tpu.vector_load %arg6[%swap3A_1150] {strides = array<i32>} : memref<4096xf32, #tpu.memory_space<vmem>>, vector<16xf32>,
        tpu.vector_store %arg6[%swap3A_1150], %get3A_1149 {strides = array<i32>} : memref<4096xf32, #tpu.memory_space<vmem>>, vector<16xf32>,
        %get3A_1152 = arith.constant 2 : i32
        %get3A_1153 = arith.index_cast %get3A_1152 : i32 to index
        %get3A_1154 = arith.constant 896 : index
        %get3A_1155 = tpu.vector_load %arg4[%get3A_1153, %get3A_1154] {strides = array<i32>} : memref<4x1000xf32, #tpu.memory_space<vmem>>, vector<16xf32>,
        %swap3A_1156 = arith.constant 2944 : index
        %swap3A_1157 = tpu.vector_load %arg6[%swap3A_1156] {strides = array<i32>} : memref<4096xf32, #tpu.memory_space<vmem>>, vector<16xf32>,
        tpu.vector_store %arg6[%swap3A_1156], %get3A_1155 {strides = array<i32>} : memref<4096xf32, #tpu.memory_space<vmem>>, vector<16xf32>,
        %get3A_1158 = arith.constant 2 : i32
        %get3A_1159 = arith.index_cast %get3A_1158 : i32 to index
        %get3A_1160 = arith.constant 912 : index
        %get3A_1161 = tpu.vector_load %arg4[%get3A_1159, %get3A_1160] {strides = array<i32>} : memref<4x1000xf32, #tpu.memory_space<vmem>>, vector<16xf32>,
        %swap3A_1162 = arith.constant 2960 : index
        %swap3A_1163 = tpu.vector_load %arg6[%swap3A_1162] {strides = array<i32>} : memref<4096xf32, #tpu.memory_space<vmem>>, vector<16xf32>,
        tpu.vector_store %arg6[%swap3A_1162], %get3A_1161 {strides = array<i32>} : memref<4096xf32, #tpu.memory_space<vmem>>, vector<16xf32>,
        %get3A_1164 = arith.constant 2 : i32
        %get3A_1165 = arith.index_cast %get3A_1164 : i32 to index
        %get3A_1166 = arith.constant 928 : index
        %get3A_1167 = tpu.vector_load %arg4[%get3A_1165, %get3A_1166] {strides = array<i32>} : memref<4x1000xf32, #tpu.memory_space<vmem>>, vector<16xf32>,
        %swap3A_1168 = arith.constant 2976 : index
        %swap3A_1169 = tpu.vector_load %arg6[%swap3A_1168] {strides = array<i32>} : memref<4096xf32, #tpu.memory_space<vmem>>, vector<16xf32>,
        tpu.vector_store %arg6[%swap3A_1168], %get3A_1167 {strides = array<i32>} : memref<4096xf32, #tpu.memory_space<vmem>>, vector<16xf32>,
        %get3A_1170 = arith.constant 2 : i32
        %get3A_1171 = arith.index_cast %get3A_1170 : i32 to index
        %get3A_1172 = arith.constant 944 : index
        %get3A_1173 = tpu.vector_load %arg4[%get3A_1171, %get3A_1172] {strides = array<i32>} : memref<4x1000xf32, #tpu.memory_space<vmem>>, vector<16xf32>,
        %swap3A_1174 = arith.constant 2992 : index
        %swap3A_1175 = tpu.vector_load %arg6[%swap3A_1174] {strides = array<i32>} : memref<4096xf32, #tpu.memory_space<vmem>>, vector<16xf32>,
        tpu.vector_store %arg6[%swap3A_1174], %get3A_1173 {strides = array<i32>} : memref<4096xf32, #tpu.memory_space<vmem>>, vector<16xf32>,
        %get3A_1176 = arith.constant 2 : i32
        %get3A_1177 = arith.index_cast %get3A_1176 : i32 to index
        %get3A_1178 = arith.constant 960 : index
        %get3A_1179 = tpu.vector_load %arg4[%get3A_1177, %get3A_1178] {strides = array<i32>} : memref<4x1000xf32, #tpu.memory_space<vmem>>, vector<16xf32>,
        %swap3A_1180 = arith.constant 3008 : index
        %swap3A_1181 = tpu.vector_load %arg6[%swap3A_1180] {strides = array<i32>} : memref<4096xf32, #tpu.memory_space<vmem>>, vector<16xf32>,
        tpu.vector_store %arg6[%swap3A_1180], %get3A_1179 {strides = array<i32>} : memref<4096xf32, #tpu.memory_space<vmem>>, vector<16xf32>,
        %get3A_1182 = arith.constant 2 : i32
        %get3A_1183 = arith.index_cast %get3A_1182 : i32 to index
        %get3A_1184 = arith.constant 976 : index
        %get3A_1185 = tpu.vector_load %arg4[%get3A_1183, %get3A_1184] {strides = array<i32>} : memref<4x1000xf32, #tpu.memory_space<vmem>>, vector<16xf32>,
        %swap3A_1186 = arith.constant 3024 : index
        %swap3A_1187 = tpu.vector_load %arg6[%swap3A_1186] {strides = array<i32>} : memref<4096xf32, #tpu.memory_space<vmem>>, vector<16xf32>,
        tpu.vector_store %arg6[%swap3A_1186], %get3A_1185 {strides = array<i32>} : memref<4096xf32, #tpu.memory_space<vmem>>, vector<16xf32>,
        %get3A_1188 = arith.constant 2 : i32
        %get3A_1189 = arith.index_cast %get3A_1188 : i32 to index
        %get3A_1190 = arith.constant 984 : index
        %get3A_1191 = tpu.vector_load %arg4[%get3A_1189, %get3A_1190] {strides = array<i32>} : memref<4x1000xf32, #tpu.memory_space<vmem>>, vector<16xf32>,
        %swap3A_1192 = arith.constant 3032 : index
        %swap3A_1193 = tpu.vector_load %arg6[%swap3A_1192] {strides = array<i32>} : memref<4096xf32, #tpu.memory_space<vmem>>, vector<16xf32>,
        tpu.vector_store %arg6[%swap3A_1192], %get3A_1191 {strides = array<i32>} : memref<4096xf32, #tpu.memory_space<vmem>>, vector<16xf32>,
        %get3A_1194 = arith.constant 3 : i32
        %get3A_1195 = arith.index_cast %get3A_1194 : i32 to index
        %get3A_1196 = arith.constant 0 : index
        %get3A_1197 = tpu.vector_load %arg4[%get3A_1195, %get3A_1196] {strides = array<i32>} : memref<4x1000xf32, #tpu.memory_space<vmem>>, vector<16xf32>,
        %swap3A_1198 = arith.constant 3072 : index
        %swap3A_1199 = tpu.vector_load %arg6[%swap3A_1198] {strides = array<i32>} : memref<4096xf32, #tpu.memory_space<vmem>>, vector<16xf32>,
        tpu.vector_store %arg6[%swap3A_1198], %get3A_1197 {strides = array<i32>} : memref<4096xf32, #tpu.memory_space<vmem>>, vector<16xf32>,
        %get3A_1200 = arith.constant 3 : i32
        %get3A_1201 = arith.index_cast %get3A_1200 : i32 to index
        %get3A_1202 = arith.constant 16 : index
        %get3A_1203 = tpu.vector_load %arg4[%get3A_1201, %get3A_1202] {strides = array<i32>} : memref<4x1000xf32, #tpu.memory_space<vmem>>, vector<16xf32>,
        %swap3A_1204 = arith.constant 3088 : index
        %swap3A_1205 = tpu.vector_load %arg6[%swap3A_1204] {strides = array<i32>} : memref<4096xf32, #tpu.memory_space<vmem>>, vector<16xf32>,
        tpu.vector_store %arg6[%swap3A_1204], %get3A_1203 {strides = array<i32>} : memref<4096xf32, #tpu.memory_space<vmem>>, vector<16xf32>,
        %get3A_1206 = arith.constant 3 : i32
        %get3A_1207 = arith.index_cast %get3A_1206 : i32 to index
        %get3A_1208 = arith.constant 32 : index
        %get3A_1209 = tpu.vector_load %arg4[%get3A_1207, %get3A_1208] {strides = array<i32>} : memref<4x1000xf32, #tpu.memory_space<vmem>>, vector<16xf32>,
        %swap3A_1210 = arith.constant 3104 : index
        %swap3A_1211 = tpu.vector_load %arg6[%swap3A_1210] {strides = array<i32>} : memref<4096xf32, #tpu.memory_space<vmem>>, vector<16xf32>,
        tpu.vector_store %arg6[%swap3A_1210], %get3A_1209 {strides = array<i32>} : memref<4096xf32, #tpu.memory_space<vmem>>, vector<16xf32>,
        %get3A_1212 = arith.constant 3 : i32
        %get3A_1213 = arith.index_cast %get3A_1212 : i32 to index
        %get3A_1214 = arith.constant 48 : index
        %get3A_1215 = tpu.vector_load %arg4[%get3A_1213, %get3A_1214] {strides = array<i32>} : memref<4x1000xf32, #tpu.memory_space<vmem>>, vector<16xf32>,
        %swap3A_1216 = arith.constant 3120 : index
        %swap3A_1217 = tpu.vector_load %arg6[%swap3A_1216] {strides = array<i32>} : memref<4096xf32, #tpu.memory_space<vmem>>, vector<16xf32>,
        tpu.vector_store %arg6[%swap3A_1216], %get3A_1215 {strides = array<i32>} : memref<4096xf32, #tpu.memory_space<vmem>>, vector<16xf32>,
        %get3A_1218 = arith.constant 3 : i32
        %get3A_1219 = arith.index_cast %get3A_1218 : i32 to index
        %get3A_1220 = arith.constant 64 : index
        %get3A_1221 = tpu.vector_load %arg4[%get3A_1219, %get3A_1220] {strides = array<i32>} : memref<4x1000xf32, #tpu.memory_space<vmem>>, vector<16xf32>,
        %swap3A_1222 = arith.constant 3136 : index
        %swap3A_1223 = tpu.vector_load %arg6[%swap3A_1222] {strides = array<i32>} : memref<4096xf32, #tpu.memory_space<vmem>>, vector<16xf32>,
        tpu.vector_store %arg6[%swap3A_1222], %get3A_1221 {strides = array<i32>} : memref<4096xf32, #tpu.memory_space<vmem>>, vector<16xf32>,
        %get3A_1224 = arith.constant 3 : i32
        %get3A_1225 = arith.index_cast %get3A_1224 : i32 to index
        %get3A_1226 = arith.constant 80 : index
        %get3A_1227 = tpu.vector_load %arg4[%get3A_1225, %get3A_1226] {strides = array<i32>} : memref<4x1000xf32, #tpu.memory_space<vmem>>, vector<16xf32>,
        %swap3A_1228 = arith.constant 3152 : index
        %swap3A_1229 = tpu.vector_load %arg6[%swap3A_1228] {strides = array<i32>} : memref<4096xf32, #tpu.memory_space<vmem>>, vector<16xf32>,
        tpu.vector_store %arg6[%swap3A_1228], %get3A_1227 {strides = array<i32>} : memref<4096xf32, #tpu.memory_space<vmem>>, vector<16xf32>,
        %get3A_1230 = arith.constant 3 : i32
        %get3A_1231 = arith.index_cast %get3A_1230 : i32 to index
        %get3A_1232 = arith.constant 96 : index
        %get3A_1233 = tpu.vector_load %arg4[%get3A_1231, %get3A_1232] {strides = array<i32>} : memref<4x1000xf32, #tpu.memory_space<vmem>>, vector<16xf32>,
        %swap3A_1234 = arith.constant 3168 : index
        %swap3A_1235 = tpu.vector_load %arg6[%swap3A_1234] {strides = array<i32>} : memref<4096xf32, #tpu.memory_space<vmem>>, vector<16xf32>,
        tpu.vector_store %arg6[%swap3A_1234], %get3A_1233 {strides = array<i32>} : memref<4096xf32, #tpu.memory_space<vmem>>, vector<16xf32>,
        %get3A_1236 = arith.constant 3 : i32
        %get3A_1237 = arith.index_cast %get3A_1236 : i32 to index
        %get3A_1238 = arith.constant 112 : index
        %get3A_1239 = tpu.vector_load %arg4[%get3A_1237, %get3A_1238] {strides = array<i32>} : memref<4x1000xf32, #tpu.memory_space<vmem>>, vector<16xf32>,
        %swap3A_1240 = arith.constant 3184 : index
        %swap3A_1241 = tpu.vector_load %arg6[%swap3A_1240] {strides = array<i32>} : memref<4096xf32, #tpu.memory_space<vmem>>, vector<16xf32>,
        tpu.vector_store %arg6[%swap3A_1240], %get3A_1239 {strides = array<i32>} : memref<4096xf32, #tpu.memory_space<vmem>>, vector<16xf32>,
        %get3A_1242 = arith.constant 3 : i32
        %get3A_1243 = arith.index_cast %get3A_1242 : i32 to index
        %get3A_1244 = arith.constant 128 : index
        %get3A_1245 = tpu.vector_load %arg4[%get3A_1243, %get3A_1244] {strides = array<i32>} : memref<4x1000xf32, #tpu.memory_space<vmem>>, vector<16xf32>,
        %swap3A_1246 = arith.constant 3200 : index
        %swap3A_1247 = tpu.vector_load %arg6[%swap3A_1246] {strides = array<i32>} : memref<4096xf32, #tpu.memory_space<vmem>>, vector<16xf32>,
        tpu.vector_store %arg6[%swap3A_1246], %get3A_1245 {strides = array<i32>} : memref<4096xf32, #tpu.memory_space<vmem>>, vector<16xf32>,
        %get3A_1248 = arith.constant 3 : i32
        %get3A_1249 = arith.index_cast %get3A_1248 : i32 to index
        %get3A_1250 = arith.constant 144 : index
        %get3A_1251 = tpu.vector_load %arg4[%get3A_1249, %get3A_1250] {strides = array<i32>} : memref<4x1000xf32, #tpu.memory_space<vmem>>, vector<16xf32>,
        %swap3A_1252 = arith.constant 3216 : index
        %swap3A_1253 = tpu.vector_load %arg6[%swap3A_1252] {strides = array<i32>} : memref<4096xf32, #tpu.memory_space<vmem>>, vector<16xf32>,
        tpu.vector_store %arg6[%swap3A_1252], %get3A_1251 {strides = array<i32>} : memref<4096xf32, #tpu.memory_space<vmem>>, vector<16xf32>,
        %get3A_1254 = arith.constant 3 : i32
        %get3A_1255 = arith.index_cast %get3A_1254 : i32 to index
        %get3A_1256 = arith.constant 160 : index
        %get3A_1257 = tpu.vector_load %arg4[%get3A_1255, %get3A_1256] {strides = array<i32>} : memref<4x1000xf32, #tpu.memory_space<vmem>>, vector<16xf32>,
        %swap3A_1258 = arith.constant 3232 : index
        %swap3A_1259 = tpu.vector_load %arg6[%swap3A_1258] {strides = array<i32>} : memref<4096xf32, #tpu.memory_space<vmem>>, vector<16xf32>,
        tpu.vector_store %arg6[%swap3A_1258], %get3A_1257 {strides = array<i32>} : memref<4096xf32, #tpu.memory_space<vmem>>, vector<16xf32>,
        %get3A_1260 = arith.constant 3 : i32
        %get3A_1261 = arith.index_cast %get3A_1260 : i32 to index
        %get3A_1262 = arith.constant 176 : index
        %get3A_1263 = tpu.vector_load %arg4[%get3A_1261, %get3A_1262] {strides = array<i32>} : memref<4x1000xf32, #tpu.memory_space<vmem>>, vector<16xf32>,
        %swap3A_1264 = arith.constant 3248 : index
        %swap3A_1265 = tpu.vector_load %arg6[%swap3A_1264] {strides = array<i32>} : memref<4096xf32, #tpu.memory_space<vmem>>, vector<16xf32>,
        tpu.vector_store %arg6[%swap3A_1264], %get3A_1263 {strides = array<i32>} : memref<4096xf32, #tpu.memory_space<vmem>>, vector<16xf32>,
        %get3A_1266 = arith.constant 3 : i32
        %get3A_1267 = arith.index_cast %get3A_1266 : i32 to index
        %get3A_1268 = arith.constant 192 : index
        %get3A_1269 = tpu.vector_load %arg4[%get3A_1267, %get3A_1268] {strides = array<i32>} : memref<4x1000xf32, #tpu.memory_space<vmem>>, vector<16xf32>,
        %swap3A_1270 = arith.constant 3264 : index
        %swap3A_1271 = tpu.vector_load %arg6[%swap3A_1270] {strides = array<i32>} : memref<4096xf32, #tpu.memory_space<vmem>>, vector<16xf32>,
        tpu.vector_store %arg6[%swap3A_1270], %get3A_1269 {strides = array<i32>} : memref<4096xf32, #tpu.memory_space<vmem>>, vector<16xf32>,
        %get3A_1272 = arith.constant 3 : i32
        %get3A_1273 = arith.index_cast %get3A_1272 : i32 to index
        %get3A_1274 = arith.constant 208 : index
        %get3A_1275 = tpu.vector_load %arg4[%get3A_1273, %get3A_1274] {strides = array<i32>} : memref<4x1000xf32, #tpu.memory_space<vmem>>, vector<16xf32>,
        %swap3A_1276 = arith.constant 3280 : index
        %swap3A_1277 = tpu.vector_load %arg6[%swap3A_1276] {strides = array<i32>} : memref<4096xf32, #tpu.memory_space<vmem>>, vector<16xf32>,
        tpu.vector_store %arg6[%swap3A_1276], %get3A_1275 {strides = array<i32>} : memref<4096xf32, #tpu.memory_space<vmem>>, vector<16xf32>,
        %get3A_1278 = arith.constant 3 : i32
        %get3A_1279 = arith.index_cast %get3A_1278 : i32 to index
        %get3A_1280 = arith.constant 224 : index
        %get3A_1281 = tpu.vector_load %arg4[%get3A_1279, %get3A_1280] {strides = array<i32>} : memref<4x1000xf32, #tpu.memory_space<vmem>>, vector<16xf32>,
        %swap3A_1282 = arith.constant 3296 : index
        %swap3A_1283 = tpu.vector_load %arg6[%swap3A_1282] {strides = array<i32>} : memref<4096xf32, #tpu.memory_space<vmem>>, vector<16xf32>,
        tpu.vector_store %arg6[%swap3A_1282], %get3A_1281 {strides = array<i32>} : memref<4096xf32, #tpu.memory_space<vmem>>, vector<16xf32>,
        %get3A_1284 = arith.constant 3 : i32
        %get3A_1285 = arith.index_cast %get3A_1284 : i32 to index
        %get3A_1286 = arith.constant 240 : index
        %get3A_1287 = tpu.vector_load %arg4[%get3A_1285, %get3A_1286] {strides = array<i32>} : memref<4x1000xf32, #tpu.memory_space<vmem>>, vector<16xf32>,
        %swap3A_1288 = arith.constant 3312 : index
        %swap3A_1289 = tpu.vector_load %arg6[%swap3A_1288] {strides = array<i32>} : memref<4096xf32, #tpu.memory_space<vmem>>, vector<16xf32>,
        tpu.vector_store %arg6[%swap3A_1288], %get3A_1287 {strides = array<i32>} : memref<4096xf32, #tpu.memory_space<vmem>>, vector<16xf32>,
        %get3A_1290 = arith.constant 3 : i32
        %get3A_1291 = arith.index_cast %get3A_1290 : i32 to index
        %get3A_1292 = arith.constant 256 : index
        %get3A_1293 = tpu.vector_load %arg4[%get3A_1291, %get3A_1292] {strides = array<i32>} : memref<4x1000xf32, #tpu.memory_space<vmem>>, vector<16xf32>,
        %swap3A_1294 = arith.constant 3328 : index
        %swap3A_1295 = tpu.vector_load %arg6[%swap3A_1294] {strides = array<i32>} : memref<4096xf32, #tpu.memory_space<vmem>>, vector<16xf32>,
        tpu.vector_store %arg6[%swap3A_1294], %get3A_1293 {strides = array<i32>} : memref<4096xf32, #tpu.memory_space<vmem>>, vector<16xf32>,
        %get3A_1296 = arith.constant 3 : i32
        %get3A_1297 = arith.index_cast %get3A_1296 : i32 to index
        %get3A_1298 = arith.constant 272 : index
        %get3A_1299 = tpu.vector_load %arg4[%get3A_1297, %get3A_1298] {strides = array<i32>} : memref<4x1000xf32, #tpu.memory_space<vmem>>, vector<16xf32>,
        %swap3A_1300 = arith.constant 3344 : index
        %swap3A_1301 = tpu.vector_load %arg6[%swap3A_1300] {strides = array<i32>} : memref<4096xf32, #tpu.memory_space<vmem>>, vector<16xf32>,
        tpu.vector_store %arg6[%swap3A_1300], %get3A_1299 {strides = array<i32>} : memref<4096xf32, #tpu.memory_space<vmem>>, vector<16xf32>,
        %get3A_1302 = arith.constant 3 : i32
        %get3A_1303 = arith.index_cast %get3A_1302 : i32 to index
        %get3A_1304 = arith.constant 288 : index
        %get3A_1305 = tpu.vector_load %arg4[%get3A_1303, %get3A_1304] {strides = array<i32>} : memref<4x1000xf32, #tpu.memory_space<vmem>>, vector<16xf32>,
        %swap3A_1306 = arith.constant 3360 : index
        %swap3A_1307 = tpu.vector_load %arg6[%swap3A_1306] {strides = array<i32>} : memref<4096xf32, #tpu.memory_space<vmem>>, vector<16xf32>,
        tpu.vector_store %arg6[%swap3A_1306], %get3A_1305 {strides = array<i32>} : memref<4096xf32, #tpu.memory_space<vmem>>, vector<16xf32>,
        %get3A_1308 = arith.constant 3 : i32
        %get3A_1309 = arith.index_cast %get3A_1308 : i32 to index
        %get3A_1310 = arith.constant 304 : index
        %get3A_1311 = tpu.vector_load %arg4[%get3A_1309, %get3A_1310] {strides = array<i32>} : memref<4x1000xf32, #tpu.memory_space<vmem>>, vector<16xf32>,
        %swap3A_1312 = arith.constant 3376 : index
        %swap3A_1313 = tpu.vector_load %arg6[%swap3A_1312] {strides = array<i32>} : memref<4096xf32, #tpu.memory_space<vmem>>, vector<16xf32>,
        tpu.vector_store %arg6[%swap3A_1312], %get3A_1311 {strides = array<i32>} : memref<4096xf32, #tpu.memory_space<vmem>>, vector<16xf32>,
        %get3A_1314 = arith.constant 3 : i32
        %get3A_1315 = arith.index_cast %get3A_1314 : i32 to index
        %get3A_1316 = arith.constant 320 : index
        %get3A_1317 = tpu.vector_load %arg4[%get3A_1315, %get3A_1316] {strides = array<i32>} : memref<4x1000xf32, #tpu.memory_space<vmem>>, vector<16xf32>,
        %swap3A_1318 = arith.constant 3392 : index
        %swap3A_1319 = tpu.vector_load %arg6[%swap3A_1318] {strides = array<i32>} : memref<4096xf32, #tpu.memory_space<vmem>>, vector<16xf32>,
        tpu.vector_store %arg6[%swap3A_1318], %get3A_1317 {strides = array<i32>} : memref<4096xf32, #tpu.memory_space<vmem>>, vector<16xf32>,
        %get3A_1320 = arith.constant 3 : i32
        %get3A_1321 = arith.index_cast %get3A_1320 : i32 to index
        %get3A_1322 = arith.constant 336 : index
        %get3A_1323 = tpu.vector_load %arg4[%get3A_1321, %get3A_1322] {strides = array<i32>} : memref<4x1000xf32, #tpu.memory_space<vmem>>, vector<16xf32>,
        %swap3A_1324 = arith.constant 3408 : index
        %swap3A_1325 = tpu.vector_load %arg6[%swap3A_1324] {strides = array<i32>} : memref<4096xf32, #tpu.memory_space<vmem>>, vector<16xf32>,
        tpu.vector_store %arg6[%swap3A_1324], %get3A_1323 {strides = array<i32>} : memref<4096xf32, #tpu.memory_space<vmem>>, vector<16xf32>,
        %get3A_1326 = arith.constant 3 : i32
        %get3A_1327 = arith.index_cast %get3A_1326 : i32 to index
        %get3A_1328 = arith.constant 352 : index
        %get3A_1329 = tpu.vector_load %arg4[%get3A_1327, %get3A_1328] {strides = array<i32>} : memref<4x1000xf32, #tpu.memory_space<vmem>>, vector<16xf32>,
        %swap3A_1330 = arith.constant 3424 : index
        %swap3A_1331 = tpu.vector_load %arg6[%swap3A_1330] {strides = array<i32>} : memref<4096xf32, #tpu.memory_space<vmem>>, vector<16xf32>,
        tpu.vector_store %arg6[%swap3A_1330], %get3A_1329 {strides = array<i32>} : memref<4096xf32, #tpu.memory_space<vmem>>, vector<16xf32>,
        %get3A_1332 = arith.constant 3 : i32
        %get3A_1333 = arith.index_cast %get3A_1332 : i32 to index
        %get3A_1334 = arith.constant 368 : index
        %get3A_1335 = tpu.vector_load %arg4[%get3A_1333, %get3A_1334] {strides = array<i32>} : memref<4x1000xf32, #tpu.memory_space<vmem>>, vector<16xf32>,
        %swap3A_1336 = arith.constant 3440 : index
        %swap3A_1337 = tpu.vector_load %arg6[%swap3A_1336] {strides = array<i32>} : memref<4096xf32, #tpu.memory_space<vmem>>, vector<16xf32>,
        tpu.vector_store %arg6[%swap3A_1336], %get3A_1335 {strides = array<i32>} : memref<4096xf32, #tpu.memory_space<vmem>>, vector<16xf32>,
        %get3A_1338 = arith.constant 3 : i32
        %get3A_1339 = arith.index_cast %get3A_1338 : i32 to index
        %get3A_1340 = arith.constant 384 : index
        %get3A_1341 = tpu.vector_load %arg4[%get3A_1339, %get3A_1340] {strides = array<i32>} : memref<4x1000xf32, #tpu.memory_space<vmem>>, vector<16xf32>,
        %swap3A_1342 = arith.constant 3456 : index
        %swap3A_1343 = tpu.vector_load %arg6[%swap3A_1342] {strides = array<i32>} : memref<4096xf32, #tpu.memory_space<vmem>>, vector<16xf32>,
        tpu.vector_store %arg6[%swap3A_1342], %get3A_1341 {strides = array<i32>} : memref<4096xf32, #tpu.memory_space<vmem>>, vector<16xf32>,
        %get3A_1344 = arith.constant 3 : i32
        %get3A_1345 = arith.index_cast %get3A_1344 : i32 to index
        %get3A_1346 = arith.constant 400 : index
        %get3A_1347 = tpu.vector_load %arg4[%get3A_1345, %get3A_1346] {strides = array<i32>} : memref<4x1000xf32, #tpu.memory_space<vmem>>, vector<16xf32>,
        %swap3A_1348 = arith.constant 3472 : index
        %swap3A_1349 = tpu.vector_load %arg6[%swap3A_1348] {strides = array<i32>} : memref<4096xf32, #tpu.memory_space<vmem>>, vector<16xf32>,
        tpu.vector_store %arg6[%swap3A_1348], %get3A_1347 {strides = array<i32>} : memref<4096xf32, #tpu.memory_space<vmem>>, vector<16xf32>,
        %get3A_1350 = arith.constant 3 : i32
        %get3A_1351 = arith.index_cast %get3A_1350 : i32 to index
        %get3A_1352 = arith.constant 416 : index
        %get3A_1353 = tpu.vector_load %arg4[%get3A_1351, %get3A_1352] {strides = array<i32>} : memref<4x1000xf32, #tpu.memory_space<vmem>>, vector<16xf32>,
        %swap3A_1354 = arith.constant 3488 : index
        %swap3A_1355 = tpu.vector_load %arg6[%swap3A_1354] {strides = array<i32>} : memref<4096xf32, #tpu.memory_space<vmem>>, vector<16xf32>,
        tpu.vector_store %arg6[%swap3A_1354], %get3A_1353 {strides = array<i32>} : memref<4096xf32, #tpu.memory_space<vmem>>, vector<16xf32>,
        %get3A_1356 = arith.constant 3 : i32
        %get3A_1357 = arith.index_cast %get3A_1356 : i32 to index
        %get3A_1358 = arith.constant 432 : index
        %get3A_1359 = tpu.vector_load %arg4[%get3A_1357, %get3A_1358] {strides = array<i32>} : memref<4x1000xf32, #tpu.memory_space<vmem>>, vector<16xf32>,
        %swap3A_1360 = arith.constant 3504 : index
        %swap3A_1361 = tpu.vector_load %arg6[%swap3A_1360] {strides = array<i32>} : memref<4096xf32, #tpu.memory_space<vmem>>, vector<16xf32>,
        tpu.vector_store %arg6[%swap3A_1360], %get3A_1359 {strides = array<i32>} : memref<4096xf32, #tpu.memory_space<vmem>>, vector<16xf32>,
        %get3A_1362 = arith.constant 3 : i32
        %get3A_1363 = arith.index_cast %get3A_1362 : i32 to index
        %get3A_1364 = arith.constant 448 : index
        %get3A_1365 = tpu.vector_load %arg4[%get3A_1363, %get3A_1364] {strides = array<i32>} : memref<4x1000xf32, #tpu.memory_space<vmem>>, vector<16xf32>,
        %swap3A_1366 = arith.constant 3520 : index
        %swap3A_1367 = tpu.vector_load %arg6[%swap3A_1366] {strides = array<i32>} : memref<4096xf32, #tpu.memory_space<vmem>>, vector<16xf32>,
        tpu.vector_store %arg6[%swap3A_1366], %get3A_1365 {strides = array<i32>} : memref<4096xf32, #tpu.memory_space<vmem>>, vector<16xf32>,
        %get3A_1368 = arith.constant 3 : i32
        %get3A_1369 = arith.index_cast %get3A_1368 : i32 to index
        %get3A_1370 = arith.constant 464 : index
        %get3A_1371 = tpu.vector_load %arg4[%get3A_1369, %get3A_1370] {strides = array<i32>} : memref<4x1000xf32, #tpu.memory_space<vmem>>, vector<16xf32>,
        %swap3A_1372 = arith.constant 3536 : index
        %swap3A_1373 = tpu.vector_load %arg6[%swap3A_1372] {strides = array<i32>} : memref<4096xf32, #tpu.memory_space<vmem>>, vector<16xf32>,
        tpu.vector_store %arg6[%swap3A_1372], %get3A_1371 {strides = array<i32>} : memref<4096xf32, #tpu.memory_space<vmem>>, vector<16xf32>,
        %get3A_1374 = arith.constant 3 : i32
        %get3A_1375 = arith.index_cast %get3A_1374 : i32 to index
        %get3A_1376 = arith.constant 480 : index
        %get3A_1377 = tpu.vector_load %arg4[%get3A_1375, %get3A_1376] {strides = array<i32>} : memref<4x1000xf32, #tpu.memory_space<vmem>>, vector<16xf32>,
        %swap3A_1378 = arith.constant 3552 : index
        %swap3A_1379 = tpu.vector_load %arg6[%swap3A_1378] {strides = array<i32>} : memref<4096xf32, #tpu.memory_space<vmem>>, vector<16xf32>,
        tpu.vector_store %arg6[%swap3A_1378], %get3A_1377 {strides = array<i32>} : memref<4096xf32, #tpu.memory_space<vmem>>, vector<16xf32>,
        %get3A_1380 = arith.constant 3 : i32
        %get3A_1381 = arith.index_cast %get3A_1380 : i32 to index
        %get3A_1382 = arith.constant 496 : index
        %get3A_1383 = tpu.vector_load %arg4[%get3A_1381, %get3A_1382] {strides = array<i32>} : memref<4x1000xf32, #tpu.memory_space<vmem>>, vector<16xf32>,
        %swap3A_1384 = arith.constant 3568 : index
        %swap3A_1385 = tpu.vector_load %arg6[%swap3A_1384] {strides = array<i32>} : memref<4096xf32, #tpu.memory_space<vmem>>, vector<16xf32>,
        tpu.vector_store %arg6[%swap3A_1384], %get3A_1383 {strides = array<i32>} : memref<4096xf32, #tpu.memory_space<vmem>>, vector<16xf32>,
        %get3A_1386 = arith.constant 3 : i32
        %get3A_1387 = arith.index_cast %get3A_1386 : i32 to index
        %get3A_1388 = arith.constant 512 : index
        %get3A_1389 = tpu.vector_load %arg4[%get3A_1387, %get3A_1388] {strides = array<i32>} : memref<4x1000xf32, #tpu.memory_space<vmem>>, vector<16xf32>,
        %swap3A_1390 = arith.constant 3584 : index
        %swap3A_1391 = tpu.vector_load %arg6[%swap3A_1390] {strides = array<i32>} : memref<4096xf32, #tpu.memory_space<vmem>>, vector<16xf32>,
        tpu.vector_store %arg6[%swap3A_1390], %get3A_1389 {strides = array<i32>} : memref<4096xf32, #tpu.memory_space<vmem>>, vector<16xf32>,
        %get3A_1392 = arith.constant 3 : i32
        %get3A_1393 = arith.index_cast %get3A_1392 : i32 to index
        %get3A_1394 = arith.constant 528 : index
        %get3A_1395 = tpu.vector_load %arg4[%get3A_1393, %get3A_1394] {strides = array<i32>} : memref<4x1000xf32, #tpu.memory_space<vmem>>, vector<16xf32>,
        %swap3A_1396 = arith.constant 3600 : index
        %swap3A_1397 = tpu.vector_load %arg6[%swap3A_1396] {strides = array<i32>} : memref<4096xf32, #tpu.memory_space<vmem>>, vector<16xf32>,
        tpu.vector_store %arg6[%swap3A_1396], %get3A_1395 {strides = array<i32>} : memref<4096xf32, #tpu.memory_space<vmem>>, vector<16xf32>,
        %get3A_1398 = arith.constant 3 : i32
        %get3A_1399 = arith.index_cast %get3A_1398 : i32 to index
        %get3A_1400 = arith.constant 544 : index
        %get3A_1401 = tpu.vector_load %arg4[%get3A_1399, %get3A_1400] {strides = array<i32>} : memref<4x1000xf32, #tpu.memory_space<vmem>>, vector<16xf32>,
        %swap3A_1402 = arith.constant 3616 : index
        %swap3A_1403 = tpu.vector_load %arg6[%swap3A_1402] {strides = array<i32>} : memref<4096xf32, #tpu.memory_space<vmem>>, vector<16xf32>,
        tpu.vector_store %arg6[%swap3A_1402], %get3A_1401 {strides = array<i32>} : memref<4096xf32, #tpu.memory_space<vmem>>, vector<16xf32>,
        %get3A_1404 = arith.constant 3 : i32
        %get3A_1405 = arith.index_cast %get3A_1404 : i32 to index
        %get3A_1406 = arith.constant 560 : index
        %get3A_1407 = tpu.vector_load %arg4[%get3A_1405, %get3A_1406] {strides = array<i32>} : memref<4x1000xf32, #tpu.memory_space<vmem>>, vector<16xf32>,
        %swap3A_1408 = arith.constant 3632 : index
        %swap3A_1409 = tpu.vector_load %arg6[%swap3A_1408] {strides = array<i32>} : memref<4096xf32, #tpu.memory_space<vmem>>, vector<16xf32>,
        tpu.vector_store %arg6[%swap3A_1408], %get3A_1407 {strides = array<i32>} : memref<4096xf32, #tpu.memory_space<vmem>>, vector<16xf32>,
        %get3A_1410 = arith.constant 3 : i32
        %get3A_1411 = arith.index_cast %get3A_1410 : i32 to index
        %get3A_1412 = arith.constant 576 : index
        %get3A_1413 = tpu.vector_load %arg4[%get3A_1411, %get3A_1412] {strides = array<i32>} : memref<4x1000xf32, #tpu.memory_space<vmem>>, vector<16xf32>,
        %swap3A_1414 = arith.constant 3648 : index
        %swap3A_1415 = tpu.vector_load %arg6[%swap3A_1414] {strides = array<i32>} : memref<4096xf32, #tpu.memory_space<vmem>>, vector<16xf32>,
        tpu.vector_store %arg6[%swap3A_1414], %get3A_1413 {strides = array<i32>} : memref<4096xf32, #tpu.memory_space<vmem>>, vector<16xf32>,
        %get3A_1416 = arith.constant 3 : i32
        %get3A_1417 = arith.index_cast %get3A_1416 : i32 to index
        %get3A_1418 = arith.constant 592 : index
        %get3A_1419 = tpu.vector_load %arg4[%get3A_1417, %get3A_1418] {strides = array<i32>} : memref<4x1000xf32, #tpu.memory_space<vmem>>, vector<16xf32>,
        %swap3A_1420 = arith.constant 3664 : index
        %swap3A_1421 = tpu.vector_load %arg6[%swap3A_1420] {strides = array<i32>} : memref<4096xf32, #tpu.memory_space<vmem>>, vector<16xf32>,
        tpu.vector_store %arg6[%swap3A_1420], %get3A_1419 {strides = array<i32>} : memref<4096xf32, #tpu.memory_space<vmem>>, vector<16xf32>,
        %get3A_1422 = arith.constant 3 : i32
        %get3A_1423 = arith.index_cast %get3A_1422 : i32 to index
        %get3A_1424 = arith.constant 608 : index
        %get3A_1425 = tpu.vector_load %arg4[%get3A_1423, %get3A_1424] {strides = array<i32>} : memref<4x1000xf32, #tpu.memory_space<vmem>>, vector<16xf32>,
        %swap3A_1426 = arith.constant 3680 : index
        %swap3A_1427 = tpu.vector_load %arg6[%swap3A_1426] {strides = array<i32>} : memref<4096xf32, #tpu.memory_space<vmem>>, vector<16xf32>,
        tpu.vector_store %arg6[%swap3A_1426], %get3A_1425 {strides = array<i32>} : memref<4096xf32, #tpu.memory_space<vmem>>, vector<16xf32>,
        %get3A_1428 = arith.constant 3 : i32
        %get3A_1429 = arith.index_cast %get3A_1428 : i32 to index
        %get3A_1430 = arith.constant 624 : index
        %get3A_1431 = tpu.vector_load %arg4[%get3A_1429, %get3A_1430] {strides = array<i32>} : memref<4x1000xf32, #tpu.memory_space<vmem>>, vector<16xf32>,
        %swap3A_1432 = arith.constant 3696 : index
        %swap3A_1433 = tpu.vector_load %arg6[%swap3A_1432] {strides = array<i32>} : memref<4096xf32, #tpu.memory_space<vmem>>, vector<16xf32>,
        tpu.vector_store %arg6[%swap3A_1432], %get3A_1431 {strides = array<i32>} : memref<4096xf32, #tpu.memory_space<vmem>>, vector<16xf32>,
        %get3A_1434 = arith.constant 3 : i32
        %get3A_1435 = arith.index_cast %get3A_1434 : i32 to index
        %get3A_1436 = arith.constant 640 : index
        %get3A_1437 = tpu.vector_load %arg4[%get3A_1435, %get3A_1436] {strides = array<i32>} : memref<4x1000xf32, #tpu.memory_space<vmem>>, vector<16xf32>,
        %swap3A_1438 = arith.constant 3712 : index
        %swap3A_1439 = tpu.vector_load %arg6[%swap3A_1438] {strides = array<i32>} : memref<4096xf32, #tpu.memory_space<vmem>>, vector<16xf32>,
        tpu.vector_store %arg6[%swap3A_1438], %get3A_1437 {strides = array<i32>} : memref<4096xf32, #tpu.memory_space<vmem>>, vector<16xf32>,
        %get3A_1440 = arith.constant 3 : i32
        %get3A_1441 = arith.index_cast %get3A_1440 : i32 to index
        %get3A_1442 = arith.constant 656 : index
        %get3A_1443 = tpu.vector_load %arg4[%get3A_1441, %get3A_1442] {strides = array<i32>} : memref<4x1000xf32, #tpu.memory_space<vmem>>, vector<16xf32>,
        %swap3A_1444 = arith.constant 3728 : index
        %swap3A_1445 = tpu.vector_load %arg6[%swap3A_1444] {strides = array<i32>} : memref<4096xf32, #tpu.memory_space<vmem>>, vector<16xf32>,
        tpu.vector_store %arg6[%swap3A_1444], %get3A_1443 {strides = array<i32>} : memref<4096xf32, #tpu.memory_space<vmem>>, vector<16xf32>,
        %get3A_1446 = arith.constant 3 : i32
        %get3A_1447 = arith.index_cast %get3A_1446 : i32 to index
        %get3A_1448 = arith.constant 672 : index
        %get3A_1449 = tpu.vector_load %arg4[%get3A_1447, %get3A_1448] {strides = array<i32>} : memref<4x1000xf32, #tpu.memory_space<vmem>>, vector<16xf32>,
        %swap3A_1450 = arith.constant 3744 : index
        %swap3A_1451 = tpu.vector_load %arg6[%swap3A_1450] {strides = array<i32>} : memref<4096xf32, #tpu.memory_space<vmem>>, vector<16xf32>,
        tpu.vector_store %arg6[%swap3A_1450], %get3A_1449 {strides = array<i32>} : memref<4096xf32, #tpu.memory_space<vmem>>, vector<16xf32>,
        %get3A_1452 = arith.constant 3 : i32
        %get3A_1453 = arith.index_cast %get3A_1452 : i32 to index
        %get3A_1454 = arith.constant 688 : index
        %get3A_1455 = tpu.vector_load %arg4[%get3A_1453, %get3A_1454] {strides = array<i32>} : memref<4x1000xf32, #tpu.memory_space<vmem>>, vector<16xf32>,
        %swap3A_1456 = arith.constant 3760 : index
        %swap3A_1457 = tpu.vector_load %arg6[%swap3A_1456] {strides = array<i32>} : memref<4096xf32, #tpu.memory_space<vmem>>, vector<16xf32>,
        tpu.vector_store %arg6[%swap3A_1456], %get3A_1455 {strides = array<i32>} : memref<4096xf32, #tpu.memory_space<vmem>>, vector<16xf32>,
        %get3A_1458 = arith.constant 3 : i32
        %get3A_1459 = arith.index_cast %get3A_1458 : i32 to index
        %get3A_1460 = arith.constant 704 : index
        %get3A_1461 = tpu.vector_load %arg4[%get3A_1459, %get3A_1460] {strides = array<i32>} : memref<4x1000xf32, #tpu.memory_space<vmem>>, vector<16xf32>,
        %swap3A_1462 = arith.constant 3776 : index
        %swap3A_1463 = tpu.vector_load %arg6[%swap3A_1462] {strides = array<i32>} : memref<4096xf32, #tpu.memory_space<vmem>>, vector<16xf32>,
        tpu.vector_store %arg6[%swap3A_1462], %get3A_1461 {strides = array<i32>} : memref<4096xf32, #tpu.memory_space<vmem>>, vector<16xf32>,
        %get3A_1464 = arith.constant 3 : i32
        %get3A_1465 = arith.index_cast %get3A_1464 : i32 to index
        %get3A_1466 = arith.constant 720 : index
        %get3A_1467 = tpu.vector_load %arg4[%get3A_1465, %get3A_1466] {strides = array<i32>} : memref<4x1000xf32, #tpu.memory_space<vmem>>, vector<16xf32>,
        %swap3A_1468 = arith.constant 3792 : index
        %swap3A_1469 = tpu.vector_load %arg6[%swap3A_1468] {strides = array<i32>} : memref<4096xf32, #tpu.memory_space<vmem>>, vector<16xf32>,
        tpu.vector_store %arg6[%swap3A_1468], %get3A_1467 {strides = array<i32>} : memref<4096xf32, #tpu.memory_space<vmem>>, vector<16xf32>,
        %get3A_1470 = arith.constant 3 : i32
        %get3A_1471 = arith.index_cast %get3A_1470 : i32 to index
        %get3A_1472 = arith.constant 736 : index
        %get3A_1473 = tpu.vector_load %arg4[%get3A_1471, %get3A_1472] {strides = array<i32>} : memref<4x1000xf32, #tpu.memory_space<vmem>>, vector<16xf32>,
        %swap3A_1474 = arith.constant 3808 : index
        %swap3A_1475 = tpu.vector_load %arg6[%swap3A_1474] {strides = array<i32>} : memref<4096xf32, #tpu.memory_space<vmem>>, vector<16xf32>,
        tpu.vector_store %arg6[%swap3A_1474], %get3A_1473 {strides = array<i32>} : memref<4096xf32, #tpu.memory_space<vmem>>, vector<16xf32>,
        %get3A_1476 = arith.constant 3 : i32
        %get3A_1477 = arith.index_cast %get3A_1476 : i32 to index
        %get3A_1478 = arith.constant 752 : index
        %get3A_1479 = tpu.vector_load %arg4[%get3A_1477, %get3A_1478] {strides = array<i32>} : memref<4x1000xf32, #tpu.memory_space<vmem>>, vector<16xf32>,
        %swap3A_1480 = arith.constant 3824 : index
        %swap3A_1481 = tpu.vector_load %arg6[%swap3A_1480] {strides = array<i32>} : memref<4096xf32, #tpu.memory_space<vmem>>, vector<16xf32>,
        tpu.vector_store %arg6[%swap3A_1480], %get3A_1479 {strides = array<i32>} : memref<4096xf32, #tpu.memory_space<vmem>>, vector<16xf32>,
        %get3A_1482 = arith.constant 3 : i32
        %get3A_1483 = arith.index_cast %get3A_1482 : i32 to index
        %get3A_1484 = arith.constant 768 : index
        %get3A_1485 = tpu.vector_load %arg4[%get3A_1483, %get3A_1484] {strides = array<i32>} : memref<4x1000xf32, #tpu.memory_space<vmem>>, vector<16xf32>,
        %swap3A_1486 = arith.constant 3840 : index
        %swap3A_1487 = tpu.vector_load %arg6[%swap3A_1486] {strides = array<i32>} : memref<4096xf32, #tpu.memory_space<vmem>>, vector<16xf32>,
        tpu.vector_store %arg6[%swap3A_1486], %get3A_1485 {strides = array<i32>} : memref<4096xf32, #tpu.memory_space<vmem>>, vector<16xf32>,
        %get3A_1488 = arith.constant 3 : i32
        %get3A_1489 = arith.index_cast %get3A_1488 : i32 to index
        %get3A_1490 = arith.constant 784 : index
        %get3A_1491 = tpu.vector_load %arg4[%get3A_1489, %get3A_1490] {strides = array<i32>} : memref<4x1000xf32, #tpu.memory_space<vmem>>, vector<16xf32>,
        %swap3A_1492 = arith.constant 3856 : index
        %swap3A_1493 = tpu.vector_load %arg6[%swap3A_1492] {strides = array<i32>} : memref<4096xf32, #tpu.memory_space<vmem>>, vector<16xf32>,
        tpu.vector_store %arg6[%swap3A_1492], %get3A_1491 {strides = array<i32>} : memref<4096xf32, #tpu.memory_space<vmem>>, vector<16xf32>,
        %get3A_1494 = arith.constant 3 : i32
        %get3A_1495 = arith.index_cast %get3A_1494 : i32 to index
        %get3A_1496 = arith.constant 800 : index
        %get3A_1497 = tpu.vector_load %arg4[%get3A_1495, %get3A_1496] {strides = array<i32>} : memref<4x1000xf32, #tpu.memory_space<vmem>>, vector<16xf32>,
        %swap3A_1498 = arith.constant 3872 : index
        %swap3A_1499 = tpu.vector_load %arg6[%swap3A_1498] {strides = array<i32>} : memref<4096xf32, #tpu.memory_space<vmem>>, vector<16xf32>,
        tpu.vector_store %arg6[%swap3A_1498], %get3A_1497 {strides = array<i32>} : memref<4096xf32, #tpu.memory_space<vmem>>, vector<16xf32>,
        %get3A_1500 = arith.constant 3 : i32
        %get3A_1501 = arith.index_cast %get3A_1500 : i32 to index
        %get3A_1502 = arith.constant 816 : index
        %get3A_1503 = tpu.vector_load %arg4[%get3A_1501, %get3A_1502] {strides = array<i32>} : memref<4x1000xf32, #tpu.memory_space<vmem>>, vector<16xf32>,
        %swap3A_1504 = arith.constant 3888 : index
        %swap3A_1505 = tpu.vector_load %arg6[%swap3A_1504] {strides = array<i32>} : memref<4096xf32, #tpu.memory_space<vmem>>, vector<16xf32>,
        tpu.vector_store %arg6[%swap3A_1504], %get3A_1503 {strides = array<i32>} : memref<4096xf32, #tpu.memory_space<vmem>>, vector<16xf32>,
        %get3A_1506 = arith.constant 3 : i32
        %get3A_1507 = arith.index_cast %get3A_1506 : i32 to index
        %get3A_1508 = arith.constant 832 : index
        %get3A_1509 = tpu.vector_load %arg4[%get3A_1507, %get3A_1508] {strides = array<i32>} : memref<4x1000xf32, #tpu.memory_space<vmem>>, vector<16xf32>,
        %swap3A_1510 = arith.constant 3904 : index
        %swap3A_1511 = tpu.vector_load %arg6[%swap3A_1510] {strides = array<i32>} : memref<4096xf32, #tpu.memory_space<vmem>>, vector<16xf32>,
        tpu.vector_store %arg6[%swap3A_1510], %get3A_1509 {strides = array<i32>} : memref<4096xf32, #tpu.memory_space<vmem>>, vector<16xf32>,
        %get3A_1512 = arith.constant 3 : i32
        %get3A_1513 = arith.index_cast %get3A_1512 : i32 to index
        %get3A_1514 = arith.constant 848 : index
        %get3A_1515 = tpu.vector_load %arg4[%get3A_1513, %get3A_1514] {strides = array<i32>} : memref<4x1000xf32, #tpu.memory_space<vmem>>, vector<16xf32>,
        %swap3A_1516 = arith.constant 3920 : index
        %swap3A_1517 = tpu.vector_load %arg6[%swap3A_1516] {strides = array<i32>} : memref<4096xf32, #tpu.memory_space<vmem>>, vector<16xf32>,
        tpu.vector_store %arg6[%swap3A_1516], %get3A_1515 {strides = array<i32>} : memref<4096xf32, #tpu.memory_space<vmem>>, vector<16xf32>,
        %get3A_1518 = arith.constant 3 : i32
        %get3A_1519 = arith.index_cast %get3A_1518 : i32 to index
        %get3A_1520 = arith.constant 864 : index
        %get3A_1521 = tpu.vector_load %arg4[%get3A_1519, %get3A_1520] {strides = array<i32>} : memref<4x1000xf32, #tpu.memory_space<vmem>>, vector<16xf32>,
        %swap3A_1522 = arith.constant 3936 : index
        %swap3A_1523 = tpu.vector_load %arg6[%swap3A_1522] {strides = array<i32>} : memref<4096xf32, #tpu.memory_space<vmem>>, vector<16xf32>,
        tpu.vector_store %arg6[%swap3A_1522], %get3A_1521 {strides = array<i32>} : memref<4096xf32, #tpu.memory_space<vmem>>, vector<16xf32>,
        %get3A_1524 = arith.constant 3 : i32
        %get3A_1525 = arith.index_cast %get3A_1524 : i32 to index
        %get3A_1526 = arith.constant 880 : index
        %get3A_1527 = tpu.vector_load %arg4[%get3A_1525, %get3A_1526] {strides = array<i32>} : memref<4x1000xf32, #tpu.memory_space<vmem>>, vector<16xf32>,
        %swap3A_1528 = arith.constant 3952 : index
        %swap3A_1529 = tpu.vector_load %arg6[%swap3A_1528] {strides = array<i32>} : memref<4096xf32, #tpu.memory_space<vmem>>, vector<16xf32>,
        tpu.vector_store %arg6[%swap3A_1528], %get3A_1527 {strides = array<i32>} : memref<4096xf32, #tpu.memory_space<vmem>>, vector<16xf32>,
        %get3A_1530 = arith.constant 3 : i32
        %get3A_1531 = arith.index_cast %get3A_1530 : i32 to index
        %get3A_1532 = arith.constant 896 : index
        %get3A_1533 = tpu.vector_load %arg4[%get3A_1531, %get3A_1532] {strides = array<i32>} : memref<4x1000xf32, #tpu.memory_space<vmem>>, vector<16xf32>,
        %swap3A_1534 = arith.constant 3968 : index
        %swap3A_1535 = tpu.vector_load %arg6[%swap3A_1534] {strides = array<i32>} : memref<4096xf32, #tpu.memory_space<vmem>>, vector<16xf32>,
        tpu.vector_store %arg6[%swap3A_1534], %get3A_1533 {strides = array<i32>} : memref<4096xf32, #tpu.memory_space<vmem>>, vector<16xf32>,
        %get3A_1536 = arith.constant 3 : i32
        %get3A_1537 = arith.index_cast %get3A_1536 : i32 to index
        %get3A_1538 = arith.constant 912 : index
        %get3A_1539 = tpu.vector_load %arg4[%get3A_1537, %get3A_1538] {strides = array<i32>} : memref<4x1000xf32, #tpu.memory_space<vmem>>, vector<16xf32>,
        %swap3A_1540 = arith.constant 3984 : index
        %swap3A_1541 = tpu.vector_load %arg6[%swap3A_1540] {strides = array<i32>} : memref<4096xf32, #tpu.memory_space<vmem>>, vector<16xf32>,
        tpu.vector_store %arg6[%swap3A_1540], %get3A_1539 {strides = array<i32>} : memref<4096xf32, #tpu.memory_space<vmem>>, vector<16xf32>,
        %get3A_1542 = arith.constant 3 : i32
        %get3A_1543 = arith.index_cast %get3A_1542 : i32 to index
        %get3A_1544 = arith.constant 928 : index
        %get3A_1545 = tpu.vector_load %arg4[%get3A_1543, %get3A_1544] {strides = array<i32>} : memref<4x1000xf32, #tpu.memory_space<vmem>>, vector<16xf32>,
        %swap3A_1546 = arith.constant 4000 : index
        %swap3A_1547 = tpu.vector_load %arg6[%swap3A_1546] {strides = array<i32>} : memref<4096xf32, #tpu.memory_space<vmem>>, vector<16xf32>,
        tpu.vector_store %arg6[%swap3A_1546], %get3A_1545 {strides = array<i32>} : memref<4096xf32, #tpu.memory_space<vmem>>, vector<16xf32>,
        %get3A_1548 = arith.constant 3 : i32
        %get3A_1549 = arith.index_cast %get3A_1548 : i32 to index
        %get3A_1550 = arith.constant 944 : index
        %get3A_1551 = tpu.vector_load %arg4[%get3A_1549, %get3A_1550] {strides = array<i32>} : memref<4x1000xf32, #tpu.memory_space<vmem>>, vector<16xf32>,
        %swap3A_1552 = arith.constant 4016 : index
        %swap3A_1553 = tpu.vector_load %arg6[%swap3A_1552] {strides = array<i32>} : memref<4096xf32, #tpu.memory_space<vmem>>, vector<16xf32>,
        tpu.vector_store %arg6[%swap3A_1552], %get3A_1551 {strides = array<i32>} : memref<4096xf32, #tpu.memory_space<vmem>>, vector<16xf32>,
        %get3A_1554 = arith.constant 3 : i32
        %get3A_1555 = arith.index_cast %get3A_1554 : i32 to index
        %get3A_1556 = arith.constant 960 : index
        %get3A_1557 = tpu.vector_load %arg4[%get3A_1555, %get3A_1556] {strides = array<i32>} : memref<4x1000xf32, #tpu.memory_space<vmem>>, vector<16xf32>,
        %swap3A_1558 = arith.constant 4032 : index
        %swap3A_1559 = tpu.vector_load %arg6[%swap3A_1558] {strides = array<i32>} : memref<4096xf32, #tpu.memory_space<vmem>>, vector<16xf32>,
        tpu.vector_store %arg6[%swap3A_1558], %get3A_1557 {strides = array<i32>} : memref<4096xf32, #tpu.memory_space<vmem>>, vector<16xf32>,
        %get3A_1560 = arith.constant 3 : i32
        %get3A_1561 = arith.index_cast %get3A_1560 : i32 to index
        %get3A_1562 = arith.constant 976 : index
        %get3A_1563 = tpu.vector_load %arg4[%get3A_1561, %get3A_1562] {strides = array<i32>} : memref<4x1000xf32, #tpu.memory_space<vmem>>, vector<16xf32>,
        %swap3A_1564 = arith.constant 4048 : index
        %swap3A_1565 = tpu.vector_load %arg6[%swap3A_1564] {strides = array<i32>} : memref<4096xf32, #tpu.memory_space<vmem>>, vector<16xf32>,
        tpu.vector_store %arg6[%swap3A_1564], %get3A_1563 {strides = array<i32>} : memref<4096xf32, #tpu.memory_space<vmem>>, vector<16xf32>,
        %get3A_1566 = arith.constant 3 : i32
        %get3A_1567 = arith.index_cast %get3A_1566 : i32 to index
        %get3A_1568 = arith.constant 984 : index
        %get3A_1569 = tpu.vector_load %arg4[%get3A_1567, %get3A_1568] {strides = array<i32>} : memref<4x1000xf32, #tpu.memory_space<vmem>>, vector<16xf32>,
        %swap3A_1570 = arith.constant 4056 : index
        %swap3A_1571 = tpu.vector_load %arg6[%swap3A_1570] {strides = array<i32>} : memref<4096xf32, #tpu.memory_space<vmem>>, vector<16xf32>,
        tpu.vector_store %arg6[%swap3A_1570], %get3A_1569 {strides = array<i32>} : memref<4096xf32, #tpu.memory_space<vmem>>, vector<16xf32>,
        %mul3A_1572 = arith.constant 4096 : i32
        %mul3A_1573 = arith.muli %add3A_32, %mul3A_1572 : i32
        %dma_start3A = tpu.memref_slice %arg3[%mul3A_1573] : memref<4096000xf32, #tpu.memory_space<hbm>> -> memref<4096xf32, #tpu.memory_space<hbm>>
        %dma_start3A_1574 = tpu.memref_slice %arg3[%mul3A_1573] : memref<4096000xf32, #tpu.memory_space<hbm>> -> memref<4096xf32, #tpu.memory_space<hbm>>
        tpu.enqueue_dma source(%arg6 : memref<4096xf32, #tpu.memory_space<vmem>>) target(%dma_start3A_1574 : memref<4096xf32, #tpu.memory_space<hbm>>) target_semaphore(%arg9 : memref<!tpu.dma_semaphore, #tpu.memory_space<semaphore_mem>>)
        %add3A_1575 = arith.constant 2 : i32
        %add3A_1576 = arith.addi %mul3A_29, %add3A_1575 : i32
        %mul3A_1577 = arith.constant 32 : i32
        %mul3A_1578 = arith.muli %mul3A_1577, %add3A_1576 : i32
        %add3A_1579 = arith.addi %add3A, %mul3A_1578 : i32
        %lt3A_1580 = arith.constant 1000 : i32
        %lt3A_1581 = arith.cmpi slt, %add3A_1579, %lt3A_1580 : i32
        %convert_element_type3A_1582 = arith.extui %lt3A_1581 : i1 to i32
        %cond3A_1583 = arith.constant 0 : i32
        %cond3A_1584 = arith.cmpi ne, %convert_element_type3A_1582, %cond3A_1583 : i32
        scf.if %cond3A_1584 {
          %dma_start3A_1585 = arith.constant 0 : i32
          %dma_start3A_1586 = arith.constant 0 : i32
          %dma_start3A_1587 = tpu.memref_slice %arg2[%add3A_1579, %dma_start3A_1585, %dma_start3A_1586] : memref<1000x4x1000xf32, #tpu.memory_space<hbm>> -> memref<1x4x1000xf32, #tpu.memory_space<hbm>>
          %dma_start3A_1588 = tpu.memref_squeeze %dma_start3A_1587 : memref<1x4x1000xf32, #tpu.memory_space<hbm>> -> memref<4x1000xf32, #tpu.memory_space<hbm>>
          %dma_start3A_1589 = arith.constant 0 : i32
          %dma_start3A_1590 = arith.constant 0 : i32
          %dma_start3A_1591 = tpu.memref_slice %arg2[%add3A_1579, %dma_start3A_1589, %dma_start3A_1590] : memref<1000x4x1000xf32, #tpu.memory_space<hbm>> -> memref<1x4x1000xf32, #tpu.memory_space<hbm>>
          %dma_start3A_1592 = tpu.memref_squeeze %dma_start3A_1591 : memref<1x4x1000xf32, #tpu.memory_space<hbm>> -> memref<4x1000xf32, #tpu.memory_space<hbm>>
          tpu.enqueue_dma source(%dma_start3A_1592 : memref<4x1000xf32, #tpu.memory_space<hbm>>) target(%arg4 : memref<4x1000xf32, #tpu.memory_space<vmem>>) target_semaphore(%arg8 : memref<!tpu.dma_semaphore, #tpu.memory_space<semaphore_mem>>)
        } else {
        }
      } else {
      }
      %mul3A_38 = arith.constant 2 : i32
      %mul3A_39 = arith.muli %mul3A_38, %add3A_27 : i32
      %add3A_40 = arith.constant 1 : i32
      %add3A_41 = arith.addi %mul3A_39, %add3A_40 : i32
      %mul3A_42 = arith.constant 32 : i32
      %mul3A_43 = arith.muli %mul3A_42, %add3A_41 : i32
      %add3A_44 = arith.addi %add3A, %mul3A_43 : i32
      %lt3A_45 = arith.constant 1000 : i32
      %lt3A_46 = arith.cmpi slt, %add3A_44, %lt3A_45 : i32
      %convert_element_type3A_47 = arith.extui %lt3A_46 : i1 to i32
      %cond3A_48 = arith.constant 0 : i32
      %cond3A_49 = arith.cmpi ne, %convert_element_type3A_47, %cond3A_48 : i32
      scf.if %cond3A_49 {
        %ge3A = arith.constant 2 : i32
        %ge3A_50 = arith.cmpi sge, %add3A_41, %ge3A : i32
        %convert_element_type3A_51 = arith.extui %ge3A_50 : i1 to i32
        %cond3A_52 = arith.constant 0 : i32
        %cond3A_53 = arith.cmpi ne, %convert_element_type3A_51, %cond3A_52 : i32
        scf.if %cond3A_53 {
          %dma_wait3A_1585 = arith.constant 0 : i32
          %dma_wait3A_1586 = tpu.memref_slice %arg3[%dma_wait3A_1585] : memref<4096000xf32, #tpu.memory_space<hbm>> -> memref<4096xf32, #tpu.memory_space<hbm>>
          %dma_wait3A_1587 = arith.constant 0 : i32
          %dma_wait3A_1588 = tpu.memref_slice %arg3[%dma_wait3A_1587] : memref<4096000xf32, #tpu.memory_space<hbm>> -> memref<4096xf32, #tpu.memory_space<hbm>>
          tpu.wait_dma2 semaphore(%arg9 : memref<!tpu.dma_semaphore, #tpu.memory_space<semaphore_mem>>) src(%arg7 : memref<4096xf32, #tpu.memory_space<vmem>>) dst(%dma_wait3A_1588 : memref<4096xf32, #tpu.memory_space<hbm>>)
        } else {
        }
        %dma_wait3A_54 = arith.constant 0 : i32
        %dma_wait3A_55 = arith.constant 0 : i32
        %dma_wait3A_56 = tpu.memref_slice %arg2[%add3A_44, %dma_wait3A_54, %dma_wait3A_55] : memref<1000x4x1000xf32, #tpu.memory_space<hbm>> -> memref<1x4x1000xf32, #tpu.memory_space<hbm>>
        %dma_wait3A_57 = tpu.memref_squeeze %dma_wait3A_56 : memref<1x4x1000xf32, #tpu.memory_space<hbm>> -> memref<4x1000xf32, #tpu.memory_space<hbm>>
        %dma_wait3A_58 = arith.constant 0 : i32
        %dma_wait3A_59 = arith.constant 0 : i32
        %dma_wait3A_60 = tpu.memref_slice %arg2[%add3A_44, %dma_wait3A_58, %dma_wait3A_59] : memref<1000x4x1000xf32, #tpu.memory_space<hbm>> -> memref<1x4x1000xf32, #tpu.memory_space<hbm>>
        %dma_wait3A_61 = tpu.memref_squeeze %dma_wait3A_60 : memref<1x4x1000xf32, #tpu.memory_space<hbm>> -> memref<4x1000xf32, #tpu.memory_space<hbm>>
        tpu.wait_dma2 semaphore(%arg8 : memref<!tpu.dma_semaphore, #tpu.memory_space<semaphore_mem>>) src(%dma_wait3A_61 : memref<4x1000xf32, #tpu.memory_space<hbm>>) dst(%arg5 : memref<4x1000xf32, #tpu.memory_space<vmem>>)
        %get3A = arith.constant 0 : i32
        %get3A_62 = arith.index_cast %get3A : i32 to index
        %get3A_63 = arith.constant 0 : index
        %get3A_64 = tpu.vector_load %arg5[%get3A_62, %get3A_63] {strides = array<i32>} : memref<4x1000xf32, #tpu.memory_space<vmem>>, vector<16xf32>,
        %swap3A = arith.constant 0 : index
        %swap3A_65 = tpu.vector_load %arg7[%swap3A] {strides = array<i32>} : memref<4096xf32, #tpu.memory_space<vmem>>, vector<16xf32>,
        tpu.vector_store %arg7[%swap3A], %get3A_64 {strides = array<i32>} : memref<4096xf32, #tpu.memory_space<vmem>>, vector<16xf32>,
        %get3A_66 = arith.constant 0 : i32
        %get3A_67 = arith.index_cast %get3A_66 : i32 to index
        %get3A_68 = arith.constant 16 : index
        %get3A_69 = tpu.vector_load %arg5[%get3A_67, %get3A_68] {strides = array<i32>} : memref<4x1000xf32, #tpu.memory_space<vmem>>, vector<16xf32>,
        %swap3A_70 = arith.constant 16 : index
        %swap3A_71 = tpu.vector_load %arg7[%swap3A_70] {strides = array<i32>} : memref<4096xf32, #tpu.memory_space<vmem>>, vector<16xf32>,
        tpu.vector_store %arg7[%swap3A_70], %get3A_69 {strides = array<i32>} : memref<4096xf32, #tpu.memory_space<vmem>>, vector<16xf32>,
        %get3A_72 = arith.constant 0 : i32
        %get3A_73 = arith.index_cast %get3A_72 : i32 to index
        %get3A_74 = arith.constant 32 : index
        %get3A_75 = tpu.vector_load %arg5[%get3A_73, %get3A_74] {strides = array<i32>} : memref<4x1000xf32, #tpu.memory_space<vmem>>, vector<16xf32>,
        %swap3A_76 = arith.constant 32 : index
        %swap3A_77 = tpu.vector_load %arg7[%swap3A_76] {strides = array<i32>} : memref<4096xf32, #tpu.memory_space<vmem>>, vector<16xf32>,
        tpu.vector_store %arg7[%swap3A_76], %get3A_75 {strides = array<i32>} : memref<4096xf32, #tpu.memory_space<vmem>>, vector<16xf32>,
        %get3A_78 = arith.constant 0 : i32
        %get3A_79 = arith.index_cast %get3A_78 : i32 to index
        %get3A_80 = arith.constant 48 : index
        %get3A_81 = tpu.vector_load %arg5[%get3A_79, %get3A_80] {strides = array<i32>} : memref<4x1000xf32, #tpu.memory_space<vmem>>, vector<16xf32>,
        %swap3A_82 = arith.constant 48 : index
        %swap3A_83 = tpu.vector_load %arg7[%swap3A_82] {strides = array<i32>} : memref<4096xf32, #tpu.memory_space<vmem>>, vector<16xf32>,
        tpu.vector_store %arg7[%swap3A_82], %get3A_81 {strides = array<i32>} : memref<4096xf32, #tpu.memory_space<vmem>>, vector<16xf32>,
        %get3A_84 = arith.constant 0 : i32
        %get3A_85 = arith.index_cast %get3A_84 : i32 to index
        %get3A_86 = arith.constant 64 : index
        %get3A_87 = tpu.vector_load %arg5[%get3A_85, %get3A_86] {strides = array<i32>} : memref<4x1000xf32, #tpu.memory_space<vmem>>, vector<16xf32>,
        %swap3A_88 = arith.constant 64 : index
        %swap3A_89 = tpu.vector_load %arg7[%swap3A_88] {strides = array<i32>} : memref<4096xf32, #tpu.memory_space<vmem>>, vector<16xf32>,
        tpu.vector_store %arg7[%swap3A_88], %get3A_87 {strides = array<i32>} : memref<4096xf32, #tpu.memory_space<vmem>>, vector<16xf32>,
        %get3A_90 = arith.constant 0 : i32
        %get3A_91 = arith.index_cast %get3A_90 : i32 to index
        %get3A_92 = arith.constant 80 : index
        %get3A_93 = tpu.vector_load %arg5[%get3A_91, %get3A_92] {strides = array<i32>} : memref<4x1000xf32, #tpu.memory_space<vmem>>, vector<16xf32>,
        %swap3A_94 = arith.constant 80 : index
        %swap3A_95 = tpu.vector_load %arg7[%swap3A_94] {strides = array<i32>} : memref<4096xf32, #tpu.memory_space<vmem>>, vector<16xf32>,
        tpu.vector_store %arg7[%swap3A_94], %get3A_93 {strides = array<i32>} : memref<4096xf32, #tpu.memory_space<vmem>>, vector<16xf32>,
        %get3A_96 = arith.constant 0 : i32
        %get3A_97 = arith.index_cast %get3A_96 : i32 to index
        %get3A_98 = arith.constant 96 : index
        %get3A_99 = tpu.vector_load %arg5[%get3A_97, %get3A_98] {strides = array<i32>} : memref<4x1000xf32, #tpu.memory_space<vmem>>, vector<16xf32>,
        %swap3A_100 = arith.constant 96 : index
        %swap3A_101 = tpu.vector_load %arg7[%swap3A_100] {strides = array<i32>} : memref<4096xf32, #tpu.memory_space<vmem>>, vector<16xf32>,
        tpu.vector_store %arg7[%swap3A_100], %get3A_99 {strides = array<i32>} : memref<4096xf32, #tpu.memory_space<vmem>>, vector<16xf32>,
        %get3A_102 = arith.constant 0 : i32
        %get3A_103 = arith.index_cast %get3A_102 : i32 to index
        %get3A_104 = arith.constant 112 : index
        %get3A_105 = tpu.vector_load %arg5[%get3A_103, %get3A_104] {strides = array<i32>} : memref<4x1000xf32, #tpu.memory_space<vmem>>, vector<16xf32>,
        %swap3A_106 = arith.constant 112 : index
        %swap3A_107 = tpu.vector_load %arg7[%swap3A_106] {strides = array<i32>} : memref<4096xf32, #tpu.memory_space<vmem>>, vector<16xf32>,
        tpu.vector_store %arg7[%swap3A_106], %get3A_105 {strides = array<i32>} : memref<4096xf32, #tpu.memory_space<vmem>>, vector<16xf32>,
        %get3A_108 = arith.constant 0 : i32
        %get3A_109 = arith.index_cast %get3A_108 : i32 to index
        %get3A_110 = arith.constant 128 : index
        %get3A_111 = tpu.vector_load %arg5[%get3A_109, %get3A_110] {strides = array<i32>} : memref<4x1000xf32, #tpu.memory_space<vmem>>, vector<16xf32>,
        %swap3A_112 = arith.constant 128 : index
        %swap3A_113 = tpu.vector_load %arg7[%swap3A_112] {strides = array<i32>} : memref<4096xf32, #tpu.memory_space<vmem>>, vector<16xf32>,
        tpu.vector_store %arg7[%swap3A_112], %get3A_111 {strides = array<i32>} : memref<4096xf32, #tpu.memory_space<vmem>>, vector<16xf32>,
        %get3A_114 = arith.constant 0 : i32
        %get3A_115 = arith.index_cast %get3A_114 : i32 to index
        %get3A_116 = arith.constant 144 : index
        %get3A_117 = tpu.vector_load %arg5[%get3A_115, %get3A_116] {strides = array<i32>} : memref<4x1000xf32, #tpu.memory_space<vmem>>, vector<16xf32>,
        %swap3A_118 = arith.constant 144 : index
        %swap3A_119 = tpu.vector_load %arg7[%swap3A_118] {strides = array<i32>} : memref<4096xf32, #tpu.memory_space<vmem>>, vector<16xf32>,
        tpu.vector_store %arg7[%swap3A_118], %get3A_117 {strides = array<i32>} : memref<4096xf32, #tpu.memory_space<vmem>>, vector<16xf32>,
        %get3A_120 = arith.constant 0 : i32
        %get3A_121 = arith.index_cast %get3A_120 : i32 to index
        %get3A_122 = arith.constant 160 : index
        %get3A_123 = tpu.vector_load %arg5[%get3A_121, %get3A_122] {strides = array<i32>} : memref<4x1000xf32, #tpu.memory_space<vmem>>, vector<16xf32>,
        %swap3A_124 = arith.constant 160 : index
        %swap3A_125 = tpu.vector_load %arg7[%swap3A_124] {strides = array<i32>} : memref<4096xf32, #tpu.memory_space<vmem>>, vector<16xf32>,
        tpu.vector_store %arg7[%swap3A_124], %get3A_123 {strides = array<i32>} : memref<4096xf32, #tpu.memory_space<vmem>>, vector<16xf32>,
        %get3A_126 = arith.constant 0 : i32
        %get3A_127 = arith.index_cast %get3A_126 : i32 to index
        %get3A_128 = arith.constant 176 : index
        %get3A_129 = tpu.vector_load %arg5[%get3A_127, %get3A_128] {strides = array<i32>} : memref<4x1000xf32, #tpu.memory_space<vmem>>, vector<16xf32>,
        %swap3A_130 = arith.constant 176 : index
        %swap3A_131 = tpu.vector_load %arg7[%swap3A_130] {strides = array<i32>} : memref<4096xf32, #tpu.memory_space<vmem>>, vector<16xf32>,
        tpu.vector_store %arg7[%swap3A_130], %get3A_129 {strides = array<i32>} : memref<4096xf32, #tpu.memory_space<vmem>>, vector<16xf32>,
        %get3A_132 = arith.constant 0 : i32
        %get3A_133 = arith.index_cast %get3A_132 : i32 to index
        %get3A_134 = arith.constant 192 : index
        %get3A_135 = tpu.vector_load %arg5[%get3A_133, %get3A_134] {strides = array<i32>} : memref<4x1000xf32, #tpu.memory_space<vmem>>, vector<16xf32>,
        %swap3A_136 = arith.constant 192 : index
        %swap3A_137 = tpu.vector_load %arg7[%swap3A_136] {strides = array<i32>} : memref<4096xf32, #tpu.memory_space<vmem>>, vector<16xf32>,
        tpu.vector_store %arg7[%swap3A_136], %get3A_135 {strides = array<i32>} : memref<4096xf32, #tpu.memory_space<vmem>>, vector<16xf32>,
        %get3A_138 = arith.constant 0 : i32
        %get3A_139 = arith.index_cast %get3A_138 : i32 to index
        %get3A_140 = arith.constant 208 : index
        %get3A_141 = tpu.vector_load %arg5[%get3A_139, %get3A_140] {strides = array<i32>} : memref<4x1000xf32, #tpu.memory_space<vmem>>, vector<16xf32>,
        %swap3A_142 = arith.constant 208 : index
        %swap3A_143 = tpu.vector_load %arg7[%swap3A_142] {strides = array<i32>} : memref<4096xf32, #tpu.memory_space<vmem>>, vector<16xf32>,
        tpu.vector_store %arg7[%swap3A_142], %get3A_141 {strides = array<i32>} : memref<4096xf32, #tpu.memory_space<vmem>>, vector<16xf32>,
        %get3A_144 = arith.constant 0 : i32
        %get3A_145 = arith.index_cast %get3A_144 : i32 to index
        %get3A_146 = arith.constant 224 : index
        %get3A_147 = tpu.vector_load %arg5[%get3A_145, %get3A_146] {strides = array<i32>} : memref<4x1000xf32, #tpu.memory_space<vmem>>, vector<16xf32>,
        %swap3A_148 = arith.constant 224 : index
        %swap3A_149 = tpu.vector_load %arg7[%swap3A_148] {strides = array<i32>} : memref<4096xf32, #tpu.memory_space<vmem>>, vector<16xf32>,
        tpu.vector_store %arg7[%swap3A_148], %get3A_147 {strides = array<i32>} : memref<4096xf32, #tpu.memory_space<vmem>>, vector<16xf32>,
        %get3A_150 = arith.constant 0 : i32
        %get3A_151 = arith.index_cast %get3A_150 : i32 to index
        %get3A_152 = arith.constant 240 : index
        %get3A_153 = tpu.vector_load %arg5[%get3A_151, %get3A_152] {strides = array<i32>} : memref<4x1000xf32, #tpu.memory_space<vmem>>, vector<16xf32>,
        %swap3A_154 = arith.constant 240 : index
        %swap3A_155 = tpu.vector_load %arg7[%swap3A_154] {strides = array<i32>} : memref<4096xf32, #tpu.memory_space<vmem>>, vector<16xf32>,
        tpu.vector_store %arg7[%swap3A_154], %get3A_153 {strides = array<i32>} : memref<4096xf32, #tpu.memory_space<vmem>>, vector<16xf32>,
        %get3A_156 = arith.constant 0 : i32
        %get3A_157 = arith.index_cast %get3A_156 : i32 to index
        %get3A_158 = arith.constant 256 : index
        %get3A_159 = tpu.vector_load %arg5[%get3A_157, %get3A_158] {strides = array<i32>} : memref<4x1000xf32, #tpu.memory_space<vmem>>, vector<16xf32>,
        %swap3A_160 = arith.constant 256 : index
        %swap3A_161 = tpu.vector_load %arg7[%swap3A_160] {strides = array<i32>} : memref<4096xf32, #tpu.memory_space<vmem>>, vector<16xf32>,
        tpu.vector_store %arg7[%swap3A_160], %get3A_159 {strides = array<i32>} : memref<4096xf32, #tpu.memory_space<vmem>>, vector<16xf32>,
        %get3A_162 = arith.constant 0 : i32
        %get3A_163 = arith.index_cast %get3A_162 : i32 to index
        %get3A_164 = arith.constant 272 : index
        %get3A_165 = tpu.vector_load %arg5[%get3A_163, %get3A_164] {strides = array<i32>} : memref<4x1000xf32, #tpu.memory_space<vmem>>, vector<16xf32>,
        %swap3A_166 = arith.constant 272 : index
        %swap3A_167 = tpu.vector_load %arg7[%swap3A_166] {strides = array<i32>} : memref<4096xf32, #tpu.memory_space<vmem>>, vector<16xf32>,
        tpu.vector_store %arg7[%swap3A_166], %get3A_165 {strides = array<i32>} : memref<4096xf32, #tpu.memory_space<vmem>>, vector<16xf32>,
        %get3A_168 = arith.constant 0 : i32
        %get3A_169 = arith.index_cast %get3A_168 : i32 to index
        %get3A_170 = arith.constant 288 : index
        %get3A_171 = tpu.vector_load %arg5[%get3A_169, %get3A_170] {strides = array<i32>} : memref<4x1000xf32, #tpu.memory_space<vmem>>, vector<16xf32>,
        %swap3A_172 = arith.constant 288 : index
        %swap3A_173 = tpu.vector_load %arg7[%swap3A_172] {strides = array<i32>} : memref<4096xf32, #tpu.memory_space<vmem>>, vector<16xf32>,
        tpu.vector_store %arg7[%swap3A_172], %get3A_171 {strides = array<i32>} : memref<4096xf32, #tpu.memory_space<vmem>>, vector<16xf32>,
        %get3A_174 = arith.constant 0 : i32
        %get3A_175 = arith.index_cast %get3A_174 : i32 to index
        %get3A_176 = arith.constant 304 : index
        %get3A_177 = tpu.vector_load %arg5[%get3A_175, %get3A_176] {strides = array<i32>} : memref<4x1000xf32, #tpu.memory_space<vmem>>, vector<16xf32>,
        %swap3A_178 = arith.constant 304 : index
        %swap3A_179 = tpu.vector_load %arg7[%swap3A_178] {strides = array<i32>} : memref<4096xf32, #tpu.memory_space<vmem>>, vector<16xf32>,
        tpu.vector_store %arg7[%swap3A_178], %get3A_177 {strides = array<i32>} : memref<4096xf32, #tpu.memory_space<vmem>>, vector<16xf32>,
        %get3A_180 = arith.constant 0 : i32
        %get3A_181 = arith.index_cast %get3A_180 : i32 to index
        %get3A_182 = arith.constant 320 : index
        %get3A_183 = tpu.vector_load %arg5[%get3A_181, %get3A_182] {strides = array<i32>} : memref<4x1000xf32, #tpu.memory_space<vmem>>, vector<16xf32>,
        %swap3A_184 = arith.constant 320 : index
        %swap3A_185 = tpu.vector_load %arg7[%swap3A_184] {strides = array<i32>} : memref<4096xf32, #tpu.memory_space<vmem>>, vector<16xf32>,
        tpu.vector_store %arg7[%swap3A_184], %get3A_183 {strides = array<i32>} : memref<4096xf32, #tpu.memory_space<vmem>>, vector<16xf32>,
        %get3A_186 = arith.constant 0 : i32
        %get3A_187 = arith.index_cast %get3A_186 : i32 to index
        %get3A_188 = arith.constant 336 : index
        %get3A_189 = tpu.vector_load %arg5[%get3A_187, %get3A_188] {strides = array<i32>} : memref<4x1000xf32, #tpu.memory_space<vmem>>, vector<16xf32>,
        %swap3A_190 = arith.constant 336 : index
        %swap3A_191 = tpu.vector_load %arg7[%swap3A_190] {strides = array<i32>} : memref<4096xf32, #tpu.memory_space<vmem>>, vector<16xf32>,
        tpu.vector_store %arg7[%swap3A_190], %get3A_189 {strides = array<i32>} : memref<4096xf32, #tpu.memory_space<vmem>>, vector<16xf32>,
        %get3A_192 = arith.constant 0 : i32
        %get3A_193 = arith.index_cast %get3A_192 : i32 to index
        %get3A_194 = arith.constant 352 : index
        %get3A_195 = tpu.vector_load %arg5[%get3A_193, %get3A_194] {strides = array<i32>} : memref<4x1000xf32, #tpu.memory_space<vmem>>, vector<16xf32>,
        %swap3A_196 = arith.constant 352 : index
        %swap3A_197 = tpu.vector_load %arg7[%swap3A_196] {strides = array<i32>} : memref<4096xf32, #tpu.memory_space<vmem>>, vector<16xf32>,
        tpu.vector_store %arg7[%swap3A_196], %get3A_195 {strides = array<i32>} : memref<4096xf32, #tpu.memory_space<vmem>>, vector<16xf32>,
        %get3A_198 = arith.constant 0 : i32
        %get3A_199 = arith.index_cast %get3A_198 : i32 to index
        %get3A_200 = arith.constant 368 : index
        %get3A_201 = tpu.vector_load %arg5[%get3A_199, %get3A_200] {strides = array<i32>} : memref<4x1000xf32, #tpu.memory_space<vmem>>, vector<16xf32>,
        %swap3A_202 = arith.constant 368 : index
        %swap3A_203 = tpu.vector_load %arg7[%swap3A_202] {strides = array<i32>} : memref<4096xf32, #tpu.memory_space<vmem>>, vector<16xf32>,
        tpu.vector_store %arg7[%swap3A_202], %get3A_201 {strides = array<i32>} : memref<4096xf32, #tpu.memory_space<vmem>>, vector<16xf32>,
        %get3A_204 = arith.constant 0 : i32
        %get3A_205 = arith.index_cast %get3A_204 : i32 to index
        %get3A_206 = arith.constant 384 : index
        %get3A_207 = tpu.vector_load %arg5[%get3A_205, %get3A_206] {strides = array<i32>} : memref<4x1000xf32, #tpu.memory_space<vmem>>, vector<16xf32>,
        %swap3A_208 = arith.constant 384 : index
        %swap3A_209 = tpu.vector_load %arg7[%swap3A_208] {strides = array<i32>} : memref<4096xf32, #tpu.memory_space<vmem>>, vector<16xf32>,
        tpu.vector_store %arg7[%swap3A_208], %get3A_207 {strides = array<i32>} : memref<4096xf32, #tpu.memory_space<vmem>>, vector<16xf32>,
        %get3A_210 = arith.constant 0 : i32
        %get3A_211 = arith.index_cast %get3A_210 : i32 to index
        %get3A_212 = arith.constant 400 : index
        %get3A_213 = tpu.vector_load %arg5[%get3A_211, %get3A_212] {strides = array<i32>} : memref<4x1000xf32, #tpu.memory_space<vmem>>, vector<16xf32>,
        %swap3A_214 = arith.constant 400 : index
        %swap3A_215 = tpu.vector_load %arg7[%swap3A_214] {strides = array<i32>} : memref<4096xf32, #tpu.memory_space<vmem>>, vector<16xf32>,
        tpu.vector_store %arg7[%swap3A_214], %get3A_213 {strides = array<i32>} : memref<4096xf32, #tpu.memory_space<vmem>>, vector<16xf32>,
        %get3A_216 = arith.constant 0 : i32
        %get3A_217 = arith.index_cast %get3A_216 : i32 to index
        %get3A_218 = arith.constant 416 : index
        %get3A_219 = tpu.vector_load %arg5[%get3A_217, %get3A_218] {strides = array<i32>} : memref<4x1000xf32, #tpu.memory_space<vmem>>, vector<16xf32>,
        %swap3A_220 = arith.constant 416 : index
        %swap3A_221 = tpu.vector_load %arg7[%swap3A_220] {strides = array<i32>} : memref<4096xf32, #tpu.memory_space<vmem>>, vector<16xf32>,
        tpu.vector_store %arg7[%swap3A_220], %get3A_219 {strides = array<i32>} : memref<4096xf32, #tpu.memory_space<vmem>>, vector<16xf32>,
        %get3A_222 = arith.constant 0 : i32
        %get3A_223 = arith.index_cast %get3A_222 : i32 to index
        %get3A_224 = arith.constant 432 : index
        %get3A_225 = tpu.vector_load %arg5[%get3A_223, %get3A_224] {strides = array<i32>} : memref<4x1000xf32, #tpu.memory_space<vmem>>, vector<16xf32>,
        %swap3A_226 = arith.constant 432 : index
        %swap3A_227 = tpu.vector_load %arg7[%swap3A_226] {strides = array<i32>} : memref<4096xf32, #tpu.memory_space<vmem>>, vector<16xf32>,
        tpu.vector_store %arg7[%swap3A_226], %get3A_225 {strides = array<i32>} : memref<4096xf32, #tpu.memory_space<vmem>>, vector<16xf32>,
        %get3A_228 = arith.constant 0 : i32
        %get3A_229 = arith.index_cast %get3A_228 : i32 to index
        %get3A_230 = arith.constant 448 : index
        %get3A_231 = tpu.vector_load %arg5[%get3A_229, %get3A_230] {strides = array<i32>} : memref<4x1000xf32, #tpu.memory_space<vmem>>, vector<16xf32>,
        %swap3A_232 = arith.constant 448 : index
        %swap3A_233 = tpu.vector_load %arg7[%swap3A_232] {strides = array<i32>} : memref<4096xf32, #tpu.memory_space<vmem>>, vector<16xf32>,
        tpu.vector_store %arg7[%swap3A_232], %get3A_231 {strides = array<i32>} : memref<4096xf32, #tpu.memory_space<vmem>>, vector<16xf32>,
        %get3A_234 = arith.constant 0 : i32
        %get3A_235 = arith.index_cast %get3A_234 : i32 to index
        %get3A_236 = arith.constant 464 : index
        %get3A_237 = tpu.vector_load %arg5[%get3A_235, %get3A_236] {strides = array<i32>} : memref<4x1000xf32, #tpu.memory_space<vmem>>, vector<16xf32>,
        %swap3A_238 = arith.constant 464 : index
        %swap3A_239 = tpu.vector_load %arg7[%swap3A_238] {strides = array<i32>} : memref<4096xf32, #tpu.memory_space<vmem>>, vector<16xf32>,
        tpu.vector_store %arg7[%swap3A_238], %get3A_237 {strides = array<i32>} : memref<4096xf32, #tpu.memory_space<vmem>>, vector<16xf32>,
        %get3A_240 = arith.constant 0 : i32
        %get3A_241 = arith.index_cast %get3A_240 : i32 to index
        %get3A_242 = arith.constant 480 : index
        %get3A_243 = tpu.vector_load %arg5[%get3A_241, %get3A_242] {strides = array<i32>} : memref<4x1000xf32, #tpu.memory_space<vmem>>, vector<16xf32>,
        %swap3A_244 = arith.constant 480 : index
        %swap3A_245 = tpu.vector_load %arg7[%swap3A_244] {strides = array<i32>} : memref<4096xf32, #tpu.memory_space<vmem>>, vector<16xf32>,
        tpu.vector_store %arg7[%swap3A_244], %get3A_243 {strides = array<i32>} : memref<4096xf32, #tpu.memory_space<vmem>>, vector<16xf32>,
        %get3A_246 = arith.constant 0 : i32
        %get3A_247 = arith.index_cast %get3A_246 : i32 to index
        %get3A_248 = arith.constant 496 : index
        %get3A_249 = tpu.vector_load %arg5[%get3A_247, %get3A_248] {strides = array<i32>} : memref<4x1000xf32, #tpu.memory_space<vmem>>, vector<16xf32>,
        %swap3A_250 = arith.constant 496 : index
        %swap3A_251 = tpu.vector_load %arg7[%swap3A_250] {strides = array<i32>} : memref<4096xf32, #tpu.memory_space<vmem>>, vector<16xf32>,
        tpu.vector_store %arg7[%swap3A_250], %get3A_249 {strides = array<i32>} : memref<4096xf32, #tpu.memory_space<vmem>>, vector<16xf32>,
        %get3A_252 = arith.constant 0 : i32
        %get3A_253 = arith.index_cast %get3A_252 : i32 to index
        %get3A_254 = arith.constant 512 : index
        %get3A_255 = tpu.vector_load %arg5[%get3A_253, %get3A_254] {strides = array<i32>} : memref<4x1000xf32, #tpu.memory_space<vmem>>, vector<16xf32>,
        %swap3A_256 = arith.constant 512 : index
        %swap3A_257 = tpu.vector_load %arg7[%swap3A_256] {strides = array<i32>} : memref<4096xf32, #tpu.memory_space<vmem>>, vector<16xf32>,
        tpu.vector_store %arg7[%swap3A_256], %get3A_255 {strides = array<i32>} : memref<4096xf32, #tpu.memory_space<vmem>>, vector<16xf32>,
        %get3A_258 = arith.constant 0 : i32
        %get3A_259 = arith.index_cast %get3A_258 : i32 to index
        %get3A_260 = arith.constant 528 : index
        %get3A_261 = tpu.vector_load %arg5[%get3A_259, %get3A_260] {strides = array<i32>} : memref<4x1000xf32, #tpu.memory_space<vmem>>, vector<16xf32>,
        %swap3A_262 = arith.constant 528 : index
        %swap3A_263 = tpu.vector_load %arg7[%swap3A_262] {strides = array<i32>} : memref<4096xf32, #tpu.memory_space<vmem>>, vector<16xf32>,
        tpu.vector_store %arg7[%swap3A_262], %get3A_261 {strides = array<i32>} : memref<4096xf32, #tpu.memory_space<vmem>>, vector<16xf32>,
        %get3A_264 = arith.constant 0 : i32
        %get3A_265 = arith.index_cast %get3A_264 : i32 to index
        %get3A_266 = arith.constant 544 : index
        %get3A_267 = tpu.vector_load %arg5[%get3A_265, %get3A_266] {strides = array<i32>} : memref<4x1000xf32, #tpu.memory_space<vmem>>, vector<16xf32>,
        %swap3A_268 = arith.constant 544 : index
        %swap3A_269 = tpu.vector_load %arg7[%swap3A_268] {strides = array<i32>} : memref<4096xf32, #tpu.memory_space<vmem>>, vector<16xf32>,
        tpu.vector_store %arg7[%swap3A_268], %get3A_267 {strides = array<i32>} : memref<4096xf32, #tpu.memory_space<vmem>>, vector<16xf32>,
        %get3A_270 = arith.constant 0 : i32
        %get3A_271 = arith.index_cast %get3A_270 : i32 to index
        %get3A_272 = arith.constant 560 : index
        %get3A_273 = tpu.vector_load %arg5[%get3A_271, %get3A_272] {strides = array<i32>} : memref<4x1000xf32, #tpu.memory_space<vmem>>, vector<16xf32>,
        %swap3A_274 = arith.constant 560 : index
        %swap3A_275 = tpu.vector_load %arg7[%swap3A_274] {strides = array<i32>} : memref<4096xf32, #tpu.memory_space<vmem>>, vector<16xf32>,
        tpu.vector_store %arg7[%swap3A_274], %get3A_273 {strides = array<i32>} : memref<4096xf32, #tpu.memory_space<vmem>>, vector<16xf32>,
        %get3A_276 = arith.constant 0 : i32
        %get3A_277 = arith.index_cast %get3A_276 : i32 to index
        %get3A_278 = arith.constant 576 : index
        %get3A_279 = tpu.vector_load %arg5[%get3A_277, %get3A_278] {strides = array<i32>} : memref<4x1000xf32, #tpu.memory_space<vmem>>, vector<16xf32>,
        %swap3A_280 = arith.constant 576 : index
        %swap3A_281 = tpu.vector_load %arg7[%swap3A_280] {strides = array<i32>} : memref<4096xf32, #tpu.memory_space<vmem>>, vector<16xf32>,
        tpu.vector_store %arg7[%swap3A_280], %get3A_279 {strides = array<i32>} : memref<4096xf32, #tpu.memory_space<vmem>>, vector<16xf32>,
        %get3A_282 = arith.constant 0 : i32
        %get3A_283 = arith.index_cast %get3A_282 : i32 to index
        %get3A_284 = arith.constant 592 : index
        %get3A_285 = tpu.vector_load %arg5[%get3A_283, %get3A_284] {strides = array<i32>} : memref<4x1000xf32, #tpu.memory_space<vmem>>, vector<16xf32>,
        %swap3A_286 = arith.constant 592 : index
        %swap3A_287 = tpu.vector_load %arg7[%swap3A_286] {strides = array<i32>} : memref<4096xf32, #tpu.memory_space<vmem>>, vector<16xf32>,
        tpu.vector_store %arg7[%swap3A_286], %get3A_285 {strides = array<i32>} : memref<4096xf32, #tpu.memory_space<vmem>>, vector<16xf32>,
        %get3A_288 = arith.constant 0 : i32
        %get3A_289 = arith.index_cast %get3A_288 : i32 to index
        %get3A_290 = arith.constant 608 : index
        %get3A_291 = tpu.vector_load %arg5[%get3A_289, %get3A_290] {strides = array<i32>} : memref<4x1000xf32, #tpu.memory_space<vmem>>, vector<16xf32>,
        %swap3A_292 = arith.constant 608 : index
        %swap3A_293 = tpu.vector_load %arg7[%swap3A_292] {strides = array<i32>} : memref<4096xf32, #tpu.memory_space<vmem>>, vector<16xf32>,
        tpu.vector_store %arg7[%swap3A_292], %get3A_291 {strides = array<i32>} : memref<4096xf32, #tpu.memory_space<vmem>>, vector<16xf32>,
        %get3A_294 = arith.constant 0 : i32
        %get3A_295 = arith.index_cast %get3A_294 : i32 to index
        %get3A_296 = arith.constant 624 : index
        %get3A_297 = tpu.vector_load %arg5[%get3A_295, %get3A_296] {strides = array<i32>} : memref<4x1000xf32, #tpu.memory_space<vmem>>, vector<16xf32>,
        %swap3A_298 = arith.constant 624 : index
        %swap3A_299 = tpu.vector_load %arg7[%swap3A_298] {strides = array<i32>} : memref<4096xf32, #tpu.memory_space<vmem>>, vector<16xf32>,
        tpu.vector_store %arg7[%swap3A_298], %get3A_297 {strides = array<i32>} : memref<4096xf32, #tpu.memory_space<vmem>>, vector<16xf32>,
        %get3A_300 = arith.constant 0 : i32
        %get3A_301 = arith.index_cast %get3A_300 : i32 to index
        %get3A_302 = arith.constant 640 : index
        %get3A_303 = tpu.vector_load %arg5[%get3A_301, %get3A_302] {strides = array<i32>} : memref<4x1000xf32, #tpu.memory_space<vmem>>, vector<16xf32>,
        %swap3A_304 = arith.constant 640 : index
        %swap3A_305 = tpu.vector_load %arg7[%swap3A_304] {strides = array<i32>} : memref<4096xf32, #tpu.memory_space<vmem>>, vector<16xf32>,
        tpu.vector_store %arg7[%swap3A_304], %get3A_303 {strides = array<i32>} : memref<4096xf32, #tpu.memory_space<vmem>>, vector<16xf32>,
        %get3A_306 = arith.constant 0 : i32
        %get3A_307 = arith.index_cast %get3A_306 : i32 to index
        %get3A_308 = arith.constant 656 : index
        %get3A_309 = tpu.vector_load %arg5[%get3A_307, %get3A_308] {strides = array<i32>} : memref<4x1000xf32, #tpu.memory_space<vmem>>, vector<16xf32>,
        %swap3A_310 = arith.constant 656 : index
        %swap3A_311 = tpu.vector_load %arg7[%swap3A_310] {strides = array<i32>} : memref<4096xf32, #tpu.memory_space<vmem>>, vector<16xf32>,
        tpu.vector_store %arg7[%swap3A_310], %get3A_309 {strides = array<i32>} : memref<4096xf32, #tpu.memory_space<vmem>>, vector<16xf32>,
        %get3A_312 = arith.constant 0 : i32
        %get3A_313 = arith.index_cast %get3A_312 : i32 to index
        %get3A_314 = arith.constant 672 : index
        %get3A_315 = tpu.vector_load %arg5[%get3A_313, %get3A_314] {strides = array<i32>} : memref<4x1000xf32, #tpu.memory_space<vmem>>, vector<16xf32>,
        %swap3A_316 = arith.constant 672 : index
        %swap3A_317 = tpu.vector_load %arg7[%swap3A_316] {strides = array<i32>} : memref<4096xf32, #tpu.memory_space<vmem>>, vector<16xf32>,
        tpu.vector_store %arg7[%swap3A_316], %get3A_315 {strides = array<i32>} : memref<4096xf32, #tpu.memory_space<vmem>>, vector<16xf32>,
        %get3A_318 = arith.constant 0 : i32
        %get3A_319 = arith.index_cast %get3A_318 : i32 to index
        %get3A_320 = arith.constant 688 : index
        %get3A_321 = tpu.vector_load %arg5[%get3A_319, %get3A_320] {strides = array<i32>} : memref<4x1000xf32, #tpu.memory_space<vmem>>, vector<16xf32>,
        %swap3A_322 = arith.constant 688 : index
        %swap3A_323 = tpu.vector_load %arg7[%swap3A_322] {strides = array<i32>} : memref<4096xf32, #tpu.memory_space<vmem>>, vector<16xf32>,
        tpu.vector_store %arg7[%swap3A_322], %get3A_321 {strides = array<i32>} : memref<4096xf32, #tpu.memory_space<vmem>>, vector<16xf32>,
        %get3A_324 = arith.constant 0 : i32
        %get3A_325 = arith.index_cast %get3A_324 : i32 to index
        %get3A_326 = arith.constant 704 : index
        %get3A_327 = tpu.vector_load %arg5[%get3A_325, %get3A_326] {strides = array<i32>} : memref<4x1000xf32, #tpu.memory_space<vmem>>, vector<16xf32>,
        %swap3A_328 = arith.constant 704 : index
        %swap3A_329 = tpu.vector_load %arg7[%swap3A_328] {strides = array<i32>} : memref<4096xf32, #tpu.memory_space<vmem>>, vector<16xf32>,
        tpu.vector_store %arg7[%swap3A_328], %get3A_327 {strides = array<i32>} : memref<4096xf32, #tpu.memory_space<vmem>>, vector<16xf32>,
        %get3A_330 = arith.constant 0 : i32
        %get3A_331 = arith.index_cast %get3A_330 : i32 to index
        %get3A_332 = arith.constant 720 : index
        %get3A_333 = tpu.vector_load %arg5[%get3A_331, %get3A_332] {strides = array<i32>} : memref<4x1000xf32, #tpu.memory_space<vmem>>, vector<16xf32>,
        %swap3A_334 = arith.constant 720 : index
        %swap3A_335 = tpu.vector_load %arg7[%swap3A_334] {strides = array<i32>} : memref<4096xf32, #tpu.memory_space<vmem>>, vector<16xf32>,
        tpu.vector_store %arg7[%swap3A_334], %get3A_333 {strides = array<i32>} : memref<4096xf32, #tpu.memory_space<vmem>>, vector<16xf32>,
        %get3A_336 = arith.constant 0 : i32
        %get3A_337 = arith.index_cast %get3A_336 : i32 to index
        %get3A_338 = arith.constant 736 : index
        %get3A_339 = tpu.vector_load %arg5[%get3A_337, %get3A_338] {strides = array<i32>} : memref<4x1000xf32, #tpu.memory_space<vmem>>, vector<16xf32>,
        %swap3A_340 = arith.constant 736 : index
        %swap3A_341 = tpu.vector_load %arg7[%swap3A_340] {strides = array<i32>} : memref<4096xf32, #tpu.memory_space<vmem>>, vector<16xf32>,
        tpu.vector_store %arg7[%swap3A_340], %get3A_339 {strides = array<i32>} : memref<4096xf32, #tpu.memory_space<vmem>>, vector<16xf32>,
        %get3A_342 = arith.constant 0 : i32
        %get3A_343 = arith.index_cast %get3A_342 : i32 to index
        %get3A_344 = arith.constant 752 : index
        %get3A_345 = tpu.vector_load %arg5[%get3A_343, %get3A_344] {strides = array<i32>} : memref<4x1000xf32, #tpu.memory_space<vmem>>, vector<16xf32>,
        %swap3A_346 = arith.constant 752 : index
        %swap3A_347 = tpu.vector_load %arg7[%swap3A_346] {strides = array<i32>} : memref<4096xf32, #tpu.memory_space<vmem>>, vector<16xf32>,
        tpu.vector_store %arg7[%swap3A_346], %get3A_345 {strides = array<i32>} : memref<4096xf32, #tpu.memory_space<vmem>>, vector<16xf32>,
        %get3A_348 = arith.constant 0 : i32
        %get3A_349 = arith.index_cast %get3A_348 : i32 to index
        %get3A_350 = arith.constant 768 : index
        %get3A_351 = tpu.vector_load %arg5[%get3A_349, %get3A_350] {strides = array<i32>} : memref<4x1000xf32, #tpu.memory_space<vmem>>, vector<16xf32>,
        %swap3A_352 = arith.constant 768 : index
        %swap3A_353 = tpu.vector_load %arg7[%swap3A_352] {strides = array<i32>} : memref<4096xf32, #tpu.memory_space<vmem>>, vector<16xf32>,
        tpu.vector_store %arg7[%swap3A_352], %get3A_351 {strides = array<i32>} : memref<4096xf32, #tpu.memory_space<vmem>>, vector<16xf32>,
        %get3A_354 = arith.constant 0 : i32
        %get3A_355 = arith.index_cast %get3A_354 : i32 to index
        %get3A_356 = arith.constant 784 : index
        %get3A_357 = tpu.vector_load %arg5[%get3A_355, %get3A_356] {strides = array<i32>} : memref<4x1000xf32, #tpu.memory_space<vmem>>, vector<16xf32>,
        %swap3A_358 = arith.constant 784 : index
        %swap3A_359 = tpu.vector_load %arg7[%swap3A_358] {strides = array<i32>} : memref<4096xf32, #tpu.memory_space<vmem>>, vector<16xf32>,
        tpu.vector_store %arg7[%swap3A_358], %get3A_357 {strides = array<i32>} : memref<4096xf32, #tpu.memory_space<vmem>>, vector<16xf32>,
        %get3A_360 = arith.constant 0 : i32
        %get3A_361 = arith.index_cast %get3A_360 : i32 to index
        %get3A_362 = arith.constant 800 : index
        %get3A_363 = tpu.vector_load %arg5[%get3A_361, %get3A_362] {strides = array<i32>} : memref<4x1000xf32, #tpu.memory_space<vmem>>, vector<16xf32>,
        %swap3A_364 = arith.constant 800 : index
        %swap3A_365 = tpu.vector_load %arg7[%swap3A_364] {strides = array<i32>} : memref<4096xf32, #tpu.memory_space<vmem>>, vector<16xf32>,
        tpu.vector_store %arg7[%swap3A_364], %get3A_363 {strides = array<i32>} : memref<4096xf32, #tpu.memory_space<vmem>>, vector<16xf32>,
        %get3A_366 = arith.constant 0 : i32
        %get3A_367 = arith.index_cast %get3A_366 : i32 to index
        %get3A_368 = arith.constant 816 : index
        %get3A_369 = tpu.vector_load %arg5[%get3A_367, %get3A_368] {strides = array<i32>} : memref<4x1000xf32, #tpu.memory_space<vmem>>, vector<16xf32>,
        %swap3A_370 = arith.constant 816 : index
        %swap3A_371 = tpu.vector_load %arg7[%swap3A_370] {strides = array<i32>} : memref<4096xf32, #tpu.memory_space<vmem>>, vector<16xf32>,
        tpu.vector_store %arg7[%swap3A_370], %get3A_369 {strides = array<i32>} : memref<4096xf32, #tpu.memory_space<vmem>>, vector<16xf32>,
        %get3A_372 = arith.constant 0 : i32
        %get3A_373 = arith.index_cast %get3A_372 : i32 to index
        %get3A_374 = arith.constant 832 : index
        %get3A_375 = tpu.vector_load %arg5[%get3A_373, %get3A_374] {strides = array<i32>} : memref<4x1000xf32, #tpu.memory_space<vmem>>, vector<16xf32>,
        %swap3A_376 = arith.constant 832 : index
        %swap3A_377 = tpu.vector_load %arg7[%swap3A_376] {strides = array<i32>} : memref<4096xf32, #tpu.memory_space<vmem>>, vector<16xf32>,
        tpu.vector_store %arg7[%swap3A_376], %get3A_375 {strides = array<i32>} : memref<4096xf32, #tpu.memory_space<vmem>>, vector<16xf32>,
        %get3A_378 = arith.constant 0 : i32
        %get3A_379 = arith.index_cast %get3A_378 : i32 to index
        %get3A_380 = arith.constant 848 : index
        %get3A_381 = tpu.vector_load %arg5[%get3A_379, %get3A_380] {strides = array<i32>} : memref<4x1000xf32, #tpu.memory_space<vmem>>, vector<16xf32>,
        %swap3A_382 = arith.constant 848 : index
        %swap3A_383 = tpu.vector_load %arg7[%swap3A_382] {strides = array<i32>} : memref<4096xf32, #tpu.memory_space<vmem>>, vector<16xf32>,
        tpu.vector_store %arg7[%swap3A_382], %get3A_381 {strides = array<i32>} : memref<4096xf32, #tpu.memory_space<vmem>>, vector<16xf32>,
        %get3A_384 = arith.constant 0 : i32
        %get3A_385 = arith.index_cast %get3A_384 : i32 to index
        %get3A_386 = arith.constant 864 : index
        %get3A_387 = tpu.vector_load %arg5[%get3A_385, %get3A_386] {strides = array<i32>} : memref<4x1000xf32, #tpu.memory_space<vmem>>, vector<16xf32>,
        %swap3A_388 = arith.constant 864 : index
        %swap3A_389 = tpu.vector_load %arg7[%swap3A_388] {strides = array<i32>} : memref<4096xf32, #tpu.memory_space<vmem>>, vector<16xf32>,
        tpu.vector_store %arg7[%swap3A_388], %get3A_387 {strides = array<i32>} : memref<4096xf32, #tpu.memory_space<vmem>>, vector<16xf32>,
        %get3A_390 = arith.constant 0 : i32
        %get3A_391 = arith.index_cast %get3A_390 : i32 to index
        %get3A_392 = arith.constant 880 : index
        %get3A_393 = tpu.vector_load %arg5[%get3A_391, %get3A_392] {strides = array<i32>} : memref<4x1000xf32, #tpu.memory_space<vmem>>, vector<16xf32>,
        %swap3A_394 = arith.constant 880 : index
        %swap3A_395 = tpu.vector_load %arg7[%swap3A_394] {strides = array<i32>} : memref<4096xf32, #tpu.memory_space<vmem>>, vector<16xf32>,
        tpu.vector_store %arg7[%swap3A_394], %get3A_393 {strides = array<i32>} : memref<4096xf32, #tpu.memory_space<vmem>>, vector<16xf32>,
        %get3A_396 = arith.constant 0 : i32
        %get3A_397 = arith.index_cast %get3A_396 : i32 to index
        %get3A_398 = arith.constant 896 : index
        %get3A_399 = tpu.vector_load %arg5[%get3A_397, %get3A_398] {strides = array<i32>} : memref<4x1000xf32, #tpu.memory_space<vmem>>, vector<16xf32>,
        %swap3A_400 = arith.constant 896 : index
        %swap3A_401 = tpu.vector_load %arg7[%swap3A_400] {strides = array<i32>} : memref<4096xf32, #tpu.memory_space<vmem>>, vector<16xf32>,
        tpu.vector_store %arg7[%swap3A_400], %get3A_399 {strides = array<i32>} : memref<4096xf32, #tpu.memory_space<vmem>>, vector<16xf32>,
        %get3A_402 = arith.constant 0 : i32
        %get3A_403 = arith.index_cast %get3A_402 : i32 to index
        %get3A_404 = arith.constant 912 : index
        %get3A_405 = tpu.vector_load %arg5[%get3A_403, %get3A_404] {strides = array<i32>} : memref<4x1000xf32, #tpu.memory_space<vmem>>, vector<16xf32>,
        %swap3A_406 = arith.constant 912 : index
        %swap3A_407 = tpu.vector_load %arg7[%swap3A_406] {strides = array<i32>} : memref<4096xf32, #tpu.memory_space<vmem>>, vector<16xf32>,
        tpu.vector_store %arg7[%swap3A_406], %get3A_405 {strides = array<i32>} : memref<4096xf32, #tpu.memory_space<vmem>>, vector<16xf32>,
        %get3A_408 = arith.constant 0 : i32
        %get3A_409 = arith.index_cast %get3A_408 : i32 to index
        %get3A_410 = arith.constant 928 : index
        %get3A_411 = tpu.vector_load %arg5[%get3A_409, %get3A_410] {strides = array<i32>} : memref<4x1000xf32, #tpu.memory_space<vmem>>, vector<16xf32>,
        %swap3A_412 = arith.constant 928 : index
        %swap3A_413 = tpu.vector_load %arg7[%swap3A_412] {strides = array<i32>} : memref<4096xf32, #tpu.memory_space<vmem>>, vector<16xf32>,
        tpu.vector_store %arg7[%swap3A_412], %get3A_411 {strides = array<i32>} : memref<4096xf32, #tpu.memory_space<vmem>>, vector<16xf32>,
        %get3A_414 = arith.constant 0 : i32
        %get3A_415 = arith.index_cast %get3A_414 : i32 to index
        %get3A_416 = arith.constant 944 : index
        %get3A_417 = tpu.vector_load %arg5[%get3A_415, %get3A_416] {strides = array<i32>} : memref<4x1000xf32, #tpu.memory_space<vmem>>, vector<16xf32>,
        %swap3A_418 = arith.constant 944 : index
        %swap3A_419 = tpu.vector_load %arg7[%swap3A_418] {strides = array<i32>} : memref<4096xf32, #tpu.memory_space<vmem>>, vector<16xf32>,
        tpu.vector_store %arg7[%swap3A_418], %get3A_417 {strides = array<i32>} : memref<4096xf32, #tpu.memory_space<vmem>>, vector<16xf32>,
        %get3A_420 = arith.constant 0 : i32
        %get3A_421 = arith.index_cast %get3A_420 : i32 to index
        %get3A_422 = arith.constant 960 : index
        %get3A_423 = tpu.vector_load %arg5[%get3A_421, %get3A_422] {strides = array<i32>} : memref<4x1000xf32, #tpu.memory_space<vmem>>, vector<16xf32>,
        %swap3A_424 = arith.constant 960 : index
        %swap3A_425 = tpu.vector_load %arg7[%swap3A_424] {strides = array<i32>} : memref<4096xf32, #tpu.memory_space<vmem>>, vector<16xf32>,
        tpu.vector_store %arg7[%swap3A_424], %get3A_423 {strides = array<i32>} : memref<4096xf32, #tpu.memory_space<vmem>>, vector<16xf32>,
        %get3A_426 = arith.constant 0 : i32
        %get3A_427 = arith.index_cast %get3A_426 : i32 to index
        %get3A_428 = arith.constant 976 : index
        %get3A_429 = tpu.vector_load %arg5[%get3A_427, %get3A_428] {strides = array<i32>} : memref<4x1000xf32, #tpu.memory_space<vmem>>, vector<16xf32>,
        %swap3A_430 = arith.constant 976 : index
        %swap3A_431 = tpu.vector_load %arg7[%swap3A_430] {strides = array<i32>} : memref<4096xf32, #tpu.memory_space<vmem>>, vector<16xf32>,
        tpu.vector_store %arg7[%swap3A_430], %get3A_429 {strides = array<i32>} : memref<4096xf32, #tpu.memory_space<vmem>>, vector<16xf32>,
        %get3A_432 = arith.constant 0 : i32
        %get3A_433 = arith.index_cast %get3A_432 : i32 to index
        %get3A_434 = arith.constant 984 : index
        %get3A_435 = tpu.vector_load %arg5[%get3A_433, %get3A_434] {strides = array<i32>} : memref<4x1000xf32, #tpu.memory_space<vmem>>, vector<16xf32>,
        %swap3A_436 = arith.constant 984 : index
        %swap3A_437 = tpu.vector_load %arg7[%swap3A_436] {strides = array<i32>} : memref<4096xf32, #tpu.memory_space<vmem>>, vector<16xf32>,
        tpu.vector_store %arg7[%swap3A_436], %get3A_435 {strides = array<i32>} : memref<4096xf32, #tpu.memory_space<vmem>>, vector<16xf32>,
        %get3A_438 = arith.constant 1 : i32
        %get3A_439 = arith.index_cast %get3A_438 : i32 to index
        %get3A_440 = arith.constant 0 : index
        %get3A_441 = tpu.vector_load %arg5[%get3A_439, %get3A_440] {strides = array<i32>} : memref<4x1000xf32, #tpu.memory_space<vmem>>, vector<16xf32>,
        %swap3A_442 = arith.constant 1024 : index
        %swap3A_443 = tpu.vector_load %arg7[%swap3A_442] {strides = array<i32>} : memref<4096xf32, #tpu.memory_space<vmem>>, vector<16xf32>,
        tpu.vector_store %arg7[%swap3A_442], %get3A_441 {strides = array<i32>} : memref<4096xf32, #tpu.memory_space<vmem>>, vector<16xf32>,
        %get3A_444 = arith.constant 1 : i32
        %get3A_445 = arith.index_cast %get3A_444 : i32 to index
        %get3A_446 = arith.constant 16 : index
        %get3A_447 = tpu.vector_load %arg5[%get3A_445, %get3A_446] {strides = array<i32>} : memref<4x1000xf32, #tpu.memory_space<vmem>>, vector<16xf32>,
        %swap3A_448 = arith.constant 1040 : index
        %swap3A_449 = tpu.vector_load %arg7[%swap3A_448] {strides = array<i32>} : memref<4096xf32, #tpu.memory_space<vmem>>, vector<16xf32>,
        tpu.vector_store %arg7[%swap3A_448], %get3A_447 {strides = array<i32>} : memref<4096xf32, #tpu.memory_space<vmem>>, vector<16xf32>,
        %get3A_450 = arith.constant 1 : i32
        %get3A_451 = arith.index_cast %get3A_450 : i32 to index
        %get3A_452 = arith.constant 32 : index
        %get3A_453 = tpu.vector_load %arg5[%get3A_451, %get3A_452] {strides = array<i32>} : memref<4x1000xf32, #tpu.memory_space<vmem>>, vector<16xf32>,
        %swap3A_454 = arith.constant 1056 : index
        %swap3A_455 = tpu.vector_load %arg7[%swap3A_454] {strides = array<i32>} : memref<4096xf32, #tpu.memory_space<vmem>>, vector<16xf32>,
        tpu.vector_store %arg7[%swap3A_454], %get3A_453 {strides = array<i32>} : memref<4096xf32, #tpu.memory_space<vmem>>, vector<16xf32>,
        %get3A_456 = arith.constant 1 : i32
        %get3A_457 = arith.index_cast %get3A_456 : i32 to index
        %get3A_458 = arith.constant 48 : index
        %get3A_459 = tpu.vector_load %arg5[%get3A_457, %get3A_458] {strides = array<i32>} : memref<4x1000xf32, #tpu.memory_space<vmem>>, vector<16xf32>,
        %swap3A_460 = arith.constant 1072 : index
        %swap3A_461 = tpu.vector_load %arg7[%swap3A_460] {strides = array<i32>} : memref<4096xf32, #tpu.memory_space<vmem>>, vector<16xf32>,
        tpu.vector_store %arg7[%swap3A_460], %get3A_459 {strides = array<i32>} : memref<4096xf32, #tpu.memory_space<vmem>>, vector<16xf32>,
        %get3A_462 = arith.constant 1 : i32
        %get3A_463 = arith.index_cast %get3A_462 : i32 to index
        %get3A_464 = arith.constant 64 : index
        %get3A_465 = tpu.vector_load %arg5[%get3A_463, %get3A_464] {strides = array<i32>} : memref<4x1000xf32, #tpu.memory_space<vmem>>, vector<16xf32>,
        %swap3A_466 = arith.constant 1088 : index
        %swap3A_467 = tpu.vector_load %arg7[%swap3A_466] {strides = array<i32>} : memref<4096xf32, #tpu.memory_space<vmem>>, vector<16xf32>,
        tpu.vector_store %arg7[%swap3A_466], %get3A_465 {strides = array<i32>} : memref<4096xf32, #tpu.memory_space<vmem>>, vector<16xf32>,
        %get3A_468 = arith.constant 1 : i32
        %get3A_469 = arith.index_cast %get3A_468 : i32 to index
        %get3A_470 = arith.constant 80 : index
        %get3A_471 = tpu.vector_load %arg5[%get3A_469, %get3A_470] {strides = array<i32>} : memref<4x1000xf32, #tpu.memory_space<vmem>>, vector<16xf32>,
        %swap3A_472 = arith.constant 1104 : index
        %swap3A_473 = tpu.vector_load %arg7[%swap3A_472] {strides = array<i32>} : memref<4096xf32, #tpu.memory_space<vmem>>, vector<16xf32>,
        tpu.vector_store %arg7[%swap3A_472], %get3A_471 {strides = array<i32>} : memref<4096xf32, #tpu.memory_space<vmem>>, vector<16xf32>,
        %get3A_474 = arith.constant 1 : i32
        %get3A_475 = arith.index_cast %get3A_474 : i32 to index
        %get3A_476 = arith.constant 96 : index
        %get3A_477 = tpu.vector_load %arg5[%get3A_475, %get3A_476] {strides = array<i32>} : memref<4x1000xf32, #tpu.memory_space<vmem>>, vector<16xf32>,
        %swap3A_478 = arith.constant 1120 : index
        %swap3A_479 = tpu.vector_load %arg7[%swap3A_478] {strides = array<i32>} : memref<4096xf32, #tpu.memory_space<vmem>>, vector<16xf32>,
        tpu.vector_store %arg7[%swap3A_478], %get3A_477 {strides = array<i32>} : memref<4096xf32, #tpu.memory_space<vmem>>, vector<16xf32>,
        %get3A_480 = arith.constant 1 : i32
        %get3A_481 = arith.index_cast %get3A_480 : i32 to index
        %get3A_482 = arith.constant 112 : index
        %get3A_483 = tpu.vector_load %arg5[%get3A_481, %get3A_482] {strides = array<i32>} : memref<4x1000xf32, #tpu.memory_space<vmem>>, vector<16xf32>,
        %swap3A_484 = arith.constant 1136 : index
        %swap3A_485 = tpu.vector_load %arg7[%swap3A_484] {strides = array<i32>} : memref<4096xf32, #tpu.memory_space<vmem>>, vector<16xf32>,
        tpu.vector_store %arg7[%swap3A_484], %get3A_483 {strides = array<i32>} : memref<4096xf32, #tpu.memory_space<vmem>>, vector<16xf32>,
        %get3A_486 = arith.constant 1 : i32
        %get3A_487 = arith.index_cast %get3A_486 : i32 to index
        %get3A_488 = arith.constant 128 : index
        %get3A_489 = tpu.vector_load %arg5[%get3A_487, %get3A_488] {strides = array<i32>} : memref<4x1000xf32, #tpu.memory_space<vmem>>, vector<16xf32>,
        %swap3A_490 = arith.constant 1152 : index
        %swap3A_491 = tpu.vector_load %arg7[%swap3A_490] {strides = array<i32>} : memref<4096xf32, #tpu.memory_space<vmem>>, vector<16xf32>,
        tpu.vector_store %arg7[%swap3A_490], %get3A_489 {strides = array<i32>} : memref<4096xf32, #tpu.memory_space<vmem>>, vector<16xf32>,
        %get3A_492 = arith.constant 1 : i32
        %get3A_493 = arith.index_cast %get3A_492 : i32 to index
        %get3A_494 = arith.constant 144 : index
        %get3A_495 = tpu.vector_load %arg5[%get3A_493, %get3A_494] {strides = array<i32>} : memref<4x1000xf32, #tpu.memory_space<vmem>>, vector<16xf32>,
        %swap3A_496 = arith.constant 1168 : index
        %swap3A_497 = tpu.vector_load %arg7[%swap3A_496] {strides = array<i32>} : memref<4096xf32, #tpu.memory_space<vmem>>, vector<16xf32>,
        tpu.vector_store %arg7[%swap3A_496], %get3A_495 {strides = array<i32>} : memref<4096xf32, #tpu.memory_space<vmem>>, vector<16xf32>,
        %get3A_498 = arith.constant 1 : i32
        %get3A_499 = arith.index_cast %get3A_498 : i32 to index
        %get3A_500 = arith.constant 160 : index
        %get3A_501 = tpu.vector_load %arg5[%get3A_499, %get3A_500] {strides = array<i32>} : memref<4x1000xf32, #tpu.memory_space<vmem>>, vector<16xf32>,
        %swap3A_502 = arith.constant 1184 : index
        %swap3A_503 = tpu.vector_load %arg7[%swap3A_502] {strides = array<i32>} : memref<4096xf32, #tpu.memory_space<vmem>>, vector<16xf32>,
        tpu.vector_store %arg7[%swap3A_502], %get3A_501 {strides = array<i32>} : memref<4096xf32, #tpu.memory_space<vmem>>, vector<16xf32>,
        %get3A_504 = arith.constant 1 : i32
        %get3A_505 = arith.index_cast %get3A_504 : i32 to index
        %get3A_506 = arith.constant 176 : index
        %get3A_507 = tpu.vector_load %arg5[%get3A_505, %get3A_506] {strides = array<i32>} : memref<4x1000xf32, #tpu.memory_space<vmem>>, vector<16xf32>,
        %swap3A_508 = arith.constant 1200 : index
        %swap3A_509 = tpu.vector_load %arg7[%swap3A_508] {strides = array<i32>} : memref<4096xf32, #tpu.memory_space<vmem>>, vector<16xf32>,
        tpu.vector_store %arg7[%swap3A_508], %get3A_507 {strides = array<i32>} : memref<4096xf32, #tpu.memory_space<vmem>>, vector<16xf32>,
        %get3A_510 = arith.constant 1 : i32
        %get3A_511 = arith.index_cast %get3A_510 : i32 to index
        %get3A_512 = arith.constant 192 : index
        %get3A_513 = tpu.vector_load %arg5[%get3A_511, %get3A_512] {strides = array<i32>} : memref<4x1000xf32, #tpu.memory_space<vmem>>, vector<16xf32>,
        %swap3A_514 = arith.constant 1216 : index
        %swap3A_515 = tpu.vector_load %arg7[%swap3A_514] {strides = array<i32>} : memref<4096xf32, #tpu.memory_space<vmem>>, vector<16xf32>,
        tpu.vector_store %arg7[%swap3A_514], %get3A_513 {strides = array<i32>} : memref<4096xf32, #tpu.memory_space<vmem>>, vector<16xf32>,
        %get3A_516 = arith.constant 1 : i32
        %get3A_517 = arith.index_cast %get3A_516 : i32 to index
        %get3A_518 = arith.constant 208 : index
        %get3A_519 = tpu.vector_load %arg5[%get3A_517, %get3A_518] {strides = array<i32>} : memref<4x1000xf32, #tpu.memory_space<vmem>>, vector<16xf32>,
        %swap3A_520 = arith.constant 1232 : index
        %swap3A_521 = tpu.vector_load %arg7[%swap3A_520] {strides = array<i32>} : memref<4096xf32, #tpu.memory_space<vmem>>, vector<16xf32>,
        tpu.vector_store %arg7[%swap3A_520], %get3A_519 {strides = array<i32>} : memref<4096xf32, #tpu.memory_space<vmem>>, vector<16xf32>,
        %get3A_522 = arith.constant 1 : i32
        %get3A_523 = arith.index_cast %get3A_522 : i32 to index
        %get3A_524 = arith.constant 224 : index
        %get3A_525 = tpu.vector_load %arg5[%get3A_523, %get3A_524] {strides = array<i32>} : memref<4x1000xf32, #tpu.memory_space<vmem>>, vector<16xf32>,
        %swap3A_526 = arith.constant 1248 : index
        %swap3A_527 = tpu.vector_load %arg7[%swap3A_526] {strides = array<i32>} : memref<4096xf32, #tpu.memory_space<vmem>>, vector<16xf32>,
        tpu.vector_store %arg7[%swap3A_526], %get3A_525 {strides = array<i32>} : memref<4096xf32, #tpu.memory_space<vmem>>, vector<16xf32>,
        %get3A_528 = arith.constant 1 : i32
        %get3A_529 = arith.index_cast %get3A_528 : i32 to index
        %get3A_530 = arith.constant 240 : index
        %get3A_531 = tpu.vector_load %arg5[%get3A_529, %get3A_530] {strides = array<i32>} : memref<4x1000xf32, #tpu.memory_space<vmem>>, vector<16xf32>,
        %swap3A_532 = arith.constant 1264 : index
        %swap3A_533 = tpu.vector_load %arg7[%swap3A_532] {strides = array<i32>} : memref<4096xf32, #tpu.memory_space<vmem>>, vector<16xf32>,
        tpu.vector_store %arg7[%swap3A_532], %get3A_531 {strides = array<i32>} : memref<4096xf32, #tpu.memory_space<vmem>>, vector<16xf32>,
        %get3A_534 = arith.constant 1 : i32
        %get3A_535 = arith.index_cast %get3A_534 : i32 to index
        %get3A_536 = arith.constant 256 : index
        %get3A_537 = tpu.vector_load %arg5[%get3A_535, %get3A_536] {strides = array<i32>} : memref<4x1000xf32, #tpu.memory_space<vmem>>, vector<16xf32>,
        %swap3A_538 = arith.constant 1280 : index
        %swap3A_539 = tpu.vector_load %arg7[%swap3A_538] {strides = array<i32>} : memref<4096xf32, #tpu.memory_space<vmem>>, vector<16xf32>,
        tpu.vector_store %arg7[%swap3A_538], %get3A_537 {strides = array<i32>} : memref<4096xf32, #tpu.memory_space<vmem>>, vector<16xf32>,
        %get3A_540 = arith.constant 1 : i32
        %get3A_541 = arith.index_cast %get3A_540 : i32 to index
        %get3A_542 = arith.constant 272 : index
        %get3A_543 = tpu.vector_load %arg5[%get3A_541, %get3A_542] {strides = array<i32>} : memref<4x1000xf32, #tpu.memory_space<vmem>>, vector<16xf32>,
        %swap3A_544 = arith.constant 1296 : index
        %swap3A_545 = tpu.vector_load %arg7[%swap3A_544] {strides = array<i32>} : memref<4096xf32, #tpu.memory_space<vmem>>, vector<16xf32>,
        tpu.vector_store %arg7[%swap3A_544], %get3A_543 {strides = array<i32>} : memref<4096xf32, #tpu.memory_space<vmem>>, vector<16xf32>,
        %get3A_546 = arith.constant 1 : i32
        %get3A_547 = arith.index_cast %get3A_546 : i32 to index
        %get3A_548 = arith.constant 288 : index
        %get3A_549 = tpu.vector_load %arg5[%get3A_547, %get3A_548] {strides = array<i32>} : memref<4x1000xf32, #tpu.memory_space<vmem>>, vector<16xf32>,
        %swap3A_550 = arith.constant 1312 : index
        %swap3A_551 = tpu.vector_load %arg7[%swap3A_550] {strides = array<i32>} : memref<4096xf32, #tpu.memory_space<vmem>>, vector<16xf32>,
        tpu.vector_store %arg7[%swap3A_550], %get3A_549 {strides = array<i32>} : memref<4096xf32, #tpu.memory_space<vmem>>, vector<16xf32>,
        %get3A_552 = arith.constant 1 : i32
        %get3A_553 = arith.index_cast %get3A_552 : i32 to index
        %get3A_554 = arith.constant 304 : index
        %get3A_555 = tpu.vector_load %arg5[%get3A_553, %get3A_554] {strides = array<i32>} : memref<4x1000xf32, #tpu.memory_space<vmem>>, vector<16xf32>,
        %swap3A_556 = arith.constant 1328 : index
        %swap3A_557 = tpu.vector_load %arg7[%swap3A_556] {strides = array<i32>} : memref<4096xf32, #tpu.memory_space<vmem>>, vector<16xf32>,
        tpu.vector_store %arg7[%swap3A_556], %get3A_555 {strides = array<i32>} : memref<4096xf32, #tpu.memory_space<vmem>>, vector<16xf32>,
        %get3A_558 = arith.constant 1 : i32
        %get3A_559 = arith.index_cast %get3A_558 : i32 to index
        %get3A_560 = arith.constant 320 : index
        %get3A_561 = tpu.vector_load %arg5[%get3A_559, %get3A_560] {strides = array<i32>} : memref<4x1000xf32, #tpu.memory_space<vmem>>, vector<16xf32>,
        %swap3A_562 = arith.constant 1344 : index
        %swap3A_563 = tpu.vector_load %arg7[%swap3A_562] {strides = array<i32>} : memref<4096xf32, #tpu.memory_space<vmem>>, vector<16xf32>,
        tpu.vector_store %arg7[%swap3A_562], %get3A_561 {strides = array<i32>} : memref<4096xf32, #tpu.memory_space<vmem>>, vector<16xf32>,
        %get3A_564 = arith.constant 1 : i32
        %get3A_565 = arith.index_cast %get3A_564 : i32 to index
        %get3A_566 = arith.constant 336 : index
        %get3A_567 = tpu.vector_load %arg5[%get3A_565, %get3A_566] {strides = array<i32>} : memref<4x1000xf32, #tpu.memory_space<vmem>>, vector<16xf32>,
        %swap3A_568 = arith.constant 1360 : index
        %swap3A_569 = tpu.vector_load %arg7[%swap3A_568] {strides = array<i32>} : memref<4096xf32, #tpu.memory_space<vmem>>, vector<16xf32>,
        tpu.vector_store %arg7[%swap3A_568], %get3A_567 {strides = array<i32>} : memref<4096xf32, #tpu.memory_space<vmem>>, vector<16xf32>,
        %get3A_570 = arith.constant 1 : i32
        %get3A_571 = arith.index_cast %get3A_570 : i32 to index
        %get3A_572 = arith.constant 352 : index
        %get3A_573 = tpu.vector_load %arg5[%get3A_571, %get3A_572] {strides = array<i32>} : memref<4x1000xf32, #tpu.memory_space<vmem>>, vector<16xf32>,
        %swap3A_574 = arith.constant 1376 : index
        %swap3A_575 = tpu.vector_load %arg7[%swap3A_574] {strides = array<i32>} : memref<4096xf32, #tpu.memory_space<vmem>>, vector<16xf32>,
        tpu.vector_store %arg7[%swap3A_574], %get3A_573 {strides = array<i32>} : memref<4096xf32, #tpu.memory_space<vmem>>, vector<16xf32>,
        %get3A_576 = arith.constant 1 : i32
        %get3A_577 = arith.index_cast %get3A_576 : i32 to index
        %get3A_578 = arith.constant 368 : index
        %get3A_579 = tpu.vector_load %arg5[%get3A_577, %get3A_578] {strides = array<i32>} : memref<4x1000xf32, #tpu.memory_space<vmem>>, vector<16xf32>,
        %swap3A_580 = arith.constant 1392 : index
        %swap3A_581 = tpu.vector_load %arg7[%swap3A_580] {strides = array<i32>} : memref<4096xf32, #tpu.memory_space<vmem>>, vector<16xf32>,
        tpu.vector_store %arg7[%swap3A_580], %get3A_579 {strides = array<i32>} : memref<4096xf32, #tpu.memory_space<vmem>>, vector<16xf32>,
        %get3A_582 = arith.constant 1 : i32
        %get3A_583 = arith.index_cast %get3A_582 : i32 to index
        %get3A_584 = arith.constant 384 : index
        %get3A_585 = tpu.vector_load %arg5[%get3A_583, %get3A_584] {strides = array<i32>} : memref<4x1000xf32, #tpu.memory_space<vmem>>, vector<16xf32>,
        %swap3A_586 = arith.constant 1408 : index
        %swap3A_587 = tpu.vector_load %arg7[%swap3A_586] {strides = array<i32>} : memref<4096xf32, #tpu.memory_space<vmem>>, vector<16xf32>,
        tpu.vector_store %arg7[%swap3A_586], %get3A_585 {strides = array<i32>} : memref<4096xf32, #tpu.memory_space<vmem>>, vector<16xf32>,
        %get3A_588 = arith.constant 1 : i32
        %get3A_589 = arith.index_cast %get3A_588 : i32 to index
        %get3A_590 = arith.constant 400 : index
        %get3A_591 = tpu.vector_load %arg5[%get3A_589, %get3A_590] {strides = array<i32>} : memref<4x1000xf32, #tpu.memory_space<vmem>>, vector<16xf32>,
        %swap3A_592 = arith.constant 1424 : index
        %swap3A_593 = tpu.vector_load %arg7[%swap3A_592] {strides = array<i32>} : memref<4096xf32, #tpu.memory_space<vmem>>, vector<16xf32>,
        tpu.vector_store %arg7[%swap3A_592], %get3A_591 {strides = array<i32>} : memref<4096xf32, #tpu.memory_space<vmem>>, vector<16xf32>,
        %get3A_594 = arith.constant 1 : i32
        %get3A_595 = arith.index_cast %get3A_594 : i32 to index
        %get3A_596 = arith.constant 416 : index
        %get3A_597 = tpu.vector_load %arg5[%get3A_595, %get3A_596] {strides = array<i32>} : memref<4x1000xf32, #tpu.memory_space<vmem>>, vector<16xf32>,
        %swap3A_598 = arith.constant 1440 : index
        %swap3A_599 = tpu.vector_load %arg7[%swap3A_598] {strides = array<i32>} : memref<4096xf32, #tpu.memory_space<vmem>>, vector<16xf32>,
        tpu.vector_store %arg7[%swap3A_598], %get3A_597 {strides = array<i32>} : memref<4096xf32, #tpu.memory_space<vmem>>, vector<16xf32>,
        %get3A_600 = arith.constant 1 : i32
        %get3A_601 = arith.index_cast %get3A_600 : i32 to index
        %get3A_602 = arith.constant 432 : index
        %get3A_603 = tpu.vector_load %arg5[%get3A_601, %get3A_602] {strides = array<i32>} : memref<4x1000xf32, #tpu.memory_space<vmem>>, vector<16xf32>,
        %swap3A_604 = arith.constant 1456 : index
        %swap3A_605 = tpu.vector_load %arg7[%swap3A_604] {strides = array<i32>} : memref<4096xf32, #tpu.memory_space<vmem>>, vector<16xf32>,
        tpu.vector_store %arg7[%swap3A_604], %get3A_603 {strides = array<i32>} : memref<4096xf32, #tpu.memory_space<vmem>>, vector<16xf32>,
        %get3A_606 = arith.constant 1 : i32
        %get3A_607 = arith.index_cast %get3A_606 : i32 to index
        %get3A_608 = arith.constant 448 : index
        %get3A_609 = tpu.vector_load %arg5[%get3A_607, %get3A_608] {strides = array<i32>} : memref<4x1000xf32, #tpu.memory_space<vmem>>, vector<16xf32>,
        %swap3A_610 = arith.constant 1472 : index
        %swap3A_611 = tpu.vector_load %arg7[%swap3A_610] {strides = array<i32>} : memref<4096xf32, #tpu.memory_space<vmem>>, vector<16xf32>,
        tpu.vector_store %arg7[%swap3A_610], %get3A_609 {strides = array<i32>} : memref<4096xf32, #tpu.memory_space<vmem>>, vector<16xf32>,
        %get3A_612 = arith.constant 1 : i32
        %get3A_613 = arith.index_cast %get3A_612 : i32 to index
        %get3A_614 = arith.constant 464 : index
        %get3A_615 = tpu.vector_load %arg5[%get3A_613, %get3A_614] {strides = array<i32>} : memref<4x1000xf32, #tpu.memory_space<vmem>>, vector<16xf32>,
        %swap3A_616 = arith.constant 1488 : index
        %swap3A_617 = tpu.vector_load %arg7[%swap3A_616] {strides = array<i32>} : memref<4096xf32, #tpu.memory_space<vmem>>, vector<16xf32>,
        tpu.vector_store %arg7[%swap3A_616], %get3A_615 {strides = array<i32>} : memref<4096xf32, #tpu.memory_space<vmem>>, vector<16xf32>,
        %get3A_618 = arith.constant 1 : i32
        %get3A_619 = arith.index_cast %get3A_618 : i32 to index
        %get3A_620 = arith.constant 480 : index
        %get3A_621 = tpu.vector_load %arg5[%get3A_619, %get3A_620] {strides = array<i32>} : memref<4x1000xf32, #tpu.memory_space<vmem>>, vector<16xf32>,
        %swap3A_622 = arith.constant 1504 : index
        %swap3A_623 = tpu.vector_load %arg7[%swap3A_622] {strides = array<i32>} : memref<4096xf32, #tpu.memory_space<vmem>>, vector<16xf32>,
        tpu.vector_store %arg7[%swap3A_622], %get3A_621 {strides = array<i32>} : memref<4096xf32, #tpu.memory_space<vmem>>, vector<16xf32>,
        %get3A_624 = arith.constant 1 : i32
        %get3A_625 = arith.index_cast %get3A_624 : i32 to index
        %get3A_626 = arith.constant 496 : index
        %get3A_627 = tpu.vector_load %arg5[%get3A_625, %get3A_626] {strides = array<i32>} : memref<4x1000xf32, #tpu.memory_space<vmem>>, vector<16xf32>,
        %swap3A_628 = arith.constant 1520 : index
        %swap3A_629 = tpu.vector_load %arg7[%swap3A_628] {strides = array<i32>} : memref<4096xf32, #tpu.memory_space<vmem>>, vector<16xf32>,
        tpu.vector_store %arg7[%swap3A_628], %get3A_627 {strides = array<i32>} : memref<4096xf32, #tpu.memory_space<vmem>>, vector<16xf32>,
        %get3A_630 = arith.constant 1 : i32
        %get3A_631 = arith.index_cast %get3A_630 : i32 to index
        %get3A_632 = arith.constant 512 : index
        %get3A_633 = tpu.vector_load %arg5[%get3A_631, %get3A_632] {strides = array<i32>} : memref<4x1000xf32, #tpu.memory_space<vmem>>, vector<16xf32>,
        %swap3A_634 = arith.constant 1536 : index
        %swap3A_635 = tpu.vector_load %arg7[%swap3A_634] {strides = array<i32>} : memref<4096xf32, #tpu.memory_space<vmem>>, vector<16xf32>,
        tpu.vector_store %arg7[%swap3A_634], %get3A_633 {strides = array<i32>} : memref<4096xf32, #tpu.memory_space<vmem>>, vector<16xf32>,
        %get3A_636 = arith.constant 1 : i32
        %get3A_637 = arith.index_cast %get3A_636 : i32 to index
        %get3A_638 = arith.constant 528 : index
        %get3A_639 = tpu.vector_load %arg5[%get3A_637, %get3A_638] {strides = array<i32>} : memref<4x1000xf32, #tpu.memory_space<vmem>>, vector<16xf32>,
        %swap3A_640 = arith.constant 1552 : index
        %swap3A_641 = tpu.vector_load %arg7[%swap3A_640] {strides = array<i32>} : memref<4096xf32, #tpu.memory_space<vmem>>, vector<16xf32>,
        tpu.vector_store %arg7[%swap3A_640], %get3A_639 {strides = array<i32>} : memref<4096xf32, #tpu.memory_space<vmem>>, vector<16xf32>,
        %get3A_642 = arith.constant 1 : i32
        %get3A_643 = arith.index_cast %get3A_642 : i32 to index
        %get3A_644 = arith.constant 544 : index
        %get3A_645 = tpu.vector_load %arg5[%get3A_643, %get3A_644] {strides = array<i32>} : memref<4x1000xf32, #tpu.memory_space<vmem>>, vector<16xf32>,
        %swap3A_646 = arith.constant 1568 : index
        %swap3A_647 = tpu.vector_load %arg7[%swap3A_646] {strides = array<i32>} : memref<4096xf32, #tpu.memory_space<vmem>>, vector<16xf32>,
        tpu.vector_store %arg7[%swap3A_646], %get3A_645 {strides = array<i32>} : memref<4096xf32, #tpu.memory_space<vmem>>, vector<16xf32>,
        %get3A_648 = arith.constant 1 : i32
        %get3A_649 = arith.index_cast %get3A_648 : i32 to index
        %get3A_650 = arith.constant 560 : index
        %get3A_651 = tpu.vector_load %arg5[%get3A_649, %get3A_650] {strides = array<i32>} : memref<4x1000xf32, #tpu.memory_space<vmem>>, vector<16xf32>,
        %swap3A_652 = arith.constant 1584 : index
        %swap3A_653 = tpu.vector_load %arg7[%swap3A_652] {strides = array<i32>} : memref<4096xf32, #tpu.memory_space<vmem>>, vector<16xf32>,
        tpu.vector_store %arg7[%swap3A_652], %get3A_651 {strides = array<i32>} : memref<4096xf32, #tpu.memory_space<vmem>>, vector<16xf32>,
        %get3A_654 = arith.constant 1 : i32
        %get3A_655 = arith.index_cast %get3A_654 : i32 to index
        %get3A_656 = arith.constant 576 : index
        %get3A_657 = tpu.vector_load %arg5[%get3A_655, %get3A_656] {strides = array<i32>} : memref<4x1000xf32, #tpu.memory_space<vmem>>, vector<16xf32>,
        %swap3A_658 = arith.constant 1600 : index
        %swap3A_659 = tpu.vector_load %arg7[%swap3A_658] {strides = array<i32>} : memref<4096xf32, #tpu.memory_space<vmem>>, vector<16xf32>,
        tpu.vector_store %arg7[%swap3A_658], %get3A_657 {strides = array<i32>} : memref<4096xf32, #tpu.memory_space<vmem>>, vector<16xf32>,
        %get3A_660 = arith.constant 1 : i32
        %get3A_661 = arith.index_cast %get3A_660 : i32 to index
        %get3A_662 = arith.constant 592 : index
        %get3A_663 = tpu.vector_load %arg5[%get3A_661, %get3A_662] {strides = array<i32>} : memref<4x1000xf32, #tpu.memory_space<vmem>>, vector<16xf32>,
        %swap3A_664 = arith.constant 1616 : index
        %swap3A_665 = tpu.vector_load %arg7[%swap3A_664] {strides = array<i32>} : memref<4096xf32, #tpu.memory_space<vmem>>, vector<16xf32>,
        tpu.vector_store %arg7[%swap3A_664], %get3A_663 {strides = array<i32>} : memref<4096xf32, #tpu.memory_space<vmem>>, vector<16xf32>,
        %get3A_666 = arith.constant 1 : i32
        %get3A_667 = arith.index_cast %get3A_666 : i32 to index
        %get3A_668 = arith.constant 608 : index
        %get3A_669 = tpu.vector_load %arg5[%get3A_667, %get3A_668] {strides = array<i32>} : memref<4x1000xf32, #tpu.memory_space<vmem>>, vector<16xf32>,
        %swap3A_670 = arith.constant 1632 : index
        %swap3A_671 = tpu.vector_load %arg7[%swap3A_670] {strides = array<i32>} : memref<4096xf32, #tpu.memory_space<vmem>>, vector<16xf32>,
        tpu.vector_store %arg7[%swap3A_670], %get3A_669 {strides = array<i32>} : memref<4096xf32, #tpu.memory_space<vmem>>, vector<16xf32>,
        %get3A_672 = arith.constant 1 : i32
        %get3A_673 = arith.index_cast %get3A_672 : i32 to index
        %get3A_674 = arith.constant 624 : index
        %get3A_675 = tpu.vector_load %arg5[%get3A_673, %get3A_674] {strides = array<i32>} : memref<4x1000xf32, #tpu.memory_space<vmem>>, vector<16xf32>,
        %swap3A_676 = arith.constant 1648 : index
        %swap3A_677 = tpu.vector_load %arg7[%swap3A_676] {strides = array<i32>} : memref<4096xf32, #tpu.memory_space<vmem>>, vector<16xf32>,
        tpu.vector_store %arg7[%swap3A_676], %get3A_675 {strides = array<i32>} : memref<4096xf32, #tpu.memory_space<vmem>>, vector<16xf32>,
        %get3A_678 = arith.constant 1 : i32
        %get3A_679 = arith.index_cast %get3A_678 : i32 to index
        %get3A_680 = arith.constant 640 : index
        %get3A_681 = tpu.vector_load %arg5[%get3A_679, %get3A_680] {strides = array<i32>} : memref<4x1000xf32, #tpu.memory_space<vmem>>, vector<16xf32>,
        %swap3A_682 = arith.constant 1664 : index
        %swap3A_683 = tpu.vector_load %arg7[%swap3A_682] {strides = array<i32>} : memref<4096xf32, #tpu.memory_space<vmem>>, vector<16xf32>,
        tpu.vector_store %arg7[%swap3A_682], %get3A_681 {strides = array<i32>} : memref<4096xf32, #tpu.memory_space<vmem>>, vector<16xf32>,
        %get3A_684 = arith.constant 1 : i32
        %get3A_685 = arith.index_cast %get3A_684 : i32 to index
        %get3A_686 = arith.constant 656 : index
        %get3A_687 = tpu.vector_load %arg5[%get3A_685, %get3A_686] {strides = array<i32>} : memref<4x1000xf32, #tpu.memory_space<vmem>>, vector<16xf32>,
        %swap3A_688 = arith.constant 1680 : index
        %swap3A_689 = tpu.vector_load %arg7[%swap3A_688] {strides = array<i32>} : memref<4096xf32, #tpu.memory_space<vmem>>, vector<16xf32>,
        tpu.vector_store %arg7[%swap3A_688], %get3A_687 {strides = array<i32>} : memref<4096xf32, #tpu.memory_space<vmem>>, vector<16xf32>,
        %get3A_690 = arith.constant 1 : i32
        %get3A_691 = arith.index_cast %get3A_690 : i32 to index
        %get3A_692 = arith.constant 672 : index
        %get3A_693 = tpu.vector_load %arg5[%get3A_691, %get3A_692] {strides = array<i32>} : memref<4x1000xf32, #tpu.memory_space<vmem>>, vector<16xf32>,
        %swap3A_694 = arith.constant 1696 : index
        %swap3A_695 = tpu.vector_load %arg7[%swap3A_694] {strides = array<i32>} : memref<4096xf32, #tpu.memory_space<vmem>>, vector<16xf32>,
        tpu.vector_store %arg7[%swap3A_694], %get3A_693 {strides = array<i32>} : memref<4096xf32, #tpu.memory_space<vmem>>, vector<16xf32>,
        %get3A_696 = arith.constant 1 : i32
        %get3A_697 = arith.index_cast %get3A_696 : i32 to index
        %get3A_698 = arith.constant 688 : index
        %get3A_699 = tpu.vector_load %arg5[%get3A_697, %get3A_698] {strides = array<i32>} : memref<4x1000xf32, #tpu.memory_space<vmem>>, vector<16xf32>,
        %swap3A_700 = arith.constant 1712 : index
        %swap3A_701 = tpu.vector_load %arg7[%swap3A_700] {strides = array<i32>} : memref<4096xf32, #tpu.memory_space<vmem>>, vector<16xf32>,
        tpu.vector_store %arg7[%swap3A_700], %get3A_699 {strides = array<i32>} : memref<4096xf32, #tpu.memory_space<vmem>>, vector<16xf32>,
        %get3A_702 = arith.constant 1 : i32
        %get3A_703 = arith.index_cast %get3A_702 : i32 to index
        %get3A_704 = arith.constant 704 : index
        %get3A_705 = tpu.vector_load %arg5[%get3A_703, %get3A_704] {strides = array<i32>} : memref<4x1000xf32, #tpu.memory_space<vmem>>, vector<16xf32>,
        %swap3A_706 = arith.constant 1728 : index
        %swap3A_707 = tpu.vector_load %arg7[%swap3A_706] {strides = array<i32>} : memref<4096xf32, #tpu.memory_space<vmem>>, vector<16xf32>,
        tpu.vector_store %arg7[%swap3A_706], %get3A_705 {strides = array<i32>} : memref<4096xf32, #tpu.memory_space<vmem>>, vector<16xf32>,
        %get3A_708 = arith.constant 1 : i32
        %get3A_709 = arith.index_cast %get3A_708 : i32 to index
        %get3A_710 = arith.constant 720 : index
        %get3A_711 = tpu.vector_load %arg5[%get3A_709, %get3A_710] {strides = array<i32>} : memref<4x1000xf32, #tpu.memory_space<vmem>>, vector<16xf32>,
        %swap3A_712 = arith.constant 1744 : index
        %swap3A_713 = tpu.vector_load %arg7[%swap3A_712] {strides = array<i32>} : memref<4096xf32, #tpu.memory_space<vmem>>, vector<16xf32>,
        tpu.vector_store %arg7[%swap3A_712], %get3A_711 {strides = array<i32>} : memref<4096xf32, #tpu.memory_space<vmem>>, vector<16xf32>,
        %get3A_714 = arith.constant 1 : i32
        %get3A_715 = arith.index_cast %get3A_714 : i32 to index
        %get3A_716 = arith.constant 736 : index
        %get3A_717 = tpu.vector_load %arg5[%get3A_715, %get3A_716] {strides = array<i32>} : memref<4x1000xf32, #tpu.memory_space<vmem>>, vector<16xf32>,
        %swap3A_718 = arith.constant 1760 : index
        %swap3A_719 = tpu.vector_load %arg7[%swap3A_718] {strides = array<i32>} : memref<4096xf32, #tpu.memory_space<vmem>>, vector<16xf32>,
        tpu.vector_store %arg7[%swap3A_718], %get3A_717 {strides = array<i32>} : memref<4096xf32, #tpu.memory_space<vmem>>, vector<16xf32>,
        %get3A_720 = arith.constant 1 : i32
        %get3A_721 = arith.index_cast %get3A_720 : i32 to index
        %get3A_722 = arith.constant 752 : index
        %get3A_723 = tpu.vector_load %arg5[%get3A_721, %get3A_722] {strides = array<i32>} : memref<4x1000xf32, #tpu.memory_space<vmem>>, vector<16xf32>,
        %swap3A_724 = arith.constant 1776 : index
        %swap3A_725 = tpu.vector_load %arg7[%swap3A_724] {strides = array<i32>} : memref<4096xf32, #tpu.memory_space<vmem>>, vector<16xf32>,
        tpu.vector_store %arg7[%swap3A_724], %get3A_723 {strides = array<i32>} : memref<4096xf32, #tpu.memory_space<vmem>>, vector<16xf32>,
        %get3A_726 = arith.constant 1 : i32
        %get3A_727 = arith.index_cast %get3A_726 : i32 to index
        %get3A_728 = arith.constant 768 : index
        %get3A_729 = tpu.vector_load %arg5[%get3A_727, %get3A_728] {strides = array<i32>} : memref<4x1000xf32, #tpu.memory_space<vmem>>, vector<16xf32>,
        %swap3A_730 = arith.constant 1792 : index
        %swap3A_731 = tpu.vector_load %arg7[%swap3A_730] {strides = array<i32>} : memref<4096xf32, #tpu.memory_space<vmem>>, vector<16xf32>,
        tpu.vector_store %arg7[%swap3A_730], %get3A_729 {strides = array<i32>} : memref<4096xf32, #tpu.memory_space<vmem>>, vector<16xf32>,
        %get3A_732 = arith.constant 1 : i32
        %get3A_733 = arith.index_cast %get3A_732 : i32 to index
        %get3A_734 = arith.constant 784 : index
        %get3A_735 = tpu.vector_load %arg5[%get3A_733, %get3A_734] {strides = array<i32>} : memref<4x1000xf32, #tpu.memory_space<vmem>>, vector<16xf32>,
        %swap3A_736 = arith.constant 1808 : index
        %swap3A_737 = tpu.vector_load %arg7[%swap3A_736] {strides = array<i32>} : memref<4096xf32, #tpu.memory_space<vmem>>, vector<16xf32>,
        tpu.vector_store %arg7[%swap3A_736], %get3A_735 {strides = array<i32>} : memref<4096xf32, #tpu.memory_space<vmem>>, vector<16xf32>,
        %get3A_738 = arith.constant 1 : i32
        %get3A_739 = arith.index_cast %get3A_738 : i32 to index
        %get3A_740 = arith.constant 800 : index
        %get3A_741 = tpu.vector_load %arg5[%get3A_739, %get3A_740] {strides = array<i32>} : memref<4x1000xf32, #tpu.memory_space<vmem>>, vector<16xf32>,
        %swap3A_742 = arith.constant 1824 : index
        %swap3A_743 = tpu.vector_load %arg7[%swap3A_742] {strides = array<i32>} : memref<4096xf32, #tpu.memory_space<vmem>>, vector<16xf32>,
        tpu.vector_store %arg7[%swap3A_742], %get3A_741 {strides = array<i32>} : memref<4096xf32, #tpu.memory_space<vmem>>, vector<16xf32>,
        %get3A_744 = arith.constant 1 : i32
        %get3A_745 = arith.index_cast %get3A_744 : i32 to index
        %get3A_746 = arith.constant 816 : index
        %get3A_747 = tpu.vector_load %arg5[%get3A_745, %get3A_746] {strides = array<i32>} : memref<4x1000xf32, #tpu.memory_space<vmem>>, vector<16xf32>,
        %swap3A_748 = arith.constant 1840 : index
        %swap3A_749 = tpu.vector_load %arg7[%swap3A_748] {strides = array<i32>} : memref<4096xf32, #tpu.memory_space<vmem>>, vector<16xf32>,
        tpu.vector_store %arg7[%swap3A_748], %get3A_747 {strides = array<i32>} : memref<4096xf32, #tpu.memory_space<vmem>>, vector<16xf32>,
        %get3A_750 = arith.constant 1 : i32
        %get3A_751 = arith.index_cast %get3A_750 : i32 to index
        %get3A_752 = arith.constant 832 : index
        %get3A_753 = tpu.vector_load %arg5[%get3A_751, %get3A_752] {strides = array<i32>} : memref<4x1000xf32, #tpu.memory_space<vmem>>, vector<16xf32>,
        %swap3A_754 = arith.constant 1856 : index
        %swap3A_755 = tpu.vector_load %arg7[%swap3A_754] {strides = array<i32>} : memref<4096xf32, #tpu.memory_space<vmem>>, vector<16xf32>,
        tpu.vector_store %arg7[%swap3A_754], %get3A_753 {strides = array<i32>} : memref<4096xf32, #tpu.memory_space<vmem>>, vector<16xf32>,
        %get3A_756 = arith.constant 1 : i32
        %get3A_757 = arith.index_cast %get3A_756 : i32 to index
        %get3A_758 = arith.constant 848 : index
        %get3A_759 = tpu.vector_load %arg5[%get3A_757, %get3A_758] {strides = array<i32>} : memref<4x1000xf32, #tpu.memory_space<vmem>>, vector<16xf32>,
        %swap3A_760 = arith.constant 1872 : index
        %swap3A_761 = tpu.vector_load %arg7[%swap3A_760] {strides = array<i32>} : memref<4096xf32, #tpu.memory_space<vmem>>, vector<16xf32>,
        tpu.vector_store %arg7[%swap3A_760], %get3A_759 {strides = array<i32>} : memref<4096xf32, #tpu.memory_space<vmem>>, vector<16xf32>,
        %get3A_762 = arith.constant 1 : i32
        %get3A_763 = arith.index_cast %get3A_762 : i32 to index
        %get3A_764 = arith.constant 864 : index
        %get3A_765 = tpu.vector_load %arg5[%get3A_763, %get3A_764] {strides = array<i32>} : memref<4x1000xf32, #tpu.memory_space<vmem>>, vector<16xf32>,
        %swap3A_766 = arith.constant 1888 : index
        %swap3A_767 = tpu.vector_load %arg7[%swap3A_766] {strides = array<i32>} : memref<4096xf32, #tpu.memory_space<vmem>>, vector<16xf32>,
        tpu.vector_store %arg7[%swap3A_766], %get3A_765 {strides = array<i32>} : memref<4096xf32, #tpu.memory_space<vmem>>, vector<16xf32>,
        %get3A_768 = arith.constant 1 : i32
        %get3A_769 = arith.index_cast %get3A_768 : i32 to index
        %get3A_770 = arith.constant 880 : index
        %get3A_771 = tpu.vector_load %arg5[%get3A_769, %get3A_770] {strides = array<i32>} : memref<4x1000xf32, #tpu.memory_space<vmem>>, vector<16xf32>,
        %swap3A_772 = arith.constant 1904 : index
        %swap3A_773 = tpu.vector_load %arg7[%swap3A_772] {strides = array<i32>} : memref<4096xf32, #tpu.memory_space<vmem>>, vector<16xf32>,
        tpu.vector_store %arg7[%swap3A_772], %get3A_771 {strides = array<i32>} : memref<4096xf32, #tpu.memory_space<vmem>>, vector<16xf32>,
        %get3A_774 = arith.constant 1 : i32
        %get3A_775 = arith.index_cast %get3A_774 : i32 to index
        %get3A_776 = arith.constant 896 : index
        %get3A_777 = tpu.vector_load %arg5[%get3A_775, %get3A_776] {strides = array<i32>} : memref<4x1000xf32, #tpu.memory_space<vmem>>, vector<16xf32>,
        %swap3A_778 = arith.constant 1920 : index
        %swap3A_779 = tpu.vector_load %arg7[%swap3A_778] {strides = array<i32>} : memref<4096xf32, #tpu.memory_space<vmem>>, vector<16xf32>,
        tpu.vector_store %arg7[%swap3A_778], %get3A_777 {strides = array<i32>} : memref<4096xf32, #tpu.memory_space<vmem>>, vector<16xf32>,
        %get3A_780 = arith.constant 1 : i32
        %get3A_781 = arith.index_cast %get3A_780 : i32 to index
        %get3A_782 = arith.constant 912 : index
        %get3A_783 = tpu.vector_load %arg5[%get3A_781, %get3A_782] {strides = array<i32>} : memref<4x1000xf32, #tpu.memory_space<vmem>>, vector<16xf32>,
        %swap3A_784 = arith.constant 1936 : index
        %swap3A_785 = tpu.vector_load %arg7[%swap3A_784] {strides = array<i32>} : memref<4096xf32, #tpu.memory_space<vmem>>, vector<16xf32>,
        tpu.vector_store %arg7[%swap3A_784], %get3A_783 {strides = array<i32>} : memref<4096xf32, #tpu.memory_space<vmem>>, vector<16xf32>,
        %get3A_786 = arith.constant 1 : i32
        %get3A_787 = arith.index_cast %get3A_786 : i32 to index
        %get3A_788 = arith.constant 928 : index
        %get3A_789 = tpu.vector_load %arg5[%get3A_787, %get3A_788] {strides = array<i32>} : memref<4x1000xf32, #tpu.memory_space<vmem>>, vector<16xf32>,
        %swap3A_790 = arith.constant 1952 : index
        %swap3A_791 = tpu.vector_load %arg7[%swap3A_790] {strides = array<i32>} : memref<4096xf32, #tpu.memory_space<vmem>>, vector<16xf32>,
        tpu.vector_store %arg7[%swap3A_790], %get3A_789 {strides = array<i32>} : memref<4096xf32, #tpu.memory_space<vmem>>, vector<16xf32>,
        %get3A_792 = arith.constant 1 : i32
        %get3A_793 = arith.index_cast %get3A_792 : i32 to index
        %get3A_794 = arith.constant 944 : index
        %get3A_795 = tpu.vector_load %arg5[%get3A_793, %get3A_794] {strides = array<i32>} : memref<4x1000xf32, #tpu.memory_space<vmem>>, vector<16xf32>,
        %swap3A_796 = arith.constant 1968 : index
        %swap3A_797 = tpu.vector_load %arg7[%swap3A_796] {strides = array<i32>} : memref<4096xf32, #tpu.memory_space<vmem>>, vector<16xf32>,
        tpu.vector_store %arg7[%swap3A_796], %get3A_795 {strides = array<i32>} : memref<4096xf32, #tpu.memory_space<vmem>>, vector<16xf32>,
        %get3A_798 = arith.constant 1 : i32
        %get3A_799 = arith.index_cast %get3A_798 : i32 to index
        %get3A_800 = arith.constant 960 : index
        %get3A_801 = tpu.vector_load %arg5[%get3A_799, %get3A_800] {strides = array<i32>} : memref<4x1000xf32, #tpu.memory_space<vmem>>, vector<16xf32>,
        %swap3A_802 = arith.constant 1984 : index
        %swap3A_803 = tpu.vector_load %arg7[%swap3A_802] {strides = array<i32>} : memref<4096xf32, #tpu.memory_space<vmem>>, vector<16xf32>,
        tpu.vector_store %arg7[%swap3A_802], %get3A_801 {strides = array<i32>} : memref<4096xf32, #tpu.memory_space<vmem>>, vector<16xf32>,
        %get3A_804 = arith.constant 1 : i32
        %get3A_805 = arith.index_cast %get3A_804 : i32 to index
        %get3A_806 = arith.constant 976 : index
        %get3A_807 = tpu.vector_load %arg5[%get3A_805, %get3A_806] {strides = array<i32>} : memref<4x1000xf32, #tpu.memory_space<vmem>>, vector<16xf32>,
        %swap3A_808 = arith.constant 2000 : index
        %swap3A_809 = tpu.vector_load %arg7[%swap3A_808] {strides = array<i32>} : memref<4096xf32, #tpu.memory_space<vmem>>, vector<16xf32>,
        tpu.vector_store %arg7[%swap3A_808], %get3A_807 {strides = array<i32>} : memref<4096xf32, #tpu.memory_space<vmem>>, vector<16xf32>,
        %get3A_810 = arith.constant 1 : i32
        %get3A_811 = arith.index_cast %get3A_810 : i32 to index
        %get3A_812 = arith.constant 984 : index
        %get3A_813 = tpu.vector_load %arg5[%get3A_811, %get3A_812] {strides = array<i32>} : memref<4x1000xf32, #tpu.memory_space<vmem>>, vector<16xf32>,
        %swap3A_814 = arith.constant 2008 : index
        %swap3A_815 = tpu.vector_load %arg7[%swap3A_814] {strides = array<i32>} : memref<4096xf32, #tpu.memory_space<vmem>>, vector<16xf32>,
        tpu.vector_store %arg7[%swap3A_814], %get3A_813 {strides = array<i32>} : memref<4096xf32, #tpu.memory_space<vmem>>, vector<16xf32>,
        %get3A_816 = arith.constant 2 : i32
        %get3A_817 = arith.index_cast %get3A_816 : i32 to index
        %get3A_818 = arith.constant 0 : index
        %get3A_819 = tpu.vector_load %arg5[%get3A_817, %get3A_818] {strides = array<i32>} : memref<4x1000xf32, #tpu.memory_space<vmem>>, vector<16xf32>,
        %swap3A_820 = arith.constant 2048 : index
        %swap3A_821 = tpu.vector_load %arg7[%swap3A_820] {strides = array<i32>} : memref<4096xf32, #tpu.memory_space<vmem>>, vector<16xf32>,
        tpu.vector_store %arg7[%swap3A_820], %get3A_819 {strides = array<i32>} : memref<4096xf32, #tpu.memory_space<vmem>>, vector<16xf32>,
        %get3A_822 = arith.constant 2 : i32
        %get3A_823 = arith.index_cast %get3A_822 : i32 to index
        %get3A_824 = arith.constant 16 : index
        %get3A_825 = tpu.vector_load %arg5[%get3A_823, %get3A_824] {strides = array<i32>} : memref<4x1000xf32, #tpu.memory_space<vmem>>, vector<16xf32>,
        %swap3A_826 = arith.constant 2064 : index
        %swap3A_827 = tpu.vector_load %arg7[%swap3A_826] {strides = array<i32>} : memref<4096xf32, #tpu.memory_space<vmem>>, vector<16xf32>,
        tpu.vector_store %arg7[%swap3A_826], %get3A_825 {strides = array<i32>} : memref<4096xf32, #tpu.memory_space<vmem>>, vector<16xf32>,
        %get3A_828 = arith.constant 2 : i32
        %get3A_829 = arith.index_cast %get3A_828 : i32 to index
        %get3A_830 = arith.constant 32 : index
        %get3A_831 = tpu.vector_load %arg5[%get3A_829, %get3A_830] {strides = array<i32>} : memref<4x1000xf32, #tpu.memory_space<vmem>>, vector<16xf32>,
        %swap3A_832 = arith.constant 2080 : index
        %swap3A_833 = tpu.vector_load %arg7[%swap3A_832] {strides = array<i32>} : memref<4096xf32, #tpu.memory_space<vmem>>, vector<16xf32>,
        tpu.vector_store %arg7[%swap3A_832], %get3A_831 {strides = array<i32>} : memref<4096xf32, #tpu.memory_space<vmem>>, vector<16xf32>,
        %get3A_834 = arith.constant 2 : i32
        %get3A_835 = arith.index_cast %get3A_834 : i32 to index
        %get3A_836 = arith.constant 48 : index
        %get3A_837 = tpu.vector_load %arg5[%get3A_835, %get3A_836] {strides = array<i32>} : memref<4x1000xf32, #tpu.memory_space<vmem>>, vector<16xf32>,
        %swap3A_838 = arith.constant 2096 : index
        %swap3A_839 = tpu.vector_load %arg7[%swap3A_838] {strides = array<i32>} : memref<4096xf32, #tpu.memory_space<vmem>>, vector<16xf32>,
        tpu.vector_store %arg7[%swap3A_838], %get3A_837 {strides = array<i32>} : memref<4096xf32, #tpu.memory_space<vmem>>, vector<16xf32>,
        %get3A_840 = arith.constant 2 : i32
        %get3A_841 = arith.index_cast %get3A_840 : i32 to index
        %get3A_842 = arith.constant 64 : index
        %get3A_843 = tpu.vector_load %arg5[%get3A_841, %get3A_842] {strides = array<i32>} : memref<4x1000xf32, #tpu.memory_space<vmem>>, vector<16xf32>,
        %swap3A_844 = arith.constant 2112 : index
        %swap3A_845 = tpu.vector_load %arg7[%swap3A_844] {strides = array<i32>} : memref<4096xf32, #tpu.memory_space<vmem>>, vector<16xf32>,
        tpu.vector_store %arg7[%swap3A_844], %get3A_843 {strides = array<i32>} : memref<4096xf32, #tpu.memory_space<vmem>>, vector<16xf32>,
        %get3A_846 = arith.constant 2 : i32
        %get3A_847 = arith.index_cast %get3A_846 : i32 to index
        %get3A_848 = arith.constant 80 : index
        %get3A_849 = tpu.vector_load %arg5[%get3A_847, %get3A_848] {strides = array<i32>} : memref<4x1000xf32, #tpu.memory_space<vmem>>, vector<16xf32>,
        %swap3A_850 = arith.constant 2128 : index
        %swap3A_851 = tpu.vector_load %arg7[%swap3A_850] {strides = array<i32>} : memref<4096xf32, #tpu.memory_space<vmem>>, vector<16xf32>,
        tpu.vector_store %arg7[%swap3A_850], %get3A_849 {strides = array<i32>} : memref<4096xf32, #tpu.memory_space<vmem>>, vector<16xf32>,
        %get3A_852 = arith.constant 2 : i32
        %get3A_853 = arith.index_cast %get3A_852 : i32 to index
        %get3A_854 = arith.constant 96 : index
        %get3A_855 = tpu.vector_load %arg5[%get3A_853, %get3A_854] {strides = array<i32>} : memref<4x1000xf32, #tpu.memory_space<vmem>>, vector<16xf32>,
        %swap3A_856 = arith.constant 2144 : index
        %swap3A_857 = tpu.vector_load %arg7[%swap3A_856] {strides = array<i32>} : memref<4096xf32, #tpu.memory_space<vmem>>, vector<16xf32>,
        tpu.vector_store %arg7[%swap3A_856], %get3A_855 {strides = array<i32>} : memref<4096xf32, #tpu.memory_space<vmem>>, vector<16xf32>,
        %get3A_858 = arith.constant 2 : i32
        %get3A_859 = arith.index_cast %get3A_858 : i32 to index
        %get3A_860 = arith.constant 112 : index
        %get3A_861 = tpu.vector_load %arg5[%get3A_859, %get3A_860] {strides = array<i32>} : memref<4x1000xf32, #tpu.memory_space<vmem>>, vector<16xf32>,
        %swap3A_862 = arith.constant 2160 : index
        %swap3A_863 = tpu.vector_load %arg7[%swap3A_862] {strides = array<i32>} : memref<4096xf32, #tpu.memory_space<vmem>>, vector<16xf32>,
        tpu.vector_store %arg7[%swap3A_862], %get3A_861 {strides = array<i32>} : memref<4096xf32, #tpu.memory_space<vmem>>, vector<16xf32>,
        %get3A_864 = arith.constant 2 : i32
        %get3A_865 = arith.index_cast %get3A_864 : i32 to index
        %get3A_866 = arith.constant 128 : index
        %get3A_867 = tpu.vector_load %arg5[%get3A_865, %get3A_866] {strides = array<i32>} : memref<4x1000xf32, #tpu.memory_space<vmem>>, vector<16xf32>,
        %swap3A_868 = arith.constant 2176 : index
        %swap3A_869 = tpu.vector_load %arg7[%swap3A_868] {strides = array<i32>} : memref<4096xf32, #tpu.memory_space<vmem>>, vector<16xf32>,
        tpu.vector_store %arg7[%swap3A_868], %get3A_867 {strides = array<i32>} : memref<4096xf32, #tpu.memory_space<vmem>>, vector<16xf32>,
        %get3A_870 = arith.constant 2 : i32
        %get3A_871 = arith.index_cast %get3A_870 : i32 to index
        %get3A_872 = arith.constant 144 : index
        %get3A_873 = tpu.vector_load %arg5[%get3A_871, %get3A_872] {strides = array<i32>} : memref<4x1000xf32, #tpu.memory_space<vmem>>, vector<16xf32>,
        %swap3A_874 = arith.constant 2192 : index
        %swap3A_875 = tpu.vector_load %arg7[%swap3A_874] {strides = array<i32>} : memref<4096xf32, #tpu.memory_space<vmem>>, vector<16xf32>,
        tpu.vector_store %arg7[%swap3A_874], %get3A_873 {strides = array<i32>} : memref<4096xf32, #tpu.memory_space<vmem>>, vector<16xf32>,
        %get3A_876 = arith.constant 2 : i32
        %get3A_877 = arith.index_cast %get3A_876 : i32 to index
        %get3A_878 = arith.constant 160 : index
        %get3A_879 = tpu.vector_load %arg5[%get3A_877, %get3A_878] {strides = array<i32>} : memref<4x1000xf32, #tpu.memory_space<vmem>>, vector<16xf32>,
        %swap3A_880 = arith.constant 2208 : index
        %swap3A_881 = tpu.vector_load %arg7[%swap3A_880] {strides = array<i32>} : memref<4096xf32, #tpu.memory_space<vmem>>, vector<16xf32>,
        tpu.vector_store %arg7[%swap3A_880], %get3A_879 {strides = array<i32>} : memref<4096xf32, #tpu.memory_space<vmem>>, vector<16xf32>,
        %get3A_882 = arith.constant 2 : i32
        %get3A_883 = arith.index_cast %get3A_882 : i32 to index
        %get3A_884 = arith.constant 176 : index
        %get3A_885 = tpu.vector_load %arg5[%get3A_883, %get3A_884] {strides = array<i32>} : memref<4x1000xf32, #tpu.memory_space<vmem>>, vector<16xf32>,
        %swap3A_886 = arith.constant 2224 : index
        %swap3A_887 = tpu.vector_load %arg7[%swap3A_886] {strides = array<i32>} : memref<4096xf32, #tpu.memory_space<vmem>>, vector<16xf32>,
        tpu.vector_store %arg7[%swap3A_886], %get3A_885 {strides = array<i32>} : memref<4096xf32, #tpu.memory_space<vmem>>, vector<16xf32>,
        %get3A_888 = arith.constant 2 : i32
        %get3A_889 = arith.index_cast %get3A_888 : i32 to index
        %get3A_890 = arith.constant 192 : index
        %get3A_891 = tpu.vector_load %arg5[%get3A_889, %get3A_890] {strides = array<i32>} : memref<4x1000xf32, #tpu.memory_space<vmem>>, vector<16xf32>,
        %swap3A_892 = arith.constant 2240 : index
        %swap3A_893 = tpu.vector_load %arg7[%swap3A_892] {strides = array<i32>} : memref<4096xf32, #tpu.memory_space<vmem>>, vector<16xf32>,
        tpu.vector_store %arg7[%swap3A_892], %get3A_891 {strides = array<i32>} : memref<4096xf32, #tpu.memory_space<vmem>>, vector<16xf32>,
        %get3A_894 = arith.constant 2 : i32
        %get3A_895 = arith.index_cast %get3A_894 : i32 to index
        %get3A_896 = arith.constant 208 : index
        %get3A_897 = tpu.vector_load %arg5[%get3A_895, %get3A_896] {strides = array<i32>} : memref<4x1000xf32, #tpu.memory_space<vmem>>, vector<16xf32>,
        %swap3A_898 = arith.constant 2256 : index
        %swap3A_899 = tpu.vector_load %arg7[%swap3A_898] {strides = array<i32>} : memref<4096xf32, #tpu.memory_space<vmem>>, vector<16xf32>,
        tpu.vector_store %arg7[%swap3A_898], %get3A_897 {strides = array<i32>} : memref<4096xf32, #tpu.memory_space<vmem>>, vector<16xf32>,
        %get3A_900 = arith.constant 2 : i32
        %get3A_901 = arith.index_cast %get3A_900 : i32 to index
        %get3A_902 = arith.constant 224 : index
        %get3A_903 = tpu.vector_load %arg5[%get3A_901, %get3A_902] {strides = array<i32>} : memref<4x1000xf32, #tpu.memory_space<vmem>>, vector<16xf32>,
        %swap3A_904 = arith.constant 2272 : index
        %swap3A_905 = tpu.vector_load %arg7[%swap3A_904] {strides = array<i32>} : memref<4096xf32, #tpu.memory_space<vmem>>, vector<16xf32>,
        tpu.vector_store %arg7[%swap3A_904], %get3A_903 {strides = array<i32>} : memref<4096xf32, #tpu.memory_space<vmem>>, vector<16xf32>,
        %get3A_906 = arith.constant 2 : i32
        %get3A_907 = arith.index_cast %get3A_906 : i32 to index
        %get3A_908 = arith.constant 240 : index
        %get3A_909 = tpu.vector_load %arg5[%get3A_907, %get3A_908] {strides = array<i32>} : memref<4x1000xf32, #tpu.memory_space<vmem>>, vector<16xf32>,
        %swap3A_910 = arith.constant 2288 : index
        %swap3A_911 = tpu.vector_load %arg7[%swap3A_910] {strides = array<i32>} : memref<4096xf32, #tpu.memory_space<vmem>>, vector<16xf32>,
        tpu.vector_store %arg7[%swap3A_910], %get3A_909 {strides = array<i32>} : memref<4096xf32, #tpu.memory_space<vmem>>, vector<16xf32>,
        %get3A_912 = arith.constant 2 : i32
        %get3A_913 = arith.index_cast %get3A_912 : i32 to index
        %get3A_914 = arith.constant 256 : index
        %get3A_915 = tpu.vector_load %arg5[%get3A_913, %get3A_914] {strides = array<i32>} : memref<4x1000xf32, #tpu.memory_space<vmem>>, vector<16xf32>,
        %swap3A_916 = arith.constant 2304 : index
        %swap3A_917 = tpu.vector_load %arg7[%swap3A_916] {strides = array<i32>} : memref<4096xf32, #tpu.memory_space<vmem>>, vector<16xf32>,
        tpu.vector_store %arg7[%swap3A_916], %get3A_915 {strides = array<i32>} : memref<4096xf32, #tpu.memory_space<vmem>>, vector<16xf32>,
        %get3A_918 = arith.constant 2 : i32
        %get3A_919 = arith.index_cast %get3A_918 : i32 to index
        %get3A_920 = arith.constant 272 : index
        %get3A_921 = tpu.vector_load %arg5[%get3A_919, %get3A_920] {strides = array<i32>} : memref<4x1000xf32, #tpu.memory_space<vmem>>, vector<16xf32>,
        %swap3A_922 = arith.constant 2320 : index
        %swap3A_923 = tpu.vector_load %arg7[%swap3A_922] {strides = array<i32>} : memref<4096xf32, #tpu.memory_space<vmem>>, vector<16xf32>,
        tpu.vector_store %arg7[%swap3A_922], %get3A_921 {strides = array<i32>} : memref<4096xf32, #tpu.memory_space<vmem>>, vector<16xf32>,
        %get3A_924 = arith.constant 2 : i32
        %get3A_925 = arith.index_cast %get3A_924 : i32 to index
        %get3A_926 = arith.constant 288 : index
        %get3A_927 = tpu.vector_load %arg5[%get3A_925, %get3A_926] {strides = array<i32>} : memref<4x1000xf32, #tpu.memory_space<vmem>>, vector<16xf32>,
        %swap3A_928 = arith.constant 2336 : index
        %swap3A_929 = tpu.vector_load %arg7[%swap3A_928] {strides = array<i32>} : memref<4096xf32, #tpu.memory_space<vmem>>, vector<16xf32>,
        tpu.vector_store %arg7[%swap3A_928], %get3A_927 {strides = array<i32>} : memref<4096xf32, #tpu.memory_space<vmem>>, vector<16xf32>,
        %get3A_930 = arith.constant 2 : i32
        %get3A_931 = arith.index_cast %get3A_930 : i32 to index
        %get3A_932 = arith.constant 304 : index
        %get3A_933 = tpu.vector_load %arg5[%get3A_931, %get3A_932] {strides = array<i32>} : memref<4x1000xf32, #tpu.memory_space<vmem>>, vector<16xf32>,
        %swap3A_934 = arith.constant 2352 : index
        %swap3A_935 = tpu.vector_load %arg7[%swap3A_934] {strides = array<i32>} : memref<4096xf32, #tpu.memory_space<vmem>>, vector<16xf32>,
        tpu.vector_store %arg7[%swap3A_934], %get3A_933 {strides = array<i32>} : memref<4096xf32, #tpu.memory_space<vmem>>, vector<16xf32>,
        %get3A_936 = arith.constant 2 : i32
        %get3A_937 = arith.index_cast %get3A_936 : i32 to index
        %get3A_938 = arith.constant 320 : index
        %get3A_939 = tpu.vector_load %arg5[%get3A_937, %get3A_938] {strides = array<i32>} : memref<4x1000xf32, #tpu.memory_space<vmem>>, vector<16xf32>,
        %swap3A_940 = arith.constant 2368 : index
        %swap3A_941 = tpu.vector_load %arg7[%swap3A_940] {strides = array<i32>} : memref<4096xf32, #tpu.memory_space<vmem>>, vector<16xf32>,
        tpu.vector_store %arg7[%swap3A_940], %get3A_939 {strides = array<i32>} : memref<4096xf32, #tpu.memory_space<vmem>>, vector<16xf32>,
        %get3A_942 = arith.constant 2 : i32
        %get3A_943 = arith.index_cast %get3A_942 : i32 to index
        %get3A_944 = arith.constant 336 : index
        %get3A_945 = tpu.vector_load %arg5[%get3A_943, %get3A_944] {strides = array<i32>} : memref<4x1000xf32, #tpu.memory_space<vmem>>, vector<16xf32>,
        %swap3A_946 = arith.constant 2384 : index
        %swap3A_947 = tpu.vector_load %arg7[%swap3A_946] {strides = array<i32>} : memref<4096xf32, #tpu.memory_space<vmem>>, vector<16xf32>,
        tpu.vector_store %arg7[%swap3A_946], %get3A_945 {strides = array<i32>} : memref<4096xf32, #tpu.memory_space<vmem>>, vector<16xf32>,
        %get3A_948 = arith.constant 2 : i32
        %get3A_949 = arith.index_cast %get3A_948 : i32 to index
        %get3A_950 = arith.constant 352 : index
        %get3A_951 = tpu.vector_load %arg5[%get3A_949, %get3A_950] {strides = array<i32>} : memref<4x1000xf32, #tpu.memory_space<vmem>>, vector<16xf32>,
        %swap3A_952 = arith.constant 2400 : index
        %swap3A_953 = tpu.vector_load %arg7[%swap3A_952] {strides = array<i32>} : memref<4096xf32, #tpu.memory_space<vmem>>, vector<16xf32>,
        tpu.vector_store %arg7[%swap3A_952], %get3A_951 {strides = array<i32>} : memref<4096xf32, #tpu.memory_space<vmem>>, vector<16xf32>,
        %get3A_954 = arith.constant 2 : i32
        %get3A_955 = arith.index_cast %get3A_954 : i32 to index
        %get3A_956 = arith.constant 368 : index
        %get3A_957 = tpu.vector_load %arg5[%get3A_955, %get3A_956] {strides = array<i32>} : memref<4x1000xf32, #tpu.memory_space<vmem>>, vector<16xf32>,
        %swap3A_958 = arith.constant 2416 : index
        %swap3A_959 = tpu.vector_load %arg7[%swap3A_958] {strides = array<i32>} : memref<4096xf32, #tpu.memory_space<vmem>>, vector<16xf32>,
        tpu.vector_store %arg7[%swap3A_958], %get3A_957 {strides = array<i32>} : memref<4096xf32, #tpu.memory_space<vmem>>, vector<16xf32>,
        %get3A_960 = arith.constant 2 : i32
        %get3A_961 = arith.index_cast %get3A_960 : i32 to index
        %get3A_962 = arith.constant 384 : index
        %get3A_963 = tpu.vector_load %arg5[%get3A_961, %get3A_962] {strides = array<i32>} : memref<4x1000xf32, #tpu.memory_space<vmem>>, vector<16xf32>,
        %swap3A_964 = arith.constant 2432 : index
        %swap3A_965 = tpu.vector_load %arg7[%swap3A_964] {strides = array<i32>} : memref<4096xf32, #tpu.memory_space<vmem>>, vector<16xf32>,
        tpu.vector_store %arg7[%swap3A_964], %get3A_963 {strides = array<i32>} : memref<4096xf32, #tpu.memory_space<vmem>>, vector<16xf32>,
        %get3A_966 = arith.constant 2 : i32
        %get3A_967 = arith.index_cast %get3A_966 : i32 to index
        %get3A_968 = arith.constant 400 : index
        %get3A_969 = tpu.vector_load %arg5[%get3A_967, %get3A_968] {strides = array<i32>} : memref<4x1000xf32, #tpu.memory_space<vmem>>, vector<16xf32>,
        %swap3A_970 = arith.constant 2448 : index
        %swap3A_971 = tpu.vector_load %arg7[%swap3A_970] {strides = array<i32>} : memref<4096xf32, #tpu.memory_space<vmem>>, vector<16xf32>,
        tpu.vector_store %arg7[%swap3A_970], %get3A_969 {strides = array<i32>} : memref<4096xf32, #tpu.memory_space<vmem>>, vector<16xf32>,
        %get3A_972 = arith.constant 2 : i32
        %get3A_973 = arith.index_cast %get3A_972 : i32 to index
        %get3A_974 = arith.constant 416 : index
        %get3A_975 = tpu.vector_load %arg5[%get3A_973, %get3A_974] {strides = array<i32>} : memref<4x1000xf32, #tpu.memory_space<vmem>>, vector<16xf32>,
        %swap3A_976 = arith.constant 2464 : index
        %swap3A_977 = tpu.vector_load %arg7[%swap3A_976] {strides = array<i32>} : memref<4096xf32, #tpu.memory_space<vmem>>, vector<16xf32>,
        tpu.vector_store %arg7[%swap3A_976], %get3A_975 {strides = array<i32>} : memref<4096xf32, #tpu.memory_space<vmem>>, vector<16xf32>,
        %get3A_978 = arith.constant 2 : i32
        %get3A_979 = arith.index_cast %get3A_978 : i32 to index
        %get3A_980 = arith.constant 432 : index
        %get3A_981 = tpu.vector_load %arg5[%get3A_979, %get3A_980] {strides = array<i32>} : memref<4x1000xf32, #tpu.memory_space<vmem>>, vector<16xf32>,
        %swap3A_982 = arith.constant 2480 : index
        %swap3A_983 = tpu.vector_load %arg7[%swap3A_982] {strides = array<i32>} : memref<4096xf32, #tpu.memory_space<vmem>>, vector<16xf32>,
        tpu.vector_store %arg7[%swap3A_982], %get3A_981 {strides = array<i32>} : memref<4096xf32, #tpu.memory_space<vmem>>, vector<16xf32>,
        %get3A_984 = arith.constant 2 : i32
        %get3A_985 = arith.index_cast %get3A_984 : i32 to index
        %get3A_986 = arith.constant 448 : index
        %get3A_987 = tpu.vector_load %arg5[%get3A_985, %get3A_986] {strides = array<i32>} : memref<4x1000xf32, #tpu.memory_space<vmem>>, vector<16xf32>,
        %swap3A_988 = arith.constant 2496 : index
        %swap3A_989 = tpu.vector_load %arg7[%swap3A_988] {strides = array<i32>} : memref<4096xf32, #tpu.memory_space<vmem>>, vector<16xf32>,
        tpu.vector_store %arg7[%swap3A_988], %get3A_987 {strides = array<i32>} : memref<4096xf32, #tpu.memory_space<vmem>>, vector<16xf32>,
        %get3A_990 = arith.constant 2 : i32
        %get3A_991 = arith.index_cast %get3A_990 : i32 to index
        %get3A_992 = arith.constant 464 : index
        %get3A_993 = tpu.vector_load %arg5[%get3A_991, %get3A_992] {strides = array<i32>} : memref<4x1000xf32, #tpu.memory_space<vmem>>, vector<16xf32>,
        %swap3A_994 = arith.constant 2512 : index
        %swap3A_995 = tpu.vector_load %arg7[%swap3A_994] {strides = array<i32>} : memref<4096xf32, #tpu.memory_space<vmem>>, vector<16xf32>,
        tpu.vector_store %arg7[%swap3A_994], %get3A_993 {strides = array<i32>} : memref<4096xf32, #tpu.memory_space<vmem>>, vector<16xf32>,
        %get3A_996 = arith.constant 2 : i32
        %get3A_997 = arith.index_cast %get3A_996 : i32 to index
        %get3A_998 = arith.constant 480 : index
        %get3A_999 = tpu.vector_load %arg5[%get3A_997, %get3A_998] {strides = array<i32>} : memref<4x1000xf32, #tpu.memory_space<vmem>>, vector<16xf32>,
        %swap3A_1000 = arith.constant 2528 : index
        %swap3A_1001 = tpu.vector_load %arg7[%swap3A_1000] {strides = array<i32>} : memref<4096xf32, #tpu.memory_space<vmem>>, vector<16xf32>,
        tpu.vector_store %arg7[%swap3A_1000], %get3A_999 {strides = array<i32>} : memref<4096xf32, #tpu.memory_space<vmem>>, vector<16xf32>,
        %get3A_1002 = arith.constant 2 : i32
        %get3A_1003 = arith.index_cast %get3A_1002 : i32 to index
        %get3A_1004 = arith.constant 496 : index
        %get3A_1005 = tpu.vector_load %arg5[%get3A_1003, %get3A_1004] {strides = array<i32>} : memref<4x1000xf32, #tpu.memory_space<vmem>>, vector<16xf32>,
        %swap3A_1006 = arith.constant 2544 : index
        %swap3A_1007 = tpu.vector_load %arg7[%swap3A_1006] {strides = array<i32>} : memref<4096xf32, #tpu.memory_space<vmem>>, vector<16xf32>,
        tpu.vector_store %arg7[%swap3A_1006], %get3A_1005 {strides = array<i32>} : memref<4096xf32, #tpu.memory_space<vmem>>, vector<16xf32>,
        %get3A_1008 = arith.constant 2 : i32
        %get3A_1009 = arith.index_cast %get3A_1008 : i32 to index
        %get3A_1010 = arith.constant 512 : index
        %get3A_1011 = tpu.vector_load %arg5[%get3A_1009, %get3A_1010] {strides = array<i32>} : memref<4x1000xf32, #tpu.memory_space<vmem>>, vector<16xf32>,
        %swap3A_1012 = arith.constant 2560 : index
        %swap3A_1013 = tpu.vector_load %arg7[%swap3A_1012] {strides = array<i32>} : memref<4096xf32, #tpu.memory_space<vmem>>, vector<16xf32>,
        tpu.vector_store %arg7[%swap3A_1012], %get3A_1011 {strides = array<i32>} : memref<4096xf32, #tpu.memory_space<vmem>>, vector<16xf32>,
        %get3A_1014 = arith.constant 2 : i32
        %get3A_1015 = arith.index_cast %get3A_1014 : i32 to index
        %get3A_1016 = arith.constant 528 : index
        %get3A_1017 = tpu.vector_load %arg5[%get3A_1015, %get3A_1016] {strides = array<i32>} : memref<4x1000xf32, #tpu.memory_space<vmem>>, vector<16xf32>,
        %swap3A_1018 = arith.constant 2576 : index
        %swap3A_1019 = tpu.vector_load %arg7[%swap3A_1018] {strides = array<i32>} : memref<4096xf32, #tpu.memory_space<vmem>>, vector<16xf32>,
        tpu.vector_store %arg7[%swap3A_1018], %get3A_1017 {strides = array<i32>} : memref<4096xf32, #tpu.memory_space<vmem>>, vector<16xf32>,
        %get3A_1020 = arith.constant 2 : i32
        %get3A_1021 = arith.index_cast %get3A_1020 : i32 to index
        %get3A_1022 = arith.constant 544 : index
        %get3A_1023 = tpu.vector_load %arg5[%get3A_1021, %get3A_1022] {strides = array<i32>} : memref<4x1000xf32, #tpu.memory_space<vmem>>, vector<16xf32>,
        %swap3A_1024 = arith.constant 2592 : index
        %swap3A_1025 = tpu.vector_load %arg7[%swap3A_1024] {strides = array<i32>} : memref<4096xf32, #tpu.memory_space<vmem>>, vector<16xf32>,
        tpu.vector_store %arg7[%swap3A_1024], %get3A_1023 {strides = array<i32>} : memref<4096xf32, #tpu.memory_space<vmem>>, vector<16xf32>,
        %get3A_1026 = arith.constant 2 : i32
        %get3A_1027 = arith.index_cast %get3A_1026 : i32 to index
        %get3A_1028 = arith.constant 560 : index
        %get3A_1029 = tpu.vector_load %arg5[%get3A_1027, %get3A_1028] {strides = array<i32>} : memref<4x1000xf32, #tpu.memory_space<vmem>>, vector<16xf32>,
        %swap3A_1030 = arith.constant 2608 : index
        %swap3A_1031 = tpu.vector_load %arg7[%swap3A_1030] {strides = array<i32>} : memref<4096xf32, #tpu.memory_space<vmem>>, vector<16xf32>,
        tpu.vector_store %arg7[%swap3A_1030], %get3A_1029 {strides = array<i32>} : memref<4096xf32, #tpu.memory_space<vmem>>, vector<16xf32>,
        %get3A_1032 = arith.constant 2 : i32
        %get3A_1033 = arith.index_cast %get3A_1032 : i32 to index
        %get3A_1034 = arith.constant 576 : index
        %get3A_1035 = tpu.vector_load %arg5[%get3A_1033, %get3A_1034] {strides = array<i32>} : memref<4x1000xf32, #tpu.memory_space<vmem>>, vector<16xf32>,
        %swap3A_1036 = arith.constant 2624 : index
        %swap3A_1037 = tpu.vector_load %arg7[%swap3A_1036] {strides = array<i32>} : memref<4096xf32, #tpu.memory_space<vmem>>, vector<16xf32>,
        tpu.vector_store %arg7[%swap3A_1036], %get3A_1035 {strides = array<i32>} : memref<4096xf32, #tpu.memory_space<vmem>>, vector<16xf32>,
        %get3A_1038 = arith.constant 2 : i32
        %get3A_1039 = arith.index_cast %get3A_1038 : i32 to index
        %get3A_1040 = arith.constant 592 : index
        %get3A_1041 = tpu.vector_load %arg5[%get3A_1039, %get3A_1040] {strides = array<i32>} : memref<4x1000xf32, #tpu.memory_space<vmem>>, vector<16xf32>,
        %swap3A_1042 = arith.constant 2640 : index
        %swap3A_1043 = tpu.vector_load %arg7[%swap3A_1042] {strides = array<i32>} : memref<4096xf32, #tpu.memory_space<vmem>>, vector<16xf32>,
        tpu.vector_store %arg7[%swap3A_1042], %get3A_1041 {strides = array<i32>} : memref<4096xf32, #tpu.memory_space<vmem>>, vector<16xf32>,
        %get3A_1044 = arith.constant 2 : i32
        %get3A_1045 = arith.index_cast %get3A_1044 : i32 to index
        %get3A_1046 = arith.constant 608 : index
        %get3A_1047 = tpu.vector_load %arg5[%get3A_1045, %get3A_1046] {strides = array<i32>} : memref<4x1000xf32, #tpu.memory_space<vmem>>, vector<16xf32>,
        %swap3A_1048 = arith.constant 2656 : index
        %swap3A_1049 = tpu.vector_load %arg7[%swap3A_1048] {strides = array<i32>} : memref<4096xf32, #tpu.memory_space<vmem>>, vector<16xf32>,
        tpu.vector_store %arg7[%swap3A_1048], %get3A_1047 {strides = array<i32>} : memref<4096xf32, #tpu.memory_space<vmem>>, vector<16xf32>,
        %get3A_1050 = arith.constant 2 : i32
        %get3A_1051 = arith.index_cast %get3A_1050 : i32 to index
        %get3A_1052 = arith.constant 624 : index
        %get3A_1053 = tpu.vector_load %arg5[%get3A_1051, %get3A_1052] {strides = array<i32>} : memref<4x1000xf32, #tpu.memory_space<vmem>>, vector<16xf32>,
        %swap3A_1054 = arith.constant 2672 : index
        %swap3A_1055 = tpu.vector_load %arg7[%swap3A_1054] {strides = array<i32>} : memref<4096xf32, #tpu.memory_space<vmem>>, vector<16xf32>,
        tpu.vector_store %arg7[%swap3A_1054], %get3A_1053 {strides = array<i32>} : memref<4096xf32, #tpu.memory_space<vmem>>, vector<16xf32>,
        %get3A_1056 = arith.constant 2 : i32
        %get3A_1057 = arith.index_cast %get3A_1056 : i32 to index
        %get3A_1058 = arith.constant 640 : index
        %get3A_1059 = tpu.vector_load %arg5[%get3A_1057, %get3A_1058] {strides = array<i32>} : memref<4x1000xf32, #tpu.memory_space<vmem>>, vector<16xf32>,
        %swap3A_1060 = arith.constant 2688 : index
        %swap3A_1061 = tpu.vector_load %arg7[%swap3A_1060] {strides = array<i32>} : memref<4096xf32, #tpu.memory_space<vmem>>, vector<16xf32>,
        tpu.vector_store %arg7[%swap3A_1060], %get3A_1059 {strides = array<i32>} : memref<4096xf32, #tpu.memory_space<vmem>>, vector<16xf32>,
        %get3A_1062 = arith.constant 2 : i32
        %get3A_1063 = arith.index_cast %get3A_1062 : i32 to index
        %get3A_1064 = arith.constant 656 : index
        %get3A_1065 = tpu.vector_load %arg5[%get3A_1063, %get3A_1064] {strides = array<i32>} : memref<4x1000xf32, #tpu.memory_space<vmem>>, vector<16xf32>,
        %swap3A_1066 = arith.constant 2704 : index
        %swap3A_1067 = tpu.vector_load %arg7[%swap3A_1066] {strides = array<i32>} : memref<4096xf32, #tpu.memory_space<vmem>>, vector<16xf32>,
        tpu.vector_store %arg7[%swap3A_1066], %get3A_1065 {strides = array<i32>} : memref<4096xf32, #tpu.memory_space<vmem>>, vector<16xf32>,
        %get3A_1068 = arith.constant 2 : i32
        %get3A_1069 = arith.index_cast %get3A_1068 : i32 to index
        %get3A_1070 = arith.constant 672 : index
        %get3A_1071 = tpu.vector_load %arg5[%get3A_1069, %get3A_1070] {strides = array<i32>} : memref<4x1000xf32, #tpu.memory_space<vmem>>, vector<16xf32>,
        %swap3A_1072 = arith.constant 2720 : index
        %swap3A_1073 = tpu.vector_load %arg7[%swap3A_1072] {strides = array<i32>} : memref<4096xf32, #tpu.memory_space<vmem>>, vector<16xf32>,
        tpu.vector_store %arg7[%swap3A_1072], %get3A_1071 {strides = array<i32>} : memref<4096xf32, #tpu.memory_space<vmem>>, vector<16xf32>,
        %get3A_1074 = arith.constant 2 : i32
        %get3A_1075 = arith.index_cast %get3A_1074 : i32 to index
        %get3A_1076 = arith.constant 688 : index
        %get3A_1077 = tpu.vector_load %arg5[%get3A_1075, %get3A_1076] {strides = array<i32>} : memref<4x1000xf32, #tpu.memory_space<vmem>>, vector<16xf32>,
        %swap3A_1078 = arith.constant 2736 : index
        %swap3A_1079 = tpu.vector_load %arg7[%swap3A_1078] {strides = array<i32>} : memref<4096xf32, #tpu.memory_space<vmem>>, vector<16xf32>,
        tpu.vector_store %arg7[%swap3A_1078], %get3A_1077 {strides = array<i32>} : memref<4096xf32, #tpu.memory_space<vmem>>, vector<16xf32>,
        %get3A_1080 = arith.constant 2 : i32
        %get3A_1081 = arith.index_cast %get3A_1080 : i32 to index
        %get3A_1082 = arith.constant 704 : index
        %get3A_1083 = tpu.vector_load %arg5[%get3A_1081, %get3A_1082] {strides = array<i32>} : memref<4x1000xf32, #tpu.memory_space<vmem>>, vector<16xf32>,
        %swap3A_1084 = arith.constant 2752 : index
        %swap3A_1085 = tpu.vector_load %arg7[%swap3A_1084] {strides = array<i32>} : memref<4096xf32, #tpu.memory_space<vmem>>, vector<16xf32>,
        tpu.vector_store %arg7[%swap3A_1084], %get3A_1083 {strides = array<i32>} : memref<4096xf32, #tpu.memory_space<vmem>>, vector<16xf32>,
        %get3A_1086 = arith.constant 2 : i32
        %get3A_1087 = arith.index_cast %get3A_1086 : i32 to index
        %get3A_1088 = arith.constant 720 : index
        %get3A_1089 = tpu.vector_load %arg5[%get3A_1087, %get3A_1088] {strides = array<i32>} : memref<4x1000xf32, #tpu.memory_space<vmem>>, vector<16xf32>,
        %swap3A_1090 = arith.constant 2768 : index
        %swap3A_1091 = tpu.vector_load %arg7[%swap3A_1090] {strides = array<i32>} : memref<4096xf32, #tpu.memory_space<vmem>>, vector<16xf32>,
        tpu.vector_store %arg7[%swap3A_1090], %get3A_1089 {strides = array<i32>} : memref<4096xf32, #tpu.memory_space<vmem>>, vector<16xf32>,
        %get3A_1092 = arith.constant 2 : i32
        %get3A_1093 = arith.index_cast %get3A_1092 : i32 to index
        %get3A_1094 = arith.constant 736 : index
        %get3A_1095 = tpu.vector_load %arg5[%get3A_1093, %get3A_1094] {strides = array<i32>} : memref<4x1000xf32, #tpu.memory_space<vmem>>, vector<16xf32>,
        %swap3A_1096 = arith.constant 2784 : index
        %swap3A_1097 = tpu.vector_load %arg7[%swap3A_1096] {strides = array<i32>} : memref<4096xf32, #tpu.memory_space<vmem>>, vector<16xf32>,
        tpu.vector_store %arg7[%swap3A_1096], %get3A_1095 {strides = array<i32>} : memref<4096xf32, #tpu.memory_space<vmem>>, vector<16xf32>,
        %get3A_1098 = arith.constant 2 : i32
        %get3A_1099 = arith.index_cast %get3A_1098 : i32 to index
        %get3A_1100 = arith.constant 752 : index
        %get3A_1101 = tpu.vector_load %arg5[%get3A_1099, %get3A_1100] {strides = array<i32>} : memref<4x1000xf32, #tpu.memory_space<vmem>>, vector<16xf32>,
        %swap3A_1102 = arith.constant 2800 : index
        %swap3A_1103 = tpu.vector_load %arg7[%swap3A_1102] {strides = array<i32>} : memref<4096xf32, #tpu.memory_space<vmem>>, vector<16xf32>,
        tpu.vector_store %arg7[%swap3A_1102], %get3A_1101 {strides = array<i32>} : memref<4096xf32, #tpu.memory_space<vmem>>, vector<16xf32>,
        %get3A_1104 = arith.constant 2 : i32
        %get3A_1105 = arith.index_cast %get3A_1104 : i32 to index
        %get3A_1106 = arith.constant 768 : index
        %get3A_1107 = tpu.vector_load %arg5[%get3A_1105, %get3A_1106] {strides = array<i32>} : memref<4x1000xf32, #tpu.memory_space<vmem>>, vector<16xf32>,
        %swap3A_1108 = arith.constant 2816 : index
        %swap3A_1109 = tpu.vector_load %arg7[%swap3A_1108] {strides = array<i32>} : memref<4096xf32, #tpu.memory_space<vmem>>, vector<16xf32>,
        tpu.vector_store %arg7[%swap3A_1108], %get3A_1107 {strides = array<i32>} : memref<4096xf32, #tpu.memory_space<vmem>>, vector<16xf32>,
        %get3A_1110 = arith.constant 2 : i32
        %get3A_1111 = arith.index_cast %get3A_1110 : i32 to index
        %get3A_1112 = arith.constant 784 : index
        %get3A_1113 = tpu.vector_load %arg5[%get3A_1111, %get3A_1112] {strides = array<i32>} : memref<4x1000xf32, #tpu.memory_space<vmem>>, vector<16xf32>,
        %swap3A_1114 = arith.constant 2832 : index
        %swap3A_1115 = tpu.vector_load %arg7[%swap3A_1114] {strides = array<i32>} : memref<4096xf32, #tpu.memory_space<vmem>>, vector<16xf32>,
        tpu.vector_store %arg7[%swap3A_1114], %get3A_1113 {strides = array<i32>} : memref<4096xf32, #tpu.memory_space<vmem>>, vector<16xf32>,
        %get3A_1116 = arith.constant 2 : i32
        %get3A_1117 = arith.index_cast %get3A_1116 : i32 to index
        %get3A_1118 = arith.constant 800 : index
        %get3A_1119 = tpu.vector_load %arg5[%get3A_1117, %get3A_1118] {strides = array<i32>} : memref<4x1000xf32, #tpu.memory_space<vmem>>, vector<16xf32>,
        %swap3A_1120 = arith.constant 2848 : index
        %swap3A_1121 = tpu.vector_load %arg7[%swap3A_1120] {strides = array<i32>} : memref<4096xf32, #tpu.memory_space<vmem>>, vector<16xf32>,
        tpu.vector_store %arg7[%swap3A_1120], %get3A_1119 {strides = array<i32>} : memref<4096xf32, #tpu.memory_space<vmem>>, vector<16xf32>,
        %get3A_1122 = arith.constant 2 : i32
        %get3A_1123 = arith.index_cast %get3A_1122 : i32 to index
        %get3A_1124 = arith.constant 816 : index
        %get3A_1125 = tpu.vector_load %arg5[%get3A_1123, %get3A_1124] {strides = array<i32>} : memref<4x1000xf32, #tpu.memory_space<vmem>>, vector<16xf32>,
        %swap3A_1126 = arith.constant 2864 : index
        %swap3A_1127 = tpu.vector_load %arg7[%swap3A_1126] {strides = array<i32>} : memref<4096xf32, #tpu.memory_space<vmem>>, vector<16xf32>,
        tpu.vector_store %arg7[%swap3A_1126], %get3A_1125 {strides = array<i32>} : memref<4096xf32, #tpu.memory_space<vmem>>, vector<16xf32>,
        %get3A_1128 = arith.constant 2 : i32
        %get3A_1129 = arith.index_cast %get3A_1128 : i32 to index
        %get3A_1130 = arith.constant 832 : index
        %get3A_1131 = tpu.vector_load %arg5[%get3A_1129, %get3A_1130] {strides = array<i32>} : memref<4x1000xf32, #tpu.memory_space<vmem>>, vector<16xf32>,
        %swap3A_1132 = arith.constant 2880 : index
        %swap3A_1133 = tpu.vector_load %arg7[%swap3A_1132] {strides = array<i32>} : memref<4096xf32, #tpu.memory_space<vmem>>, vector<16xf32>,
        tpu.vector_store %arg7[%swap3A_1132], %get3A_1131 {strides = array<i32>} : memref<4096xf32, #tpu.memory_space<vmem>>, vector<16xf32>,
        %get3A_1134 = arith.constant 2 : i32
        %get3A_1135 = arith.index_cast %get3A_1134 : i32 to index
        %get3A_1136 = arith.constant 848 : index
        %get3A_1137 = tpu.vector_load %arg5[%get3A_1135, %get3A_1136] {strides = array<i32>} : memref<4x1000xf32, #tpu.memory_space<vmem>>, vector<16xf32>,
        %swap3A_1138 = arith.constant 2896 : index
        %swap3A_1139 = tpu.vector_load %arg7[%swap3A_1138] {strides = array<i32>} : memref<4096xf32, #tpu.memory_space<vmem>>, vector<16xf32>,
        tpu.vector_store %arg7[%swap3A_1138], %get3A_1137 {strides = array<i32>} : memref<4096xf32, #tpu.memory_space<vmem>>, vector<16xf32>,
        %get3A_1140 = arith.constant 2 : i32
        %get3A_1141 = arith.index_cast %get3A_1140 : i32 to index
        %get3A_1142 = arith.constant 864 : index
        %get3A_1143 = tpu.vector_load %arg5[%get3A_1141, %get3A_1142] {strides = array<i32>} : memref<4x1000xf32, #tpu.memory_space<vmem>>, vector<16xf32>,
        %swap3A_1144 = arith.constant 2912 : index
        %swap3A_1145 = tpu.vector_load %arg7[%swap3A_1144] {strides = array<i32>} : memref<4096xf32, #tpu.memory_space<vmem>>, vector<16xf32>,
        tpu.vector_store %arg7[%swap3A_1144], %get3A_1143 {strides = array<i32>} : memref<4096xf32, #tpu.memory_space<vmem>>, vector<16xf32>,
        %get3A_1146 = arith.constant 2 : i32
        %get3A_1147 = arith.index_cast %get3A_1146 : i32 to index
        %get3A_1148 = arith.constant 880 : index
        %get3A_1149 = tpu.vector_load %arg5[%get3A_1147, %get3A_1148] {strides = array<i32>} : memref<4x1000xf32, #tpu.memory_space<vmem>>, vector<16xf32>,
        %swap3A_1150 = arith.constant 2928 : index
        %swap3A_1151 = tpu.vector_load %arg7[%swap3A_1150] {strides = array<i32>} : memref<4096xf32, #tpu.memory_space<vmem>>, vector<16xf32>,
        tpu.vector_store %arg7[%swap3A_1150], %get3A_1149 {strides = array<i32>} : memref<4096xf32, #tpu.memory_space<vmem>>, vector<16xf32>,
        %get3A_1152 = arith.constant 2 : i32
        %get3A_1153 = arith.index_cast %get3A_1152 : i32 to index
        %get3A_1154 = arith.constant 896 : index
        %get3A_1155 = tpu.vector_load %arg5[%get3A_1153, %get3A_1154] {strides = array<i32>} : memref<4x1000xf32, #tpu.memory_space<vmem>>, vector<16xf32>,
        %swap3A_1156 = arith.constant 2944 : index
        %swap3A_1157 = tpu.vector_load %arg7[%swap3A_1156] {strides = array<i32>} : memref<4096xf32, #tpu.memory_space<vmem>>, vector<16xf32>,
        tpu.vector_store %arg7[%swap3A_1156], %get3A_1155 {strides = array<i32>} : memref<4096xf32, #tpu.memory_space<vmem>>, vector<16xf32>,
        %get3A_1158 = arith.constant 2 : i32
        %get3A_1159 = arith.index_cast %get3A_1158 : i32 to index
        %get3A_1160 = arith.constant 912 : index
        %get3A_1161 = tpu.vector_load %arg5[%get3A_1159, %get3A_1160] {strides = array<i32>} : memref<4x1000xf32, #tpu.memory_space<vmem>>, vector<16xf32>,
        %swap3A_1162 = arith.constant 2960 : index
        %swap3A_1163 = tpu.vector_load %arg7[%swap3A_1162] {strides = array<i32>} : memref<4096xf32, #tpu.memory_space<vmem>>, vector<16xf32>,
        tpu.vector_store %arg7[%swap3A_1162], %get3A_1161 {strides = array<i32>} : memref<4096xf32, #tpu.memory_space<vmem>>, vector<16xf32>,
        %get3A_1164 = arith.constant 2 : i32
        %get3A_1165 = arith.index_cast %get3A_1164 : i32 to index
        %get3A_1166 = arith.constant 928 : index
        %get3A_1167 = tpu.vector_load %arg5[%get3A_1165, %get3A_1166] {strides = array<i32>} : memref<4x1000xf32, #tpu.memory_space<vmem>>, vector<16xf32>,
        %swap3A_1168 = arith.constant 2976 : index
        %swap3A_1169 = tpu.vector_load %arg7[%swap3A_1168] {strides = array<i32>} : memref<4096xf32, #tpu.memory_space<vmem>>, vector<16xf32>,
        tpu.vector_store %arg7[%swap3A_1168], %get3A_1167 {strides = array<i32>} : memref<4096xf32, #tpu.memory_space<vmem>>, vector<16xf32>,
        %get3A_1170 = arith.constant 2 : i32
        %get3A_1171 = arith.index_cast %get3A_1170 : i32 to index
        %get3A_1172 = arith.constant 944 : index
        %get3A_1173 = tpu.vector_load %arg5[%get3A_1171, %get3A_1172] {strides = array<i32>} : memref<4x1000xf32, #tpu.memory_space<vmem>>, vector<16xf32>,
        %swap3A_1174 = arith.constant 2992 : index
        %swap3A_1175 = tpu.vector_load %arg7[%swap3A_1174] {strides = array<i32>} : memref<4096xf32, #tpu.memory_space<vmem>>, vector<16xf32>,
        tpu.vector_store %arg7[%swap3A_1174], %get3A_1173 {strides = array<i32>} : memref<4096xf32, #tpu.memory_space<vmem>>, vector<16xf32>,
        %get3A_1176 = arith.constant 2 : i32
        %get3A_1177 = arith.index_cast %get3A_1176 : i32 to index
        %get3A_1178 = arith.constant 960 : index
        %get3A_1179 = tpu.vector_load %arg5[%get3A_1177, %get3A_1178] {strides = array<i32>} : memref<4x1000xf32, #tpu.memory_space<vmem>>, vector<16xf32>,
        %swap3A_1180 = arith.constant 3008 : index
        %swap3A_1181 = tpu.vector_load %arg7[%swap3A_1180] {strides = array<i32>} : memref<4096xf32, #tpu.memory_space<vmem>>, vector<16xf32>,
        tpu.vector_store %arg7[%swap3A_1180], %get3A_1179 {strides = array<i32>} : memref<4096xf32, #tpu.memory_space<vmem>>, vector<16xf32>,
        %get3A_1182 = arith.constant 2 : i32
        %get3A_1183 = arith.index_cast %get3A_1182 : i32 to index
        %get3A_1184 = arith.constant 976 : index
        %get3A_1185 = tpu.vector_load %arg5[%get3A_1183, %get3A_1184] {strides = array<i32>} : memref<4x1000xf32, #tpu.memory_space<vmem>>, vector<16xf32>,
        %swap3A_1186 = arith.constant 3024 : index
        %swap3A_1187 = tpu.vector_load %arg7[%swap3A_1186] {strides = array<i32>} : memref<4096xf32, #tpu.memory_space<vmem>>, vector<16xf32>,
        tpu.vector_store %arg7[%swap3A_1186], %get3A_1185 {strides = array<i32>} : memref<4096xf32, #tpu.memory_space<vmem>>, vector<16xf32>,
        %get3A_1188 = arith.constant 2 : i32
        %get3A_1189 = arith.index_cast %get3A_1188 : i32 to index
        %get3A_1190 = arith.constant 984 : index
        %get3A_1191 = tpu.vector_load %arg5[%get3A_1189, %get3A_1190] {strides = array<i32>} : memref<4x1000xf32, #tpu.memory_space<vmem>>, vector<16xf32>,
        %swap3A_1192 = arith.constant 3032 : index
        %swap3A_1193 = tpu.vector_load %arg7[%swap3A_1192] {strides = array<i32>} : memref<4096xf32, #tpu.memory_space<vmem>>, vector<16xf32>,
        tpu.vector_store %arg7[%swap3A_1192], %get3A_1191 {strides = array<i32>} : memref<4096xf32, #tpu.memory_space<vmem>>, vector<16xf32>,
        %get3A_1194 = arith.constant 3 : i32
        %get3A_1195 = arith.index_cast %get3A_1194 : i32 to index
        %get3A_1196 = arith.constant 0 : index
        %get3A_1197 = tpu.vector_load %arg5[%get3A_1195, %get3A_1196] {strides = array<i32>} : memref<4x1000xf32, #tpu.memory_space<vmem>>, vector<16xf32>,
        %swap3A_1198 = arith.constant 3072 : index
        %swap3A_1199 = tpu.vector_load %arg7[%swap3A_1198] {strides = array<i32>} : memref<4096xf32, #tpu.memory_space<vmem>>, vector<16xf32>,
        tpu.vector_store %arg7[%swap3A_1198], %get3A_1197 {strides = array<i32>} : memref<4096xf32, #tpu.memory_space<vmem>>, vector<16xf32>,
        %get3A_1200 = arith.constant 3 : i32
        %get3A_1201 = arith.index_cast %get3A_1200 : i32 to index
        %get3A_1202 = arith.constant 16 : index
        %get3A_1203 = tpu.vector_load %arg5[%get3A_1201, %get3A_1202] {strides = array<i32>} : memref<4x1000xf32, #tpu.memory_space<vmem>>, vector<16xf32>,
        %swap3A_1204 = arith.constant 3088 : index
        %swap3A_1205 = tpu.vector_load %arg7[%swap3A_1204] {strides = array<i32>} : memref<4096xf32, #tpu.memory_space<vmem>>, vector<16xf32>,
        tpu.vector_store %arg7[%swap3A_1204], %get3A_1203 {strides = array<i32>} : memref<4096xf32, #tpu.memory_space<vmem>>, vector<16xf32>,
        %get3A_1206 = arith.constant 3 : i32
        %get3A_1207 = arith.index_cast %get3A_1206 : i32 to index
        %get3A_1208 = arith.constant 32 : index
        %get3A_1209 = tpu.vector_load %arg5[%get3A_1207, %get3A_1208] {strides = array<i32>} : memref<4x1000xf32, #tpu.memory_space<vmem>>, vector<16xf32>,
        %swap3A_1210 = arith.constant 3104 : index
        %swap3A_1211 = tpu.vector_load %arg7[%swap3A_1210] {strides = array<i32>} : memref<4096xf32, #tpu.memory_space<vmem>>, vector<16xf32>,
        tpu.vector_store %arg7[%swap3A_1210], %get3A_1209 {strides = array<i32>} : memref<4096xf32, #tpu.memory_space<vmem>>, vector<16xf32>,
        %get3A_1212 = arith.constant 3 : i32
        %get3A_1213 = arith.index_cast %get3A_1212 : i32 to index
        %get3A_1214 = arith.constant 48 : index
        %get3A_1215 = tpu.vector_load %arg5[%get3A_1213, %get3A_1214] {strides = array<i32>} : memref<4x1000xf32, #tpu.memory_space<vmem>>, vector<16xf32>,
        %swap3A_1216 = arith.constant 3120 : index
        %swap3A_1217 = tpu.vector_load %arg7[%swap3A_1216] {strides = array<i32>} : memref<4096xf32, #tpu.memory_space<vmem>>, vector<16xf32>,
        tpu.vector_store %arg7[%swap3A_1216], %get3A_1215 {strides = array<i32>} : memref<4096xf32, #tpu.memory_space<vmem>>, vector<16xf32>,
        %get3A_1218 = arith.constant 3 : i32
        %get3A_1219 = arith.index_cast %get3A_1218 : i32 to index
        %get3A_1220 = arith.constant 64 : index
        %get3A_1221 = tpu.vector_load %arg5[%get3A_1219, %get3A_1220] {strides = array<i32>} : memref<4x1000xf32, #tpu.memory_space<vmem>>, vector<16xf32>,
        %swap3A_1222 = arith.constant 3136 : index
        %swap3A_1223 = tpu.vector_load %arg7[%swap3A_1222] {strides = array<i32>} : memref<4096xf32, #tpu.memory_space<vmem>>, vector<16xf32>,
        tpu.vector_store %arg7[%swap3A_1222], %get3A_1221 {strides = array<i32>} : memref<4096xf32, #tpu.memory_space<vmem>>, vector<16xf32>,
        %get3A_1224 = arith.constant 3 : i32
        %get3A_1225 = arith.index_cast %get3A_1224 : i32 to index
        %get3A_1226 = arith.constant 80 : index
        %get3A_1227 = tpu.vector_load %arg5[%get3A_1225, %get3A_1226] {strides = array<i32>} : memref<4x1000xf32, #tpu.memory_space<vmem>>, vector<16xf32>,
        %swap3A_1228 = arith.constant 3152 : index
        %swap3A_1229 = tpu.vector_load %arg7[%swap3A_1228] {strides = array<i32>} : memref<4096xf32, #tpu.memory_space<vmem>>, vector<16xf32>,
        tpu.vector_store %arg7[%swap3A_1228], %get3A_1227 {strides = array<i32>} : memref<4096xf32, #tpu.memory_space<vmem>>, vector<16xf32>,
        %get3A_1230 = arith.constant 3 : i32
        %get3A_1231 = arith.index_cast %get3A_1230 : i32 to index
        %get3A_1232 = arith.constant 96 : index
        %get3A_1233 = tpu.vector_load %arg5[%get3A_1231, %get3A_1232] {strides = array<i32>} : memref<4x1000xf32, #tpu.memory_space<vmem>>, vector<16xf32>,
        %swap3A_1234 = arith.constant 3168 : index
        %swap3A_1235 = tpu.vector_load %arg7[%swap3A_1234] {strides = array<i32>} : memref<4096xf32, #tpu.memory_space<vmem>>, vector<16xf32>,
        tpu.vector_store %arg7[%swap3A_1234], %get3A_1233 {strides = array<i32>} : memref<4096xf32, #tpu.memory_space<vmem>>, vector<16xf32>,
        %get3A_1236 = arith.constant 3 : i32
        %get3A_1237 = arith.index_cast %get3A_1236 : i32 to index
        %get3A_1238 = arith.constant 112 : index
        %get3A_1239 = tpu.vector_load %arg5[%get3A_1237, %get3A_1238] {strides = array<i32>} : memref<4x1000xf32, #tpu.memory_space<vmem>>, vector<16xf32>,
        %swap3A_1240 = arith.constant 3184 : index
        %swap3A_1241 = tpu.vector_load %arg7[%swap3A_1240] {strides = array<i32>} : memref<4096xf32, #tpu.memory_space<vmem>>, vector<16xf32>,
        tpu.vector_store %arg7[%swap3A_1240], %get3A_1239 {strides = array<i32>} : memref<4096xf32, #tpu.memory_space<vmem>>, vector<16xf32>,
        %get3A_1242 = arith.constant 3 : i32
        %get3A_1243 = arith.index_cast %get3A_1242 : i32 to index
        %get3A_1244 = arith.constant 128 : index
        %get3A_1245 = tpu.vector_load %arg5[%get3A_1243, %get3A_1244] {strides = array<i32>} : memref<4x1000xf32, #tpu.memory_space<vmem>>, vector<16xf32>,
        %swap3A_1246 = arith.constant 3200 : index
        %swap3A_1247 = tpu.vector_load %arg7[%swap3A_1246] {strides = array<i32>} : memref<4096xf32, #tpu.memory_space<vmem>>, vector<16xf32>,
        tpu.vector_store %arg7[%swap3A_1246], %get3A_1245 {strides = array<i32>} : memref<4096xf32, #tpu.memory_space<vmem>>, vector<16xf32>,
        %get3A_1248 = arith.constant 3 : i32
        %get3A_1249 = arith.index_cast %get3A_1248 : i32 to index
        %get3A_1250 = arith.constant 144 : index
        %get3A_1251 = tpu.vector_load %arg5[%get3A_1249, %get3A_1250] {strides = array<i32>} : memref<4x1000xf32, #tpu.memory_space<vmem>>, vector<16xf32>,
        %swap3A_1252 = arith.constant 3216 : index
        %swap3A_1253 = tpu.vector_load %arg7[%swap3A_1252] {strides = array<i32>} : memref<4096xf32, #tpu.memory_space<vmem>>, vector<16xf32>,
        tpu.vector_store %arg7[%swap3A_1252], %get3A_1251 {strides = array<i32>} : memref<4096xf32, #tpu.memory_space<vmem>>, vector<16xf32>,
        %get3A_1254 = arith.constant 3 : i32
        %get3A_1255 = arith.index_cast %get3A_1254 : i32 to index
        %get3A_1256 = arith.constant 160 : index
        %get3A_1257 = tpu.vector_load %arg5[%get3A_1255, %get3A_1256] {strides = array<i32>} : memref<4x1000xf32, #tpu.memory_space<vmem>>, vector<16xf32>,
        %swap3A_1258 = arith.constant 3232 : index
        %swap3A_1259 = tpu.vector_load %arg7[%swap3A_1258] {strides = array<i32>} : memref<4096xf32, #tpu.memory_space<vmem>>, vector<16xf32>,
        tpu.vector_store %arg7[%swap3A_1258], %get3A_1257 {strides = array<i32>} : memref<4096xf32, #tpu.memory_space<vmem>>, vector<16xf32>,
        %get3A_1260 = arith.constant 3 : i32
        %get3A_1261 = arith.index_cast %get3A_1260 : i32 to index
        %get3A_1262 = arith.constant 176 : index
        %get3A_1263 = tpu.vector_load %arg5[%get3A_1261, %get3A_1262] {strides = array<i32>} : memref<4x1000xf32, #tpu.memory_space<vmem>>, vector<16xf32>,
        %swap3A_1264 = arith.constant 3248 : index
        %swap3A_1265 = tpu.vector_load %arg7[%swap3A_1264] {strides = array<i32>} : memref<4096xf32, #tpu.memory_space<vmem>>, vector<16xf32>,
        tpu.vector_store %arg7[%swap3A_1264], %get3A_1263 {strides = array<i32>} : memref<4096xf32, #tpu.memory_space<vmem>>, vector<16xf32>,
        %get3A_1266 = arith.constant 3 : i32
        %get3A_1267 = arith.index_cast %get3A_1266 : i32 to index
        %get3A_1268 = arith.constant 192 : index
        %get3A_1269 = tpu.vector_load %arg5[%get3A_1267, %get3A_1268] {strides = array<i32>} : memref<4x1000xf32, #tpu.memory_space<vmem>>, vector<16xf32>,
        %swap3A_1270 = arith.constant 3264 : index
        %swap3A_1271 = tpu.vector_load %arg7[%swap3A_1270] {strides = array<i32>} : memref<4096xf32, #tpu.memory_space<vmem>>, vector<16xf32>,
        tpu.vector_store %arg7[%swap3A_1270], %get3A_1269 {strides = array<i32>} : memref<4096xf32, #tpu.memory_space<vmem>>, vector<16xf32>,
        %get3A_1272 = arith.constant 3 : i32
        %get3A_1273 = arith.index_cast %get3A_1272 : i32 to index
        %get3A_1274 = arith.constant 208 : index
        %get3A_1275 = tpu.vector_load %arg5[%get3A_1273, %get3A_1274] {strides = array<i32>} : memref<4x1000xf32, #tpu.memory_space<vmem>>, vector<16xf32>,
        %swap3A_1276 = arith.constant 3280 : index
        %swap3A_1277 = tpu.vector_load %arg7[%swap3A_1276] {strides = array<i32>} : memref<4096xf32, #tpu.memory_space<vmem>>, vector<16xf32>,
        tpu.vector_store %arg7[%swap3A_1276], %get3A_1275 {strides = array<i32>} : memref<4096xf32, #tpu.memory_space<vmem>>, vector<16xf32>,
        %get3A_1278 = arith.constant 3 : i32
        %get3A_1279 = arith.index_cast %get3A_1278 : i32 to index
        %get3A_1280 = arith.constant 224 : index
        %get3A_1281 = tpu.vector_load %arg5[%get3A_1279, %get3A_1280] {strides = array<i32>} : memref<4x1000xf32, #tpu.memory_space<vmem>>, vector<16xf32>,
        %swap3A_1282 = arith.constant 3296 : index
        %swap3A_1283 = tpu.vector_load %arg7[%swap3A_1282] {strides = array<i32>} : memref<4096xf32, #tpu.memory_space<vmem>>, vector<16xf32>,
        tpu.vector_store %arg7[%swap3A_1282], %get3A_1281 {strides = array<i32>} : memref<4096xf32, #tpu.memory_space<vmem>>, vector<16xf32>,
        %get3A_1284 = arith.constant 3 : i32
        %get3A_1285 = arith.index_cast %get3A_1284 : i32 to index
        %get3A_1286 = arith.constant 240 : index
        %get3A_1287 = tpu.vector_load %arg5[%get3A_1285, %get3A_1286] {strides = array<i32>} : memref<4x1000xf32, #tpu.memory_space<vmem>>, vector<16xf32>,
        %swap3A_1288 = arith.constant 3312 : index
        %swap3A_1289 = tpu.vector_load %arg7[%swap3A_1288] {strides = array<i32>} : memref<4096xf32, #tpu.memory_space<vmem>>, vector<16xf32>,
        tpu.vector_store %arg7[%swap3A_1288], %get3A_1287 {strides = array<i32>} : memref<4096xf32, #tpu.memory_space<vmem>>, vector<16xf32>,
        %get3A_1290 = arith.constant 3 : i32
        %get3A_1291 = arith.index_cast %get3A_1290 : i32 to index
        %get3A_1292 = arith.constant 256 : index
        %get3A_1293 = tpu.vector_load %arg5[%get3A_1291, %get3A_1292] {strides = array<i32>} : memref<4x1000xf32, #tpu.memory_space<vmem>>, vector<16xf32>,
        %swap3A_1294 = arith.constant 3328 : index
        %swap3A_1295 = tpu.vector_load %arg7[%swap3A_1294] {strides = array<i32>} : memref<4096xf32, #tpu.memory_space<vmem>>, vector<16xf32>,
        tpu.vector_store %arg7[%swap3A_1294], %get3A_1293 {strides = array<i32>} : memref<4096xf32, #tpu.memory_space<vmem>>, vector<16xf32>,
        %get3A_1296 = arith.constant 3 : i32
        %get3A_1297 = arith.index_cast %get3A_1296 : i32 to index
        %get3A_1298 = arith.constant 272 : index
        %get3A_1299 = tpu.vector_load %arg5[%get3A_1297, %get3A_1298] {strides = array<i32>} : memref<4x1000xf32, #tpu.memory_space<vmem>>, vector<16xf32>,
        %swap3A_1300 = arith.constant 3344 : index
        %swap3A_1301 = tpu.vector_load %arg7[%swap3A_1300] {strides = array<i32>} : memref<4096xf32, #tpu.memory_space<vmem>>, vector<16xf32>,
        tpu.vector_store %arg7[%swap3A_1300], %get3A_1299 {strides = array<i32>} : memref<4096xf32, #tpu.memory_space<vmem>>, vector<16xf32>,
        %get3A_1302 = arith.constant 3 : i32
        %get3A_1303 = arith.index_cast %get3A_1302 : i32 to index
        %get3A_1304 = arith.constant 288 : index
        %get3A_1305 = tpu.vector_load %arg5[%get3A_1303, %get3A_1304] {strides = array<i32>} : memref<4x1000xf32, #tpu.memory_space<vmem>>, vector<16xf32>,
        %swap3A_1306 = arith.constant 3360 : index
        %swap3A_1307 = tpu.vector_load %arg7[%swap3A_1306] {strides = array<i32>} : memref<4096xf32, #tpu.memory_space<vmem>>, vector<16xf32>,
        tpu.vector_store %arg7[%swap3A_1306], %get3A_1305 {strides = array<i32>} : memref<4096xf32, #tpu.memory_space<vmem>>, vector<16xf32>,
        %get3A_1308 = arith.constant 3 : i32
        %get3A_1309 = arith.index_cast %get3A_1308 : i32 to index
        %get3A_1310 = arith.constant 304 : index
        %get3A_1311 = tpu.vector_load %arg5[%get3A_1309, %get3A_1310] {strides = array<i32>} : memref<4x1000xf32, #tpu.memory_space<vmem>>, vector<16xf32>,
        %swap3A_1312 = arith.constant 3376 : index
        %swap3A_1313 = tpu.vector_load %arg7[%swap3A_1312] {strides = array<i32>} : memref<4096xf32, #tpu.memory_space<vmem>>, vector<16xf32>,
        tpu.vector_store %arg7[%swap3A_1312], %get3A_1311 {strides = array<i32>} : memref<4096xf32, #tpu.memory_space<vmem>>, vector<16xf32>,
        %get3A_1314 = arith.constant 3 : i32
        %get3A_1315 = arith.index_cast %get3A_1314 : i32 to index
        %get3A_1316 = arith.constant 320 : index
        %get3A_1317 = tpu.vector_load %arg5[%get3A_1315, %get3A_1316] {strides = array<i32>} : memref<4x1000xf32, #tpu.memory_space<vmem>>, vector<16xf32>,
        %swap3A_1318 = arith.constant 3392 : index
        %swap3A_1319 = tpu.vector_load %arg7[%swap3A_1318] {strides = array<i32>} : memref<4096xf32, #tpu.memory_space<vmem>>, vector<16xf32>,
        tpu.vector_store %arg7[%swap3A_1318], %get3A_1317 {strides = array<i32>} : memref<4096xf32, #tpu.memory_space<vmem>>, vector<16xf32>,
        %get3A_1320 = arith.constant 3 : i32
        %get3A_1321 = arith.index_cast %get3A_1320 : i32 to index
        %get3A_1322 = arith.constant 336 : index
        %get3A_1323 = tpu.vector_load %arg5[%get3A_1321, %get3A_1322] {strides = array<i32>} : memref<4x1000xf32, #tpu.memory_space<vmem>>, vector<16xf32>,
        %swap3A_1324 = arith.constant 3408 : index
        %swap3A_1325 = tpu.vector_load %arg7[%swap3A_1324] {strides = array<i32>} : memref<4096xf32, #tpu.memory_space<vmem>>, vector<16xf32>,
        tpu.vector_store %arg7[%swap3A_1324], %get3A_1323 {strides = array<i32>} : memref<4096xf32, #tpu.memory_space<vmem>>, vector<16xf32>,
        %get3A_1326 = arith.constant 3 : i32
        %get3A_1327 = arith.index_cast %get3A_1326 : i32 to index
        %get3A_1328 = arith.constant 352 : index
        %get3A_1329 = tpu.vector_load %arg5[%get3A_1327, %get3A_1328] {strides = array<i32>} : memref<4x1000xf32, #tpu.memory_space<vmem>>, vector<16xf32>,
        %swap3A_1330 = arith.constant 3424 : index
        %swap3A_1331 = tpu.vector_load %arg7[%swap3A_1330] {strides = array<i32>} : memref<4096xf32, #tpu.memory_space<vmem>>, vector<16xf32>,
        tpu.vector_store %arg7[%swap3A_1330], %get3A_1329 {strides = array<i32>} : memref<4096xf32, #tpu.memory_space<vmem>>, vector<16xf32>,
        %get3A_1332 = arith.constant 3 : i32
        %get3A_1333 = arith.index_cast %get3A_1332 : i32 to index
        %get3A_1334 = arith.constant 368 : index
        %get3A_1335 = tpu.vector_load %arg5[%get3A_1333, %get3A_1334] {strides = array<i32>} : memref<4x1000xf32, #tpu.memory_space<vmem>>, vector<16xf32>,
        %swap3A_1336 = arith.constant 3440 : index
        %swap3A_1337 = tpu.vector_load %arg7[%swap3A_1336] {strides = array<i32>} : memref<4096xf32, #tpu.memory_space<vmem>>, vector<16xf32>,
        tpu.vector_store %arg7[%swap3A_1336], %get3A_1335 {strides = array<i32>} : memref<4096xf32, #tpu.memory_space<vmem>>, vector<16xf32>,
        %get3A_1338 = arith.constant 3 : i32
        %get3A_1339 = arith.index_cast %get3A_1338 : i32 to index
        %get3A_1340 = arith.constant 384 : index
        %get3A_1341 = tpu.vector_load %arg5[%get3A_1339, %get3A_1340] {strides = array<i32>} : memref<4x1000xf32, #tpu.memory_space<vmem>>, vector<16xf32>,
        %swap3A_1342 = arith.constant 3456 : index
        %swap3A_1343 = tpu.vector_load %arg7[%swap3A_1342] {strides = array<i32>} : memref<4096xf32, #tpu.memory_space<vmem>>, vector<16xf32>,
        tpu.vector_store %arg7[%swap3A_1342], %get3A_1341 {strides = array<i32>} : memref<4096xf32, #tpu.memory_space<vmem>>, vector<16xf32>,
        %get3A_1344 = arith.constant 3 : i32
        %get3A_1345 = arith.index_cast %get3A_1344 : i32 to index
        %get3A_1346 = arith.constant 400 : index
        %get3A_1347 = tpu.vector_load %arg5[%get3A_1345, %get3A_1346] {strides = array<i32>} : memref<4x1000xf32, #tpu.memory_space<vmem>>, vector<16xf32>,
        %swap3A_1348 = arith.constant 3472 : index
        %swap3A_1349 = tpu.vector_load %arg7[%swap3A_1348] {strides = array<i32>} : memref<4096xf32, #tpu.memory_space<vmem>>, vector<16xf32>,
        tpu.vector_store %arg7[%swap3A_1348], %get3A_1347 {strides = array<i32>} : memref<4096xf32, #tpu.memory_space<vmem>>, vector<16xf32>,
        %get3A_1350 = arith.constant 3 : i32
        %get3A_1351 = arith.index_cast %get3A_1350 : i32 to index
        %get3A_1352 = arith.constant 416 : index
        %get3A_1353 = tpu.vector_load %arg5[%get3A_1351, %get3A_1352] {strides = array<i32>} : memref<4x1000xf32, #tpu.memory_space<vmem>>, vector<16xf32>,
        %swap3A_1354 = arith.constant 3488 : index
        %swap3A_1355 = tpu.vector_load %arg7[%swap3A_1354] {strides = array<i32>} : memref<4096xf32, #tpu.memory_space<vmem>>, vector<16xf32>,
        tpu.vector_store %arg7[%swap3A_1354], %get3A_1353 {strides = array<i32>} : memref<4096xf32, #tpu.memory_space<vmem>>, vector<16xf32>,
        %get3A_1356 = arith.constant 3 : i32
        %get3A_1357 = arith.index_cast %get3A_1356 : i32 to index
        %get3A_1358 = arith.constant 432 : index
        %get3A_1359 = tpu.vector_load %arg5[%get3A_1357, %get3A_1358] {strides = array<i32>} : memref<4x1000xf32, #tpu.memory_space<vmem>>, vector<16xf32>,
        %swap3A_1360 = arith.constant 3504 : index
        %swap3A_1361 = tpu.vector_load %arg7[%swap3A_1360] {strides = array<i32>} : memref<4096xf32, #tpu.memory_space<vmem>>, vector<16xf32>,
        tpu.vector_store %arg7[%swap3A_1360], %get3A_1359 {strides = array<i32>} : memref<4096xf32, #tpu.memory_space<vmem>>, vector<16xf32>,
        %get3A_1362 = arith.constant 3 : i32
        %get3A_1363 = arith.index_cast %get3A_1362 : i32 to index
        %get3A_1364 = arith.constant 448 : index
        %get3A_1365 = tpu.vector_load %arg5[%get3A_1363, %get3A_1364] {strides = array<i32>} : memref<4x1000xf32, #tpu.memory_space<vmem>>, vector<16xf32>,
        %swap3A_1366 = arith.constant 3520 : index
        %swap3A_1367 = tpu.vector_load %arg7[%swap3A_1366] {strides = array<i32>} : memref<4096xf32, #tpu.memory_space<vmem>>, vector<16xf32>,
        tpu.vector_store %arg7[%swap3A_1366], %get3A_1365 {strides = array<i32>} : memref<4096xf32, #tpu.memory_space<vmem>>, vector<16xf32>,
        %get3A_1368 = arith.constant 3 : i32
        %get3A_1369 = arith.index_cast %get3A_1368 : i32 to index
        %get3A_1370 = arith.constant 464 : index
        %get3A_1371 = tpu.vector_load %arg5[%get3A_1369, %get3A_1370] {strides = array<i32>} : memref<4x1000xf32, #tpu.memory_space<vmem>>, vector<16xf32>,
        %swap3A_1372 = arith.constant 3536 : index
        %swap3A_1373 = tpu.vector_load %arg7[%swap3A_1372] {strides = array<i32>} : memref<4096xf32, #tpu.memory_space<vmem>>, vector<16xf32>,
        tpu.vector_store %arg7[%swap3A_1372], %get3A_1371 {strides = array<i32>} : memref<4096xf32, #tpu.memory_space<vmem>>, vector<16xf32>,
        %get3A_1374 = arith.constant 3 : i32
        %get3A_1375 = arith.index_cast %get3A_1374 : i32 to index
        %get3A_1376 = arith.constant 480 : index
        %get3A_1377 = tpu.vector_load %arg5[%get3A_1375, %get3A_1376] {strides = array<i32>} : memref<4x1000xf32, #tpu.memory_space<vmem>>, vector<16xf32>,
        %swap3A_1378 = arith.constant 3552 : index
        %swap3A_1379 = tpu.vector_load %arg7[%swap3A_1378] {strides = array<i32>} : memref<4096xf32, #tpu.memory_space<vmem>>, vector<16xf32>,
        tpu.vector_store %arg7[%swap3A_1378], %get3A_1377 {strides = array<i32>} : memref<4096xf32, #tpu.memory_space<vmem>>, vector<16xf32>,
        %get3A_1380 = arith.constant 3 : i32
        %get3A_1381 = arith.index_cast %get3A_1380 : i32 to index
        %get3A_1382 = arith.constant 496 : index
        %get3A_1383 = tpu.vector_load %arg5[%get3A_1381, %get3A_1382] {strides = array<i32>} : memref<4x1000xf32, #tpu.memory_space<vmem>>, vector<16xf32>,
        %swap3A_1384 = arith.constant 3568 : index
        %swap3A_1385 = tpu.vector_load %arg7[%swap3A_1384] {strides = array<i32>} : memref<4096xf32, #tpu.memory_space<vmem>>, vector<16xf32>,
        tpu.vector_store %arg7[%swap3A_1384], %get3A_1383 {strides = array<i32>} : memref<4096xf32, #tpu.memory_space<vmem>>, vector<16xf32>,
        %get3A_1386 = arith.constant 3 : i32
        %get3A_1387 = arith.index_cast %get3A_1386 : i32 to index
        %get3A_1388 = arith.constant 512 : index
        %get3A_1389 = tpu.vector_load %arg5[%get3A_1387, %get3A_1388] {strides = array<i32>} : memref<4x1000xf32, #tpu.memory_space<vmem>>, vector<16xf32>,
        %swap3A_1390 = arith.constant 3584 : index
        %swap3A_1391 = tpu.vector_load %arg7[%swap3A_1390] {strides = array<i32>} : memref<4096xf32, #tpu.memory_space<vmem>>, vector<16xf32>,
        tpu.vector_store %arg7[%swap3A_1390], %get3A_1389 {strides = array<i32>} : memref<4096xf32, #tpu.memory_space<vmem>>, vector<16xf32>,
        %get3A_1392 = arith.constant 3 : i32
        %get3A_1393 = arith.index_cast %get3A_1392 : i32 to index
        %get3A_1394 = arith.constant 528 : index
        %get3A_1395 = tpu.vector_load %arg5[%get3A_1393, %get3A_1394] {strides = array<i32>} : memref<4x1000xf32, #tpu.memory_space<vmem>>, vector<16xf32>,
        %swap3A_1396 = arith.constant 3600 : index
        %swap3A_1397 = tpu.vector_load %arg7[%swap3A_1396] {strides = array<i32>} : memref<4096xf32, #tpu.memory_space<vmem>>, vector<16xf32>,
        tpu.vector_store %arg7[%swap3A_1396], %get3A_1395 {strides = array<i32>} : memref<4096xf32, #tpu.memory_space<vmem>>, vector<16xf32>,
        %get3A_1398 = arith.constant 3 : i32
        %get3A_1399 = arith.index_cast %get3A_1398 : i32 to index
        %get3A_1400 = arith.constant 544 : index
        %get3A_1401 = tpu.vector_load %arg5[%get3A_1399, %get3A_1400] {strides = array<i32>} : memref<4x1000xf32, #tpu.memory_space<vmem>>, vector<16xf32>,
        %swap3A_1402 = arith.constant 3616 : index
        %swap3A_1403 = tpu.vector_load %arg7[%swap3A_1402] {strides = array<i32>} : memref<4096xf32, #tpu.memory_space<vmem>>, vector<16xf32>,
        tpu.vector_store %arg7[%swap3A_1402], %get3A_1401 {strides = array<i32>} : memref<4096xf32, #tpu.memory_space<vmem>>, vector<16xf32>,
        %get3A_1404 = arith.constant 3 : i32
        %get3A_1405 = arith.index_cast %get3A_1404 : i32 to index
        %get3A_1406 = arith.constant 560 : index
        %get3A_1407 = tpu.vector_load %arg5[%get3A_1405, %get3A_1406] {strides = array<i32>} : memref<4x1000xf32, #tpu.memory_space<vmem>>, vector<16xf32>,
        %swap3A_1408 = arith.constant 3632 : index
        %swap3A_1409 = tpu.vector_load %arg7[%swap3A_1408] {strides = array<i32>} : memref<4096xf32, #tpu.memory_space<vmem>>, vector<16xf32>,
        tpu.vector_store %arg7[%swap3A_1408], %get3A_1407 {strides = array<i32>} : memref<4096xf32, #tpu.memory_space<vmem>>, vector<16xf32>,
        %get3A_1410 = arith.constant 3 : i32
        %get3A_1411 = arith.index_cast %get3A_1410 : i32 to index
        %get3A_1412 = arith.constant 576 : index
        %get3A_1413 = tpu.vector_load %arg5[%get3A_1411, %get3A_1412] {strides = array<i32>} : memref<4x1000xf32, #tpu.memory_space<vmem>>, vector<16xf32>,
        %swap3A_1414 = arith.constant 3648 : index
        %swap3A_1415 = tpu.vector_load %arg7[%swap3A_1414] {strides = array<i32>} : memref<4096xf32, #tpu.memory_space<vmem>>, vector<16xf32>,
        tpu.vector_store %arg7[%swap3A_1414], %get3A_1413 {strides = array<i32>} : memref<4096xf32, #tpu.memory_space<vmem>>, vector<16xf32>,
        %get3A_1416 = arith.constant 3 : i32
        %get3A_1417 = arith.index_cast %get3A_1416 : i32 to index
        %get3A_1418 = arith.constant 592 : index
        %get3A_1419 = tpu.vector_load %arg5[%get3A_1417, %get3A_1418] {strides = array<i32>} : memref<4x1000xf32, #tpu.memory_space<vmem>>, vector<16xf32>,
        %swap3A_1420 = arith.constant 3664 : index
        %swap3A_1421 = tpu.vector_load %arg7[%swap3A_1420] {strides = array<i32>} : memref<4096xf32, #tpu.memory_space<vmem>>, vector<16xf32>,
        tpu.vector_store %arg7[%swap3A_1420], %get3A_1419 {strides = array<i32>} : memref<4096xf32, #tpu.memory_space<vmem>>, vector<16xf32>,
        %get3A_1422 = arith.constant 3 : i32
        %get3A_1423 = arith.index_cast %get3A_1422 : i32 to index
        %get3A_1424 = arith.constant 608 : index
        %get3A_1425 = tpu.vector_load %arg5[%get3A_1423, %get3A_1424] {strides = array<i32>} : memref<4x1000xf32, #tpu.memory_space<vmem>>, vector<16xf32>,
        %swap3A_1426 = arith.constant 3680 : index
        %swap3A_1427 = tpu.vector_load %arg7[%swap3A_1426] {strides = array<i32>} : memref<4096xf32, #tpu.memory_space<vmem>>, vector<16xf32>,
        tpu.vector_store %arg7[%swap3A_1426], %get3A_1425 {strides = array<i32>} : memref<4096xf32, #tpu.memory_space<vmem>>, vector<16xf32>,
        %get3A_1428 = arith.constant 3 : i32
        %get3A_1429 = arith.index_cast %get3A_1428 : i32 to index
        %get3A_1430 = arith.constant 624 : index
        %get3A_1431 = tpu.vector_load %arg5[%get3A_1429, %get3A_1430] {strides = array<i32>} : memref<4x1000xf32, #tpu.memory_space<vmem>>, vector<16xf32>,
        %swap3A_1432 = arith.constant 3696 : index
        %swap3A_1433 = tpu.vector_load %arg7[%swap3A_1432] {strides = array<i32>} : memref<4096xf32, #tpu.memory_space<vmem>>, vector<16xf32>,
        tpu.vector_store %arg7[%swap3A_1432], %get3A_1431 {strides = array<i32>} : memref<4096xf32, #tpu.memory_space<vmem>>, vector<16xf32>,
        %get3A_1434 = arith.constant 3 : i32
        %get3A_1435 = arith.index_cast %get3A_1434 : i32 to index
        %get3A_1436 = arith.constant 640 : index
        %get3A_1437 = tpu.vector_load %arg5[%get3A_1435, %get3A_1436] {strides = array<i32>} : memref<4x1000xf32, #tpu.memory_space<vmem>>, vector<16xf32>,
        %swap3A_1438 = arith.constant 3712 : index
        %swap3A_1439 = tpu.vector_load %arg7[%swap3A_1438] {strides = array<i32>} : memref<4096xf32, #tpu.memory_space<vmem>>, vector<16xf32>,
        tpu.vector_store %arg7[%swap3A_1438], %get3A_1437 {strides = array<i32>} : memref<4096xf32, #tpu.memory_space<vmem>>, vector<16xf32>,
        %get3A_1440 = arith.constant 3 : i32
        %get3A_1441 = arith.index_cast %get3A_1440 : i32 to index
        %get3A_1442 = arith.constant 656 : index
        %get3A_1443 = tpu.vector_load %arg5[%get3A_1441, %get3A_1442] {strides = array<i32>} : memref<4x1000xf32, #tpu.memory_space<vmem>>, vector<16xf32>,
        %swap3A_1444 = arith.constant 3728 : index
        %swap3A_1445 = tpu.vector_load %arg7[%swap3A_1444] {strides = array<i32>} : memref<4096xf32, #tpu.memory_space<vmem>>, vector<16xf32>,
        tpu.vector_store %arg7[%swap3A_1444], %get3A_1443 {strides = array<i32>} : memref<4096xf32, #tpu.memory_space<vmem>>, vector<16xf32>,
        %get3A_1446 = arith.constant 3 : i32
        %get3A_1447 = arith.index_cast %get3A_1446 : i32 to index
        %get3A_1448 = arith.constant 672 : index
        %get3A_1449 = tpu.vector_load %arg5[%get3A_1447, %get3A_1448] {strides = array<i32>} : memref<4x1000xf32, #tpu.memory_space<vmem>>, vector<16xf32>,
        %swap3A_1450 = arith.constant 3744 : index
        %swap3A_1451 = tpu.vector_load %arg7[%swap3A_1450] {strides = array<i32>} : memref<4096xf32, #tpu.memory_space<vmem>>, vector<16xf32>,
        tpu.vector_store %arg7[%swap3A_1450], %get3A_1449 {strides = array<i32>} : memref<4096xf32, #tpu.memory_space<vmem>>, vector<16xf32>,
        %get3A_1452 = arith.constant 3 : i32
        %get3A_1453 = arith.index_cast %get3A_1452 : i32 to index
        %get3A_1454 = arith.constant 688 : index
        %get3A_1455 = tpu.vector_load %arg5[%get3A_1453, %get3A_1454] {strides = array<i32>} : memref<4x1000xf32, #tpu.memory_space<vmem>>, vector<16xf32>,
        %swap3A_1456 = arith.constant 3760 : index
        %swap3A_1457 = tpu.vector_load %arg7[%swap3A_1456] {strides = array<i32>} : memref<4096xf32, #tpu.memory_space<vmem>>, vector<16xf32>,
        tpu.vector_store %arg7[%swap3A_1456], %get3A_1455 {strides = array<i32>} : memref<4096xf32, #tpu.memory_space<vmem>>, vector<16xf32>,
        %get3A_1458 = arith.constant 3 : i32
        %get3A_1459 = arith.index_cast %get3A_1458 : i32 to index
        %get3A_1460 = arith.constant 704 : index
        %get3A_1461 = tpu.vector_load %arg5[%get3A_1459, %get3A_1460] {strides = array<i32>} : memref<4x1000xf32, #tpu.memory_space<vmem>>, vector<16xf32>,
        %swap3A_1462 = arith.constant 3776 : index
        %swap3A_1463 = tpu.vector_load %arg7[%swap3A_1462] {strides = array<i32>} : memref<4096xf32, #tpu.memory_space<vmem>>, vector<16xf32>,
        tpu.vector_store %arg7[%swap3A_1462], %get3A_1461 {strides = array<i32>} : memref<4096xf32, #tpu.memory_space<vmem>>, vector<16xf32>,
        %get3A_1464 = arith.constant 3 : i32
        %get3A_1465 = arith.index_cast %get3A_1464 : i32 to index
        %get3A_1466 = arith.constant 720 : index
        %get3A_1467 = tpu.vector_load %arg5[%get3A_1465, %get3A_1466] {strides = array<i32>} : memref<4x1000xf32, #tpu.memory_space<vmem>>, vector<16xf32>,
        %swap3A_1468 = arith.constant 3792 : index
        %swap3A_1469 = tpu.vector_load %arg7[%swap3A_1468] {strides = array<i32>} : memref<4096xf32, #tpu.memory_space<vmem>>, vector<16xf32>,
        tpu.vector_store %arg7[%swap3A_1468], %get3A_1467 {strides = array<i32>} : memref<4096xf32, #tpu.memory_space<vmem>>, vector<16xf32>,
        %get3A_1470 = arith.constant 3 : i32
        %get3A_1471 = arith.index_cast %get3A_1470 : i32 to index
        %get3A_1472 = arith.constant 736 : index
        %get3A_1473 = tpu.vector_load %arg5[%get3A_1471, %get3A_1472] {strides = array<i32>} : memref<4x1000xf32, #tpu.memory_space<vmem>>, vector<16xf32>,
        %swap3A_1474 = arith.constant 3808 : index
        %swap3A_1475 = tpu.vector_load %arg7[%swap3A_1474] {strides = array<i32>} : memref<4096xf32, #tpu.memory_space<vmem>>, vector<16xf32>,
        tpu.vector_store %arg7[%swap3A_1474], %get3A_1473 {strides = array<i32>} : memref<4096xf32, #tpu.memory_space<vmem>>, vector<16xf32>,
        %get3A_1476 = arith.constant 3 : i32
        %get3A_1477 = arith.index_cast %get3A_1476 : i32 to index
        %get3A_1478 = arith.constant 752 : index
        %get3A_1479 = tpu.vector_load %arg5[%get3A_1477, %get3A_1478] {strides = array<i32>} : memref<4x1000xf32, #tpu.memory_space<vmem>>, vector<16xf32>,
        %swap3A_1480 = arith.constant 3824 : index
        %swap3A_1481 = tpu.vector_load %arg7[%swap3A_1480] {strides = array<i32>} : memref<4096xf32, #tpu.memory_space<vmem>>, vector<16xf32>,
        tpu.vector_store %arg7[%swap3A_1480], %get3A_1479 {strides = array<i32>} : memref<4096xf32, #tpu.memory_space<vmem>>, vector<16xf32>,
        %get3A_1482 = arith.constant 3 : i32
        %get3A_1483 = arith.index_cast %get3A_1482 : i32 to index
        %get3A_1484 = arith.constant 768 : index
        %get3A_1485 = tpu.vector_load %arg5[%get3A_1483, %get3A_1484] {strides = array<i32>} : memref<4x1000xf32, #tpu.memory_space<vmem>>, vector<16xf32>,
        %swap3A_1486 = arith.constant 3840 : index
        %swap3A_1487 = tpu.vector_load %arg7[%swap3A_1486] {strides = array<i32>} : memref<4096xf32, #tpu.memory_space<vmem>>, vector<16xf32>,
        tpu.vector_store %arg7[%swap3A_1486], %get3A_1485 {strides = array<i32>} : memref<4096xf32, #tpu.memory_space<vmem>>, vector<16xf32>,
        %get3A_1488 = arith.constant 3 : i32
        %get3A_1489 = arith.index_cast %get3A_1488 : i32 to index
        %get3A_1490 = arith.constant 784 : index
        %get3A_1491 = tpu.vector_load %arg5[%get3A_1489, %get3A_1490] {strides = array<i32>} : memref<4x1000xf32, #tpu.memory_space<vmem>>, vector<16xf32>,
        %swap3A_1492 = arith.constant 3856 : index
        %swap3A_1493 = tpu.vector_load %arg7[%swap3A_1492] {strides = array<i32>} : memref<4096xf32, #tpu.memory_space<vmem>>, vector<16xf32>,
        tpu.vector_store %arg7[%swap3A_1492], %get3A_1491 {strides = array<i32>} : memref<4096xf32, #tpu.memory_space<vmem>>, vector<16xf32>,
        %get3A_1494 = arith.constant 3 : i32
        %get3A_1495 = arith.index_cast %get3A_1494 : i32 to index
        %get3A_1496 = arith.constant 800 : index
        %get3A_1497 = tpu.vector_load %arg5[%get3A_1495, %get3A_1496] {strides = array<i32>} : memref<4x1000xf32, #tpu.memory_space<vmem>>, vector<16xf32>,
        %swap3A_1498 = arith.constant 3872 : index
        %swap3A_1499 = tpu.vector_load %arg7[%swap3A_1498] {strides = array<i32>} : memref<4096xf32, #tpu.memory_space<vmem>>, vector<16xf32>,
        tpu.vector_store %arg7[%swap3A_1498], %get3A_1497 {strides = array<i32>} : memref<4096xf32, #tpu.memory_space<vmem>>, vector<16xf32>,
        %get3A_1500 = arith.constant 3 : i32
        %get3A_1501 = arith.index_cast %get3A_1500 : i32 to index
        %get3A_1502 = arith.constant 816 : index
        %get3A_1503 = tpu.vector_load %arg5[%get3A_1501, %get3A_1502] {strides = array<i32>} : memref<4x1000xf32, #tpu.memory_space<vmem>>, vector<16xf32>,
        %swap3A_1504 = arith.constant 3888 : index
        %swap3A_1505 = tpu.vector_load %arg7[%swap3A_1504] {strides = array<i32>} : memref<4096xf32, #tpu.memory_space<vmem>>, vector<16xf32>,
        tpu.vector_store %arg7[%swap3A_1504], %get3A_1503 {strides = array<i32>} : memref<4096xf32, #tpu.memory_space<vmem>>, vector<16xf32>,
        %get3A_1506 = arith.constant 3 : i32
        %get3A_1507 = arith.index_cast %get3A_1506 : i32 to index
        %get3A_1508 = arith.constant 832 : index
        %get3A_1509 = tpu.vector_load %arg5[%get3A_1507, %get3A_1508] {strides = array<i32>} : memref<4x1000xf32, #tpu.memory_space<vmem>>, vector<16xf32>,
        %swap3A_1510 = arith.constant 3904 : index
        %swap3A_1511 = tpu.vector_load %arg7[%swap3A_1510] {strides = array<i32>} : memref<4096xf32, #tpu.memory_space<vmem>>, vector<16xf32>,
        tpu.vector_store %arg7[%swap3A_1510], %get3A_1509 {strides = array<i32>} : memref<4096xf32, #tpu.memory_space<vmem>>, vector<16xf32>,
        %get3A_1512 = arith.constant 3 : i32
        %get3A_1513 = arith.index_cast %get3A_1512 : i32 to index
        %get3A_1514 = arith.constant 848 : index
        %get3A_1515 = tpu.vector_load %arg5[%get3A_1513, %get3A_1514] {strides = array<i32>} : memref<4x1000xf32, #tpu.memory_space<vmem>>, vector<16xf32>,
        %swap3A_1516 = arith.constant 3920 : index
        %swap3A_1517 = tpu.vector_load %arg7[%swap3A_1516] {strides = array<i32>} : memref<4096xf32, #tpu.memory_space<vmem>>, vector<16xf32>,
        tpu.vector_store %arg7[%swap3A_1516], %get3A_1515 {strides = array<i32>} : memref<4096xf32, #tpu.memory_space<vmem>>, vector<16xf32>,
        %get3A_1518 = arith.constant 3 : i32
        %get3A_1519 = arith.index_cast %get3A_1518 : i32 to index
        %get3A_1520 = arith.constant 864 : index
        %get3A_1521 = tpu.vector_load %arg5[%get3A_1519, %get3A_1520] {strides = array<i32>} : memref<4x1000xf32, #tpu.memory_space<vmem>>, vector<16xf32>,
        %swap3A_1522 = arith.constant 3936 : index
        %swap3A_1523 = tpu.vector_load %arg7[%swap3A_1522] {strides = array<i32>} : memref<4096xf32, #tpu.memory_space<vmem>>, vector<16xf32>,
        tpu.vector_store %arg7[%swap3A_1522], %get3A_1521 {strides = array<i32>} : memref<4096xf32, #tpu.memory_space<vmem>>, vector<16xf32>,
        %get3A_1524 = arith.constant 3 : i32
        %get3A_1525 = arith.index_cast %get3A_1524 : i32 to index
        %get3A_1526 = arith.constant 880 : index
        %get3A_1527 = tpu.vector_load %arg5[%get3A_1525, %get3A_1526] {strides = array<i32>} : memref<4x1000xf32, #tpu.memory_space<vmem>>, vector<16xf32>,
        %swap3A_1528 = arith.constant 3952 : index
        %swap3A_1529 = tpu.vector_load %arg7[%swap3A_1528] {strides = array<i32>} : memref<4096xf32, #tpu.memory_space<vmem>>, vector<16xf32>,
        tpu.vector_store %arg7[%swap3A_1528], %get3A_1527 {strides = array<i32>} : memref<4096xf32, #tpu.memory_space<vmem>>, vector<16xf32>,
        %get3A_1530 = arith.constant 3 : i32
        %get3A_1531 = arith.index_cast %get3A_1530 : i32 to index
        %get3A_1532 = arith.constant 896 : index
        %get3A_1533 = tpu.vector_load %arg5[%get3A_1531, %get3A_1532] {strides = array<i32>} : memref<4x1000xf32, #tpu.memory_space<vmem>>, vector<16xf32>,
        %swap3A_1534 = arith.constant 3968 : index
        %swap3A_1535 = tpu.vector_load %arg7[%swap3A_1534] {strides = array<i32>} : memref<4096xf32, #tpu.memory_space<vmem>>, vector<16xf32>,
        tpu.vector_store %arg7[%swap3A_1534], %get3A_1533 {strides = array<i32>} : memref<4096xf32, #tpu.memory_space<vmem>>, vector<16xf32>,
        %get3A_1536 = arith.constant 3 : i32
        %get3A_1537 = arith.index_cast %get3A_1536 : i32 to index
        %get3A_1538 = arith.constant 912 : index
        %get3A_1539 = tpu.vector_load %arg5[%get3A_1537, %get3A_1538] {strides = array<i32>} : memref<4x1000xf32, #tpu.memory_space<vmem>>, vector<16xf32>,
        %swap3A_1540 = arith.constant 3984 : index
        %swap3A_1541 = tpu.vector_load %arg7[%swap3A_1540] {strides = array<i32>} : memref<4096xf32, #tpu.memory_space<vmem>>, vector<16xf32>,
        tpu.vector_store %arg7[%swap3A_1540], %get3A_1539 {strides = array<i32>} : memref<4096xf32, #tpu.memory_space<vmem>>, vector<16xf32>,
        %get3A_1542 = arith.constant 3 : i32
        %get3A_1543 = arith.index_cast %get3A_1542 : i32 to index
        %get3A_1544 = arith.constant 928 : index
        %get3A_1545 = tpu.vector_load %arg5[%get3A_1543, %get3A_1544] {strides = array<i32>} : memref<4x1000xf32, #tpu.memory_space<vmem>>, vector<16xf32>,
        %swap3A_1546 = arith.constant 4000 : index
        %swap3A_1547 = tpu.vector_load %arg7[%swap3A_1546] {strides = array<i32>} : memref<4096xf32, #tpu.memory_space<vmem>>, vector<16xf32>,
        tpu.vector_store %arg7[%swap3A_1546], %get3A_1545 {strides = array<i32>} : memref<4096xf32, #tpu.memory_space<vmem>>, vector<16xf32>,
        %get3A_1548 = arith.constant 3 : i32
        %get3A_1549 = arith.index_cast %get3A_1548 : i32 to index
        %get3A_1550 = arith.constant 944 : index
        %get3A_1551 = tpu.vector_load %arg5[%get3A_1549, %get3A_1550] {strides = array<i32>} : memref<4x1000xf32, #tpu.memory_space<vmem>>, vector<16xf32>,
        %swap3A_1552 = arith.constant 4016 : index
        %swap3A_1553 = tpu.vector_load %arg7[%swap3A_1552] {strides = array<i32>} : memref<4096xf32, #tpu.memory_space<vmem>>, vector<16xf32>,
        tpu.vector_store %arg7[%swap3A_1552], %get3A_1551 {strides = array<i32>} : memref<4096xf32, #tpu.memory_space<vmem>>, vector<16xf32>,
        %get3A_1554 = arith.constant 3 : i32
        %get3A_1555 = arith.index_cast %get3A_1554 : i32 to index
        %get3A_1556 = arith.constant 960 : index
        %get3A_1557 = tpu.vector_load %arg5[%get3A_1555, %get3A_1556] {strides = array<i32>} : memref<4x1000xf32, #tpu.memory_space<vmem>>, vector<16xf32>,
        %swap3A_1558 = arith.constant 4032 : index
        %swap3A_1559 = tpu.vector_load %arg7[%swap3A_1558] {strides = array<i32>} : memref<4096xf32, #tpu.memory_space<vmem>>, vector<16xf32>,
        tpu.vector_store %arg7[%swap3A_1558], %get3A_1557 {strides = array<i32>} : memref<4096xf32, #tpu.memory_space<vmem>>, vector<16xf32>,
        %get3A_1560 = arith.constant 3 : i32
        %get3A_1561 = arith.index_cast %get3A_1560 : i32 to index
        %get3A_1562 = arith.constant 976 : index
        %get3A_1563 = tpu.vector_load %arg5[%get3A_1561, %get3A_1562] {strides = array<i32>} : memref<4x1000xf32, #tpu.memory_space<vmem>>, vector<16xf32>,
        %swap3A_1564 = arith.constant 4048 : index
        %swap3A_1565 = tpu.vector_load %arg7[%swap3A_1564] {strides = array<i32>} : memref<4096xf32, #tpu.memory_space<vmem>>, vector<16xf32>,
        tpu.vector_store %arg7[%swap3A_1564], %get3A_1563 {strides = array<i32>} : memref<4096xf32, #tpu.memory_space<vmem>>, vector<16xf32>,
        %get3A_1566 = arith.constant 3 : i32
        %get3A_1567 = arith.index_cast %get3A_1566 : i32 to index
        %get3A_1568 = arith.constant 984 : index
        %get3A_1569 = tpu.vector_load %arg5[%get3A_1567, %get3A_1568] {strides = array<i32>} : memref<4x1000xf32, #tpu.memory_space<vmem>>, vector<16xf32>,
        %swap3A_1570 = arith.constant 4056 : index
        %swap3A_1571 = tpu.vector_load %arg7[%swap3A_1570] {strides = array<i32>} : memref<4096xf32, #tpu.memory_space<vmem>>, vector<16xf32>,
        tpu.vector_store %arg7[%swap3A_1570], %get3A_1569 {strides = array<i32>} : memref<4096xf32, #tpu.memory_space<vmem>>, vector<16xf32>,
        %mul3A_1572 = arith.constant 4096 : i32
        %mul3A_1573 = arith.muli %add3A_44, %mul3A_1572 : i32
        %dma_start3A = tpu.memref_slice %arg3[%mul3A_1573] : memref<4096000xf32, #tpu.memory_space<hbm>> -> memref<4096xf32, #tpu.memory_space<hbm>>
        %dma_start3A_1574 = tpu.memref_slice %arg3[%mul3A_1573] : memref<4096000xf32, #tpu.memory_space<hbm>> -> memref<4096xf32, #tpu.memory_space<hbm>>
        tpu.enqueue_dma source(%arg7 : memref<4096xf32, #tpu.memory_space<vmem>>) target(%dma_start3A_1574 : memref<4096xf32, #tpu.memory_space<hbm>>) target_semaphore(%arg9 : memref<!tpu.dma_semaphore, #tpu.memory_space<semaphore_mem>>)
        %add3A_1575 = arith.constant 2 : i32
        %add3A_1576 = arith.addi %add3A_41, %add3A_1575 : i32
        %mul3A_1577 = arith.constant 32 : i32
        %mul3A_1578 = arith.muli %mul3A_1577, %add3A_1576 : i32
        %add3A_1579 = arith.addi %add3A, %mul3A_1578 : i32
        %lt3A_1580 = arith.constant 1000 : i32
        %lt3A_1581 = arith.cmpi slt, %add3A_1579, %lt3A_1580 : i32
        %convert_element_type3A_1582 = arith.extui %lt3A_1581 : i1 to i32
        %cond3A_1583 = arith.constant 0 : i32
        %cond3A_1584 = arith.cmpi ne, %convert_element_type3A_1582, %cond3A_1583 : i32
        scf.if %cond3A_1584 {
          %dma_start3A_1585 = arith.constant 0 : i32
          %dma_start3A_1586 = arith.constant 0 : i32
          %dma_start3A_1587 = tpu.memref_slice %arg2[%add3A_1579, %dma_start3A_1585, %dma_start3A_1586] : memref<1000x4x1000xf32, #tpu.memory_space<hbm>> -> memref<1x4x1000xf32, #tpu.memory_space<hbm>>
          %dma_start3A_1588 = tpu.memref_squeeze %dma_start3A_1587 : memref<1x4x1000xf32, #tpu.memory_space<hbm>> -> memref<4x1000xf32, #tpu.memory_space<hbm>>
          %dma_start3A_1589 = arith.constant 0 : i32
          %dma_start3A_1590 = arith.constant 0 : i32
          %dma_start3A_1591 = tpu.memref_slice %arg2[%add3A_1579, %dma_start3A_1589, %dma_start3A_1590] : memref<1000x4x1000xf32, #tpu.memory_space<hbm>> -> memref<1x4x1000xf32, #tpu.memory_space<hbm>>
          %dma_start3A_1592 = tpu.memref_squeeze %dma_start3A_1591 : memref<1x4x1000xf32, #tpu.memory_space<hbm>> -> memref<4x1000xf32, #tpu.memory_space<hbm>>
          tpu.enqueue_dma source(%dma_start3A_1592 : memref<4x1000xf32, #tpu.memory_space<hbm>>) target(%arg5 : memref<4x1000xf32, #tpu.memory_space<vmem>>) target_semaphore(%arg8 : memref<!tpu.dma_semaphore, #tpu.memory_space<semaphore_mem>>)
        } else {
        }
      } else {
      }
    }
    %scan3A_15 = arith.constant 16 : i32
    %dma_wait3A = arith.constant 0 : i32
    %dma_wait3A_16 = tpu.memref_slice %arg3[%dma_wait3A] : memref<4096000xf32, #tpu.memory_space<hbm>> -> memref<4096xf32, #tpu.memory_space<hbm>>
    %dma_wait3A_17 = arith.constant 0 : i32
    %dma_wait3A_18 = tpu.memref_slice %arg3[%dma_wait3A_17] : memref<4096000xf32, #tpu.memory_space<hbm>> -> memref<4096xf32, #tpu.memory_space<hbm>>
    tpu.wait_dma2 semaphore(%arg9 : memref<!tpu.dma_semaphore, #tpu.memory_space<semaphore_mem>>) src(%arg6 : memref<4096xf32, #tpu.memory_space<vmem>>) dst(%dma_wait3A_18 : memref<4096xf32, #tpu.memory_space<hbm>>)
    %dma_wait3A_19 = arith.constant 0 : i32
    %dma_wait3A_20 = tpu.memref_slice %arg3[%dma_wait3A_19] : memref<4096000xf32, #tpu.memory_space<hbm>> -> memref<4096xf32, #tpu.memory_space<hbm>>
    %dma_wait3A_21 = arith.constant 0 : i32
    %dma_wait3A_22 = tpu.memref_slice %arg3[%dma_wait3A_21] : memref<4096000xf32, #tpu.memory_space<hbm>> -> memref<4096xf32, #tpu.memory_space<hbm>>
    tpu.wait_dma2 semaphore(%arg9 : memref<!tpu.dma_semaphore, #tpu.memory_space<semaphore_mem>>) src(%arg7 : memref<4096xf32, #tpu.memory_space<vmem>>) dst(%dma_wait3A_22 : memref<4096xf32, #tpu.memory_space<hbm>>)
    return
  }
}

module attributes {stable_mosaic.version = 14 : i64} {
  func.func @_argmax_body(%arg0: i32, %arg1: memref<2x1000x1024xf32, #tpu.memory_space<vmem>>, %arg2: memref<1x1x1024xi32, #tpu.memory_space<vmem>>, %arg3: memref<1x1x1024xi32, #tpu.memory_space<vmem>>) attributes {dimension_semantics = [#tpu.dimension_semantics<parallel>], iteration_bounds = array<i64: 16>, scalar_prefetch = 0 : i64, scratch_operands = 0 : i64, tpu.core_type = #tpu.core_type<tc>, window_params = [{transform_indices = @transform_0, window_bounds = array<i64: 2, 1000, 1024>}, {transform_indices = @transform_1, window_bounds = array<i64: 1, 1, 1024>}, {transform_indices = @transform_2, window_bounds = array<i64: 1, 1, 1024>}]} {
    %get3A = arith.constant 0 : index
    %get3A_0 = arith.constant 0 : index
    %get3A_1 = arith.constant 0 : index
    %get3A_2 = vector.load %arg1[%get3A, %get3A_0, %get3A_1] : memref<2x1000x1024xf32, #tpu.memory_space<vmem>>, vector<2x1000x1024xf32>
    %reduce_max3A = arith.constant dense<0xFF800000> : vector<2x1024xf32>
    %reduce_max3A_3 = vector.multi_reduction <maximumf>, %get3A_2, %reduce_max3A [1] : vector<2x1000x1024xf32> to vector<2x1024xf32>
    %broadcast_in_dim3A = vector.shape_cast %reduce_max3A_3 : vector<2x1024xf32> to vector<2x1x1024xf32>
    %iota3A = tpu.iota {dimensions = array<i32: 1>} : vector<2x1000x1024xi32>
    %eq3A = vector.broadcast %broadcast_in_dim3A : vector<2x1x1024xf32> to vector<2x1000x1024xf32>
    %eq3A_4 = arith.cmpf oeq, %get3A_2, %eq3A : vector<2x1000x1024xf32>
    %jit3A = arith.constant 1000 : i32
    %broadcast_in_dim3A_5 = vector.broadcast %jit3A : i32 to vector<2x1000x1024xi32>
    %select_n3A = arith.select %eq3A_4, %iota3A, %broadcast_in_dim3A_5 : vector<2x1000x1024xi1>, vector<2x1000x1024xi32>
    %reduce_min3A = arith.constant dense<2147483647> : vector<2x1024xi32>
    %reduce_min3A_6 = vector.multi_reduction <minsi>, %select_n3A, %reduce_min3A [1] : vector<2x1000x1024xi32> to vector<2x1024xi32>
    %slice3A = vector.extract_strided_slice %reduce_min3A_6 {offsets = [0, 0], sizes = [1, 1024], strides = [1, 1]} : vector<2x1024xi32> to vector<1x1024xi32>
    %squeeze3A = vector.shape_cast %slice3A : vector<1x1024xi32> to vector<1024xi32>
    %slice3A_7 = vector.extract_strided_slice %reduce_min3A_6 {offsets = [1, 0], sizes = [1, 1024], strides = [1, 1]} : vector<2x1024xi32> to vector<1x1024xi32>
    %squeeze3A_8 = vector.shape_cast %slice3A_7 : vector<1x1024xi32> to vector<1024xi32>
    %get3A_9 = arith.constant 0 : index
    %get3A_10 = arith.constant 0 : index
    %get3A_11 = arith.constant 0 : index
    %get3A_12 = vector.load %arg2[%get3A_9, %get3A_10, %get3A_11] : memref<1x1x1024xi32, #tpu.memory_space<vmem>>, vector<1x1x1024xi32>
    %get3A_13 = vector.shape_cast %get3A_12 : vector<1x1x1024xi32> to vector<1024xi32>
    %shift_left3A = arith.constant 12 : i32
    %shift_left3A_14 = vector.broadcast %shift_left3A : i32 to vector<1024xi32>
    %shift_left3A_15 = arith.shli %squeeze3A, %shift_left3A_14 : vector<1024xi32>
    %shift_left3A_16 = arith.constant 10 : i32
    %shift_left3A_17 = vector.broadcast %shift_left3A_16 : i32 to vector<1024xi32>
    %shift_left3A_18 = arith.shli %get3A_13, %shift_left3A_17 : vector<1024xi32>
    %add3A = arith.addi %shift_left3A_15, %shift_left3A_18 : vector<1024xi32>
    %add3A_19 = arith.addi %add3A, %squeeze3A_8 : vector<1024xi32>
    %swap3A = arith.constant 0 : index
    %swap3A_20 = arith.constant 0 : index
    %swap3A_21 = arith.constant 0 : index
    %swap3A_22 = vector.load %arg3[%swap3A, %swap3A_20, %swap3A_21] : memref<1x1x1024xi32, #tpu.memory_space<vmem>>, vector<1x1x1024xi32>
    %swap3A_23 = vector.shape_cast %swap3A_22 : vector<1x1x1024xi32> to vector<1024xi32>
    %swap3A_24 = vector.shape_cast %add3A_19 : vector<1024xi32> to vector<1x1x1024xi32>
    tpu.vector_store %arg3[%swap3A, %swap3A_20, %swap3A_21], %swap3A_24 {strides = array<i32>} : memref<1x1x1024xi32, #tpu.memory_space<vmem>>, vector<1x1x1024xi32>,
    return
  }
  func.func @transform_0(%arg0: i32) -> (i32, i32, i32) {
    %c0_i32 = arith.constant 0 : i32
    %c0_i32_0 = arith.constant 0 : i32
    %c0_i32_1 = arith.constant 0 : i32
    return %c0_i32, %c0_i32_0, %arg0 : i32, i32, i32
  }
  func.func @transform_1(%arg0: i32) -> (i32, i32, i32) {
    %c0_i32 = arith.constant 0 : i32
    %c0_i32_0 = arith.constant 0 : i32
    %c0_i32_1 = arith.constant 0 : i32
    return %arg0, %c0_i32, %c0_i32_0 : i32, i32, i32
  }
  func.func @transform_2(%arg0: i32) -> (i32, i32, i32) {
    %c0_i32 = arith.constant 0 : i32
    %c0_i32_0 = arith.constant 0 : i32
    %c0_i32_1 = arith.constant 0 : i32
    return %arg0, %c0_i32, %c0_i32_0 : i32, i32, i32
  }
}

</mosaic_0001>

<sc_bundles>
// kernel: kernel.5.cloned.1.call-start
scs
__scs_entry_jumppad:
0x0: {  	(pc) =	sbr.rel $0x88, $3  }
0x1: {  	(tag) =	ssettag $0x0;
	lr =	simm.s32 $0x1  }
0x2: {  	[smem:$0x3F9E] =	sst lr;
	_ =	strace $0xD0000000  }
0x3: {  	_ = 	snop  }
0x4: {  	_ = 	snop  }
0x5: {  	_ = 	snop  }
0x6: {  	_ = 	snop  }
0x7: {  	_ = 	snop  }
__scs_overlays_trampoline_lowered:
0x8: {  	[smem:$0x3FAD] =	sst s0  }
0x9: {  	[smem:$0x3FAE] =	sst s1  }
0xa: {  	[smem:$0x3FAF] =	sst s2  }
0xb: {  	[smem:$0x3FB0] =	sst s3  }
0xc: {  	[smem:$0x3FB1] =	sst s4  }
0xd: {  	[smem:$0x3FB2] =	sst s5  }
0xe: {  	[smem:$0x3FB3] =	sst s6  }
0xf: {  	[smem:$0x3FB4] =	sst s7  }
0x10: {  	[smem:$0x3FB5] =	sst s8  }
0x11: {  	[smem:$0x3FB6] =	sst s9;
	s0 =	simm.s32 @!p0 $0x0  }
0x12: {  	s1 =	sld [smem:$0x3F9C];
	s0 =	simm.s32 @p0 $0x1  }
0x13: {  	[smem:$0x3FB7] =	sst s0;
	s0 =	simm.s32 @!p1 $0x0  }
0x14: {  	s2 =	sld [smem:$0x3F9B];
	s0 =	simm.s32 @p1 $0x1  }
0x15: {  	[smem:$0x3FB8] =	sst s0;
	s0 =	simm.s32 @!p2 $0x0  }
0x16: {  	s3 =	sld [smem:$0x3FDB];
	s0 =	simm.s32 @p2 $0x1  }
0x17: {  	s4 =	simm.s32 $0x1BF5;
	[smem:$0x3FBA] =	sst s0  }
0x18: {  	s0 =	sld [smem:$0x3F9D];
	_ =	swait.ge [sflag:s4], $0x0  }
0x19: {  	s7 =	sld [smem:$0x3F9E]  }
0x1a: {  	s8 =	sadd.s32 $0xFFFFE003, lr  }
0x1b: {  	s9 =	sadd.s32 $0xFFFFFEF7, lr;
	s5 =	simm.s32 $0xFFFFFFFF;
	p2 =	slt.u32 s8, $0xFFFFF086  }
0x1c: {  	p1 =	slt.u32 s9, $0xF7A;
	s5 =	simm.s32 @!p2 $0x0  }
0x1d: {  	s5 =	simm.s32 @p1 $0x1;
	p0 =	seq.s32 s7, s2  }
0x1e: {  	s7 =	smul.u32 @!p0 $0xF7A, s2;
	p2 =	seq.s32 @!p0 s5, $0x0  }
0x1f: {  	s9 =	smul.u32 $0xF7A, s1;
	s8 =	simm.s32 @!p0 $0x1BF5;
	p2 =	por !p2, p0  }
0x20: {  	[sflag:s8] =	ssyncset.s32 @!p0 $0xFFFFF086;
	s6 =	sadd.s32 @!p0 s3, s7;
	s7 =	simm.s32 @!p0 $0x108  }
0x21: {  	s3 =	sadd.s32 s3, s9;
	s6 =	sadd.s32 @!p0 $0x88, s6;
	s7 =	simm.s32 @p2 $0x1082  }
0x22: {  	[simem:s7], [sflag:s8] =	dma.local @!p0 [hbm:s6], $0xF7A  }
0x23: {  	s9 =	sor.u32 $0xD0000000, s2;
	s6 =	simm.s32 $0x108;
	_ =	swait.ge @!p0 [sflag:s8], $0x0  }
0x24: {  	s3 =	sadd.s32 $0x88, s3;
	s6 =	simm.s32 @!p1 $0x1082;
	[sflag:s4] =	ssyncset.s32 $0xFFFFF086  }
0x25: {  	[simem:s6], [sflag:s4] =	dma.local [hbm:s3], $0xF7A  }
0x26: {  	[smem:$0x3F9E] =	sst s1;
	(tag) =	ssettag s2;
	_ =	strace s9  }
0x27: {  	s1 =	sld [smem:$0x3FAE]  }
0x28: {  	s2 =	sld [smem:$0x3FAF]  }
0x29: {  	s4 =	sld [smem:$0x3FB1]  }
0x2a: {  	p0 =	seq.s32 s5, $0x0;
	s5 =	sld [smem:$0x3FB2]  }
0x2b: {  	s6 =	sld [smem:$0x3FB3]  }
0x2c: {  	s7 =	sld [smem:$0x3FB4]  }
0x2d: {  	s3 =	simm.s32 $0x108;
	s8 =	sld [smem:$0x3FB5]  }
0x2e: {  	s3 =	simm.s32 @!p0 $0x1082;
	s9 =	sld [smem:$0x3FB6]  }
0x2f: {  	lr =	sadd.s32 s0, s3;
	s0 =	sld [smem:$0x3FAD]  }
0x30: {  	s3 =	sld [smem:$0x3FB0]  }
0x31: {  	[smem:$0x3FB9] =	sst s10  }
0x32: {  	s10 =	sld [smem:$0x3FB7];
	_ =	sdelay $0x3  }
0x33: {  	p0 =	seq.s32 s10, $0x1;
	s10 =	sld [smem:$0x3FB9];
	_ =	sdelay $0x3  }
0x34: {  	[smem:$0x3FB9] =	sst s10  }
0x35: {  	s10 =	sld [smem:$0x3FB8];
	_ =	sdelay $0x3  }
0x36: {  	p1 =	seq.s32 s10, $0x1;
	s10 =	sld [smem:$0x3FB9];
	_ =	sdelay $0x3  }
0x37: {  	[smem:$0x3FB9] =	sst s10  }
0x38: {  	s10 =	sld [smem:$0x3FBA]  }
0x39: {  	_ = 	snop;
	(pc) =	sbr.ind lr, $3  }
0x3a: {  	_ = 	snop  }
0x3b: {  	_ = 	snop  }
0x3c: {  	p2 =	seq.s32 s10, $0x1;
	s10 =	sld [smem:$0x3FB9]  }
0x3d: {  	_ =	shalt  }
0x3e: {  	_ =	shalt  }
0x3f: {  	_ =	shalt  }
0x40: {  	_ =	shalt  }
0x41: {  	_ =	shalt  }
0x42: {  	_ =	shalt  }
0x43: {  	_ =	shalt  }
0x44: {  	_ =	shalt  }
0x45: {  	_ =	shalt  }
0x46: {  	_ =	shalt  }
0x47: {  	_ =	shalt  }
0x48: {  	_ =	shalt  }
0x49: {  	_ =	shalt  }
0x4a: {  	_ =	shalt  }
0x4b: {  	_ =	shalt  }
0x4c: {  	_ =	shalt  }
0x4d: {  	_ =	shalt  }
0x4e: {  	_ =	shalt  }
0x4f: {  	_ =	shalt  }
0x50: {  	_ =	shalt  }
0x51: {  	_ =	shalt  }
0x52: {  	_ =	shalt  }
0x53: {  	_ =	shalt  }
0x54: {  	_ =	shalt  }
0x55: {  	_ =	shalt  }
0x56: {  	_ =	shalt  }
0x57: {  	_ =	shalt  }
0x58: {  	_ =	shalt  }
0x59: {  	_ =	shalt  }
0x5a: {  	_ =	shalt  }
0x5b: {  	_ =	shalt  }
0x5c: {  	_ =	shalt  }
0x5d: {  	_ =	shalt  }
0x5e: {  	_ =	shalt  }
0x5f: {  	_ =	shalt  }
0x60: {  	_ =	shalt  }
0x61: {  	_ =	shalt  }
0x62: {  	_ =	shalt  }
0x63: {  	_ =	shalt  }
0x64: {  	_ =	shalt  }
0x65: {  	_ =	shalt  }
0x66: {  	_ =	shalt  }
0x67: {  	_ =	shalt  }
0x68: {  	_ =	shalt  }
0x69: {  	_ =	shalt  }
0x6a: {  	_ =	shalt  }
0x6b: {  	_ =	shalt  }
0x6c: {  	_ =	shalt  }
0x6d: {  	_ =	shalt  }
0x6e: {  	_ =	shalt  }
0x6f: {  	_ =	shalt  }
0x70: {  	_ =	shalt  }
0x71: {  	_ =	shalt  }
0x72: {  	_ =	shalt  }
0x73: {  	_ =	shalt  }
0x74: {  	_ =	shalt  }
0x75: {  	_ =	shalt  }
0x76: {  	_ =	shalt  }
0x77: {  	_ =	shalt  }
0x78: {  	_ =	shalt  }
0x79: {  	_ =	shalt  }
0x7a: {  	_ =	shalt  }
0x7b: {  	_ =	shalt  }
0x7c: {  	_ =	shalt  }
0x7d: {  	_ =	shalt  }
0x7e: {  	_ =	shalt  }
0x7f: {  	_ =	shalt  }
0x80: {  	_ =	shalt  }
0x81: {  	_ =	shalt  }
0x82: {  	_ =	shalt  }
0x83: {  	_ =	shalt  }
0x84: {  	_ =	shalt  }
0x85: {  	_ =	shalt  }
0x86: {  	_ =	shalt  }
0x87: {  	_ =	shalt  }
.Lfunc_end0:
.L_simem_size_0:
called_computation_lowered:
.L_overlay_start_0:
0x88: {  	s2 =	sld [smem:$0x3FD9]  }
0x89: {  	s3 =	sld [smem:$0x3FFE];
	_ =	sdelay $0x1  }
0x8a: {  	s1 =	srdreg.scid  }
0x8b: {  	s0 =	sand.u32 $0x1, s1  }
0x8c: {  	s17 =	sshll.u32 s0, $0xA;
	s2 =	sadd.s32 s3, s2  }
0x8d: {  	s2 =	sadd.s32 s2, s17  }
0x8e: {  	[smem:$0x3FC5] =	sst s2  }
0x8f: {  	_ = 	snop  }
0x90: {  	s2 =	sld [smem:$0x3FC7];
	(tm) =	ssettm $0x1  }
0x91: {  	s18 =	sld [smem:$0x3FFB];
	_ =	sdelay $0x3  }
0x92: {  	_ =	strace s18  }
0x93: {  	s3 =	sld [smem:$0x3FFC];
	_ =	sdelay $0x3  }
0x94: {  	_ =	strace s3  }
0x95: {  	s3 =	sld [smem:$0x3FFD];
	_ =	sdelay $0x3  }
0x96: {  	_ =	strace s3  }
0x97: {  	_ =	strace $0x8FFFFFFF  }
0x98: {  	s19 =	sld [smem:$0x3FDB];
	_ =	sdelay $0x1  }
0x99: {  	s4 =	simm.s32 $_scs_section_size  }
0x9a: {  	s5 =	simm.s32 $_size__tile_overlayer_lowered;
	s6 =	simm.s32 $_tile_overlayer_lowered  }
0x9b: {  	s22 =	simm.s32 $0x1BFF;
	s21 =	sshll.u32 s6, $0x1;
	s3 =	sadd.s32 s4, s19  }
0x9c: {  	s7 =	simm.s32 $0x0;
	s20 =	sshll.u32 s5, $0x1;
	s5 =	sadd.s32 s21, s3  }
0x9d: {  	[timem:s7], [sflag:s22] =	dma.local [hbm:s5], s20  }
0x9e: {  	_ =	swait.ge [sflag:s22], s20  }
0x9f: {  	s4 =	ssub.s32 $0x0, s20;
	[sflag:s22] =	ssyncset.done $0x0  }
0xa0: {  	[sflag:s22] =	ssyncadd.s32 s4;
	_ =	sdelay $0x1  }
0xa1: {  	s23 =	simm.s32 $0x1B8B  }
0xa2: {  	_ =	swait.ge [sflag:s23], $0x1  }
0xa3: {  	[sflag:s23] =	ssyncset.done $0x0  }
0xa4: {  	s25 =	simm.s32 $0x1B8E;
	s24 =	sld [smem:$0x3FFE];
	[sflag:s23] =	ssyncadd.s32 $0xFFFFFFFF  }
0xa5: {  	s26 =	simm.s32 $execute0_lowered;
	[smem:$0x3FD2] =	sst s25  }
0xa6: {  	s5 =	sshll.u32 s26, $0x1;
	_ =	strace $0x80000046;
	[dreg:$0x1] =	wrdreg $0xFFFFFFFF  }
0xa7: {  	s28 =	simm.s32 $_size_execute0_lowered;
	s3 =	sadd.s32 s3, s5;
	[dreg:$0x0] =	wrdreg $0x0  }
0xa8: {  	s5 =	sshll.u32 s28, $0x1;
	[dreg:$0x2] =	wrdreg s3  }
0xa9: {  	[dreg:$0x3] =	wrdreg s5  }
0xaa: {  	[dreg:$0x4] =	wrdreg $0xC0  }
0xab: {  	_ =	task [dreg:s7], $0x5FFFF  }
0xac: {  	[dreg:$0x1] =	wrdreg $0xFFFFFFFF  }
0xad: {  	[dreg:$0x0] =	wrdreg $0x60  }
0xae: {  	[dreg:$0x2] =	wrdreg s2  }
0xaf: {  	[dreg:$0x3] =	wrdreg s24  }
0xb0: {  	[dreg:$0x4] =	wrdreg $0x9  }
0xb1: {  	_ =	task.clear_ibuf [dreg:s7], $0x5FFFF;
	_ =	strace $0x90000046  }
0xb2: {  	s29 =	simm.s32 $0x9;
	_ =	strace $0x80000048  }
0xb3: {  	_ =	swait.ge [sflag:s29], $0x1  }
0xb4: {  	[sflag:s29] =	ssyncadd.s32 $0xFFFFFFFF  }
0xb5: {  	_ =	strace $0x90000048  }
0xb6: {  	_ =	sfence  }
0xb7: {  	s30 =	sld [smem:$0x0];
	_ =	sdelay $0x2  }
0xb8: {  	s31 =	sshll.u32 s1, $0xD;
	s1 =	sshrl.u32 s1, $0x2  }
0xb9: {  	s3 =	sand.u32 $0x4000, s31;
	s1 =	sadd.s32 s1, s30  }
0xba: {  	s0 =	sor.u32 s3, s0;
	s1 =	sshll.u32 s1, $0x11  }
0xbb: {  	s0 =	sor.u32 s1, s0  }
0xbc: {  	s0 =	sadd.s32 $0x8F2B, s0  }
0xbd: {  	[sflag:s0] =	ssyncadd.remote.s32 $0x1  }
0xbe: {  	_ =	sfence.sel $0xFFFF  }
0xbf: {  	[dreg:$0x0] =	wrdreg $0xFFFFFFFF;
	(pc) =	sbr.abs _section_cstart, $3  }
0xc0: {  	[dreg:$0x1] =	wrdreg $0xFFFFFFFF  }
0xc1: {  	_ =	task.clear_ibuf [dreg:s7], $0x2FFFF;
	_ =	strace $0x9FFFFFFF  }
0xc2: {  	(tm) =	ssettm $0x7FFFFFFF  }
0xc3: {  	_ =	shalt  }
tec
execute0_lowered:
.L_overlay_start_1:
0x0: {  	(tag) =	ssettag $0x1  }
0x1: {  	s6 =	rddreg [dreg:$0x0]  }
0x2: {  	s3 =	rddreg [dreg:$0x1]  }
0x3: {  	s0 =	rddreg [dreg:$0x2]  }
0x4: {  	s2 =	simm.s32 $0x0;
	s1 =	stileid.u32;
	s4 =	srdreg.scid  }
0x5: {  	s12 =	simm.s32 $0x3000;
	s13 =	simm.s32 $0x2;
	s14 =	simm.s32 $0x0  }
0x6: {  	[smem:$0x7FF] =	sst s2;
	s5 =	sand.u32 $0x1, s4;
	s26 =	sshll.u32 s1, $0x1  }
0x7: {  	s8 =	sshll.u32 s1, $0xA;
	_ =	strace $0x80000047;
	s7 =	sor.u32 s5, s26  }
0x8: {  	s28 =	ssub.s32 $0x2, s5;
	s10 =	sadd.s32 s8, s3;
	s30 =	sshll.u32 s5, $0x9  }
.Ltmp0:
0x9: {  	s9 =	sshll.u32 s7, $0x9;
	s11 =	sshrl.u32 s28, $0x1;
	(pc) =	sbr.rel .LBB2_1-.Ltmp0, $4  }
0xa: {  	s31 =	sadd.s32 s30, s10;
	s7 =	sor.u32 $0x60, s7;
	s10 =	simm.s32 $0x1  }
0xb: {  	s3 =	sadd.s32 s6, s9;
	s29 =	ssub.s32 s28, s11;
	s6 =	sadd.s32 s8, s6  }
0xc: {  	s8 =	sadd.s32 $0xC00, s31;
	s9 =	simm.s32 $0x1000;
	s11 =	simm.s32 $0x2000  }
0xd: {  	s4 =	sadd.s32 $0x4000, s3;
	s5 =	smax.u32 s29, $0x1;
	s6 =	sadd.s32 s30, s6  }
.LBB2_5:
0xe: {  	s14 =	sadd.s32 $0x1, s14  }
0xf: {  	_ =	swait.ge [sflag:s13], $0x1000;
	p0 =	sne.s32 s14, s5  }
.Ltmp1:
0x10: {  	[sflag:s13] =	ssyncset.done $0x0;
	(pc) =	sbr.rel @!p0 .LBB2_6-.Ltmp1, $4  }
0x11: {  	[sflag:s13] =	ssyncadd.s32 $0xFFFFF000  }
0x12: {  	_ =	swait.ge [sflag:s13], $0x1000  }
0x13: {  	[sflag:s13] =	ssyncset.done $0x0  }
0x14: {  	[sflag:s13] =	ssyncadd.s32 $0xFFFFF000  }
.LBB2_1:
.Ltmp2:
0x15: {  	(pc) =	sbr.rel .LBB2_2-.Ltmp2, $4  }
0x16: {  	_ = 	snop  }
0x17: {  	[tilespmem:s2], [sflag:$0x1] =	stream.linear.gather [hbm4b:s3+s2], $0x1000, $0x38;
	[tilespmem:$0x4000] =	vst v63  }
0x18: {  	s15 =	smov.u32 s7;
	s16 =	simm.s32 $0x0  }
0x19: {  	[tilespmem:s9], [sflag:$0x1] =	stream.linear.gather [hbm4b:s4+s2], $0x1000, $0x38;
	[tilespmem:$0x4000] =	vst v63  }
.LBB2_4:
0x1a: {  	s16 =	sadd.s32 $0x8000, s16  }
0x1b: {  	p0 =	sne.s32 s16, $0x80000  }
.Ltmp3:
0x1c: {  	_ = 	snop;
	(pc) =	sbr.rel @!p0 .LBB2_5-.Ltmp3, $2  }
0x1d: {  	_ =	sdelay $0x2  }
0x1e: {  	s15 =	sadd.s32 $0x40, s15  }
.LBB2_2:
0x1f: {  	p0 =	seq.s32 s16, $0x0  }
0x20: {  	s17 =	simm.s32 @!p0 $0x2  }
0x21: {  	_ =	swait.ge @!p0 [sflag:s17], $0x1000  }
0x22: {  	[sflag:s17] =	ssyncset.done @!p0 $0x0  }
0x23: {  	[sflag:s17] =	ssyncadd.s32 @!p0 $0xFFFFF000  }
0x24: {  	_ =	swait.ge [sflag:s10], $0x1000  }
0x25: {  	[sflag:s10] =	ssyncset.done $0x0  }
0x26: {  	[sflag:s10] =	ssyncadd.s32 $0xFFFFF000  }
0x27: {  	v0 =	vld [tilespmem:$0x0]  }
0x28: {  	v1 =	vld [tilespmem:$0x10]  }
0x29: {  	v2 =	vld [tilespmem:$0x20];
	_ =	sdelay $0x2  }
0x2a: {  	[tilespmem:$0x2000] =	vst v0  }
0x2b: {  	[tilespmem:$0x2010] =	vst v1  }
0x2c: {  	[tilespmem:$0x2020] =	vst v2  }
0x2d: {  	v0 =	vld [tilespmem:$0x30]  }
0x2e: {  	v42 =	vld [tilespmem:$0x40]  }
0x2f: {  	v43 =	vld [tilespmem:$0x50]  }
0x30: {  	v3 =	vld [tilespmem:$0x60]  }
0x31: {  	v4 =	vld [tilespmem:$0x70]  }
0x32: {  	v44 =	vld [tilespmem:$0x200];
	[tilespmem:$0x2030] =	vst v0  }
0x33: {  	v45 =	vld [tilespmem:$0x210];
	[tilespmem:$0x2040] =	vst v42  }
0x34: {  	v46 =	vld [tilespmem:$0x220];
	[tilespmem:$0x2050] =	vst v43  }
0x35: {  	v47 =	vld [tilespmem:$0x230];
	[tilespmem:$0x2060] =	vst v3  }
0x36: {  	v48 =	vld [tilespmem:$0x240];
	[tilespmem:$0x2070] =	vst v4  }
0x37: {  	v49 =	vld [tilespmem:$0x250];
	[tilespmem:$0x2080] =	vst v44  }
0x38: {  	v50 =	vld [tilespmem:$0x260];
	[tilespmem:$0x2090] =	vst v45  }
0x39: {  	v51 =	vld [tilespmem:$0x270];
	[tilespmem:$0x20A0] =	vst v46  }
0x3a: {  	v52 =	vld [tilespmem:$0x400];
	[tilespmem:$0x20B0] =	vst v47  }
0x3b: {  	v53 =	vld [tilespmem:$0x410];
	[tilespmem:$0x20C0] =	vst v48  }
0x3c: {  	v54 =	vld [tilespmem:$0x420];
	[tilespmem:$0x20D0] =	vst v49  }
0x3d: {  	v55 =	vld [tilespmem:$0x430];
	[tilespmem:$0x20E0] =	vst v50  }
0x3e: {  	v56 =	vld [tilespmem:$0x440];
	[tilespmem:$0x20F0] =	vst v51  }
0x3f: {  	v57 =	vld [tilespmem:$0x450];
	[tilespmem:$0x2100] =	vst v52  }
0x40: {  	v58 =	vld [tilespmem:$0x460];
	[tilespmem:$0x2110] =	vst v53  }
0x41: {  	v59 =	vld [tilespmem:$0x470];
	[tilespmem:$0x2120] =	vst v54  }
0x42: {  	v60 =	vld [tilespmem:$0x600];
	[tilespmem:$0x2130] =	vst v55  }
0x43: {  	v61 =	vld [tilespmem:$0x610];
	[tilespmem:$0x2140] =	vst v56  }
0x44: {  	v62 =	vld [tilespmem:$0x620];
	[tilespmem:$0x2150] =	vst v57  }
0x45: {  	v63 =	vld [tilespmem:$0x630];
	[tilespmem:$0x2160] =	vst v58  }
0x46: {  	v8 =	vld [tilespmem:$0x640];
	[tilespmem:$0x2170] =	vst v59  }
0x47: {  	v9 =	vld [tilespmem:$0x650];
	[tilespmem:$0x2180] =	vst v60  }
0x48: {  	v10 =	vld [tilespmem:$0x660];
	[tilespmem:$0x2190] =	vst v61  }
0x49: {  	v11 =	vld [tilespmem:$0x670];
	[tilespmem:$0x21A0] =	vst v62  }
0x4a: {  	v12 =	vld [tilespmem:$0x800];
	[tilespmem:$0x21B0] =	vst v63  }
0x4b: {  	v13 =	vld [tilespmem:$0x810];
	[tilespmem:$0x21C0] =	vst v8  }
0x4c: {  	v14 =	vld [tilespmem:$0x820];
	[tilespmem:$0x21D0] =	vst v9  }
0x4d: {  	v15 =	vld [tilespmem:$0x830];
	[tilespmem:$0x21E0] =	vst v10  }
0x4e: {  	v16 =	vld [tilespmem:$0x840];
	[tilespmem:$0x21F0] =	vst v11  }
0x4f: {  	v17 =	vld [tilespmem:$0x850];
	[tilespmem:$0x2200] =	vst v12  }
0x50: {  	v18 =	vld [tilespmem:$0x860];
	[tilespmem:$0x2210] =	vst v13  }
0x51: {  	v19 =	vld [tilespmem:$0x870];
	[tilespmem:$0x2220] =	vst v14  }
0x52: {  	v20 =	vld [tilespmem:$0xA00];
	[tilespmem:$0x2230] =	vst v15  }
0x53: {  	v21 =	vld [tilespmem:$0xA10];
	[tilespmem:$0x2240] =	vst v16  }
0x54: {  	v22 =	vld [tilespmem:$0xA20];
	[tilespmem:$0x2250] =	vst v17  }
0x55: {  	v23 =	vld [tilespmem:$0xA30];
	[tilespmem:$0x2260] =	vst v18  }
0x56: {  	v24 =	vld [tilespmem:$0xA40];
	[tilespmem:$0x2270] =	vst v19  }
0x57: {  	v25 =	vld [tilespmem:$0xA50];
	[tilespmem:$0x2280] =	vst v20  }
0x58: {  	v26 =	vld [tilespmem:$0xA60];
	[tilespmem:$0x2290] =	vst v21  }
0x59: {  	v27 =	vld [tilespmem:$0xA70];
	[tilespmem:$0x22A0] =	vst v22  }
0x5a: {  	v28 =	vld [tilespmem:$0xC00];
	[tilespmem:$0x22B0] =	vst v23  }
0x5b: {  	v29 =	vld [tilespmem:$0xC10];
	[tilespmem:$0x22C0] =	vst v24  }
0x5c: {  	v30 =	vld [tilespmem:$0xC20];
	[tilespmem:$0x22D0] =	vst v25  }
0x5d: {  	v31 =	vld [tilespmem:$0xC30];
	[tilespmem:$0x22E0] =	vst v26  }
0x5e: {  	v32 =	vld [tilespmem:$0xC40];
	[tilespmem:$0x22F0] =	vst v27  }
0x5f: {  	v33 =	vld [tilespmem:$0xC50];
	[tilespmem:$0x2300] =	vst v28  }
0x60: {  	v34 =	vld [tilespmem:$0xC60];
	[tilespmem:$0x2310] =	vst v29  }
0x61: {  	v35 =	vld [tilespmem:$0xC70];
	[tilespmem:$0x2320] =	vst v30  }
0x62: {  	v36 =	vld [tilespmem:$0xE00];
	[tilespmem:$0x2330] =	vst v31  }
0x63: {  	v37 =	vld [tilespmem:$0xE10];
	[tilespmem:$0x2340] =	vst v32  }
0x64: {  	v38 =	vld [tilespmem:$0xE20];
	[tilespmem:$0x2350] =	vst v33  }
0x65: {  	v39 =	vld [tilespmem:$0xE30];
	[tilespmem:$0x2360] =	vst v34  }
0x66: {  	v40 =	vld [tilespmem:$0xE40];
	[tilespmem:$0x2370] =	vst v35  }
0x67: {  	v41 =	vld [tilespmem:$0xE50];
	[tilespmem:$0x2380] =	vst v36  }
0x68: {  	[tilespmem:$0x2390] =	vst v37;
	v42 =	vld [tilespmem:$0xE58]  }
0x69: {  	[tilespmem:$0x23A0] =	vst v38;
	v43 =	vld [tilespmem:$0x80]  }
0x6a: {  	[tilespmem:$0x23B0] =	vst v39;
	v44 =	vld [tilespmem:$0x90]  }
0x6b: {  	[tilespmem:$0x23C0] =	vst v40;
	v45 =	vld [tilespmem:$0xA0]  }
0x6c: {  	[tilespmem:$0x23D0] =	vst v41;
	v46 =	vld [tilespmem:$0xB0]  }
0x6d: {  	v47 =	vld [tilespmem:$0xC0];
	[tilespmem:$0x23D8] =	vst v42  }
0x6e: {  	v48 =	vld [tilespmem:$0xD0];
	[tilespmem:$0x2400] =	vst v43  }
0x6f: {  	v49 =	vld [tilespmem:$0xE0];
	[tilespmem:$0x2410] =	vst v44  }
0x70: {  	v50 =	vld [tilespmem:$0xF0];
	[tilespmem:$0x2420] =	vst v45  }
0x71: {  	v51 =	vld [tilespmem:$0x280];
	[tilespmem:$0x2430] =	vst v46  }
0x72: {  	v52 =	vld [tilespmem:$0x290];
	[tilespmem:$0x2440] =	vst v47  }
0x73: {  	v53 =	vld [tilespmem:$0x2A0];
	[tilespmem:$0x2450] =	vst v48  }
0x74: {  	v54 =	vld [tilespmem:$0x2B0];
	[tilespmem:$0x2460] =	vst v49  }
0x75: {  	v55 =	vld [tilespmem:$0x2C0];
	[tilespmem:$0x2470] =	vst v50  }
0x76: {  	v56 =	vld [tilespmem:$0x2D0];
	[tilespmem:$0x2480] =	vst v51  }
0x77: {  	v57 =	vld [tilespmem:$0x2E0];
	[tilespmem:$0x2490] =	vst v52  }
0x78: {  	v58 =	vld [tilespmem:$0x2F0];
	[tilespmem:$0x24A0] =	vst v53  }
0x79: {  	v59 =	vld [tilespmem:$0x480];
	[tilespmem:$0x24B0] =	vst v54  }
0x7a: {  	v60 =	vld [tilespmem:$0x490];
	[tilespmem:$0x24C0] =	vst v55  }
0x7b: {  	v61 =	vld [tilespmem:$0x4A0];
	[tilespmem:$0x24D0] =	vst v56  }
0x7c: {  	v62 =	vld [tilespmem:$0x4B0];
	[tilespmem:$0x24E0] =	vst v57  }
0x7d: {  	v63 =	vld [tilespmem:$0x4C0];
	[tilespmem:$0x24F0] =	vst v58  }
0x7e: {  	v8 =	vld [tilespmem:$0x4D0];
	[tilespmem:$0x2500] =	vst v59  }
0x7f: {  	v9 =	vld [tilespmem:$0x4E0];
	[tilespmem:$0x2510] =	vst v60  }
0x80: {  	v10 =	vld [tilespmem:$0x4F0];
	[tilespmem:$0x2520] =	vst v61  }
0x81: {  	v11 =	vld [tilespmem:$0x680];
	[tilespmem:$0x2530] =	vst v62  }
0x82: {  	v12 =	vld [tilespmem:$0x690];
	[tilespmem:$0x2540] =	vst v63  }
0x83: {  	v13 =	vld [tilespmem:$0x6A0];
	[tilespmem:$0x2550] =	vst v8  }
0x84: {  	v14 =	vld [tilespmem:$0x6B0];
	[tilespmem:$0x2560] =	vst v9  }
0x85: {  	v15 =	vld [tilespmem:$0x6C0];
	[tilespmem:$0x2570] =	vst v10  }
0x86: {  	v16 =	vld [tilespmem:$0x6D0];
	[tilespmem:$0x2580] =	vst v11  }
0x87: {  	v17 =	vld [tilespmem:$0x6E0];
	[tilespmem:$0x2590] =	vst v12  }
0x88: {  	v18 =	vld [tilespmem:$0x6F0];
	[tilespmem:$0x25A0] =	vst v13  }
0x89: {  	v19 =	vld [tilespmem:$0x880];
	[tilespmem:$0x25B0] =	vst v14  }
0x8a: {  	v20 =	vld [tilespmem:$0x890];
	[tilespmem:$0x25C0] =	vst v15  }
0x8b: {  	v21 =	vld [tilespmem:$0x8A0];
	[tilespmem:$0x25D0] =	vst v16  }
0x8c: {  	v22 =	vld [tilespmem:$0x8B0];
	[tilespmem:$0x25E0] =	vst v17  }
0x8d: {  	v23 =	vld [tilespmem:$0x8C0];
	[tilespmem:$0x25F0] =	vst v18  }
0x8e: {  	v24 =	vld [tilespmem:$0x8D0];
	[tilespmem:$0x2600] =	vst v19  }
0x8f: {  	v25 =	vld [tilespmem:$0x8E0];
	[tilespmem:$0x2610] =	vst v20  }
0x90: {  	v26 =	vld [tilespmem:$0x8F0];
	[tilespmem:$0x2620] =	vst v21  }
0x91: {  	v27 =	vld [tilespmem:$0xA80];
	[tilespmem:$0x2630] =	vst v22  }
0x92: {  	v28 =	vld [tilespmem:$0xA90];
	[tilespmem:$0x2640] =	vst v23  }
0x93: {  	v29 =	vld [tilespmem:$0xAA0];
	[tilespmem:$0x2650] =	vst v24  }
0x94: {  	v30 =	vld [tilespmem:$0xAB0];
	[tilespmem:$0x2660] =	vst v25  }
0x95: {  	v31 =	vld [tilespmem:$0xAC0];
	[tilespmem:$0x2670] =	vst v26  }
0x96: {  	v32 =	vld [tilespmem:$0xAD0];
	[tilespmem:$0x2680] =	vst v27  }
0x97: {  	v33 =	vld [tilespmem:$0xAE0];
	[tilespmem:$0x2690] =	vst v28  }
0x98: {  	v34 =	vld [tilespmem:$0xAF0];
	[tilespmem:$0x26A0] =	vst v29  }
0x99: {  	v35 =	vld [tilespmem:$0xC80];
	[tilespmem:$0x26B0] =	vst v30  }
0x9a: {  	v36 =	vld [tilespmem:$0xC90];
	[tilespmem:$0x26C0] =	vst v31  }
0x9b: {  	v37 =	vld [tilespmem:$0xCA0];
	[tilespmem:$0x26D0] =	vst v32  }
0x9c: {  	v38 =	vld [tilespmem:$0xCB0];
	[tilespmem:$0x26E0] =	vst v33  }
0x9d: {  	v39 =	vld [tilespmem:$0xCC0];
	[tilespmem:$0x26F0] =	vst v34  }
0x9e: {  	v40 =	vld [tilespmem:$0xCD0];
	[tilespmem:$0x2700] =	vst v35  }
0x9f: {  	v41 =	vld [tilespmem:$0xCE0];
	[tilespmem:$0x2710] =	vst v36  }
0xa0: {  	[tilespmem:$0x2720] =	vst v37;
	v42 =	vld [tilespmem:$0xCF0]  }
0xa1: {  	[tilespmem:$0x2730] =	vst v38;
	v43 =	vld [tilespmem:$0xE80]  }
0xa2: {  	[tilespmem:$0x2740] =	vst v39;
	v44 =	vld [tilespmem:$0xE90]  }
0xa3: {  	[tilespmem:$0x2750] =	vst v40;
	v45 =	vld [tilespmem:$0xEA0]  }
0xa4: {  	[tilespmem:$0x2760] =	vst v41;
	v46 =	vld [tilespmem:$0xEB0]  }
0xa5: {  	v47 =	vld [tilespmem:$0xEC0];
	[tilespmem:$0x2770] =	vst v42  }
0xa6: {  	v48 =	vld [tilespmem:$0xED0];
	[tilespmem:$0x2780] =	vst v43  }
0xa7: {  	v50 =	vld [tilespmem:$0x100];
	[tilespmem:$0x2790] =	vst v44  }
0xa8: {  	v51 =	vld [tilespmem:$0x110];
	[tilespmem:$0x27A0] =	vst v45  }
0xa9: {  	v52 =	vld [tilespmem:$0x120];
	[tilespmem:$0x27B0] =	vst v46  }
0xaa: {  	v53 =	vld [tilespmem:$0x130];
	[tilespmem:$0x27C0] =	vst v47  }
0xab: {  	v54 =	vld [tilespmem:$0x140];
	[tilespmem:$0x27D0] =	vst v48  }
0xac: {  	v55 =	vld [tilespmem:$0x150];
	[tilespmem:$0x2800] =	vst v50  }
0xad: {  	v56 =	vld [tilespmem:$0x160];
	[tilespmem:$0x2810] =	vst v51  }
0xae: {  	v57 =	vld [tilespmem:$0x170];
	[tilespmem:$0x2820] =	vst v52  }
0xaf: {  	v58 =	vld [tilespmem:$0x300];
	[tilespmem:$0x2830] =	vst v53  }
0xb0: {  	v59 =	vld [tilespmem:$0x310];
	[tilespmem:$0x2840] =	vst v54  }
0xb1: {  	v60 =	vld [tilespmem:$0x320];
	[tilespmem:$0x2850] =	vst v55  }
0xb2: {  	v61 =	vld [tilespmem:$0x330];
	[tilespmem:$0x2860] =	vst v56  }
0xb3: {  	v62 =	vld [tilespmem:$0x340];
	[tilespmem:$0x2870] =	vst v57  }
0xb4: {  	v63 =	vld [tilespmem:$0x350];
	[tilespmem:$0x2880] =	vst v58  }
0xb5: {  	v8 =	vld [tilespmem:$0x360];
	[tilespmem:$0x2890] =	vst v59  }
0xb6: {  	v9 =	vld [tilespmem:$0x370];
	[tilespmem:$0x28A0] =	vst v60  }
0xb7: {  	v10 =	vld [tilespmem:$0x500];
	[tilespmem:$0x28B0] =	vst v61  }
0xb8: {  	v11 =	vld [tilespmem:$0x510];
	[tilespmem:$0x28C0] =	vst v62  }
0xb9: {  	v12 =	vld [tilespmem:$0x520];
	[tilespmem:$0x28D0] =	vst v63  }
0xba: {  	v13 =	vld [tilespmem:$0x530];
	[tilespmem:$0x28E0] =	vst v8  }
0xbb: {  	v14 =	vld [tilespmem:$0x540];
	[tilespmem:$0x28F0] =	vst v9  }
0xbc: {  	v15 =	vld [tilespmem:$0x550];
	[tilespmem:$0x2900] =	vst v10  }
0xbd: {  	v16 =	vld [tilespmem:$0x560];
	[tilespmem:$0x2910] =	vst v11  }
0xbe: {  	v17 =	vld [tilespmem:$0x570];
	[tilespmem:$0x2920] =	vst v12  }
0xbf: {  	v18 =	vld [tilespmem:$0x700];
	[tilespmem:$0x2930] =	vst v13  }
0xc0: {  	v19 =	vld [tilespmem:$0x710];
	[tilespmem:$0x2940] =	vst v14  }
0xc1: {  	v20 =	vld [tilespmem:$0x720];
	[tilespmem:$0x2950] =	vst v15  }
0xc2: {  	v21 =	vld [tilespmem:$0x730];
	[tilespmem:$0x2960] =	vst v16  }
0xc3: {  	v22 =	vld [tilespmem:$0x740];
	[tilespmem:$0x2970] =	vst v17  }
0xc4: {  	v23 =	vld [tilespmem:$0x750];
	[tilespmem:$0x2980] =	vst v18  }
0xc5: {  	v24 =	vld [tilespmem:$0x760];
	[tilespmem:$0x2990] =	vst v19  }
0xc6: {  	v25 =	vld [tilespmem:$0x770];
	[tilespmem:$0x29A0] =	vst v20  }
0xc7: {  	v26 =	vld [tilespmem:$0x900];
	[tilespmem:$0x29B0] =	vst v21  }
0xc8: {  	v27 =	vld [tilespmem:$0x910];
	[tilespmem:$0x29C0] =	vst v22  }
0xc9: {  	v28 =	vld [tilespmem:$0x920];
	[tilespmem:$0x29D0] =	vst v23  }
0xca: {  	v29 =	vld [tilespmem:$0x930];
	[tilespmem:$0x29E0] =	vst v24  }
0xcb: {  	v30 =	vld [tilespmem:$0x940];
	[tilespmem:$0x29F0] =	vst v25  }
0xcc: {  	v31 =	vld [tilespmem:$0x950];
	[tilespmem:$0x2A00] =	vst v26  }
0xcd: {  	v32 =	vld [tilespmem:$0x960];
	[tilespmem:$0x2A10] =	vst v27  }
0xce: {  	v33 =	vld [tilespmem:$0x970];
	[tilespmem:$0x2A20] =	vst v28  }
0xcf: {  	v34 =	vld [tilespmem:$0xB00];
	[tilespmem:$0x2A30] =	vst v29  }
0xd0: {  	v35 =	vld [tilespmem:$0xB10];
	[tilespmem:$0x2A40] =	vst v30  }
0xd1: {  	v36 =	vld [tilespmem:$0xB20];
	[tilespmem:$0x2A50] =	vst v31  }
0xd2: {  	v37 =	vld [tilespmem:$0xB30];
	[tilespmem:$0x2A60] =	vst v32  }
0xd3: {  	v38 =	vld [tilespmem:$0xB40];
	[tilespmem:$0x2A70] =	vst v33  }
0xd4: {  	v39 =	vld [tilespmem:$0xB50];
	[tilespmem:$0x2A80] =	vst v34  }
0xd5: {  	v40 =	vld [tilespmem:$0xB60];
	[tilespmem:$0x2A90] =	vst v35  }
0xd6: {  	v41 =	vld [tilespmem:$0xB70];
	[tilespmem:$0x2AA0] =	vst v36  }
0xd7: {  	v49 =	vld [tilespmem:$0xED8];
	[tilespmem:$0x2AB0] =	vst v37  }
0xd8: {  	v42 =	vld [tilespmem:$0xD00];
	[tilespmem:$0x2AC0] =	vst v38  }
0xd9: {  	v43 =	vld [tilespmem:$0xD10];
	[tilespmem:$0x2AD0] =	vst v39  }
0xda: {  	v44 =	vld [tilespmem:$0xD20];
	[tilespmem:$0x2AE0] =	vst v40  }
0xdb: {  	v45 =	vld [tilespmem:$0xD30];
	[tilespmem:$0x2AF0] =	vst v41  }
0xdc: {  	v46 =	vld [tilespmem:$0xD40];
	[tilespmem:$0x27D8] =	vst v49  }
0xdd: {  	v47 =	vld [tilespmem:$0xD50];
	[tilespmem:$0x2B00] =	vst v42  }
0xde: {  	v48 =	vld [tilespmem:$0xD60];
	[tilespmem:$0x2B10] =	vst v43  }
0xdf: {  	v50 =	vld [tilespmem:$0xF00];
	[tilespmem:$0x2B20] =	vst v44  }
0xe0: {  	v51 =	vld [tilespmem:$0xF10];
	[tilespmem:$0x2B30] =	vst v45  }
0xe1: {  	v52 =	vld [tilespmem:$0xF20];
	[tilespmem:$0x2B40] =	vst v46  }
0xe2: {  	v53 =	vld [tilespmem:$0xF30];
	[tilespmem:$0x2B50] =	vst v47  }
0xe3: {  	v54 =	vld [tilespmem:$0xF40];
	[tilespmem:$0x2B60] =	vst v48  }
0xe4: {  	v55 =	vld [tilespmem:$0xF50];
	[tilespmem:$0x2B80] =	vst v50  }
0xe5: {  	v57 =	vld [tilespmem:$0x180];
	[tilespmem:$0x2B90] =	vst v51  }
0xe6: {  	v58 =	vld [tilespmem:$0x190];
	[tilespmem:$0x2BA0] =	vst v52  }
0xe7: {  	v59 =	vld [tilespmem:$0x1A0];
	[tilespmem:$0x2BB0] =	vst v53  }
0xe8: {  	v60 =	vld [tilespmem:$0x1B0];
	[tilespmem:$0x2BC0] =	vst v54  }
0xe9: {  	v61 =	vld [tilespmem:$0x1C0];
	[tilespmem:$0x2BD0] =	vst v55  }
0xea: {  	v62 =	vld [tilespmem:$0x1D0];
	[tilespmem:$0x2C00] =	vst v57  }
0xeb: {  	v63 =	vld [tilespmem:$0x1E0];
	[tilespmem:$0x2C10] =	vst v58  }
0xec: {  	v8 =	vld [tilespmem:$0x1F0];
	[tilespmem:$0x2C20] =	vst v59  }
0xed: {  	v9 =	vld [tilespmem:$0x380];
	[tilespmem:$0x2C30] =	vst v60  }
0xee: {  	v10 =	vld [tilespmem:$0x390];
	[tilespmem:$0x2C40] =	vst v61  }
0xef: {  	v11 =	vld [tilespmem:$0x3A0];
	[tilespmem:$0x2C50] =	vst v62  }
0xf0: {  	v12 =	vld [tilespmem:$0x3B0];
	[tilespmem:$0x2C60] =	vst v63  }
0xf1: {  	v13 =	vld [tilespmem:$0x3C0];
	[tilespmem:$0x2C70] =	vst v8  }
0xf2: {  	v14 =	vld [tilespmem:$0x3D0];
	[tilespmem:$0x2C80] =	vst v9  }
0xf3: {  	v15 =	vld [tilespmem:$0x3E0];
	[tilespmem:$0x2C90] =	vst v10  }
0xf4: {  	v16 =	vld [tilespmem:$0x3F0];
	[tilespmem:$0x2CA0] =	vst v11  }
0xf5: {  	v17 =	vld [tilespmem:$0x580];
	[tilespmem:$0x2CB0] =	vst v12  }
0xf6: {  	v18 =	vld [tilespmem:$0x590];
	[tilespmem:$0x2CC0] =	vst v13  }
0xf7: {  	v19 =	vld [tilespmem:$0x5A0];
	[tilespmem:$0x2CD0] =	vst v14  }
0xf8: {  	v20 =	vld [tilespmem:$0x5B0];
	[tilespmem:$0x2CE0] =	vst v15  }
0xf9: {  	v21 =	vld [tilespmem:$0x5C0];
	[tilespmem:$0x2CF0] =	vst v16  }
0xfa: {  	v22 =	vld [tilespmem:$0x5D0];
	[tilespmem:$0x2D00] =	vst v17  }
0xfb: {  	v23 =	vld [tilespmem:$0x5E0];
	[tilespmem:$0x2D10] =	vst v18  }
0xfc: {  	v24 =	vld [tilespmem:$0x5F0];
	[tilespmem:$0x2D20] =	vst v19  }
0xfd: {  	v25 =	vld [tilespmem:$0x780];
	[tilespmem:$0x2D30] =	vst v20  }
0xfe: {  	v26 =	vld [tilespmem:$0x790];
	[tilespmem:$0x2D40] =	vst v21  }
0xff: {  	v27 =	vld [tilespmem:$0x7A0];
	[tilespmem:$0x2D50] =	vst v22  }
0x100: {  	v28 =	vld [tilespmem:$0x7B0];
	[tilespmem:$0x2D60] =	vst v23  }
0x101: {  	v29 =	vld [tilespmem:$0x7C0];
	[tilespmem:$0x2D70] =	vst v24  }
0x102: {  	v30 =	vld [tilespmem:$0x7D0];
	[tilespmem:$0x2D80] =	vst v25  }
0x103: {  	v31 =	vld [tilespmem:$0x7E0];
	[tilespmem:$0x2D90] =	vst v26  }
0x104: {  	v32 =	vld [tilespmem:$0x7F0];
	[tilespmem:$0x2DA0] =	vst v27  }
0x105: {  	v33 =	vld [tilespmem:$0x980];
	[tilespmem:$0x2DB0] =	vst v28  }
0x106: {  	v34 =	vld [tilespmem:$0x990];
	[tilespmem:$0x2DC0] =	vst v29  }
0x107: {  	v35 =	vld [tilespmem:$0x9A0];
	[tilespmem:$0x2DD0] =	vst v30  }
0x108: {  	v36 =	vld [tilespmem:$0x9B0];
	[tilespmem:$0x2DE0] =	vst v31  }
0x109: {  	v37 =	vld [tilespmem:$0x9C0];
	[tilespmem:$0x2DF0] =	vst v32  }
0x10a: {  	v38 =	vld [tilespmem:$0x9D0];
	[tilespmem:$0x2E00] =	vst v33  }
0x10b: {  	v39 =	vld [tilespmem:$0x9E0];
	[tilespmem:$0x2E10] =	vst v34  }
0x10c: {  	v40 =	vld [tilespmem:$0x9F0];
	[tilespmem:$0x2E20] =	vst v35  }
0x10d: {  	v41 =	vld [tilespmem:$0xB80];
	[tilespmem:$0x2E30] =	vst v36  }
0x10e: {  	v49 =	vld [tilespmem:$0xD70];
	[tilespmem:$0x2E40] =	vst v37  }
0x10f: {  	v56 =	vld [tilespmem:$0xF58];
	[tilespmem:$0x2E50] =	vst v38  }
0x110: {  	v42 =	vld [tilespmem:$0xB90];
	[tilespmem:$0x2E60] =	vst v39  }
0x111: {  	v43 =	vld [tilespmem:$0xBA0];
	[tilespmem:$0x2E70] =	vst v40  }
0x112: {  	v44 =	vld [tilespmem:$0xBB0];
	[tilespmem:$0x2E80] =	vst v41  }
0x113: {  	v45 =	vld [tilespmem:$0xBC0];
	[tilespmem:$0x2B70] =	vst v49  }
0x114: {  	v46 =	vld [tilespmem:$0xBD0];
	[tilespmem:$0x2BD8] =	vst v56  }
0x115: {  	v47 =	vld [tilespmem:$0xBE0];
	[tilespmem:$0x2E90] =	vst v42  }
0x116: {  	v48 =	vld [tilespmem:$0xBF0];
	[tilespmem:$0x2EA0] =	vst v43  }
0x117: {  	v50 =	vld [tilespmem:$0xD90];
	[tilespmem:$0x2EB0] =	vst v44  }
0x118: {  	v51 =	vld [tilespmem:$0xDA0];
	[tilespmem:$0x2EC0] =	vst v45  }
0x119: {  	v52 =	vld [tilespmem:$0xDB0];
	[tilespmem:$0x2ED0] =	vst v46  }
0x11a: {  	v53 =	vld [tilespmem:$0xDC0];
	[tilespmem:$0x2EE0] =	vst v47  }
0x11b: {  	v54 =	vld [tilespmem:$0xDD0];
	[tilespmem:$0x2EF0] =	vst v48  }
0x11c: {  	v55 =	vld [tilespmem:$0xDE0];
	[tilespmem:$0x2F10] =	vst v50  }
0x11d: {  	v57 =	vld [tilespmem:$0xF80];
	[tilespmem:$0x2F20] =	vst v51  }
0x11e: {  	v58 =	vld [tilespmem:$0xF90];
	[tilespmem:$0x2F30] =	vst v52  }
0x11f: {  	v59 =	vld [tilespmem:$0xFA0];
	[tilespmem:$0x2F40] =	vst v53  }
0x120: {  	v60 =	vld [tilespmem:$0xFB0];
	[tilespmem:$0x2F50] =	vst v54  }
0x121: {  	v61 =	vld [tilespmem:$0xFC0];
	[tilespmem:$0x2F60] =	vst v55  }
0x122: {  	v62 =	vld [tilespmem:$0xFD0];
	[tilespmem:$0x2F80] =	vst v57  }
0x123: {  	v49 =	vld [tilespmem:$0xD80];
	[tilespmem:$0x2F90] =	vst v58  }
0x124: {  	v56 =	vld [tilespmem:$0xDF0];
	[tilespmem:$0x2FA0] =	vst v59  }
0x125: {  	v63 =	vld [tilespmem:$0xFD8];
	[tilespmem:$0x2FB0] =	vst v60  }
0x126: {  	[tilespmem:$0x2FC0] =	vst v61  }
0x127: {  	[tilespmem:$0x2FD0] =	vst v62  }
0x128: {  	s19 =	sadd.s32 $0xFFFFFFE0, s15;
	[tilespmem:$0x2F00] =	vst v49  }
0x129: {  	p1 =	sgt.u32 s19, $0x3E7;
	[tilespmem:$0x2F70] =	vst v56  }
0x12a: {  	s18 =	sadd.s32 s16, s8;
	s19 =	sadd.s32 @!p1 s16, s6;
	[tilespmem:$0x2FD8] =	vst v63  }
0x12b: {  	[hbm4b:s18+s2] =	stream.linear.scatter [tilespmem:s11], [sflag:$0x2], $0x1000, $0x38;
	[tilespmem:$0x4000] =	vst v63  }
0x12c: {  	s31 =	sadd.s32 $0xFFFFFFC0, s15;
	s20 =	simm.s32 @!p1 $0x0;
	s19 =	sadd.s32 @!p1 $0x8000, s19  }
0x12d: {  	[tilespmem:s20], [sflag:$0x1] =	stream.linear.gather @!p1 [hbm4b:s19+s20], $0x1000, $0x38;
	[tilespmem:$0x4000] =	vst v63  }
0x12e: {  	p1 =	sgt.u32 s31, $0x3E7  }
.Ltmp4:
0x12f: {  	_ = 	snop;
	(pc) =	sbr.rel @p1 .LBB2_4-.Ltmp4, $1  }
0x130: {  	_ =	sdelay $0x3  }
0x131: {  	_ =	swait.ge @!p0 [sflag:s17], $0x1000  }
0x132: {  	[sflag:s17] =	ssyncset.done @!p0 $0x0  }
0x133: {  	[sflag:s17] =	ssyncadd.s32 @!p0 $0xFFFFF000  }
0x134: {  	_ =	swait.ge [sflag:s10], $0x1000  }
0x135: {  	[sflag:s10] =	ssyncset.done $0x0  }
0x136: {  	[sflag:s10] =	ssyncadd.s32 $0xFFFFF000  }
0x137: {  	v0 =	vld [tilespmem:$0x1000]  }
0x138: {  	v1 =	vld [tilespmem:$0x1010]  }
0x139: {  	v2 =	vld [tilespmem:$0x1020];
	_ =	sdelay $0x2  }
0x13a: {  	[tilespmem:$0x3000] =	vst v0  }
0x13b: {  	[tilespmem:$0x3010] =	vst v1  }
0x13c: {  	[tilespmem:$0x3020] =	vst v2  }
0x13d: {  	v0 =	vld [tilespmem:$0x1030]  }
0x13e: {  	v42 =	vld [tilespmem:$0x1040]  }
0x13f: {  	v43 =	vld [tilespmem:$0x1050]  }
0x140: {  	v3 =	vld [tilespmem:$0x1060]  }
0x141: {  	v4 =	vld [tilespmem:$0x1070]  }
0x142: {  	v44 =	vld [tilespmem:$0x1200];
	[tilespmem:$0x3030] =	vst v0  }
0x143: {  	v45 =	vld [tilespmem:$0x1210];
	[tilespmem:$0x3040] =	vst v42  }
0x144: {  	v46 =	vld [tilespmem:$0x1220];
	[tilespmem:$0x3050] =	vst v43  }
0x145: {  	v47 =	vld [tilespmem:$0x1230];
	[tilespmem:$0x3060] =	vst v3  }
0x146: {  	v48 =	vld [tilespmem:$0x1240];
	[tilespmem:$0x3070] =	vst v4  }
0x147: {  	v49 =	vld [tilespmem:$0x1250];
	[tilespmem:$0x3080] =	vst v44  }
0x148: {  	v50 =	vld [tilespmem:$0x1260];
	[tilespmem:$0x3090] =	vst v45  }
0x149: {  	v51 =	vld [tilespmem:$0x1270];
	[tilespmem:$0x30A0] =	vst v46  }
0x14a: {  	v52 =	vld [tilespmem:$0x1400];
	[tilespmem:$0x30B0] =	vst v47  }
0x14b: {  	v53 =	vld [tilespmem:$0x1410];
	[tilespmem:$0x30C0] =	vst v48  }
0x14c: {  	v54 =	vld [tilespmem:$0x1420];
	[tilespmem:$0x30D0] =	vst v49  }
0x14d: {  	v55 =	vld [tilespmem:$0x1430];
	[tilespmem:$0x30E0] =	vst v50  }
0x14e: {  	v56 =	vld [tilespmem:$0x1440];
	[tilespmem:$0x30F0] =	vst v51  }
0x14f: {  	v57 =	vld [tilespmem:$0x1450];
	[tilespmem:$0x3100] =	vst v52  }
0x150: {  	v58 =	vld [tilespmem:$0x1460];
	[tilespmem:$0x3110] =	vst v53  }
0x151: {  	v59 =	vld [tilespmem:$0x1470];
	[tilespmem:$0x3120] =	vst v54  }
0x152: {  	v60 =	vld [tilespmem:$0x1600];
	[tilespmem:$0x3130] =	vst v55  }
0x153: {  	v61 =	vld [tilespmem:$0x1610];
	[tilespmem:$0x3140] =	vst v56  }
0x154: {  	v62 =	vld [tilespmem:$0x1620];
	[tilespmem:$0x3150] =	vst v57  }
0x155: {  	v63 =	vld [tilespmem:$0x1630];
	[tilespmem:$0x3160] =	vst v58  }
0x156: {  	v8 =	vld [tilespmem:$0x1640];
	[tilespmem:$0x3170] =	vst v59  }
0x157: {  	v9 =	vld [tilespmem:$0x1650];
	[tilespmem:$0x3180] =	vst v60  }
0x158: {  	v10 =	vld [tilespmem:$0x1660];
	[tilespmem:$0x3190] =	vst v61  }
0x159: {  	v11 =	vld [tilespmem:$0x1670];
	[tilespmem:$0x31A0] =	vst v62  }
0x15a: {  	v12 =	vld [tilespmem:$0x1800];
	[tilespmem:$0x31B0] =	vst v63  }
0x15b: {  	v13 =	vld [tilespmem:$0x1810];
	[tilespmem:$0x31C0] =	vst v8  }
0x15c: {  	v14 =	vld [tilespmem:$0x1820];
	[tilespmem:$0x31D0] =	vst v9  }
0x15d: {  	v15 =	vld [tilespmem:$0x1830];
	[tilespmem:$0x31E0] =	vst v10  }
0x15e: {  	v16 =	vld [tilespmem:$0x1840];
	[tilespmem:$0x31F0] =	vst v11  }
0x15f: {  	v17 =	vld [tilespmem:$0x1850];
	[tilespmem:$0x3200] =	vst v12  }
0x160: {  	v18 =	vld [tilespmem:$0x1860];
	[tilespmem:$0x3210] =	vst v13  }
0x161: {  	v19 =	vld [tilespmem:$0x1870];
	[tilespmem:$0x3220] =	vst v14  }
0x162: {  	v20 =	vld [tilespmem:$0x1A00];
	[tilespmem:$0x3230] =	vst v15  }
0x163: {  	v21 =	vld [tilespmem:$0x1A10];
	[tilespmem:$0x3240] =	vst v16  }
0x164: {  	v22 =	vld [tilespmem:$0x1A20];
	[tilespmem:$0x3250] =	vst v17  }
0x165: {  	v23 =	vld [tilespmem:$0x1A30];
	[tilespmem:$0x3260] =	vst v18  }
0x166: {  	v24 =	vld [tilespmem:$0x1A40];
	[tilespmem:$0x3270] =	vst v19  }
0x167: {  	v25 =	vld [tilespmem:$0x1A50];
	[tilespmem:$0x3280] =	vst v20  }
0x168: {  	v26 =	vld [tilespmem:$0x1A60];
	[tilespmem:$0x3290] =	vst v21  }
0x169: {  	v27 =	vld [tilespmem:$0x1A70];
	[tilespmem:$0x32A0] =	vst v22  }
0x16a: {  	v28 =	vld [tilespmem:$0x1C00];
	[tilespmem:$0x32B0] =	vst v23  }
0x16b: {  	v29 =	vld [tilespmem:$0x1C10];
	[tilespmem:$0x32C0] =	vst v24  }
0x16c: {  	v30 =	vld [tilespmem:$0x1C20];
	[tilespmem:$0x32D0] =	vst v25  }
0x16d: {  	v31 =	vld [tilespmem:$0x1C30];
	[tilespmem:$0x32E0] =	vst v26  }
0x16e: {  	v32 =	vld [tilespmem:$0x1C40];
	[tilespmem:$0x32F0] =	vst v27  }
0x16f: {  	v33 =	vld [tilespmem:$0x1C50];
	[tilespmem:$0x3300] =	vst v28  }
0x170: {  	v34 =	vld [tilespmem:$0x1C60];
	[tilespmem:$0x3310] =	vst v29  }
0x171: {  	v35 =	vld [tilespmem:$0x1C70];
	[tilespmem:$0x3320] =	vst v30  }
0x172: {  	v36 =	vld [tilespmem:$0x1E00];
	[tilespmem:$0x3330] =	vst v31  }
0x173: {  	v37 =	vld [tilespmem:$0x1E10];
	[tilespmem:$0x3340] =	vst v32  }
0x174: {  	v38 =	vld [tilespmem:$0x1E20];
	[tilespmem:$0x3350] =	vst v33  }
0x175: {  	v39 =	vld [tilespmem:$0x1E30];
	[tilespmem:$0x3360] =	vst v34  }
0x176: {  	v40 =	vld [tilespmem:$0x1E40];
	[tilespmem:$0x3370] =	vst v35  }
0x177: {  	v41 =	vld [tilespmem:$0x1E50];
	[tilespmem:$0x3380] =	vst v36  }
0x178: {  	[tilespmem:$0x3390] =	vst v37;
	v42 =	vld [tilespmem:$0x1E58]  }
0x179: {  	[tilespmem:$0x33A0] =	vst v38;
	v43 =	vld [tilespmem:$0x1080]  }
0x17a: {  	[tilespmem:$0x33B0] =	vst v39;
	v44 =	vld [tilespmem:$0x1090]  }
0x17b: {  	[tilespmem:$0x33C0] =	vst v40;
	v45 =	vld [tilespmem:$0x10A0]  }
0x17c: {  	[tilespmem:$0x33D0] =	vst v41;
	v46 =	vld [tilespmem:$0x10B0]  }
0x17d: {  	v47 =	vld [tilespmem:$0x10C0];
	[tilespmem:$0x33D8] =	vst v42  }
0x17e: {  	v48 =	vld [tilespmem:$0x10D0];
	[tilespmem:$0x3400] =	vst v43  }
0x17f: {  	v49 =	vld [tilespmem:$0x10E0];
	[tilespmem:$0x3410] =	vst v44  }
0x180: {  	v50 =	vld [tilespmem:$0x10F0];
	[tilespmem:$0x3420] =	vst v45  }
0x181: {  	v51 =	vld [tilespmem:$0x1280];
	[tilespmem:$0x3430] =	vst v46  }
0x182: {  	v52 =	vld [tilespmem:$0x1290];
	[tilespmem:$0x3440] =	vst v47  }
0x183: {  	v53 =	vld [tilespmem:$0x12A0];
	[tilespmem:$0x3450] =	vst v48  }
0x184: {  	v54 =	vld [tilespmem:$0x12B0];
	[tilespmem:$0x3460] =	vst v49  }
0x185: {  	v55 =	vld [tilespmem:$0x12C0];
	[tilespmem:$0x3470] =	vst v50  }
0x186: {  	v56 =	vld [tilespmem:$0x12D0];
	[tilespmem:$0x3480] =	vst v51  }
0x187: {  	v57 =	vld [tilespmem:$0x12E0];
	[tilespmem:$0x3490] =	vst v52  }
0x188: {  	v58 =	vld [tilespmem:$0x12F0];
	[tilespmem:$0x34A0] =	vst v53  }
0x189: {  	v59 =	vld [tilespmem:$0x1480];
	[tilespmem:$0x34B0] =	vst v54  }
0x18a: {  	v60 =	vld [tilespmem:$0x1490];
	[tilespmem:$0x34C0] =	vst v55  }
0x18b: {  	v61 =	vld [tilespmem:$0x14A0];
	[tilespmem:$0x34D0] =	vst v56  }
0x18c: {  	v62 =	vld [tilespmem:$0x14B0];
	[tilespmem:$0x34E0] =	vst v57  }
0x18d: {  	v63 =	vld [tilespmem:$0x14C0];
	[tilespmem:$0x34F0] =	vst v58  }
0x18e: {  	v8 =	vld [tilespmem:$0x14D0];
	[tilespmem:$0x3500] =	vst v59  }
0x18f: {  	v9 =	vld [tilespmem:$0x14E0];
	[tilespmem:$0x3510] =	vst v60  }
0x190: {  	v10 =	vld [tilespmem:$0x14F0];
	[tilespmem:$0x3520] =	vst v61  }
0x191: {  	v11 =	vld [tilespmem:$0x1680];
	[tilespmem:$0x3530] =	vst v62  }
0x192: {  	v12 =	vld [tilespmem:$0x1690];
	[tilespmem:$0x3540] =	vst v63  }
0x193: {  	v13 =	vld [tilespmem:$0x16A0];
	[tilespmem:$0x3550] =	vst v8  }
0x194: {  	v14 =	vld [tilespmem:$0x16B0];
	[tilespmem:$0x3560] =	vst v9  }
0x195: {  	v15 =	vld [tilespmem:$0x16C0];
	[tilespmem:$0x3570] =	vst v10  }
0x196: {  	v16 =	vld [tilespmem:$0x16D0];
	[tilespmem:$0x3580] =	vst v11  }
0x197: {  	v17 =	vld [tilespmem:$0x16E0];
	[tilespmem:$0x3590] =	vst v12  }
0x198: {  	v18 =	vld [tilespmem:$0x16F0];
	[tilespmem:$0x35A0] =	vst v13  }
0x199: {  	v19 =	vld [tilespmem:$0x1880];
	[tilespmem:$0x35B0] =	vst v14  }
0x19a: {  	v20 =	vld [tilespmem:$0x1890];
	[tilespmem:$0x35C0] =	vst v15  }
0x19b: {  	v21 =	vld [tilespmem:$0x18A0];
	[tilespmem:$0x35D0] =	vst v16  }
0x19c: {  	v22 =	vld [tilespmem:$0x18B0];
	[tilespmem:$0x35E0] =	vst v17  }
0x19d: {  	v23 =	vld [tilespmem:$0x18C0];
	[tilespmem:$0x35F0] =	vst v18  }
0x19e: {  	v24 =	vld [tilespmem:$0x18D0];
	[tilespmem:$0x3600] =	vst v19  }
0x19f: {  	v25 =	vld [tilespmem:$0x18E0];
	[tilespmem:$0x3610] =	vst v20  }
0x1a0: {  	v26 =	vld [tilespmem:$0x18F0];
	[tilespmem:$0x3620] =	vst v21  }
0x1a1: {  	v27 =	vld [tilespmem:$0x1A80];
	[tilespmem:$0x3630] =	vst v22  }
0x1a2: {  	v28 =	vld [tilespmem:$0x1A90];
	[tilespmem:$0x3640] =	vst v23  }
0x1a3: {  	v29 =	vld [tilespmem:$0x1AA0];
	[tilespmem:$0x3650] =	vst v24  }
0x1a4: {  	v30 =	vld [tilespmem:$0x1AB0];
	[tilespmem:$0x3660] =	vst v25  }
0x1a5: {  	v31 =	vld [tilespmem:$0x1AC0];
	[tilespmem:$0x3670] =	vst v26  }
0x1a6: {  	v32 =	vld [tilespmem:$0x1AD0];
	[tilespmem:$0x3680] =	vst v27  }
0x1a7: {  	v33 =	vld [tilespmem:$0x1AE0];
	[tilespmem:$0x3690] =	vst v28  }
0x1a8: {  	v34 =	vld [tilespmem:$0x1AF0];
	[tilespmem:$0x36A0] =	vst v29  }
0x1a9: {  	v35 =	vld [tilespmem:$0x1C80];
	[tilespmem:$0x36B0] =	vst v30  }
0x1aa: {  	v36 =	vld [tilespmem:$0x1C90];
	[tilespmem:$0x36C0] =	vst v31  }
0x1ab: {  	v37 =	vld [tilespmem:$0x1CA0];
	[tilespmem:$0x36D0] =	vst v32  }
0x1ac: {  	v38 =	vld [tilespmem:$0x1CB0];
	[tilespmem:$0x36E0] =	vst v33  }
0x1ad: {  	v39 =	vld [tilespmem:$0x1CC0];
	[tilespmem:$0x36F0] =	vst v34  }
0x1ae: {  	v40 =	vld [tilespmem:$0x1CD0];
	[tilespmem:$0x3700] =	vst v35  }
0x1af: {  	v41 =	vld [tilespmem:$0x1CE0];
	[tilespmem:$0x3710] =	vst v36  }
0x1b0: {  	[tilespmem:$0x3720] =	vst v37;
	v42 =	vld [tilespmem:$0x1CF0]  }
0x1b1: {  	[tilespmem:$0x3730] =	vst v38;
	v43 =	vld [tilespmem:$0x1E80]  }
0x1b2: {  	[tilespmem:$0x3740] =	vst v39;
	v44 =	vld [tilespmem:$0x1E90]  }
0x1b3: {  	[tilespmem:$0x3750] =	vst v40;
	v45 =	vld [tilespmem:$0x1EA0]  }
0x1b4: {  	[tilespmem:$0x3760] =	vst v41;
	v46 =	vld [tilespmem:$0x1EB0]  }
0x1b5: {  	v47 =	vld [tilespmem:$0x1EC0];
	[tilespmem:$0x3770] =	vst v42  }
0x1b6: {  	v48 =	vld [tilespmem:$0x1ED0];
	[tilespmem:$0x3780] =	vst v43  }
0x1b7: {  	v50 =	vld [tilespmem:$0x1100];
	[tilespmem:$0x3790] =	vst v44  }
0x1b8: {  	v51 =	vld [tilespmem:$0x1110];
	[tilespmem:$0x37A0] =	vst v45  }
0x1b9: {  	v52 =	vld [tilespmem:$0x1120];
	[tilespmem:$0x37B0] =	vst v46  }
0x1ba: {  	v53 =	vld [tilespmem:$0x1130];
	[tilespmem:$0x37C0] =	vst v47  }
0x1bb: {  	v54 =	vld [tilespmem:$0x1140];
	[tilespmem:$0x37D0] =	vst v48  }
0x1bc: {  	v55 =	vld [tilespmem:$0x1150];
	[tilespmem:$0x3800] =	vst v50  }
0x1bd: {  	v56 =	vld [tilespmem:$0x1160];
	[tilespmem:$0x3810] =	vst v51  }
0x1be: {  	v57 =	vld [tilespmem:$0x1170];
	[tilespmem:$0x3820] =	vst v52  }
0x1bf: {  	v58 =	vld [tilespmem:$0x1300];
	[tilespmem:$0x3830] =	vst v53  }
0x1c0: {  	v59 =	vld [tilespmem:$0x1310];
	[tilespmem:$0x3840] =	vst v54  }
0x1c1: {  	v60 =	vld [tilespmem:$0x1320];
	[tilespmem:$0x3850] =	vst v55  }
0x1c2: {  	v61 =	vld [tilespmem:$0x1330];
	[tilespmem:$0x3860] =	vst v56  }
0x1c3: {  	v62 =	vld [tilespmem:$0x1340];
	[tilespmem:$0x3870] =	vst v57  }
0x1c4: {  	v63 =	vld [tilespmem:$0x1350];
	[tilespmem:$0x3880] =	vst v58  }
0x1c5: {  	v8 =	vld [tilespmem:$0x1360];
	[tilespmem:$0x3890] =	vst v59  }
0x1c6: {  	v9 =	vld [tilespmem:$0x1370];
	[tilespmem:$0x38A0] =	vst v60  }
0x1c7: {  	v10 =	vld [tilespmem:$0x1500];
	[tilespmem:$0x38B0] =	vst v61  }
0x1c8: {  	v11 =	vld [tilespmem:$0x1510];
	[tilespmem:$0x38C0] =	vst v62  }
0x1c9: {  	v12 =	vld [tilespmem:$0x1520];
	[tilespmem:$0x38D0] =	vst v63  }
0x1ca: {  	v13 =	vld [tilespmem:$0x1530];
	[tilespmem:$0x38E0] =	vst v8  }
0x1cb: {  	v14 =	vld [tilespmem:$0x1540];
	[tilespmem:$0x38F0] =	vst v9  }
0x1cc: {  	v15 =	vld [tilespmem:$0x1550];
	[tilespmem:$0x3900] =	vst v10  }
0x1cd: {  	v16 =	vld [tilespmem:$0x1560];
	[tilespmem:$0x3910] =	vst v11  }
0x1ce: {  	v17 =	vld [tilespmem:$0x1570];
	[tilespmem:$0x3920] =	vst v12  }
0x1cf: {  	v18 =	vld [tilespmem:$0x1700];
	[tilespmem:$0x3930] =	vst v13  }
0x1d0: {  	v19 =	vld [tilespmem:$0x1710];
	[tilespmem:$0x3940] =	vst v14  }
0x1d1: {  	v20 =	vld [tilespmem:$0x1720];
	[tilespmem:$0x3950] =	vst v15  }
0x1d2: {  	v21 =	vld [tilespmem:$0x1730];
	[tilespmem:$0x3960] =	vst v16  }
0x1d3: {  	v22 =	vld [tilespmem:$0x1740];
	[tilespmem:$0x3970] =	vst v17  }
0x1d4: {  	v23 =	vld [tilespmem:$0x1750];
	[tilespmem:$0x3980] =	vst v18  }
0x1d5: {  	v24 =	vld [tilespmem:$0x1760];
	[tilespmem:$0x3990] =	vst v19  }
0x1d6: {  	v25 =	vld [tilespmem:$0x1770];
	[tilespmem:$0x39A0] =	vst v20  }
0x1d7: {  	v26 =	vld [tilespmem:$0x1900];
	[tilespmem:$0x39B0] =	vst v21  }
0x1d8: {  	v27 =	vld [tilespmem:$0x1910];
	[tilespmem:$0x39C0] =	vst v22  }
0x1d9: {  	v28 =	vld [tilespmem:$0x1920];
	[tilespmem:$0x39D0] =	vst v23  }
0x1da: {  	v29 =	vld [tilespmem:$0x1930];
	[tilespmem:$0x39E0] =	vst v24  }
0x1db: {  	v30 =	vld [tilespmem:$0x1940];
	[tilespmem:$0x39F0] =	vst v25  }
0x1dc: {  	v31 =	vld [tilespmem:$0x1950];
	[tilespmem:$0x3A00] =	vst v26  }
0x1dd: {  	v32 =	vld [tilespmem:$0x1960];
	[tilespmem:$0x3A10] =	vst v27  }
0x1de: {  	v33 =	vld [tilespmem:$0x1970];
	[tilespmem:$0x3A20] =	vst v28  }
0x1df: {  	v34 =	vld [tilespmem:$0x1B00];
	[tilespmem:$0x3A30] =	vst v29  }
0x1e0: {  	v35 =	vld [tilespmem:$0x1B10];
	[tilespmem:$0x3A40] =	vst v30  }
0x1e1: {  	v36 =	vld [tilespmem:$0x1B20];
	[tilespmem:$0x3A50] =	vst v31  }
0x1e2: {  	v37 =	vld [tilespmem:$0x1B30];
	[tilespmem:$0x3A60] =	vst v32  }
0x1e3: {  	v38 =	vld [tilespmem:$0x1B40];
	[tilespmem:$0x3A70] =	vst v33  }
0x1e4: {  	v39 =	vld [tilespmem:$0x1B50];
	[tilespmem:$0x3A80] =	vst v34  }
0x1e5: {  	v40 =	vld [tilespmem:$0x1B60];
	[tilespmem:$0x3A90] =	vst v35  }
0x1e6: {  	v41 =	vld [tilespmem:$0x1B70];
	[tilespmem:$0x3AA0] =	vst v36  }
0x1e7: {  	v49 =	vld [tilespmem:$0x1ED8];
	[tilespmem:$0x3AB0] =	vst v37  }
0x1e8: {  	v42 =	vld [tilespmem:$0x1D00];
	[tilespmem:$0x3AC0] =	vst v38  }
0x1e9: {  	v43 =	vld [tilespmem:$0x1D10];
	[tilespmem:$0x3AD0] =	vst v39  }
0x1ea: {  	v44 =	vld [tilespmem:$0x1D20];
	[tilespmem:$0x3AE0] =	vst v40  }
0x1eb: {  	v45 =	vld [tilespmem:$0x1D30];
	[tilespmem:$0x3AF0] =	vst v41  }
0x1ec: {  	v46 =	vld [tilespmem:$0x1D40];
	[tilespmem:$0x37D8] =	vst v49  }
0x1ed: {  	v47 =	vld [tilespmem:$0x1D50];
	[tilespmem:$0x3B00] =	vst v42  }
0x1ee: {  	v48 =	vld [tilespmem:$0x1D60];
	[tilespmem:$0x3B10] =	vst v43  }
0x1ef: {  	v50 =	vld [tilespmem:$0x1F00];
	[tilespmem:$0x3B20] =	vst v44  }
0x1f0: {  	v51 =	vld [tilespmem:$0x1F10];
	[tilespmem:$0x3B30] =	vst v45  }
0x1f1: {  	v52 =	vld [tilespmem:$0x1F20];
	[tilespmem:$0x3B40] =	vst v46  }
0x1f2: {  	v53 =	vld [tilespmem:$0x1F30];
	[tilespmem:$0x3B50] =	vst v47  }
0x1f3: {  	v54 =	vld [tilespmem:$0x1F40];
	[tilespmem:$0x3B60] =	vst v48  }
0x1f4: {  	v55 =	vld [tilespmem:$0x1F50];
	[tilespmem:$0x3B80] =	vst v50  }
0x1f5: {  	v57 =	vld [tilespmem:$0x1180];
	[tilespmem:$0x3B90] =	vst v51  }
0x1f6: {  	v58 =	vld [tilespmem:$0x1190];
	[tilespmem:$0x3BA0] =	vst v52  }
0x1f7: {  	v59 =	vld [tilespmem:$0x11A0];
	[tilespmem:$0x3BB0] =	vst v53  }
0x1f8: {  	v60 =	vld [tilespmem:$0x11B0];
	[tilespmem:$0x3BC0] =	vst v54  }
0x1f9: {  	v61 =	vld [tilespmem:$0x11C0];
	[tilespmem:$0x3BD0] =	vst v55  }
0x1fa: {  	v62 =	vld [tilespmem:$0x11D0];
	[tilespmem:$0x3C00] =	vst v57  }
0x1fb: {  	v63 =	vld [tilespmem:$0x11E0];
	[tilespmem:$0x3C10] =	vst v58  }
0x1fc: {  	v8 =	vld [tilespmem:$0x11F0];
	[tilespmem:$0x3C20] =	vst v59  }
0x1fd: {  	v9 =	vld [tilespmem:$0x1380];
	[tilespmem:$0x3C30] =	vst v60  }
0x1fe: {  	v10 =	vld [tilespmem:$0x1390];
	[tilespmem:$0x3C40] =	vst v61  }
0x1ff: {  	v11 =	vld [tilespmem:$0x13A0];
	[tilespmem:$0x3C50] =	vst v62  }
0x200: {  	v12 =	vld [tilespmem:$0x13B0];
	[tilespmem:$0x3C60] =	vst v63  }
0x201: {  	v13 =	vld [tilespmem:$0x13C0];
	[tilespmem:$0x3C70] =	vst v8  }
0x202: {  	v14 =	vld [tilespmem:$0x13D0];
	[tilespmem:$0x3C80] =	vst v9  }
0x203: {  	v15 =	vld [tilespmem:$0x13E0];
	[tilespmem:$0x3C90] =	vst v10  }
0x204: {  	v16 =	vld [tilespmem:$0x13F0];
	[tilespmem:$0x3CA0] =	vst v11  }
0x205: {  	v17 =	vld [tilespmem:$0x1580];
	[tilespmem:$0x3CB0] =	vst v12  }
0x206: {  	v18 =	vld [tilespmem:$0x1590];
	[tilespmem:$0x3CC0] =	vst v13  }
0x207: {  	v19 =	vld [tilespmem:$0x15A0];
	[tilespmem:$0x3CD0] =	vst v14  }
0x208: {  	v20 =	vld [tilespmem:$0x15B0];
	[tilespmem:$0x3CE0] =	vst v15  }
0x209: {  	v21 =	vld [tilespmem:$0x15C0];
	[tilespmem:$0x3CF0] =	vst v16  }
0x20a: {  	v22 =	vld [tilespmem:$0x15D0];
	[tilespmem:$0x3D00] =	vst v17  }
0x20b: {  	v23 =	vld [tilespmem:$0x15E0];
	[tilespmem:$0x3D10] =	vst v18  }
0x20c: {  	v24 =	vld [tilespmem:$0x15F0];
	[tilespmem:$0x3D20] =	vst v19  }
0x20d: {  	v25 =	vld [tilespmem:$0x1780];
	[tilespmem:$0x3D30] =	vst v20  }
0x20e: {  	v26 =	vld [tilespmem:$0x1790];
	[tilespmem:$0x3D40] =	vst v21  }
0x20f: {  	v27 =	vld [tilespmem:$0x17A0];
	[tilespmem:$0x3D50] =	vst v22  }
0x210: {  	v28 =	vld [tilespmem:$0x17B0];
	[tilespmem:$0x3D60] =	vst v23  }
0x211: {  	v29 =	vld [tilespmem:$0x17C0];
	[tilespmem:$0x3D70] =	vst v24  }
0x212: {  	v30 =	vld [tilespmem:$0x17D0];
	[tilespmem:$0x3D80] =	vst v25  }
0x213: {  	v31 =	vld [tilespmem:$0x17E0];
	[tilespmem:$0x3D90] =	vst v26  }
0x214: {  	v32 =	vld [tilespmem:$0x17F0];
	[tilespmem:$0x3DA0] =	vst v27  }
0x215: {  	v33 =	vld [tilespmem:$0x1980];
	[tilespmem:$0x3DB0] =	vst v28  }
0x216: {  	v34 =	vld [tilespmem:$0x1990];
	[tilespmem:$0x3DC0] =	vst v29  }
0x217: {  	v35 =	vld [tilespmem:$0x19A0];
	[tilespmem:$0x3DD0] =	vst v30  }
0x218: {  	v36 =	vld [tilespmem:$0x19B0];
	[tilespmem:$0x3DE0] =	vst v31  }
0x219: {  	v37 =	vld [tilespmem:$0x19C0];
	[tilespmem:$0x3DF0] =	vst v32  }
0x21a: {  	v38 =	vld [tilespmem:$0x19D0];
	[tilespmem:$0x3E00] =	vst v33  }
0x21b: {  	v39 =	vld [tilespmem:$0x19E0];
	[tilespmem:$0x3E10] =	vst v34  }
0x21c: {  	v40 =	vld [tilespmem:$0x19F0];
	[tilespmem:$0x3E20] =	vst v35  }
0x21d: {  	v41 =	vld [tilespmem:$0x1B80];
	[tilespmem:$0x3E30] =	vst v36  }
0x21e: {  	v49 =	vld [tilespmem:$0x1D70];
	[tilespmem:$0x3E40] =	vst v37  }
0x21f: {  	v56 =	vld [tilespmem:$0x1F58];
	[tilespmem:$0x3E50] =	vst v38  }
0x220: {  	v42 =	vld [tilespmem:$0x1B90];
	[tilespmem:$0x3E60] =	vst v39  }
0x221: {  	v43 =	vld [tilespmem:$0x1BA0];
	[tilespmem:$0x3E70] =	vst v40  }
0x222: {  	v44 =	vld [tilespmem:$0x1BB0];
	[tilespmem:$0x3E80] =	vst v41  }
0x223: {  	v45 =	vld [tilespmem:$0x1BC0];
	[tilespmem:$0x3B70] =	vst v49  }
0x224: {  	v46 =	vld [tilespmem:$0x1BD0];
	[tilespmem:$0x3BD8] =	vst v56  }
0x225: {  	v47 =	vld [tilespmem:$0x1BE0];
	[tilespmem:$0x3E90] =	vst v42  }
0x226: {  	v48 =	vld [tilespmem:$0x1BF0];
	[tilespmem:$0x3EA0] =	vst v43  }
0x227: {  	v50 =	vld [tilespmem:$0x1D90];
	[tilespmem:$0x3EB0] =	vst v44  }
0x228: {  	v51 =	vld [tilespmem:$0x1DA0];
	[tilespmem:$0x3EC0] =	vst v45  }
0x229: {  	v52 =	vld [tilespmem:$0x1DB0];
	[tilespmem:$0x3ED0] =	vst v46  }
0x22a: {  	v53 =	vld [tilespmem:$0x1DC0];
	[tilespmem:$0x3EE0] =	vst v47  }
0x22b: {  	v54 =	vld [tilespmem:$0x1DD0];
	[tilespmem:$0x3EF0] =	vst v48  }
0x22c: {  	v55 =	vld [tilespmem:$0x1DE0];
	[tilespmem:$0x3F10] =	vst v50  }
0x22d: {  	v57 =	vld [tilespmem:$0x1F80];
	[tilespmem:$0x3F20] =	vst v51  }
0x22e: {  	v58 =	vld [tilespmem:$0x1F90];
	[tilespmem:$0x3F30] =	vst v52  }
0x22f: {  	v59 =	vld [tilespmem:$0x1FA0];
	[tilespmem:$0x3F40] =	vst v53  }
0x230: {  	v60 =	vld [tilespmem:$0x1FB0];
	[tilespmem:$0x3F50] =	vst v54  }
0x231: {  	v61 =	vld [tilespmem:$0x1FC0];
	[tilespmem:$0x3F60] =	vst v55  }
0x232: {  	v62 =	vld [tilespmem:$0x1FD0];
	[tilespmem:$0x3F80] =	vst v57  }
0x233: {  	v49 =	vld [tilespmem:$0x1D80];
	[tilespmem:$0x3F90] =	vst v58  }
0x234: {  	v56 =	vld [tilespmem:$0x1DF0];
	[tilespmem:$0x3FA0] =	vst v59  }
0x235: {  	v63 =	vld [tilespmem:$0x1FD8];
	[tilespmem:$0x3FB0] =	vst v60  }
0x236: {  	[tilespmem:$0x3FC0] =	vst v61  }
0x237: {  	[tilespmem:$0x3FD0] =	vst v62  }
0x238: {  	[tilespmem:$0x3F00] =	vst v49  }
.Ltmp5:
0x239: {  	p0 =	sgt.u32 s15, $0x3E7;
	[tilespmem:$0x3F70] =	vst v56;
	(pc) =	sbr.rel .LBB2_4-.Ltmp5, $4  }
0x23a: {  	s31 =	sadd.s32 $0x4000, s18;
	s17 =	sadd.s32 @!p0 s16, s6;
	[tilespmem:$0x3FD8] =	vst v63  }
0x23b: {  	[hbm4b:s31+s2] =	stream.linear.scatter [tilespmem:s12], [sflag:$0x2], $0x1000, $0x38;
	[tilespmem:$0x4000] =	vst v63  }
0x23c: {  	s18 =	simm.s32 @!p0 $0x0;
	s19 =	simm.s32 @!p0 $0x1000;
	s17 =	sadd.s32 @!p0 $0xC000, s17  }
0x23d: {  	[tilespmem:s19], [sflag:$0x1] =	stream.linear.gather @!p0 [hbm4b:s17+s18], $0x1000, $0x38;
	[tilespmem:$0x4000] =	vst v63  }
.LBB2_6:
0x23e: {  	_ =	sfence.sel $0x180000  }
0x23f: {  	[bflag:$0x0] =	sbarrier.arrive $0xFFFF  }
0x240: {  	p0 =	sne.s32 s1, $0x0;
	_ =	strace $0x90000047  }
0x241: {  	s0 =	sadd.s32 @!p0 $0x100000, s0;
	[bflag:$0x2] =	sbarrier.arrive $0xFFFF  }
0x242: {  	[sflag:s0] =	ssyncadd.tile.s32 @!p0 $0x1;
	_ =	shalt  }
.Lfunc_end2:
_tile_overlayer_lowered:
.L_overlay_start_2:
0x243: {  	(tag) =	ssettag $0x2  }
0x244: {  	s0 =	rddreg [dreg:$0x0];
	s2 =	stileid.u32  }
0x245: {  	s1 =	rddreg [dreg:$0x1];
	p0 =	sne.s32 s2, $0x0  }
0x246: {  	s3 =	rddreg [dreg:$0x2];
	[bflag:$0x3] =	sbarrier.arrive $0xFFFF;
	s2 =	simm.s32 @!p0 $0x1C03  }
0x247: {  	[timem:s3], [sflag:s2] =	dma.local @!p0 [hbm:s0], s1  }
0x248: {  	s0 =	simm.s32 @!p0 $0x3  }
0x249: {  	_ =	swait.ge @!p0 [sflag:s0], s1  }
0x24a: {  	s1 =	ssub.s32 @!p0 $0x0, s1;
	[sflag:s0] =	ssyncset.done @!p0 $0x0  }
0x24b: {  	[sflag:s0] =	ssyncadd.s32 @!p0 s1  }
0x24c: {  	[bflag:$0x3] =	sbarrier.arrive $0xFFFF  }
0x24d: {  	_ =	shalt  }

// kernel: kernel.8.cloned.1.call-start
scs
__scs_entry_jumppad:
0x0: {  	(pc) =	sbr.rel $0x88, $3  }
0x1: {  	(tag) =	ssettag $0x0;
	lr =	simm.s32 $0x1  }
0x2: {  	[smem:$0x3F9E] =	sst lr;
	_ =	strace $0xD0000000  }
0x3: {  	_ = 	snop  }
0x4: {  	_ = 	snop  }
0x5: {  	_ = 	snop  }
0x6: {  	_ = 	snop  }
0x7: {  	_ = 	snop  }
__scs_overlays_trampoline_lowered:
0x8: {  	[smem:$0x3FAD] =	sst s0  }
0x9: {  	[smem:$0x3FAE] =	sst s1  }
0xa: {  	[smem:$0x3FAF] =	sst s2  }
0xb: {  	[smem:$0x3FB0] =	sst s3  }
0xc: {  	[smem:$0x3FB1] =	sst s4  }
0xd: {  	[smem:$0x3FB2] =	sst s5  }
0xe: {  	[smem:$0x3FB3] =	sst s6  }
0xf: {  	[smem:$0x3FB4] =	sst s7  }
0x10: {  	[smem:$0x3FB5] =	sst s8  }
0x11: {  	[smem:$0x3FB6] =	sst s9;
	s0 =	simm.s32 @!p0 $0x0  }
0x12: {  	s1 =	sld [smem:$0x3F9C];
	s0 =	simm.s32 @p0 $0x1  }
0x13: {  	[smem:$0x3FB7] =	sst s0;
	s0 =	simm.s32 @!p1 $0x0  }
0x14: {  	s2 =	sld [smem:$0x3F9B];
	s0 =	simm.s32 @p1 $0x1  }
0x15: {  	[smem:$0x3FB8] =	sst s0;
	s0 =	simm.s32 @!p2 $0x0  }
0x16: {  	s3 =	sld [smem:$0x3FDB];
	s0 =	simm.s32 @p2 $0x1  }
0x17: {  	s4 =	simm.s32 $0x1BF5;
	[smem:$0x3FBA] =	sst s0  }
0x18: {  	s0 =	sld [smem:$0x3F9D];
	_ =	swait.ge [sflag:s4], $0x0  }
0x19: {  	s7 =	sld [smem:$0x3F9E]  }
0x1a: {  	s8 =	sadd.s32 $0xFFFFE003, lr  }
0x1b: {  	s9 =	sadd.s32 $0xFFFFFEF7, lr;
	s5 =	simm.s32 $0xFFFFFFFF;
	p2 =	slt.u32 s8, $0xFFFFF086  }
0x1c: {  	p1 =	slt.u32 s9, $0xF7A;
	s5 =	simm.s32 @!p2 $0x0  }
0x1d: {  	s5 =	simm.s32 @p1 $0x1;
	p0 =	seq.s32 s7, s2  }
0x1e: {  	s7 =	smul.u32 @!p0 $0xF7A, s2;
	p2 =	seq.s32 @!p0 s5, $0x0  }
0x1f: {  	s9 =	smul.u32 $0xF7A, s1;
	s8 =	simm.s32 @!p0 $0x1BF5;
	p2 =	por !p2, p0  }
0x20: {  	[sflag:s8] =	ssyncset.s32 @!p0 $0xFFFFF086;
	s6 =	sadd.s32 @!p0 s3, s7;
	s7 =	simm.s32 @!p0 $0x108  }
0x21: {  	s3 =	sadd.s32 s3, s9;
	s6 =	sadd.s32 @!p0 $0x88, s6;
	s7 =	simm.s32 @p2 $0x1082  }
0x22: {  	[simem:s7], [sflag:s8] =	dma.local @!p0 [hbm:s6], $0xF7A  }
0x23: {  	s9 =	sor.u32 $0xD0000000, s2;
	s6 =	simm.s32 $0x108;
	_ =	swait.ge @!p0 [sflag:s8], $0x0  }
0x24: {  	s3 =	sadd.s32 $0x88, s3;
	s6 =	simm.s32 @!p1 $0x1082;
	[sflag:s4] =	ssyncset.s32 $0xFFFFF086  }
0x25: {  	[simem:s6], [sflag:s4] =	dma.local [hbm:s3], $0xF7A  }
0x26: {  	[smem:$0x3F9E] =	sst s1;
	(tag) =	ssettag s2;
	_ =	strace s9  }
0x27: {  	s1 =	sld [smem:$0x3FAE]  }
0x28: {  	s2 =	sld [smem:$0x3FAF]  }
0x29: {  	s4 =	sld [smem:$0x3FB1]  }
0x2a: {  	p0 =	seq.s32 s5, $0x0;
	s5 =	sld [smem:$0x3FB2]  }
0x2b: {  	s6 =	sld [smem:$0x3FB3]  }
0x2c: {  	s7 =	sld [smem:$0x3FB4]  }
0x2d: {  	s3 =	simm.s32 $0x108;
	s8 =	sld [smem:$0x3FB5]  }
0x2e: {  	s3 =	simm.s32 @!p0 $0x1082;
	s9 =	sld [smem:$0x3FB6]  }
0x2f: {  	lr =	sadd.s32 s0, s3;
	s0 =	sld [smem:$0x3FAD]  }
0x30: {  	s3 =	sld [smem:$0x3FB0]  }
0x31: {  	[smem:$0x3FB9] =	sst s10  }
0x32: {  	s10 =	sld [smem:$0x3FB7];
	_ =	sdelay $0x3  }
0x33: {  	p0 =	seq.s32 s10, $0x1;
	s10 =	sld [smem:$0x3FB9];
	_ =	sdelay $0x3  }
0x34: {  	[smem:$0x3FB9] =	sst s10  }
0x35: {  	s10 =	sld [smem:$0x3FB8];
	_ =	sdelay $0x3  }
0x36: {  	p1 =	seq.s32 s10, $0x1;
	s10 =	sld [smem:$0x3FB9];
	_ =	sdelay $0x3  }
0x37: {  	[smem:$0x3FB9] =	sst s10  }
0x38: {  	s10 =	sld [smem:$0x3FBA]  }
0x39: {  	_ = 	snop;
	(pc) =	sbr.ind lr, $3  }
0x3a: {  	_ = 	snop  }
0x3b: {  	_ = 	snop  }
0x3c: {  	p2 =	seq.s32 s10, $0x1;
	s10 =	sld [smem:$0x3FB9]  }
0x3d: {  	_ =	shalt  }
0x3e: {  	_ =	shalt  }
0x3f: {  	_ =	shalt  }
0x40: {  	_ =	shalt  }
0x41: {  	_ =	shalt  }
0x42: {  	_ =	shalt  }
0x43: {  	_ =	shalt  }
0x44: {  	_ =	shalt  }
0x45: {  	_ =	shalt  }
0x46: {  	_ =	shalt  }
0x47: {  	_ =	shalt  }
0x48: {  	_ =	shalt  }
0x49: {  	_ =	shalt  }
0x4a: {  	_ =	shalt  }
0x4b: {  	_ =	shalt  }
0x4c: {  	_ =	shalt  }
0x4d: {  	_ =	shalt  }
0x4e: {  	_ =	shalt  }
0x4f: {  	_ =	shalt  }
0x50: {  	_ =	shalt  }
0x51: {  	_ =	shalt  }
0x52: {  	_ =	shalt  }
0x53: {  	_ =	shalt  }
0x54: {  	_ =	shalt  }
0x55: {  	_ =	shalt  }
0x56: {  	_ =	shalt  }
0x57: {  	_ =	shalt  }
0x58: {  	_ =	shalt  }
0x59: {  	_ =	shalt  }
0x5a: {  	_ =	shalt  }
0x5b: {  	_ =	shalt  }
0x5c: {  	_ =	shalt  }
0x5d: {  	_ =	shalt  }
0x5e: {  	_ =	shalt  }
0x5f: {  	_ =	shalt  }
0x60: {  	_ =	shalt  }
0x61: {  	_ =	shalt  }
0x62: {  	_ =	shalt  }
0x63: {  	_ =	shalt  }
0x64: {  	_ =	shalt  }
0x65: {  	_ =	shalt  }
0x66: {  	_ =	shalt  }
0x67: {  	_ =	shalt  }
0x68: {  	_ =	shalt  }
0x69: {  	_ =	shalt  }
0x6a: {  	_ =	shalt  }
0x6b: {  	_ =	shalt  }
0x6c: {  	_ =	shalt  }
0x6d: {  	_ =	shalt  }
0x6e: {  	_ =	shalt  }
0x6f: {  	_ =	shalt  }
0x70: {  	_ =	shalt  }
0x71: {  	_ =	shalt  }
0x72: {  	_ =	shalt  }
0x73: {  	_ =	shalt  }
0x74: {  	_ =	shalt  }
0x75: {  	_ =	shalt  }
0x76: {  	_ =	shalt  }
0x77: {  	_ =	shalt  }
0x78: {  	_ =	shalt  }
0x79: {  	_ =	shalt  }
0x7a: {  	_ =	shalt  }
0x7b: {  	_ =	shalt  }
0x7c: {  	_ =	shalt  }
0x7d: {  	_ =	shalt  }
0x7e: {  	_ =	shalt  }
0x7f: {  	_ =	shalt  }
0x80: {  	_ =	shalt  }
0x81: {  	_ =	shalt  }
0x82: {  	_ =	shalt  }
0x83: {  	_ =	shalt  }
0x84: {  	_ =	shalt  }
0x85: {  	_ =	shalt  }
0x86: {  	_ =	shalt  }
0x87: {  	_ =	shalt  }
.Lfunc_end0:
.L_simem_size_0:
called_computation.1_lowered:
.L_overlay_start_0:
0x88: {  	s2 =	sld [smem:$0x3FD9]  }
0x89: {  	s3 =	sld [smem:$0x3FFE];
	_ =	sdelay $0x1  }
0x8a: {  	s1 =	srdreg.scid  }
0x8b: {  	s0 =	sand.u32 $0x1, s1  }
0x8c: {  	s17 =	sshll.u32 s0, $0xA;
	s2 =	sadd.s32 s3, s2  }
0x8d: {  	s2 =	sadd.s32 s2, s17  }
0x8e: {  	[smem:$0x3FC5] =	sst s2  }
0x8f: {  	_ = 	snop  }
0x90: {  	s2 =	sld [smem:$0x3FD0];
	(tm) =	ssettm $0x1  }
0x91: {  	s18 =	sld [smem:$0x3FFB];
	_ =	sdelay $0x3  }
0x92: {  	_ =	strace s18  }
0x93: {  	s3 =	sld [smem:$0x3FFC];
	_ =	sdelay $0x3  }
0x94: {  	_ =	strace s3  }
0x95: {  	s3 =	sld [smem:$0x3FFD];
	_ =	sdelay $0x3  }
0x96: {  	_ =	strace s3  }
0x97: {  	_ =	strace $0x8FFFFFFF  }
0x98: {  	s19 =	sld [smem:$0x3FDB];
	_ =	sdelay $0x1  }
0x99: {  	s4 =	simm.s32 $_scs_section_size  }
0x9a: {  	s5 =	simm.s32 $_size__tile_overlayer_lowered;
	s6 =	simm.s32 $_tile_overlayer_lowered  }
0x9b: {  	s22 =	simm.s32 $0x1BFF;
	s21 =	sshll.u32 s6, $0x1;
	s3 =	sadd.s32 s4, s19  }
0x9c: {  	s7 =	simm.s32 $0x0;
	s20 =	sshll.u32 s5, $0x1;
	s5 =	sadd.s32 s21, s3  }
0x9d: {  	[timem:s7], [sflag:s22] =	dma.local [hbm:s5], s20  }
0x9e: {  	_ =	swait.ge [sflag:s22], s20  }
0x9f: {  	s4 =	ssub.s32 $0x0, s20;
	[sflag:s22] =	ssyncset.done $0x0  }
0xa0: {  	[sflag:s22] =	ssyncadd.s32 s4;
	_ =	sdelay $0x1  }
0xa1: {  	s23 =	simm.s32 $0x1B8B  }
0xa2: {  	_ =	swait.ge [sflag:s23], $0x1  }
0xa3: {  	[sflag:s23] =	ssyncset.done $0x0  }
0xa4: {  	s25 =	simm.s32 $0x1B8E;
	s24 =	sld [smem:$0x3FFE];
	[sflag:s23] =	ssyncadd.s32 $0xFFFFFFFF  }
0xa5: {  	s26 =	simm.s32 $execute0_lowered;
	[smem:$0x3FD2] =	sst s25  }
0xa6: {  	s5 =	sshll.u32 s26, $0x1;
	_ =	strace $0x80000049;
	[dreg:$0x1] =	wrdreg $0xFFFFFFFF  }
0xa7: {  	s28 =	simm.s32 $_size_execute0_lowered;
	s3 =	sadd.s32 s3, s5;
	[dreg:$0x0] =	wrdreg $0x0  }
0xa8: {  	s5 =	sshll.u32 s28, $0x1;
	[dreg:$0x2] =	wrdreg s3  }
0xa9: {  	[dreg:$0x3] =	wrdreg s5  }
0xaa: {  	[dreg:$0x4] =	wrdreg $0xC0  }
0xab: {  	_ =	task [dreg:s7], $0x5FFFF  }
0xac: {  	[dreg:$0x1] =	wrdreg $0xFFFFFFFF  }
0xad: {  	[dreg:$0x0] =	wrdreg $0x60  }
0xae: {  	[dreg:$0x2] =	wrdreg s24  }
0xaf: {  	[dreg:$0x3] =	wrdreg s2  }
0xb0: {  	[dreg:$0x4] =	wrdreg $0x9  }
0xb1: {  	_ =	task.clear_ibuf [dreg:s7], $0x5FFFF;
	_ =	strace $0x90000049  }
0xb2: {  	s29 =	simm.s32 $0x9;
	_ =	strace $0x8000004B  }
0xb3: {  	_ =	swait.ge [sflag:s29], $0x1  }
0xb4: {  	[sflag:s29] =	ssyncadd.s32 $0xFFFFFFFF  }
0xb5: {  	_ =	strace $0x9000004B  }
0xb6: {  	_ =	sfence  }
0xb7: {  	s30 =	sld [smem:$0x0];
	_ =	sdelay $0x2  }
0xb8: {  	s31 =	sshll.u32 s1, $0xD;
	s1 =	sshrl.u32 s1, $0x2  }
0xb9: {  	s3 =	sand.u32 $0x4000, s31;
	s1 =	sadd.s32 s1, s30  }
0xba: {  	s0 =	sor.u32 s3, s0;
	s1 =	sshll.u32 s1, $0x11  }
0xbb: {  	s0 =	sor.u32 s1, s0  }
0xbc: {  	s0 =	sadd.s32 $0x8F2B, s0  }
0xbd: {  	[sflag:s0] =	ssyncadd.remote.s32 $0x1  }
0xbe: {  	_ =	sfence.sel $0xFFFF  }
0xbf: {  	[dreg:$0x0] =	wrdreg $0xFFFFFFFF;
	(pc) =	sbr.abs _section_cstart, $3  }
0xc0: {  	[dreg:$0x1] =	wrdreg $0xFFFFFFFF  }
0xc1: {  	_ =	task.clear_ibuf [dreg:s7], $0x2FFFF;
	_ =	strace $0x9FFFFFFF  }
0xc2: {  	(tm) =	ssettm $0x7FFFFFFF  }
0xc3: {  	_ =	shalt  }
tec
execute0_lowered:
.L_overlay_start_1:
0x0: {  	(tag) =	ssettag $0x1  }
0x1: {  	s1 =	srdreg.scid  }
0x2: {  	s5 =	rddreg [dreg:$0x0];
	s0 =	stileid.u32;
	s14 =	sand.u32 $0x1, s1  }
0x3: {  	s15 =	rddreg [dreg:$0x1];
	s3 =	sshll.u32 s0, $0x7;
	s4 =	sshll.u32 s14, $0x6  }
0x4: {  	s2 =	simm.s32 $0x0;
	s1 =	rddreg [dreg:$0x2];
	s16 =	sor.u32 s4, s3  }
0x5: {  	[smem:$0x7FF] =	sst s2;
	s3 =	sadd.s32 s16, s5  }
0x6: {  	_ =	strace $0x8000004A;
	s4 =	sadd.s32 $0x7DC00, s3;
	s3 =	simm.s32 $0x2  }
0x7: {  	[tilespmem:s2], [sflag:$0x2] =	stream.linear.gather [hbm4b:s4+s2], $0x200, $0x38;
	[tilespmem:$0x400] =	vst v63  }
0x8: {  	_ =	swait.ge [sflag:s3], $0x200  }
0x9: {  	s6 =	simm.s32 $0x80;
	[sflag:s3] =	ssyncset.done $0x0  }
0xa: {  	s7 =	simm.s32 $0x200;
	s5 =	sadd.s32 $0xC00, s5;
	[sflag:s3] =	ssyncadd.s32 $0xFFFFFE00  }
0xb: {  	[tilespmem:s7], [sflag:$0x1] =	stream.indirect.gather [hbm4b:s5+s6], $0x1, s2, s6, $0xb8;
	[tilespmem:$0x400] =	vst v63  }
0xc: {  	s8 =	simm.s32 $0x280  }
0xd: {  	[tilespmem:s8], [sflag:$0x1] =	stream.indirect.gather [hbm4b:s5+s6], $0x1, s6, s6, $0xb8;
	[tilespmem:$0x400] =	vst v63  }
0xe: {  	s9 =	simm.s32 $0x100;
	s10 =	simm.s32 $0x300  }
0xf: {  	[tilespmem:s10], [sflag:$0x1] =	stream.indirect.gather [hbm4b:s5+s6], $0x1, s9, s6, $0xb8;
	[tilespmem:$0x400] =	vst v63  }
0x10: {  	s11 =	simm.s32 $0x180;
	s12 =	simm.s32 $0x380;
	s13 =	simm.s32 $0x1  }
0x11: {  	[tilespmem:s12], [sflag:$0x1] =	stream.indirect.gather [hbm4b:s5+s6], $0x1, s11, s6, $0xb8;
	[tilespmem:$0x400] =	vst v63  }
0x12: {  	_ =	swait.ge [sflag:s13], $0x80  }
0x13: {  	[sflag:s13] =	ssyncset.done $0x0  }
0x14: {  	[sflag:s13] =	ssyncadd.s32 $0xFFFFFF80  }
0x15: {  	_ =	swait.ge [sflag:s13], $0x80  }
0x16: {  	[sflag:s13] =	ssyncset.done $0x0  }
0x17: {  	s14 =	ssub.s32 $0x2, s14;
	[sflag:s13] =	ssyncadd.s32 $0xFFFFFF80  }
0x18: {  	s17 =	sshrl.u32 s14, $0x1;
	_ =	swait.ge [sflag:s13], $0x80  }
0x19: {  	s17 =	ssub.s32 s14, s17;
	[sflag:s13] =	ssyncset.done $0x0  }
0x1a: {  	s31 =	smax.u32 s17, $0x1;
	[sflag:s13] =	ssyncadd.s32 $0xFFFFFF80  }
0x1b: {  	p0 =	sne.s32 s31, $0x1;
	_ =	swait.ge [sflag:s13], $0x80  }
.Ltmp0:
0x1c: {  	[sflag:s13] =	ssyncset.done $0x0;
	(pc) =	sbr.rel @!p0 .LBB2_2-.Ltmp0, $4  }
0x1d: {  	s14 =	sadd.s32 s15, s16;
	[sflag:s13] =	ssyncadd.s32 $0xFFFFFF80  }
0x1e: {  	[hbm4b:s14+s2] =	stream.linear.scatter [tilespmem:s7], [sflag:$0x2], $0x200, $0x38;
	[tilespmem:$0x400] =	vst v63  }
0x1f: {  	_ =	swait.ge [sflag:s3], $0x200  }
0x20: {  	s15 =	sadd.s32 $0xFFFFFFFF, s31;
	[sflag:s3] =	ssyncset.done $0x0  }
.LBB2_1:
0x21: {  	p0 =	sne.s32 s15, $0x1;
	s15 =	sadd.s32 $0xFFFFFFFF, s15;
	[sflag:s3] =	ssyncadd.s32 $0xFFFFFE00  }
0x22: {  	[tilespmem:s2], [sflag:$0x2] =	stream.linear.gather [hbm4b:s4+s2], $0x200, $0x38;
	[tilespmem:$0x400] =	vst v63  }
0x23: {  	_ =	swait.ge [sflag:s3], $0x200  }
0x24: {  	[sflag:s3] =	ssyncset.done $0x0  }
0x25: {  	[sflag:s3] =	ssyncadd.s32 $0xFFFFFE00  }
0x26: {  	[tilespmem:s7], [sflag:$0x1] =	stream.indirect.gather [hbm4b:s5+s6], $0x1, s2, s6, $0xb8;
	[tilespmem:$0x400] =	vst v63  }
0x27: {  	_ = 	snop  }
0x28: {  	[tilespmem:s8], [sflag:$0x1] =	stream.indirect.gather [hbm4b:s5+s6], $0x1, s6, s6, $0xb8;
	[tilespmem:$0x400] =	vst v63  }
0x29: {  	_ = 	snop  }
0x2a: {  	[tilespmem:s10], [sflag:$0x1] =	stream.indirect.gather [hbm4b:s5+s6], $0x1, s9, s6, $0xb8;
	[tilespmem:$0x400] =	vst v63  }
0x2b: {  	_ = 	snop  }
0x2c: {  	[tilespmem:s12], [sflag:$0x1] =	stream.indirect.gather [hbm4b:s5+s6], $0x1, s11, s6, $0xb8;
	[tilespmem:$0x400] =	vst v63  }
0x2d: {  	_ =	swait.ge [sflag:s13], $0x80  }
0x2e: {  	[sflag:s13] =	ssyncset.done $0x0  }
0x2f: {  	[sflag:s13] =	ssyncadd.s32 $0xFFFFFF80  }
0x30: {  	_ =	swait.ge [sflag:s13], $0x80  }
0x31: {  	[sflag:s13] =	ssyncset.done $0x0  }
0x32: {  	[sflag:s13] =	ssyncadd.s32 $0xFFFFFF80  }
0x33: {  	_ =	swait.ge [sflag:s13], $0x80  }
0x34: {  	[sflag:s13] =	ssyncset.done $0x0  }
0x35: {  	[sflag:s13] =	ssyncadd.s32 $0xFFFFFF80  }
0x36: {  	_ =	swait.ge [sflag:s13], $0x80  }
.Ltmp1:
0x37: {  	[sflag:s13] =	ssyncset.done $0x0;
	(pc) =	sbr.rel @p0 .LBB2_1-.Ltmp1, $4  }
0x38: {  	[sflag:s13] =	ssyncadd.s32 $0xFFFFFF80  }
0x39: {  	[hbm4b:s14+s2] =	stream.linear.scatter [tilespmem:s7], [sflag:$0x2], $0x200, $0x38;
	[tilespmem:$0x400] =	vst v63  }
0x3a: {  	_ =	swait.ge [sflag:s3], $0x200  }
0x3b: {  	[sflag:s3] =	ssyncset.done $0x0  }
.LBB2_2:
0x3c: {  	[sflag:s3] =	ssyncadd.s32 $0xFFFFFE00  }
0x3d: {  	_ =	sfence.sel $0x180000  }
0x3e: {  	[bflag:$0x0] =	sbarrier.arrive $0xFFFF  }
0x3f: {  	p0 =	sne.s32 s0, $0x0;
	_ =	strace $0x9000004A  }
0x40: {  	s0 =	sadd.s32 @!p0 $0x100000, s1;
	[bflag:$0x2] =	sbarrier.arrive $0xFFFF  }
0x41: {  	[sflag:s0] =	ssyncadd.tile.s32 @!p0 $0x1;
	_ =	shalt  }
.Lfunc_end2:
_tile_overlayer_lowered:
.L_overlay_start_2:
0x42: {  	(tag) =	ssettag $0x2  }
0x43: {  	s0 =	rddreg [dreg:$0x0];
	s2 =	stileid.u32  }
0x44: {  	s1 =	rddreg [dreg:$0x1];
	p0 =	sne.s32 s2, $0x0  }
0x45: {  	s3 =	rddreg [dreg:$0x2];
	[bflag:$0x3] =	sbarrier.arrive $0xFFFF;
	s2 =	simm.s32 @!p0 $0x1C02  }
0x46: {  	[timem:s3], [sflag:s2] =	dma.local @!p0 [hbm:s0], s1  }
0x47: {  	s0 =	simm.s32 @!p0 $0x2  }
0x48: {  	_ =	swait.ge @!p0 [sflag:s0], s1  }
0x49: {  	s1 =	ssub.s32 @!p0 $0x0, s1;
	[sflag:s0] =	ssyncset.done @!p0 $0x0  }
0x4a: {  	[sflag:s0] =	ssyncadd.s32 @!p0 s1  }
0x4b: {  	[bflag:$0x3] =	sbarrier.arrive $0xFFFF  }
0x4c: {  	_ =	shalt  }

</sc_bundles>
